<compile_context>
chip_gen: v7x
topology: tpu7x:2x2x1
jax: 0.10.2.dev20260603
libtpu: 0.0.44.dev20260713+nightly
codegen_flags: <defaults>
</compile_context>

<pallas_src>
import functools
import jax
import jax.numpy as jnp
from jax import lax
from jax.experimental import pallas as pl
from jax.experimental.pallas import tpu as pltpu
from jax.experimental.pallas import tpu_sc as plsc

N = 10000
E = 320000
B = 256
D = 128
DH = 64

NC, NS, L = 2, 16, 16
NPAD = 10240
NPT = NPAD // NS
EBLK = 128
NBLK = 158
EPT = NBLK * EBLK
EPAD = NS * EPT
PCAP = 4096 + EBLK

_mesh = plsc.VectorSubcoreMesh(core_axis_name="c", subcore_axis_name="s",
                               num_cores=NC, num_subcores=NS)


def _newton_rsqrt(x):
  y = jnp.full(x.shape, 0.5, jnp.float32)
  for k in range(1, 10):
    y = jnp.where(x > (4.0 ** k), jnp.float32(2.0 ** (-k - 1)), y)
  for _ in range(6):
    y = y * (1.5 - 0.5 * x * y * y)
  return y


@functools.partial(
    pl.kernel,
    out_type=[
        jax.ShapeDtypeStruct((2, NC, B, DH), jnp.float32),
        jax.ShapeDtypeStruct((NC * NPAD, DH), jnp.float32),
        jax.ShapeDtypeStruct((NC * NPAD, DH), jnp.float32),
    ],
    mesh=_mesh,
    compiler_params=pltpu.CompilerParams(needs_layout_passes=False,
                                         use_tc_tiling_on_sc=False),
    scratch_types=dict(
        src_v=pltpu.VMEM((EBLK,), jnp.int32),
        dst_v=pltpu.VMEM((EBLK,), jnp.int32),
        soff_v=pltpu.VMEM((EBLK,), jnp.int32),
        soff2_v=pltpu.VMEM((EBLK,), jnp.int32),
        e1_v=pltpu.VMEM((2, EBLK), jnp.int32),
        e2_v=pltpu.VMEM((2, EBLK), jnp.int32),
        rows_v=pltpu.VMEM((EBLK, DH), jnp.float32),
        rows2_v=pltpu.VMEM((EBLK, DH), jnp.float32),
        ones_v=pltpu.VMEM((EBLK,), jnp.float32),
        degs_v=pltpu.VMEM((NPT,), jnp.float32),
        dinvt_v=pltpu.VMEM((NPAD,), jnp.float32),
        slot_v=pltpu.VMEM((NPAD,), jnp.int32),
        pend_src=pltpu.VMEM((PCAP,), jnp.int32),
        pend_slot=pltpu.VMEM((PCAP,), jnp.int32),
        erows_v=pltpu.VMEM((64, D), jnp.float32),
        ehalf_v=pltpu.VMEM((64, DH), jnp.float32),
        t_v=pltpu.VMEM((EBLK, DH), jnp.float32),
        x_v=pltpu.VMEM((EBLK, DH), jnp.float32),
        dinv_v=pltpu.VMEM((NPT + L,), jnp.float32),
        dgi_v=pltpu.VMEM((NPT + L,), jnp.float32),
        ids_v=pltpu.VMEM((64,), jnp.int32),
        cum_v=pltpu.VMEM((B,), jnp.int32),
        dtmp_v=pltpu.VMEM((2 * L,), jnp.float32),
        deg2_sp=pltpu.VMEM_SHARED((NPAD,), jnp.float32),
        acc_sp=pltpu.VMEM_SHARED((NPAD, DH), jnp.float32),
        uacc_sp=pltpu.VMEM_SHARED((B + 8, DH), jnp.float32),
        dinv_sp=pltpu.VMEM_SHARED((NPAD,), jnp.float32),
        dgi_sp=pltpu.VMEM_SHARED((NPAD,), jnp.float32),
        slot_sp=pltpu.VMEM_SHARED((NPAD,), jnp.int32),
        sem=pltpu.SemaphoreType.DMA,
        sem2=pltpu.SemaphoreType.DMA,
    ),
)
def _sc_propagate(emb_hbm, ids2, edges2, batch2, ufin, xs0, xs1,
                  src_v, dst_v, soff_v, soff2_v, e1_v, e2_v, rows_v, rows2_v,
                  ones_v, degs_v, dinvt_v,
                  slot_v, pend_src, pend_slot, erows_v, ehalf_v, t_v, x_v,
                  dinv_v, dgi_v, ids_v, cum_v, dtmp_v,
                  deg2_sp, acc_sp, uacc_sp, dinv_sp, dgi_sp, slot_sp, sem,
                  sem2):
  c = lax.axis_index("c")
  s = lax.axis_index("s")
  coff = c * NPAD
  ebase = s * EPT
  nbase = s * NPT
  zf16 = jnp.zeros((L,), jnp.float32)

  @pl.loop(0, EBLK // L)
  def _(r):
    ones_v[pl.ds(r * L, L)] = jnp.ones((L,), jnp.float32)

  @pl.loop(0, 2)
  def _side(side):
    @pl.loop(0, EBLK)
    def _(r):
      for j in range(DH // L):
        rows_v[r, pl.ds(j * L, L)] = zf16

    @pl.loop(0, NPT // L)
    def _(r):
      degs_v[pl.ds(r * L, L)] = zf16
    pltpu.sync_copy(degs_v, deg2_sp.at[pl.ds(nbase, NPT)])

    @pl.loop(0, NPT // EBLK)
    def _(i):
      pltpu.sync_copy(rows_v, acc_sp.at[pl.ds(nbase + i * EBLK, EBLK)])

    @pl.when(s == 0)
    def _():
      pltpu.sync_copy(rows_v, uacc_sp.at[pl.ds(0, EBLK)])
      pltpu.sync_copy(rows_v, uacc_sp.at[pl.ds(EBLK, EBLK)])
      pltpu.sync_copy(rows_v.at[pl.ds(0, 8)], uacc_sp.at[pl.ds(2 * EBLK, 8)])
    plsc.subcore_barrier()

    pltpu.sync_copy(edges2.at[side, 1, pl.ds(ebase, EBLK)], dst_v)

    @pl.loop(0, NBLK // 2)
    def _(i):
      b0 = 2 * i
      pltpu.async_copy(ones_v, deg2_sp.at[dst_v], sem, add=True)
      pltpu.sync_copy(
          edges2.at[side, 1, pl.ds(ebase + (b0 + 1) * EBLK, EBLK)], src_v)
      pltpu.make_async_copy(ones_v, deg2_sp.at[dst_v], sem).wait()
      pltpu.async_copy(ones_v, deg2_sp.at[src_v], sem2, add=True)

      @pl.when(b0 + 2 < NBLK)
      def _():
        pltpu.sync_copy(
            edges2.at[side, 1, pl.ds(ebase + (b0 + 2) * EBLK, EBLK)], dst_v)
      pltpu.make_async_copy(ones_v, deg2_sp.at[src_v], sem2).wait()
    plsc.subcore_barrier()

    pltpu.sync_copy(deg2_sp.at[pl.ds(nbase, NPT)], degs_v)

    @pl.loop(0, NPT // L)
    def _(r):
      deg = degs_v[pl.ds(r * L, L)] + 1.0
      y = _newton_rsqrt(deg)
      dinv_v[pl.ds(r * L, L)] = y
      dgi_v[pl.ds(r * L, L)] = y * y
    pltpu.sync_copy(dinv_v.at[pl.ds(0, NPT)], dinv_sp.at[pl.ds(nbase, NPT)])
    pltpu.sync_copy(dgi_v.at[pl.ds(0, NPT)], dgi_sp.at[pl.ds(nbase, NPT)])

    @pl.loop(0, NPT // 64)
    def _(ch):
      nb = nbase + ch * 64
      pltpu.sync_copy(ids2.at[side, pl.ds(nb, 64)], ids_v)
      pltpu.async_copy(emb_hbm.at[ids_v], erows_v, sem).wait()

      @pl.loop(0, 64)
      def _(r):
        dv = jnp.full((L,), dinv_v[pl.ds(ch * 64 + r, L)][0])
        for j in range(DH // L):
          ehalf_v[r, pl.ds(j * L, L)] = (
              erows_v[r, pl.ds(c * DH + j * L, L)] * dv)
      pltpu.sync_copy(ehalf_v, xs0.at[pl.ds(coff + nb, 64)])
    plsc.subcore_barrier()

    def _p1_load(b, ev, ov):
      eo = ebase + b * EBLK
      pltpu.sync_copy(edges2.at[side, :, pl.ds(eo, EBLK)], ev)
      for j in range(EBLK // L):
        ov[pl.ds(j * L, L)] = ev[0, pl.ds(j * L, L)] + coff

    _p1_load(0, e1_v, soff_v)
    pltpu.async_copy(xs0.at[soff_v], rows_v, sem)

    @pl.loop(0, NBLK // 2)
    def _(i):
      b0 = 2 * i
      _p1_load(b0 + 1, e2_v, soff2_v)
      pltpu.async_copy(xs0.at[soff2_v], rows2_v, sem2)
      pltpu.make_async_copy(xs0.at[soff_v], rows_v, sem).wait()
      pltpu.sync_copy(rows_v, acc_sp.at[e1_v.at[1]], add=True)

      @pl.when(b0 + 2 < NBLK)
      def _():
        _p1_load(b0 + 2, e1_v, soff_v)
        pltpu.async_copy(xs0.at[soff_v], rows_v, sem)
      pltpu.make_async_copy(xs0.at[soff2_v], rows2_v, sem2).wait()
      pltpu.sync_copy(rows2_v, acc_sp.at[e2_v.at[1]], add=True)
    plsc.subcore_barrier()

    @pl.loop(0, NPT // EBLK)
    def _(i):
      rb = nbase + i * EBLK
      pltpu.sync_copy(acc_sp.at[pl.ds(rb, EBLK)], t_v)
      pltpu.sync_copy(xs0.at[pl.ds(coff + rb, EBLK)], x_v)

      @pl.loop(0, EBLK)
      def _(r):
        g = jnp.full((L,), dgi_v[pl.ds(i * EBLK + r, L)][0])
        for j in range(DH // L):
          t_v[r, pl.ds(j * L, L)] = (
              t_v[r, pl.ds(j * L, L)] + x_v[r, pl.ds(j * L, L)]) * g
      pltpu.sync_copy(t_v, xs1.at[pl.ds(coff + rb, EBLK)])

    @pl.when(s == 0)
    def _():
      pltpu.sync_copy(batch2.at[side], slot_v.at[pl.ds(0, N)])

      @pl.loop(0, B // L)
      def _(j):
        cum_v[pl.ds(j * L, L)] = jnp.full((L,), N, jnp.int32)

      @pl.loop(0, N // L)
      def _(i):
        pos = lax.iota(jnp.int32, L) + i * L
        cur = slot_v[pl.ds(i * L, L)]
        prev = plsc.load_gather(slot_v, [jnp.maximum(pos - 1, 0)])
        m = jnp.logical_or(cur != prev, pos == 0)
        plsc.store_scatter(cum_v, [cur], pos, mask=m)

      carry = jnp.int32(N)
      for j in range(B // L - 1, -1, -1):
        v = cum_v[pl.ds(j * L, L)]
        rm = -plsc.cummax(-lax.rev(v, (0,)))
        rm = jnp.minimum(rm, jnp.full((L,), carry))
        carry = jnp.min(rm)
        cum_v[pl.ds(j * L, L)] = jnp.minimum(lax.rev(rm, (0,)),
                                             jnp.int32(N - 1))

      @pl.loop(0, NPAD // L)
      def _(i):
        slot_v[pl.ds(i * L, L)] = jnp.full((L,), -1, jnp.int32)

      @pl.loop(0, B // L)
      def _(j):
        pos = lax.iota(jnp.int32, L) + j * L
        idx = cum_v[pl.ds(j * L, L)]
        prev = plsc.load_gather(cum_v, [jnp.maximum(pos - 1, 0)])
        m = jnp.logical_or(idx != prev, pos == 0)
        plsc.store_scatter(slot_v, [idx], pos, mask=m)
      pltpu.sync_copy(slot_v, slot_sp)
    plsc.subcore_barrier()
    pltpu.sync_copy(slot_sp, slot_v)

    def _flush_blocks(nblk):
      @pl.loop(0, nblk)
      def _(b):
        pltpu.async_copy(xs1.at[pend_src.at[pl.ds(b * EBLK, EBLK)]],
                         rows_v, sem).wait()
        for j in range(EBLK // L):
          sl = pend_slot[pl.ds(b * EBLK + j * L, L)]
          pltpu.sync_copy(rows_v.at[pl.ds(j * L, L)], uacc_sp.at[sl],
                          add=True)

    def _compact_block(ev, cnt):
      for j in range(EBLK // L):
        d = ev[1, pl.ds(j * L, L)]
        slot = plsc.load_gather(slot_v, [d])
        m = slot >= 0
        sv = ev[0, pl.ds(j * L, L)] + coff
        plsc.store_compressed(pend_src.at[pl.ds(cnt, L)], sv, mask=m)
        plsc.store_compressed(pend_slot.at[pl.ds(cnt, L)], slot, mask=m)
        cnt = cnt + jnp.sum(jnp.where(m, 1, 0))
      return cnt

    def _compact(b, cnt):
      @pl.when(b + 1 < NBLK)
      def _():
        pltpu.async_copy(
            edges2.at[side, :, pl.ds(ebase + (b + 1) * EBLK, EBLK)], e2_v,
            sem2)
      cnt = _compact_block(e1_v, cnt)

      @pl.when(cnt >= PCAP - EBLK)
      def _():
        nfull = cnt // EBLK
        _flush_blocks(nfull)
        for j in range(EBLK // L):
          off = nfull * EBLK + j * L
          v = pend_src[pl.ds(off, L)]
          pend_src[pl.ds(j * L, L)] = v
          w = pend_slot[pl.ds(off, L)]
          pend_slot[pl.ds(j * L, L)] = w
      cnt = jnp.where(cnt >= PCAP - EBLK, cnt % EBLK, cnt)

      @pl.when(b + 1 < NBLK)
      def _():
        pltpu.make_async_copy(
            edges2.at[side, :, pl.ds(ebase + (b + 1) * EBLK, EBLK)], e2_v,
            sem2).wait()
        for j in range(EBLK // L):
          e1_v[0, pl.ds(j * L, L)] = e2_v[0, pl.ds(j * L, L)]
          e1_v[1, pl.ds(j * L, L)] = e2_v[1, pl.ds(j * L, L)]
      return cnt

    pltpu.sync_copy(edges2.at[side, :, pl.ds(ebase, EBLK)], e1_v)
    cnt = pl.loop(0, NBLK, init_carry=jnp.int32(0))(_compact)

    nflush = (cnt + EBLK - 1) // EBLK
    tb = (nflush - 1) * EBLK

    @pl.when(nflush > 0)
    def _():
      for j in range(EBLK // L):
        lane = lax.iota(jnp.int32, L) + (tb + j * L)
        keep = lane < cnt
        v = pend_src[pl.ds(tb + j * L, L)]
        pend_src[pl.ds(tb + j * L, L)] = jnp.where(keep, v, 0)
        w = pend_slot[pl.ds(tb + j * L, L)]
        pend_slot[pl.ds(tb + j * L, L)] = jnp.where(keep, w, jnp.int32(B))
      _flush_blocks(nflush)
    plsc.subcore_barrier()

    @pl.when(s == 0)
    def _():
      pltpu.sync_copy(dinv_sp, dinvt_v)

      @pl.loop(0, B // L)
      def _(j):
        cum16 = cum_v[pl.ds(j * L, L)]
        slot16 = plsc.load_gather(slot_v, [cum16])
        dv16 = plsc.load_gather(dinvt_v, [cum16])
        dtmp_v[pl.ds(0, L)] = dv16
        pltpu.async_copy(uacc_sp.at[slot16], t_v.at[pl.ds(0, L)], sem).wait()
        pltpu.async_copy(xs1.at[cum16 + coff], x_v.at[pl.ds(0, L)],
                         sem).wait()

        @pl.loop(0, L)
        def _(r):
          g = jnp.full((L,), dtmp_v[pl.ds(r, L)][0])
          for q in range(DH // L):
            t_v[r, pl.ds(q * L, L)] = (
                t_v[r, pl.ds(q * L, L)] + x_v[r, pl.ds(q * L, L)]) * g
        pltpu.sync_copy(t_v.at[pl.ds(0, L)],
                        ufin.at[side, c, pl.ds(j * L, L)])
    plsc.subcore_barrier()


def _tc_body(ul_ref, ur_ref, w1_ref, w2_ref, out_ref):
  w12 = jnp.dot(w1_ref[...], w2_ref[...],
                preferred_element_type=jnp.float32,
                precision=lax.Precision.HIGHEST)
  lf = jnp.dot(ul_ref[...], w12, preferred_element_type=jnp.float32,
               precision=lax.Precision.HIGHEST)
  rf = jnp.dot(ur_ref[...], w12, preferred_element_type=jnp.float32,
               precision=lax.Precision.HIGHEST)
  ln = jnp.maximum(jnp.sqrt(jnp.sum(lf * lf, axis=1)), 1e-6)
  rn = jnp.maximum(jnp.sqrt(jnp.sum(rf * rf, axis=1)), 1e-6)
  out_ref[...] = (jnp.sum(lf * rf, axis=1) / (ln * rn)).reshape(1, B)


_tc_final = pl.pallas_call(
    _tc_body,
    out_shape=jax.ShapeDtypeStruct((1, B), jnp.float32),
)


def kernel(left_x, left_graph_index, right_x, right_graph_index,
           left_x_batch, right_x_batch, emb_table, W1, b1, W2, b2):
  ids2 = jnp.stack([
      jnp.pad(left_x[:, 0], (0, NPAD - N)),
      jnp.pad(right_x[:, 0], (0, NPAD - N)),
  ]).astype(jnp.int32)
  edges2 = jnp.stack([
      jnp.pad(left_graph_index, ((0, 0), (0, EPAD - E)),
              constant_values=NPAD - 1),
      jnp.pad(right_graph_index, ((0, 0), (0, EPAD - E)),
              constant_values=NPAD - 1),
  ]).astype(jnp.int32)
  batch2 = jnp.stack([left_x_batch, right_x_batch]).astype(jnp.int32)

  ufin, _, _ = _sc_propagate(emb_table, ids2, edges2, batch2)
  ul = jnp.concatenate([ufin[0, 0], ufin[0, 1]], axis=1)
  ur = jnp.concatenate([ufin[1, 0], ufin[1, 1]], axis=1)
  return _tc_final(ul, ur, W1, W2)[0]

# --- scband reference (transcript-rebuilt; emitter-appended) ---
"""Pipeline reference for scband-ehrmodel-27805618275292 (READ-ONLY COPY).

The authoritative reference and input builder live on the scoring server;
editing this copy changes nothing except your own understanding.
"""

import jax, jax.numpy as jnp
import numpy as np

N = 10000
E = 320000
B = 256
V = 100000
D = 128


def setup_inputs(seed: int = 0) -> dict:
    key = jax.random.key(seed)
    ks = jax.random.split(key, 12)
    left_x = jax.random.randint(ks[0], (N, 1), 0, V)
    left_graph_index = jax.random.randint(ks[1], (2, E), 0, N)
    right_x = jax.random.randint(ks[2], (N, 1), 0, V)
    right_graph_index = jax.random.randint(ks[3], (2, E), 0, N)
    left_x_batch = jnp.sort(jax.random.randint(ks[4], (N,), 0, B))
    right_x_batch = jnp.sort(jax.random.randint(ks[5], (N,), 0, B))
    emb_table = jax.random.normal(ks[6], (V, D), dtype=jnp.float32) * 0.02
    W1 = jax.random.normal(ks[7], (D, D), dtype=jnp.float32) / np.sqrt(D)
    b1 = jnp.zeros((D,), dtype=jnp.float32)
    W2 = jax.random.normal(ks[8], (D, D), dtype=jnp.float32) / np.sqrt(D)
    b2 = jnp.zeros((D,), dtype=jnp.float32)
    return {"left_x": left_x, "left_graph_index": left_graph_index,
            "right_x": right_x, "right_graph_index": right_graph_index,
            "left_x_batch": left_x_batch, "right_x_batch": right_x_batch,
            "emb_table": emb_table, "W1": W1, "b1": b1, "W2": W2, "b2": b2}


def gcn_conv(x, edge_index, W, b):
    n = x.shape[0]
    x = x @ W
    loop = jnp.arange(n, dtype=edge_index.dtype)
    src = jnp.concatenate([edge_index[0], loop])
    dst = jnp.concatenate([edge_index[1], loop])
    deg = jax.ops.segment_sum(jnp.ones(src.shape[0], dtype=x.dtype), dst, num_segments=n)
    dinv = jnp.where(deg > 0, deg ** -0.5, 0.0)
    norm = dinv[src] * dinv[dst]
    out = jax.ops.segment_sum(x[src] * norm[:, None], dst, num_segments=n)
    return out + b


def get_final_node(x, batch):
    num_nodes = jax.ops.segment_sum(jnp.ones(x.shape[0], dtype=jnp.int32), batch, num_segments=B)
    cum = jnp.concatenate([jnp.zeros((1,), dtype=jnp.int32), jnp.cumsum(num_nodes)[:-1]])
    return x[cum, :]


def reference(left_x, left_graph_index, right_x, right_graph_index,
              left_x_batch, right_x_batch, emb_table, W1, b1, W2, b2):
    lx = jnp.take(emb_table, left_x[:, 0], axis=0)
    rx = jnp.take(emb_table, right_x[:, 0], axis=0)
    lx = gcn_conv(lx, left_graph_index, W1, b1)
    rx = gcn_conv(rx, right_graph_index, W1, b1)
    l_emb = gcn_conv(lx, left_graph_index, W2, b2)
    r_emb = gcn_conv(rx, right_graph_index, W2, b2)
    lf = get_final_node(l_emb, left_x_batch)
    rf = get_final_node(r_emb, right_x_batch)
    eps = 1e-06
    ln = jnp.maximum(jnp.linalg.norm(lf, axis=1), eps)
    rn = jnp.maximum(jnp.linalg.norm(rf, axis=1), eps)
    cos = jnp.sum(lf * rf, axis=1) / (ln * rn)
    return cos

if __name__ == "__main__":
    import jax
    _d = setup_inputs()
    print(jax.jit(kernel)(*tuple(_d.values())))

</pallas_src>

<mosaic_0001>
#map = affine_map<(d0, d1) -> (0, 0)>
#map1 = affine_map<(d0, d1) -> (0, 0, 0)>
#map2 = affine_map<(d0, d1) -> (0, 0, 0, 0)>
module attributes {stable_mosaic.version = 14 : i64} {
  func.func @_sc_propagate(%arg0: i32, %arg1: i32, %arg2: memref<100000x128xf32, #tpu.memory_space<hbm>>, %arg3: memref<2x10240xi32, #tpu.memory_space<hbm>>, %arg4: memref<2x2x323584xi32, #tpu.memory_space<hbm>>, %arg5: memref<2x10000xi32, #tpu.memory_space<hbm>>, %arg6: memref<2x2x256x64xf32, #tpu.memory_space<hbm>>, %arg7: memref<20480x64xf32, #tpu.memory_space<hbm>>, %arg8: memref<20480x64xf32, #tpu.memory_space<hbm>>, %arg9: memref<10240x64xf32, #tpu.memory_space<vmem_shared>>, %arg10: memref<256xi32, #tpu.memory_space<vmem>>, %arg11: memref<10240xf32, #tpu.memory_space<vmem_shared>>, %arg12: memref<640xf32, #tpu.memory_space<vmem>>, %arg13: memref<10240xf32, #tpu.memory_space<vmem_shared>>, %arg14: memref<656xf32, #tpu.memory_space<vmem>>, %arg15: memref<10240xf32, #tpu.memory_space<vmem_shared>>, %arg16: memref<656xf32, #tpu.memory_space<vmem>>, %arg17: memref<10240xf32, #tpu.memory_space<vmem>>, %arg18: memref<128xi32, #tpu.memory_space<vmem>>, %arg19: memref<32xf32, #tpu.memory_space<vmem>>, %arg20: memref<2x128xi32, #tpu.memory_space<vmem>>, %arg21: memref<2x128xi32, #tpu.memory_space<vmem>>, %arg22: memref<64x64xf32, #tpu.memory_space<vmem>>, %arg23: memref<64x128xf32, #tpu.memory_space<vmem>>, %arg24: memref<64xi32, #tpu.memory_space<vmem>>, %arg25: memref<128xf32, #tpu.memory_space<vmem>>, %arg26: memref<4224xi32, #tpu.memory_space<vmem>>, %arg27: memref<4224xi32, #tpu.memory_space<vmem>>, %arg28: memref<128x64xf32, #tpu.memory_space<vmem>>, %arg29: memref<128x64xf32, #tpu.memory_space<vmem>>, %arg30: memref<!tpu.dma_semaphore, #tpu.memory_space<semaphore_mem>>, %arg31: memref<!tpu.dma_semaphore, #tpu.memory_space<semaphore_mem>>, %arg32: memref<10240xi32, #tpu.memory_space<vmem_shared>>, %arg33: memref<10240xi32, #tpu.memory_space<vmem>>, %arg34: memref<128xi32, #tpu.memory_space<vmem>>, %arg35: memref<128xi32, #tpu.memory_space<vmem>>, %arg36: memref<128xi32, #tpu.memory_space<vmem>>, %arg37: memref<128x64xf32, #tpu.memory_space<vmem>>, %arg38: memref<264x64xf32, #tpu.memory_space<vmem_shared>>, %arg39: memref<128x64xf32, #tpu.memory_space<vmem>>) attributes {dimension_semantics = [#tpu.dimension_semantics<core_parallel>, #tpu.dimension_semantics<subcore_parallel>], iteration_bounds = array<i64: 2, 16>, scalar_prefetch = 0 : i64, scratch_operands = 31 : i64, tpu.core_type = #tpu.core_type<sc_vector_subcore>, window_params = [{transform_indices = #map}, {transform_indices = #map}, {transform_indices = #map1}, {transform_indices = #map}, {transform_indices = #map2}, {transform_indices = #map}, {transform_indices = #map}]} {
    %mul3A = arith.constant 10240 : i32
    %mul3A_0 = arith.muli %arg0, %mul3A : i32
    %mul3A_1 = arith.constant 20224 : i32
    %mul3A_2 = arith.muli %arg1, %mul3A_1 : i32
    %mul3A_3 = arith.constant 640 : i32
    %mul3A_4 = arith.muli %arg1, %mul3A_3 : i32
    %broadcast_in_dim3A = arith.constant 0.000000e+00 : f32
    %broadcast_in_dim3A_5 = vector.broadcast %broadcast_in_dim3A : f32 to vector<16xf32>
    %scan3A = arith.constant 0 : i32
    %scan3A_6 = arith.constant 8 : i32
    %scan3A_7 = arith.addi %scan3A, %scan3A_6 : i32
    %scan3A_8 = arith.constant 1 : i32
    scf.for %scan3A_15 = %scan3A to %scan3A_7 step %scan3A_8  : i32 {
      %mul3A_16 = arith.constant 1 : i32
      %mul3A_17 = arith.muli %scan3A_15, %mul3A_16 : i32
      %add3A = arith.constant 0 : i32
      %add3A_18 = arith.addi %add3A, %mul3A_17 : i32
      %broadcast_in_dim3A_19 = arith.constant 1.000000e+00 : f32
      %broadcast_in_dim3A_20 = vector.broadcast %broadcast_in_dim3A_19 : f32 to vector<16xf32>
      %mul3A_21 = arith.constant 16 : i32
      %mul3A_22 = arith.muli %add3A_18, %mul3A_21 : i32
      %swap3A = arith.index_cast %mul3A_22 : i32 to index
      %swap3A_23 = tpu.vector_load %arg25[%swap3A] {strides = array<i32>} : memref<128xf32, #tpu.memory_space<vmem>>, vector<16xf32>,
      tpu.vector_store %arg25[%swap3A], %broadcast_in_dim3A_20 {strides = array<i32>} : memref<128xf32, #tpu.memory_space<vmem>>, vector<16xf32>,
    }
    %scan3A_9 = arith.constant 8 : i32
    %scan3A_10 = arith.constant 0 : i32
    %scan3A_11 = arith.constant 2 : i32
    %scan3A_12 = arith.addi %scan3A_10, %scan3A_11 : i32
    %scan3A_13 = arith.constant 1 : i32
    scf.for %scan3A_15 = %scan3A_10 to %scan3A_12 step %scan3A_13  : i32 {
      %mul3A_16 = arith.constant 1 : i32
      %mul3A_17 = arith.muli %scan3A_15, %mul3A_16 : i32
      %add3A = arith.constant 0 : i32
      %add3A_18 = arith.addi %add3A, %mul3A_17 : i32
      %scan3A_19 = arith.constant 0 : i32
      %scan3A_20 = arith.constant 128 : i32
      %scan3A_21 = arith.addi %scan3A_19, %scan3A_20 : i32
      %scan3A_22 = arith.constant 1 : i32
      scf.for %scan3A_178 = %scan3A_19 to %scan3A_21 step %scan3A_22  : i32 {
        %mul3A_179 = arith.constant 1 : i32
        %mul3A_180 = arith.muli %scan3A_178, %mul3A_179 : i32
        %add3A_181 = arith.constant 0 : i32
        %add3A_182 = arith.addi %add3A_181, %mul3A_180 : i32
        %swap3A_183 = arith.index_cast %add3A_182 : i32 to index
        %swap3A_184 = arith.constant 0 : index
        %swap3A_185 = tpu.vector_load %arg29[%swap3A_183, %swap3A_184] {strides = array<i32>} : memref<128x64xf32, #tpu.memory_space<vmem>>, vector<16xf32>,
        tpu.vector_store %arg29[%swap3A_183, %swap3A_184], %broadcast_in_dim3A_5 {strides = array<i32>} : memref<128x64xf32, #tpu.memory_space<vmem>>, vector<16xf32>,
        %swap3A_186 = arith.index_cast %add3A_182 : i32 to index
        %swap3A_187 = arith.constant 16 : index
        %swap3A_188 = tpu.vector_load %arg29[%swap3A_186, %swap3A_187] {strides = array<i32>} : memref<128x64xf32, #tpu.memory_space<vmem>>, vector<16xf32>,
        tpu.vector_store %arg29[%swap3A_186, %swap3A_187], %broadcast_in_dim3A_5 {strides = array<i32>} : memref<128x64xf32, #tpu.memory_space<vmem>>, vector<16xf32>,
        %swap3A_189 = arith.index_cast %add3A_182 : i32 to index
        %swap3A_190 = arith.constant 32 : index
        %swap3A_191 = tpu.vector_load %arg29[%swap3A_189, %swap3A_190] {strides = array<i32>} : memref<128x64xf32, #tpu.memory_space<vmem>>, vector<16xf32>,
        tpu.vector_store %arg29[%swap3A_189, %swap3A_190], %broadcast_in_dim3A_5 {strides = array<i32>} : memref<128x64xf32, #tpu.memory_space<vmem>>, vector<16xf32>,
        %swap3A_192 = arith.index_cast %add3A_182 : i32 to index
        %swap3A_193 = arith.constant 48 : index
        %swap3A_194 = tpu.vector_load %arg29[%swap3A_192, %swap3A_193] {strides = array<i32>} : memref<128x64xf32, #tpu.memory_space<vmem>>, vector<16xf32>,
        tpu.vector_store %arg29[%swap3A_192, %swap3A_193], %broadcast_in_dim3A_5 {strides = array<i32>} : memref<128x64xf32, #tpu.memory_space<vmem>>, vector<16xf32>,
      }
      %scan3A_23 = arith.constant 128 : i32
      %scan3A_24 = arith.constant 0 : i32
      %scan3A_25 = arith.constant 40 : i32
      %scan3A_26 = arith.addi %scan3A_24, %scan3A_25 : i32
      %scan3A_27 = arith.constant 1 : i32
      scf.for %scan3A_178 = %scan3A_24 to %scan3A_26 step %scan3A_27  : i32 {
        %mul3A_179 = arith.constant 1 : i32
        %mul3A_180 = arith.muli %scan3A_178, %mul3A_179 : i32
        %add3A_181 = arith.constant 0 : i32
        %add3A_182 = arith.addi %add3A_181, %mul3A_180 : i32
        %mul3A_183 = arith.constant 16 : i32
        %mul3A_184 = arith.muli %add3A_182, %mul3A_183 : i32
        %swap3A_185 = arith.index_cast %mul3A_184 : i32 to index
        %swap3A_186 = tpu.vector_load %arg12[%swap3A_185] {strides = array<i32>} : memref<640xf32, #tpu.memory_space<vmem>>, vector<16xf32>,
        tpu.vector_store %arg12[%swap3A_185], %broadcast_in_dim3A_5 {strides = array<i32>} : memref<640xf32, #tpu.memory_space<vmem>>, vector<16xf32>,
      }
      %scan3A_28 = arith.constant 40 : i32
      "tpu.region"() ({
        %run_scoped3A_178 = tpu.sem_alloc : memref<!tpu.dma_semaphore, #tpu.memory_space<semaphore_mem>>
        %dma_start3A_179 = tpu.memref_slice %arg11[%mul3A_4] : memref<10240xf32, #tpu.memory_space<vmem_shared>> -> memref<640xf32, #tpu.memory_space<vmem_shared>>
        %dma_start3A_180 = tpu.memref_slice %arg11[%mul3A_4] : memref<10240xf32, #tpu.memory_space<vmem_shared>> -> memref<640xf32, #tpu.memory_space<vmem_shared>>
        tpu.enqueue_dma source(%arg12 : memref<640xf32, #tpu.memory_space<vmem>>) target(%dma_start3A_180 : memref<640xf32, #tpu.memory_space<vmem_shared>>) target_semaphore(%run_scoped3A_178 : memref<!tpu.dma_semaphore, #tpu.memory_space<semaphore_mem>>)
        %dma_wait3A = tpu.memref_slice %arg11[%mul3A_4] : memref<10240xf32, #tpu.memory_space<vmem_shared>> -> memref<640xf32, #tpu.memory_space<vmem_shared>>
        %dma_wait3A_181 = tpu.memref_slice %arg11[%mul3A_4] : memref<10240xf32, #tpu.memory_space<vmem_shared>> -> memref<640xf32, #tpu.memory_space<vmem_shared>>
        tpu.wait_dma2 semaphore(%run_scoped3A_178 : memref<!tpu.dma_semaphore, #tpu.memory_space<semaphore_mem>>) src(%arg12 : memref<640xf32, #tpu.memory_space<vmem>>) dst(%dma_wait3A_181 : memref<640xf32, #tpu.memory_space<vmem_shared>>)
        tpu.yield
      }) : () -> ()
      %scan3A_29 = arith.constant 0 : i32
      %scan3A_30 = arith.constant 5 : i32
      %scan3A_31 = arith.addi %scan3A_29, %scan3A_30 : i32
      %scan3A_32 = arith.constant 1 : i32
      scf.for %scan3A_178 = %scan3A_29 to %scan3A_31 step %scan3A_32  : i32 {
        %mul3A_179 = arith.constant 1 : i32
        %mul3A_180 = arith.muli %scan3A_178, %mul3A_179 : i32
        %add3A_181 = arith.constant 0 : i32
        %add3A_182 = arith.addi %add3A_181, %mul3A_180 : i32
        %mul3A_183 = arith.constant 128 : i32
        %mul3A_184 = arith.muli %add3A_182, %mul3A_183 : i32
        %add3A_185 = arith.addi %mul3A_4, %mul3A_184 : i32
        "tpu.region"() ({
          %run_scoped3A_186 = tpu.sem_alloc : memref<!tpu.dma_semaphore, #tpu.memory_space<semaphore_mem>>
          %dma_start3A_187 = arith.constant 0 : i32
          %dma_start3A_188 = tpu.memref_slice %arg9[%add3A_185, %dma_start3A_187] : memref<10240x64xf32, #tpu.memory_space<vmem_shared>> -> memref<128x64xf32, #tpu.memory_space<vmem_shared>>
          %dma_start3A_189 = arith.constant 0 : i32
          %dma_start3A_190 = tpu.memref_slice %arg9[%add3A_185, %dma_start3A_189] : memref<10240x64xf32, #tpu.memory_space<vmem_shared>> -> memref<128x64xf32, #tpu.memory_space<vmem_shared>>
          tpu.enqueue_dma source(%arg29 : memref<128x64xf32, #tpu.memory_space<vmem>>) target(%dma_start3A_190 : memref<128x64xf32, #tpu.memory_space<vmem_shared>>) target_semaphore(%run_scoped3A_186 : memref<!tpu.dma_semaphore, #tpu.memory_space<semaphore_mem>>)
          %dma_wait3A = arith.constant 0 : i32
          %dma_wait3A_191 = tpu.memref_slice %arg9[%add3A_185, %dma_wait3A] : memref<10240x64xf32, #tpu.memory_space<vmem_shared>> -> memref<128x64xf32, #tpu.memory_space<vmem_shared>>
          %dma_wait3A_192 = arith.constant 0 : i32
          %dma_wait3A_193 = tpu.memref_slice %arg9[%add3A_185, %dma_wait3A_192] : memref<10240x64xf32, #tpu.memory_space<vmem_shared>> -> memref<128x64xf32, #tpu.memory_space<vmem_shared>>
          tpu.wait_dma2 semaphore(%run_scoped3A_186 : memref<!tpu.dma_semaphore, #tpu.memory_space<semaphore_mem>>) src(%arg29 : memref<128x64xf32, #tpu.memory_space<vmem>>) dst(%dma_wait3A_193 : memref<128x64xf32, #tpu.memory_space<vmem_shared>>)
          tpu.yield
        }) : () -> ()
      }
      %scan3A_33 = arith.constant 5 : i32
      %eq3A = arith.constant 0 : i32
      %eq3A_34 = arith.cmpi eq, %arg1, %eq3A : i32
      %convert_element_type3A = arith.extui %eq3A_34 : i1 to i32
      %cond3A = arith.constant 0 : i32
      %cond3A_35 = arith.cmpi ne, %convert_element_type3A, %cond3A : i32
      scf.if %cond3A_35 {
        "tpu.region"() ({
          %run_scoped3A_178 = tpu.sem_alloc : memref<!tpu.dma_semaphore, #tpu.memory_space<semaphore_mem>>
          %dma_start3A_179 = arith.constant 0 : i32
          %dma_start3A_180 = arith.constant 0 : i32
          %dma_start3A_181 = tpu.memref_slice %arg38[%dma_start3A_179, %dma_start3A_180] : memref<264x64xf32, #tpu.memory_space<vmem_shared>> -> memref<128x64xf32, #tpu.memory_space<vmem_shared>>
          %dma_start3A_182 = arith.constant 0 : i32
          %dma_start3A_183 = arith.constant 0 : i32
          %dma_start3A_184 = tpu.memref_slice %arg38[%dma_start3A_182, %dma_start3A_183] : memref<264x64xf32, #tpu.memory_space<vmem_shared>> -> memref<128x64xf32, #tpu.memory_space<vmem_shared>>
          tpu.enqueue_dma source(%arg29 : memref<128x64xf32, #tpu.memory_space<vmem>>) target(%dma_start3A_184 : memref<128x64xf32, #tpu.memory_space<vmem_shared>>) target_semaphore(%run_scoped3A_178 : memref<!tpu.dma_semaphore, #tpu.memory_space<semaphore_mem>>)
          %dma_wait3A = arith.constant 0 : i32
          %dma_wait3A_185 = arith.constant 0 : i32
          %dma_wait3A_186 = tpu.memref_slice %arg38[%dma_wait3A, %dma_wait3A_185] : memref<264x64xf32, #tpu.memory_space<vmem_shared>> -> memref<128x64xf32, #tpu.memory_space<vmem_shared>>
          %dma_wait3A_187 = arith.constant 0 : i32
          %dma_wait3A_188 = arith.constant 0 : i32
          %dma_wait3A_189 = tpu.memref_slice %arg38[%dma_wait3A_187, %dma_wait3A_188] : memref<264x64xf32, #tpu.memory_space<vmem_shared>> -> memref<128x64xf32, #tpu.memory_space<vmem_shared>>
          tpu.wait_dma2 semaphore(%run_scoped3A_178 : memref<!tpu.dma_semaphore, #tpu.memory_space<semaphore_mem>>) src(%arg29 : memref<128x64xf32, #tpu.memory_space<vmem>>) dst(%dma_wait3A_189 : memref<128x64xf32, #tpu.memory_space<vmem_shared>>)
          tpu.yield
        }) : () -> ()
        "tpu.region"() ({
          %run_scoped3A_178 = tpu.sem_alloc : memref<!tpu.dma_semaphore, #tpu.memory_space<semaphore_mem>>
          %dma_start3A_179 = arith.constant 128 : i32
          %dma_start3A_180 = arith.constant 0 : i32
          %dma_start3A_181 = tpu.memref_slice %arg38[%dma_start3A_179, %dma_start3A_180] : memref<264x64xf32, #tpu.memory_space<vmem_shared>> -> memref<128x64xf32, #tpu.memory_space<vmem_shared>>
          %dma_start3A_182 = arith.constant 128 : i32
          %dma_start3A_183 = arith.constant 0 : i32
          %dma_start3A_184 = tpu.memref_slice %arg38[%dma_start3A_182, %dma_start3A_183] : memref<264x64xf32, #tpu.memory_space<vmem_shared>> -> memref<128x64xf32, #tpu.memory_space<vmem_shared>>
          tpu.enqueue_dma source(%arg29 : memref<128x64xf32, #tpu.memory_space<vmem>>) target(%dma_start3A_184 : memref<128x64xf32, #tpu.memory_space<vmem_shared>>) target_semaphore(%run_scoped3A_178 : memref<!tpu.dma_semaphore, #tpu.memory_space<semaphore_mem>>)
          %dma_wait3A = arith.constant 128 : i32
          %dma_wait3A_185 = arith.constant 0 : i32
          %dma_wait3A_186 = tpu.memref_slice %arg38[%dma_wait3A, %dma_wait3A_185] : memref<264x64xf32, #tpu.memory_space<vmem_shared>> -> memref<128x64xf32, #tpu.memory_space<vmem_shared>>
          %dma_wait3A_187 = arith.constant 128 : i32
          %dma_wait3A_188 = arith.constant 0 : i32
          %dma_wait3A_189 = tpu.memref_slice %arg38[%dma_wait3A_187, %dma_wait3A_188] : memref<264x64xf32, #tpu.memory_space<vmem_shared>> -> memref<128x64xf32, #tpu.memory_space<vmem_shared>>
          tpu.wait_dma2 semaphore(%run_scoped3A_178 : memref<!tpu.dma_semaphore, #tpu.memory_space<semaphore_mem>>) src(%arg29 : memref<128x64xf32, #tpu.memory_space<vmem>>) dst(%dma_wait3A_189 : memref<128x64xf32, #tpu.memory_space<vmem_shared>>)
          tpu.yield
        }) : () -> ()
        "tpu.region"() ({
          %run_scoped3A_178 = tpu.sem_alloc : memref<!tpu.dma_semaphore, #tpu.memory_space<semaphore_mem>>
          %dma_start3A_179 = arith.constant 0 : i32
          %dma_start3A_180 = arith.constant 0 : i32
          %dma_start3A_181 = tpu.memref_slice %arg29[%dma_start3A_179, %dma_start3A_180] : memref<128x64xf32, #tpu.memory_space<vmem>> -> memref<8x64xf32, #tpu.memory_space<vmem>>
          %dma_start3A_182 = arith.constant 256 : i32
          %dma_start3A_183 = arith.constant 0 : i32
          %dma_start3A_184 = tpu.memref_slice %arg38[%dma_start3A_182, %dma_start3A_183] : memref<264x64xf32, #tpu.memory_space<vmem_shared>> -> memref<8x64xf32, #tpu.memory_space<vmem_shared>>
          %dma_start3A_185 = arith.constant 256 : i32
          %dma_start3A_186 = arith.constant 0 : i32
          %dma_start3A_187 = tpu.memref_slice %arg38[%dma_start3A_185, %dma_start3A_186] : memref<264x64xf32, #tpu.memory_space<vmem_shared>> -> memref<8x64xf32, #tpu.memory_space<vmem_shared>>
          %dma_start3A_188 = arith.constant 0 : i32
          %dma_start3A_189 = arith.constant 0 : i32
          %dma_start3A_190 = tpu.memref_slice %arg29[%dma_start3A_188, %dma_start3A_189] : memref<128x64xf32, #tpu.memory_space<vmem>> -> memref<8x64xf32, #tpu.memory_space<vmem>>
          tpu.enqueue_dma source(%dma_start3A_190 : memref<8x64xf32, #tpu.memory_space<vmem>>) target(%dma_start3A_187 : memref<8x64xf32, #tpu.memory_space<vmem_shared>>) target_semaphore(%run_scoped3A_178 : memref<!tpu.dma_semaphore, #tpu.memory_space<semaphore_mem>>)
          %dma_wait3A = arith.constant 0 : i32
          %dma_wait3A_191 = arith.constant 0 : i32
          %dma_wait3A_192 = tpu.memref_slice %arg29[%dma_wait3A, %dma_wait3A_191] : memref<128x64xf32, #tpu.memory_space<vmem>> -> memref<8x64xf32, #tpu.memory_space<vmem>>
          %dma_wait3A_193 = arith.constant 256 : i32
          %dma_wait3A_194 = arith.constant 0 : i32
          %dma_wait3A_195 = tpu.memref_slice %arg38[%dma_wait3A_193, %dma_wait3A_194] : memref<264x64xf32, #tpu.memory_space<vmem_shared>> -> memref<8x64xf32, #tpu.memory_space<vmem_shared>>
          %dma_wait3A_196 = arith.constant 256 : i32
          %dma_wait3A_197 = arith.constant 0 : i32
          %dma_wait3A_198 = tpu.memref_slice %arg38[%dma_wait3A_196, %dma_wait3A_197] : memref<264x64xf32, #tpu.memory_space<vmem_shared>> -> memref<8x64xf32, #tpu.memory_space<vmem_shared>>
          %dma_wait3A_199 = arith.constant 0 : i32
          %dma_wait3A_200 = arith.constant 0 : i32
          %dma_wait3A_201 = tpu.memref_slice %arg29[%dma_wait3A_199, %dma_wait3A_200] : memref<128x64xf32, #tpu.memory_space<vmem>> -> memref<8x64xf32, #tpu.memory_space<vmem>>
          tpu.wait_dma2 semaphore(%run_scoped3A_178 : memref<!tpu.dma_semaphore, #tpu.memory_space<semaphore_mem>>) src(%dma_wait3A_201 : memref<8x64xf32, #tpu.memory_space<vmem>>) dst(%dma_wait3A_198 : memref<8x64xf32, #tpu.memory_space<vmem_shared>>)
          tpu.yield
        }) : () -> ()
      } else {
      }
      %barrier3A = arith.constant 0 : index
      tpu.barrier barrier_id(%barrier3A)
      %run_scoped3A = arith.constant 1 : i32
      "tpu.region"() ({
        %run_scoped3A_178 = tpu.sem_alloc : memref<!tpu.dma_semaphore, #tpu.memory_space<semaphore_mem>>
        %dma_start3A_179 = tpu.memref_slice %arg4[%add3A_18, %run_scoped3A, %mul3A_2] : memref<2x2x323584xi32, #tpu.memory_space<hbm>> -> memref<1x1x128xi32, #tpu.memory_space<hbm>>
        %dma_start3A_180 = tpu.memref_squeeze %dma_start3A_179 : memref<1x1x128xi32, #tpu.memory_space<hbm>> -> memref<128xi32, #tpu.memory_space<hbm>>
        %dma_start3A_181 = tpu.memref_slice %arg4[%add3A_18, %run_scoped3A, %mul3A_2] : memref<2x2x323584xi32, #tpu.memory_space<hbm>> -> memref<1x1x128xi32, #tpu.memory_space<hbm>>
        %dma_start3A_182 = tpu.memref_squeeze %dma_start3A_181 : memref<1x1x128xi32, #tpu.memory_space<hbm>> -> memref<128xi32, #tpu.memory_space<hbm>>
        tpu.enqueue_dma source(%dma_start3A_182 : memref<128xi32, #tpu.memory_space<hbm>>) target(%arg18 : memref<128xi32, #tpu.memory_space<vmem>>) target_semaphore(%run_scoped3A_178 : memref<!tpu.dma_semaphore, #tpu.memory_space<semaphore_mem>>)
        %dma_wait3A = tpu.memref_slice %arg4[%add3A_18, %run_scoped3A, %mul3A_2] : memref<2x2x323584xi32, #tpu.memory_space<hbm>> -> memref<1x1x128xi32, #tpu.memory_space<hbm>>
        %dma_wait3A_183 = tpu.memref_squeeze %dma_wait3A : memref<1x1x128xi32, #tpu.memory_space<hbm>> -> memref<128xi32, #tpu.memory_space<hbm>>
        %dma_wait3A_184 = tpu.memref_slice %arg4[%add3A_18, %run_scoped3A, %mul3A_2] : memref<2x2x323584xi32, #tpu.memory_space<hbm>> -> memref<1x1x128xi32, #tpu.memory_space<hbm>>
        %dma_wait3A_185 = tpu.memref_squeeze %dma_wait3A_184 : memref<1x1x128xi32, #tpu.memory_space<hbm>> -> memref<128xi32, #tpu.memory_space<hbm>>
        tpu.wait_dma2 semaphore(%run_scoped3A_178 : memref<!tpu.dma_semaphore, #tpu.memory_space<semaphore_mem>>) src(%dma_wait3A_185 : memref<128xi32, #tpu.memory_space<hbm>>) dst(%arg18 : memref<128xi32, #tpu.memory_space<vmem>>)
        tpu.yield
      }) : () -> ()
      %scan3A_36 = arith.constant 0 : i32
      %scan3A_37 = arith.constant 79 : i32
      %scan3A_38 = arith.addi %scan3A_36, %scan3A_37 : i32
      %scan3A_39 = arith.constant 1 : i32
      scf.for %scan3A_178 = %scan3A_36 to %scan3A_38 step %scan3A_39  : i32 {
        %mul3A_179 = arith.constant 1 : i32
        %mul3A_180 = arith.muli %scan3A_178, %mul3A_179 : i32
        %add3A_181 = arith.constant 0 : i32
        %add3A_182 = arith.addi %add3A_181, %mul3A_180 : i32
        %mul3A_183 = arith.constant 2 : i32
        %mul3A_184 = arith.muli %mul3A_183, %add3A_182 : i32
        %dma_start3A_185 = arith.constant 0 : i32
        %dma_start3A_186 = tpu.memref_slice %arg11[%dma_start3A_185] : memref<10240xf32, #tpu.memory_space<vmem_shared>> -> memref<10240xf32, #tpu.memory_space<vmem_shared>>
        tpu.enqueue_indirect_dma source(%arg25 : memref<128xf32, #tpu.memory_space<vmem>>) target(%dma_start3A_186 : memref<10240xf32, #tpu.memory_space<vmem_shared>>) offsets(%arg18 : memref<128xi32, #tpu.memory_space<vmem>>) semaphore(%arg30 : memref<!tpu.dma_semaphore, #tpu.memory_space<semaphore_mem>>) {add = true}
        %add3A_187 = arith.constant 1 : i32
        %add3A_188 = arith.addi %mul3A_184, %add3A_187 : i32
        %mul3A_189 = arith.constant 128 : i32
        %mul3A_190 = arith.muli %add3A_188, %mul3A_189 : i32
        %add3A_191 = arith.addi %mul3A_2, %mul3A_190 : i32
        %run_scoped3A_192 = arith.constant 1 : i32
        "tpu.region"() ({
          %run_scoped3A_204 = tpu.sem_alloc : memref<!tpu.dma_semaphore, #tpu.memory_space<semaphore_mem>>
          %dma_start3A_205 = tpu.memref_slice %arg4[%add3A_18, %run_scoped3A_192, %add3A_191] : memref<2x2x323584xi32, #tpu.memory_space<hbm>> -> memref<1x1x128xi32, #tpu.memory_space<hbm>>
          %dma_start3A_206 = tpu.memref_squeeze %dma_start3A_205 : memref<1x1x128xi32, #tpu.memory_space<hbm>> -> memref<128xi32, #tpu.memory_space<hbm>>
          %dma_start3A_207 = tpu.memref_slice %arg4[%add3A_18, %run_scoped3A_192, %add3A_191] : memref<2x2x323584xi32, #tpu.memory_space<hbm>> -> memref<1x1x128xi32, #tpu.memory_space<hbm>>
          %dma_start3A_208 = tpu.memref_squeeze %dma_start3A_207 : memref<1x1x128xi32, #tpu.memory_space<hbm>> -> memref<128xi32, #tpu.memory_space<hbm>>
          tpu.enqueue_dma source(%dma_start3A_208 : memref<128xi32, #tpu.memory_space<hbm>>) target(%arg36 : memref<128xi32, #tpu.memory_space<vmem>>) target_semaphore(%run_scoped3A_204 : memref<!tpu.dma_semaphore, #tpu.memory_space<semaphore_mem>>)
          %dma_wait3A_209 = tpu.memref_slice %arg4[%add3A_18, %run_scoped3A_192, %add3A_191] : memref<2x2x323584xi32, #tpu.memory_space<hbm>> -> memref<1x1x128xi32, #tpu.memory_space<hbm>>
          %dma_wait3A_210 = tpu.memref_squeeze %dma_wait3A_209 : memref<1x1x128xi32, #tpu.memory_space<hbm>> -> memref<128xi32, #tpu.memory_space<hbm>>
          %dma_wait3A_211 = tpu.memref_slice %arg4[%add3A_18, %run_scoped3A_192, %add3A_191] : memref<2x2x323584xi32, #tpu.memory_space<hbm>> -> memref<1x1x128xi32, #tpu.memory_space<hbm>>
          %dma_wait3A_212 = tpu.memref_squeeze %dma_wait3A_211 : memref<1x1x128xi32, #tpu.memory_space<hbm>> -> memref<128xi32, #tpu.memory_space<hbm>>
          tpu.wait_dma2 semaphore(%run_scoped3A_204 : memref<!tpu.dma_semaphore, #tpu.memory_space<semaphore_mem>>) src(%dma_wait3A_212 : memref<128xi32, #tpu.memory_space<hbm>>) dst(%arg36 : memref<128xi32, #tpu.memory_space<vmem>>)
          tpu.yield
        }) : () -> ()
        %dma_wait3A = arith.constant 0 : i32
        %dma_wait3A_193 = tpu.memref_slice %arg11[%dma_wait3A] : memref<10240xf32, #tpu.memory_space<vmem_shared>> -> memref<10240xf32, #tpu.memory_space<vmem_shared>>
        tpu.wait_indirect_dma semaphore(%arg30 : memref<!tpu.dma_semaphore, #tpu.memory_space<semaphore_mem>>) src(%arg25 : memref<128xf32, #tpu.memory_space<vmem>>) dst(%dma_wait3A_193 : memref<10240xf32, #tpu.memory_space<vmem_shared>>)
        %dma_start3A_194 = arith.constant 0 : i32
        %dma_start3A_195 = tpu.memref_slice %arg11[%dma_start3A_194] : memref<10240xf32, #tpu.memory_space<vmem_shared>> -> memref<10240xf32, #tpu.memory_space<vmem_shared>>
        tpu.enqueue_indirect_dma source(%arg25 : memref<128xf32, #tpu.memory_space<vmem>>) target(%dma_start3A_195 : memref<10240xf32, #tpu.memory_space<vmem_shared>>) offsets(%arg36 : memref<128xi32, #tpu.memory_space<vmem>>) semaphore(%arg31 : memref<!tpu.dma_semaphore, #tpu.memory_space<semaphore_mem>>) {add = true}
        %add3A_196 = arith.constant 2 : i32
        %add3A_197 = arith.addi %mul3A_184, %add3A_196 : i32
        %lt3A = arith.constant 158 : i32
        %lt3A_198 = arith.cmpi slt, %add3A_197, %lt3A : i32
        %convert_element_type3A_199 = arith.extui %lt3A_198 : i1 to i32
        %cond3A_200 = arith.constant 0 : i32
        %cond3A_201 = arith.cmpi ne, %convert_element_type3A_199, %cond3A_200 : i32
        scf.if %cond3A_201 {
          %add3A_204 = arith.constant 2 : i32
          %add3A_205 = arith.addi %mul3A_184, %add3A_204 : i32
          %mul3A_206 = arith.constant 128 : i32
          %mul3A_207 = arith.muli %add3A_205, %mul3A_206 : i32
          %add3A_208 = arith.addi %mul3A_2, %mul3A_207 : i32
          %run_scoped3A_209 = arith.constant 1 : i32
          "tpu.region"() ({
            %run_scoped3A_210 = tpu.sem_alloc : memref<!tpu.dma_semaphore, #tpu.memory_space<semaphore_mem>>
            %dma_start3A_211 = tpu.memref_slice %arg4[%add3A_18, %run_scoped3A_209, %add3A_208] : memref<2x2x323584xi32, #tpu.memory_space<hbm>> -> memref<1x1x128xi32, #tpu.memory_space<hbm>>
            %dma_start3A_212 = tpu.memref_squeeze %dma_start3A_211 : memref<1x1x128xi32, #tpu.memory_space<hbm>> -> memref<128xi32, #tpu.memory_space<hbm>>
            %dma_start3A_213 = tpu.memref_slice %arg4[%add3A_18, %run_scoped3A_209, %add3A_208] : memref<2x2x323584xi32, #tpu.memory_space<hbm>> -> memref<1x1x128xi32, #tpu.memory_space<hbm>>
            %dma_start3A_214 = tpu.memref_squeeze %dma_start3A_213 : memref<1x1x128xi32, #tpu.memory_space<hbm>> -> memref<128xi32, #tpu.memory_space<hbm>>
            tpu.enqueue_dma source(%dma_start3A_214 : memref<128xi32, #tpu.memory_space<hbm>>) target(%arg18 : memref<128xi32, #tpu.memory_space<vmem>>) target_semaphore(%run_scoped3A_210 : memref<!tpu.dma_semaphore, #tpu.memory_space<semaphore_mem>>)
            %dma_wait3A_215 = tpu.memref_slice %arg4[%add3A_18, %run_scoped3A_209, %add3A_208] : memref<2x2x323584xi32, #tpu.memory_space<hbm>> -> memref<1x1x128xi32, #tpu.memory_space<hbm>>
            %dma_wait3A_216 = tpu.memref_squeeze %dma_wait3A_215 : memref<1x1x128xi32, #tpu.memory_space<hbm>> -> memref<128xi32, #tpu.memory_space<hbm>>
            %dma_wait3A_217 = tpu.memref_slice %arg4[%add3A_18, %run_scoped3A_209, %add3A_208] : memref<2x2x323584xi32, #tpu.memory_space<hbm>> -> memref<1x1x128xi32, #tpu.memory_space<hbm>>
            %dma_wait3A_218 = tpu.memref_squeeze %dma_wait3A_217 : memref<1x1x128xi32, #tpu.memory_space<hbm>> -> memref<128xi32, #tpu.memory_space<hbm>>
            tpu.wait_dma2 semaphore(%run_scoped3A_210 : memref<!tpu.dma_semaphore, #tpu.memory_space<semaphore_mem>>) src(%dma_wait3A_218 : memref<128xi32, #tpu.memory_space<hbm>>) dst(%arg18 : memref<128xi32, #tpu.memory_space<vmem>>)
            tpu.yield
          }) : () -> ()
        } else {
        }
        %dma_wait3A_202 = arith.constant 0 : i32
        %dma_wait3A_203 = tpu.memref_slice %arg11[%dma_wait3A_202] : memref<10240xf32, #tpu.memory_space<vmem_shared>> -> memref<10240xf32, #tpu.memory_space<vmem_shared>>
        tpu.wait_indirect_dma semaphore(%arg31 : memref<!tpu.dma_semaphore, #tpu.memory_space<semaphore_mem>>) src(%arg25 : memref<128xf32, #tpu.memory_space<vmem>>) dst(%dma_wait3A_203 : memref<10240xf32, #tpu.memory_space<vmem_shared>>)
      }
      %scan3A_40 = arith.constant 79 : i32
      %barrier3A_41 = arith.constant 0 : index
      tpu.barrier barrier_id(%barrier3A_41)
      "tpu.region"() ({
        %run_scoped3A_178 = tpu.sem_alloc : memref<!tpu.dma_semaphore, #tpu.memory_space<semaphore_mem>>
        %dma_start3A_179 = tpu.memref_slice %arg11[%mul3A_4] : memref<10240xf32, #tpu.memory_space<vmem_shared>> -> memref<640xf32, #tpu.memory_space<vmem_shared>>
        %dma_start3A_180 = tpu.memref_slice %arg11[%mul3A_4] : memref<10240xf32, #tpu.memory_space<vmem_shared>> -> memref<640xf32, #tpu.memory_space<vmem_shared>>
        tpu.enqueue_dma source(%dma_start3A_180 : memref<640xf32, #tpu.memory_space<vmem_shared>>) target(%arg12 : memref<640xf32, #tpu.memory_space<vmem>>) target_semaphore(%run_scoped3A_178 : memref<!tpu.dma_semaphore, #tpu.memory_space<semaphore_mem>>)
        %dma_wait3A = tpu.memref_slice %arg11[%mul3A_4] : memref<10240xf32, #tpu.memory_space<vmem_shared>> -> memref<640xf32, #tpu.memory_space<vmem_shared>>
        %dma_wait3A_181 = tpu.memref_slice %arg11[%mul3A_4] : memref<10240xf32, #tpu.memory_space<vmem_shared>> -> memref<640xf32, #tpu.memory_space<vmem_shared>>
        tpu.wait_dma2 semaphore(%run_scoped3A_178 : memref<!tpu.dma_semaphore, #tpu.memory_space<semaphore_mem>>) src(%dma_wait3A_181 : memref<640xf32, #tpu.memory_space<vmem_shared>>) dst(%arg12 : memref<640xf32, #tpu.memory_space<vmem>>)
        tpu.yield
      }) : () -> ()
      %scan3A_42 = arith.constant 0 : i32
      %scan3A_43 = arith.constant 40 : i32
      %scan3A_44 = arith.addi %scan3A_42, %scan3A_43 : i32
      %scan3A_45 = arith.constant 1 : i32
      scf.for %scan3A_178 = %scan3A_42 to %scan3A_44 step %scan3A_45  : i32 {
        %mul3A_179 = arith.constant 1 : i32
        %mul3A_180 = arith.muli %scan3A_178, %mul3A_179 : i32
        %add3A_181 = arith.constant 0 : i32
        %add3A_182 = arith.addi %add3A_181, %mul3A_180 : i32
        %mul3A_183 = arith.constant 16 : i32
        %mul3A_184 = arith.muli %add3A_182, %mul3A_183 : i32
        %get3A_185 = arith.index_cast %mul3A_184 : i32 to index
        %get3A_186 = tpu.vector_load %arg12[%get3A_185] {strides = array<i32>} : memref<640xf32, #tpu.memory_space<vmem>>, vector<16xf32>,
        %add3A_187 = arith.constant 1.000000e+00 : f32
        %add3A_188 = vector.broadcast %add3A_187 : f32 to vector<16xf32>
        %add3A_189 = arith.addf %get3A_186, %add3A_188 : vector<16xf32>
        %broadcast_in_dim3A_190 = arith.constant 5.000000e-01 : f32
        %broadcast_in_dim3A_191 = vector.broadcast %broadcast_in_dim3A_190 : f32 to vector<16xf32>
        %gt3A_192 = arith.constant 4.000000e+00 : f32
        %gt3A_193 = vector.broadcast %gt3A_192 : f32 to vector<16xf32>
        %gt3A_194 = arith.cmpf ogt, %add3A_189, %gt3A_193 : vector<16xf32>
        %jit3A_195 = arith.constant 2.500000e-01 : f32
        %broadcast_in_dim3A_196 = vector.broadcast %jit3A_195 : f32 to vector<16xf32>
        %select_n3A_197 = arith.select %gt3A_194, %broadcast_in_dim3A_196, %broadcast_in_dim3A_191 : vector<16xi1>, vector<16xf32>
        %gt3A_198 = arith.constant 1.600000e+01 : f32
        %gt3A_199 = vector.broadcast %gt3A_198 : f32 to vector<16xf32>
        %gt3A_200 = arith.cmpf ogt, %add3A_189, %gt3A_199 : vector<16xf32>
        %jit3A_201 = arith.constant 1.250000e-01 : f32
        %broadcast_in_dim3A_202 = vector.broadcast %jit3A_201 : f32 to vector<16xf32>
        %select_n3A_203 = arith.select %gt3A_200, %broadcast_in_dim3A_202, %select_n3A_197 : vector<16xi1>, vector<16xf32>
        %gt3A_204 = arith.constant 6.400000e+01 : f32
        %gt3A_205 = vector.broadcast %gt3A_204 : f32 to vector<16xf32>
        %gt3A_206 = arith.cmpf ogt, %add3A_189, %gt3A_205 : vector<16xf32>
        %jit3A_207 = arith.constant 6.250000e-02 : f32
        %broadcast_in_dim3A_208 = vector.broadcast %jit3A_207 : f32 to vector<16xf32>
        %select_n3A_209 = arith.select %gt3A_206, %broadcast_in_dim3A_208, %select_n3A_203 : vector<16xi1>, vector<16xf32>
        %gt3A_210 = arith.constant 2.560000e+02 : f32
        %gt3A_211 = vector.broadcast %gt3A_210 : f32 to vector<16xf32>
        %gt3A_212 = arith.cmpf ogt, %add3A_189, %gt3A_211 : vector<16xf32>
        %jit3A_213 = arith.constant 3.125000e-02 : f32
        %broadcast_in_dim3A_214 = vector.broadcast %jit3A_213 : f32 to vector<16xf32>
        %select_n3A_215 = arith.select %gt3A_212, %broadcast_in_dim3A_214, %select_n3A_209 : vector<16xi1>, vector<16xf32>
        %gt3A_216 = arith.constant 1.024000e+03 : f32
        %gt3A_217 = vector.broadcast %gt3A_216 : f32 to vector<16xf32>
        %gt3A_218 = arith.cmpf ogt, %add3A_189, %gt3A_217 : vector<16xf32>
        %jit3A_219 = arith.constant 1.562500e-02 : f32
        %broadcast_in_dim3A_220 = vector.broadcast %jit3A_219 : f32 to vector<16xf32>
        %select_n3A_221 = arith.select %gt3A_218, %broadcast_in_dim3A_220, %select_n3A_215 : vector<16xi1>, vector<16xf32>
        %gt3A_222 = arith.constant 4.096000e+03 : f32
        %gt3A_223 = vector.broadcast %gt3A_222 : f32 to vector<16xf32>
        %gt3A_224 = arith.cmpf ogt, %add3A_189, %gt3A_223 : vector<16xf32>
        %jit3A_225 = arith.constant 7.812500e-03 : f32
        %broadcast_in_dim3A_226 = vector.broadcast %jit3A_225 : f32 to vector<16xf32>
        %select_n3A_227 = arith.select %gt3A_224, %broadcast_in_dim3A_226, %select_n3A_221 : vector<16xi1>, vector<16xf32>
        %gt3A_228 = arith.constant 1.638400e+04 : f32
        %gt3A_229 = vector.broadcast %gt3A_228 : f32 to vector<16xf32>
        %gt3A_230 = arith.cmpf ogt, %add3A_189, %gt3A_229 : vector<16xf32>
        %jit3A_231 = arith.constant 3.906250e-03 : f32
        %broadcast_in_dim3A_232 = vector.broadcast %jit3A_231 : f32 to vector<16xf32>
        %select_n3A_233 = arith.select %gt3A_230, %broadcast_in_dim3A_232, %select_n3A_227 : vector<16xi1>, vector<16xf32>
        %gt3A_234 = arith.constant 6.553600e+04 : f32
        %gt3A_235 = vector.broadcast %gt3A_234 : f32 to vector<16xf32>
        %gt3A_236 = arith.cmpf ogt, %add3A_189, %gt3A_235 : vector<16xf32>
        %jit3A_237 = arith.constant 0.001953125 : f32
        %broadcast_in_dim3A_238 = vector.broadcast %jit3A_237 : f32 to vector<16xf32>
        %select_n3A_239 = arith.select %gt3A_236, %broadcast_in_dim3A_238, %select_n3A_233 : vector<16xi1>, vector<16xf32>
        %gt3A_240 = arith.constant 2.621440e+05 : f32
        %gt3A_241 = vector.broadcast %gt3A_240 : f32 to vector<16xf32>
        %gt3A_242 = arith.cmpf ogt, %add3A_189, %gt3A_241 : vector<16xf32>
        %jit3A_243 = arith.constant 9.765625E-4 : f32
        %broadcast_in_dim3A_244 = vector.broadcast %jit3A_243 : f32 to vector<16xf32>
        %select_n3A_245 = arith.select %gt3A_242, %broadcast_in_dim3A_244, %select_n3A_239 : vector<16xi1>, vector<16xf32>
        %mul3A_246 = arith.constant 5.000000e-01 : f32
        %mul3A_247 = vector.broadcast %mul3A_246 : f32 to vector<16xf32>
        %mul3A_248 = arith.mulf %mul3A_247, %add3A_189 : vector<16xf32>
        %mul3A_249 = arith.mulf %mul3A_248, %select_n3A_245 : vector<16xf32>
        %mul3A_250 = arith.mulf %mul3A_249, %select_n3A_245 : vector<16xf32>
        %sub3A_251 = arith.constant 1.500000e+00 : f32
        %sub3A_252 = vector.broadcast %sub3A_251 : f32 to vector<16xf32>
        %sub3A_253 = arith.subf %sub3A_252, %mul3A_250 : vector<16xf32>
        %mul3A_254 = arith.mulf %select_n3A_245, %sub3A_253 : vector<16xf32>
        %mul3A_255 = arith.constant 5.000000e-01 : f32
        %mul3A_256 = vector.broadcast %mul3A_255 : f32 to vector<16xf32>
        %mul3A_257 = arith.mulf %mul3A_256, %add3A_189 : vector<16xf32>
        %mul3A_258 = arith.mulf %mul3A_257, %mul3A_254 : vector<16xf32>
        %mul3A_259 = arith.mulf %mul3A_258, %mul3A_254 : vector<16xf32>
        %sub3A_260 = arith.constant 1.500000e+00 : f32
        %sub3A_261 = vector.broadcast %sub3A_260 : f32 to vector<16xf32>
        %sub3A_262 = arith.subf %sub3A_261, %mul3A_259 : vector<16xf32>
        %mul3A_263 = arith.mulf %mul3A_254, %sub3A_262 : vector<16xf32>
        %mul3A_264 = arith.constant 5.000000e-01 : f32
        %mul3A_265 = vector.broadcast %mul3A_264 : f32 to vector<16xf32>
        %mul3A_266 = arith.mulf %mul3A_265, %add3A_189 : vector<16xf32>
        %mul3A_267 = arith.mulf %mul3A_266, %mul3A_263 : vector<16xf32>
        %mul3A_268 = arith.mulf %mul3A_267, %mul3A_263 : vector<16xf32>
        %sub3A_269 = arith.constant 1.500000e+00 : f32
        %sub3A_270 = vector.broadcast %sub3A_269 : f32 to vector<16xf32>
        %sub3A_271 = arith.subf %sub3A_270, %mul3A_268 : vector<16xf32>
        %mul3A_272 = arith.mulf %mul3A_263, %sub3A_271 : vector<16xf32>
        %mul3A_273 = arith.constant 5.000000e-01 : f32
        %mul3A_274 = vector.broadcast %mul3A_273 : f32 to vector<16xf32>
        %mul3A_275 = arith.mulf %mul3A_274, %add3A_189 : vector<16xf32>
        %mul3A_276 = arith.mulf %mul3A_275, %mul3A_272 : vector<16xf32>
        %mul3A_277 = arith.mulf %mul3A_276, %mul3A_272 : vector<16xf32>
        %sub3A_278 = arith.constant 1.500000e+00 : f32
        %sub3A_279 = vector.broadcast %sub3A_278 : f32 to vector<16xf32>
        %sub3A_280 = arith.subf %sub3A_279, %mul3A_277 : vector<16xf32>
        %mul3A_281 = arith.mulf %mul3A_272, %sub3A_280 : vector<16xf32>
        %mul3A_282 = arith.constant 5.000000e-01 : f32
        %mul3A_283 = vector.broadcast %mul3A_282 : f32 to vector<16xf32>
        %mul3A_284 = arith.mulf %mul3A_283, %add3A_189 : vector<16xf32>
        %mul3A_285 = arith.mulf %mul3A_284, %mul3A_281 : vector<16xf32>
        %mul3A_286 = arith.mulf %mul3A_285, %mul3A_281 : vector<16xf32>
        %sub3A_287 = arith.constant 1.500000e+00 : f32
        %sub3A_288 = vector.broadcast %sub3A_287 : f32 to vector<16xf32>
        %sub3A_289 = arith.subf %sub3A_288, %mul3A_286 : vector<16xf32>
        %mul3A_290 = arith.mulf %mul3A_281, %sub3A_289 : vector<16xf32>
        %mul3A_291 = arith.constant 5.000000e-01 : f32
        %mul3A_292 = vector.broadcast %mul3A_291 : f32 to vector<16xf32>
        %mul3A_293 = arith.mulf %mul3A_292, %add3A_189 : vector<16xf32>
        %mul3A_294 = arith.mulf %mul3A_293, %mul3A_290 : vector<16xf32>
        %mul3A_295 = arith.mulf %mul3A_294, %mul3A_290 : vector<16xf32>
        %sub3A_296 = arith.constant 1.500000e+00 : f32
        %sub3A_297 = vector.broadcast %sub3A_296 : f32 to vector<16xf32>
        %sub3A_298 = arith.subf %sub3A_297, %mul3A_295 : vector<16xf32>
        %mul3A_299 = arith.mulf %mul3A_290, %sub3A_298 : vector<16xf32>
        %mul3A_300 = arith.constant 16 : i32
        %mul3A_301 = arith.muli %add3A_182, %mul3A_300 : i32
        %swap3A_302 = arith.index_cast %mul3A_301 : i32 to index
        %swap3A_303 = tpu.vector_load %arg16[%swap3A_302] {strides = array<i32>} : memref<656xf32, #tpu.memory_space<vmem>>, vector<16xf32>,
        tpu.vector_store %arg16[%swap3A_302], %mul3A_299 {strides = array<i32>} : memref<656xf32, #tpu.memory_space<vmem>>, vector<16xf32>,
        %mul3A_304 = arith.mulf %mul3A_299, %mul3A_299 : vector<16xf32>
        %mul3A_305 = arith.constant 16 : i32
        %mul3A_306 = arith.muli %add3A_182, %mul3A_305 : i32
        %swap3A_307 = arith.index_cast %mul3A_306 : i32 to index
        %swap3A_308 = tpu.vector_load %arg14[%swap3A_307] {strides = array<i32>} : memref<656xf32, #tpu.memory_space<vmem>>, vector<16xf32>,
        tpu.vector_store %arg14[%swap3A_307], %mul3A_304 {strides = array<i32>} : memref<656xf32, #tpu.memory_space<vmem>>, vector<16xf32>,
      }
      %scan3A_46 = arith.constant 40 : i32
      "tpu.region"() ({
        %run_scoped3A_178 = tpu.sem_alloc : memref<!tpu.dma_semaphore, #tpu.memory_space<semaphore_mem>>
        %dma_start3A_179 = arith.constant 0 : i32
        %dma_start3A_180 = tpu.memref_slice %arg16[%dma_start3A_179] : memref<656xf32, #tpu.memory_space<vmem>> -> memref<640xf32, #tpu.memory_space<vmem>>
        %dma_start3A_181 = tpu.memref_slice %arg15[%mul3A_4] : memref<10240xf32, #tpu.memory_space<vmem_shared>> -> memref<640xf32, #tpu.memory_space<vmem_shared>>
        %dma_start3A_182 = tpu.memref_slice %arg15[%mul3A_4] : memref<10240xf32, #tpu.memory_space<vmem_shared>> -> memref<640xf32, #tpu.memory_space<vmem_shared>>
        %dma_start3A_183 = arith.constant 0 : i32
        %dma_start3A_184 = tpu.memref_slice %arg16[%dma_start3A_183] : memref<656xf32, #tpu.memory_space<vmem>> -> memref<640xf32, #tpu.memory_space<vmem>>
        tpu.enqueue_dma source(%dma_start3A_184 : memref<640xf32, #tpu.memory_space<vmem>>) target(%dma_start3A_182 : memref<640xf32, #tpu.memory_space<vmem_shared>>) target_semaphore(%run_scoped3A_178 : memref<!tpu.dma_semaphore, #tpu.memory_space<semaphore_mem>>)
        %dma_wait3A = arith.constant 0 : i32
        %dma_wait3A_185 = tpu.memref_slice %arg16[%dma_wait3A] : memref<656xf32, #tpu.memory_space<vmem>> -> memref<640xf32, #tpu.memory_space<vmem>>
        %dma_wait3A_186 = tpu.memref_slice %arg15[%mul3A_4] : memref<10240xf32, #tpu.memory_space<vmem_shared>> -> memref<640xf32, #tpu.memory_space<vmem_shared>>
        %dma_wait3A_187 = tpu.memref_slice %arg15[%mul3A_4] : memref<10240xf32, #tpu.memory_space<vmem_shared>> -> memref<640xf32, #tpu.memory_space<vmem_shared>>
        %dma_wait3A_188 = arith.constant 0 : i32
        %dma_wait3A_189 = tpu.memref_slice %arg16[%dma_wait3A_188] : memref<656xf32, #tpu.memory_space<vmem>> -> memref<640xf32, #tpu.memory_space<vmem>>
        tpu.wait_dma2 semaphore(%run_scoped3A_178 : memref<!tpu.dma_semaphore, #tpu.memory_space<semaphore_mem>>) src(%dma_wait3A_189 : memref<640xf32, #tpu.memory_space<vmem>>) dst(%dma_wait3A_187 : memref<640xf32, #tpu.memory_space<vmem_shared>>)
        tpu.yield
      }) : () -> ()
      "tpu.region"() ({
        %run_scoped3A_178 = tpu.sem_alloc : memref<!tpu.dma_semaphore, #tpu.memory_space<semaphore_mem>>
        %dma_start3A_179 = arith.constant 0 : i32
        %dma_start3A_180 = tpu.memref_slice %arg14[%dma_start3A_179] : memref<656xf32, #tpu.memory_space<vmem>> -> memref<640xf32, #tpu.memory_space<vmem>>
        %dma_start3A_181 = tpu.memref_slice %arg13[%mul3A_4] : memref<10240xf32, #tpu.memory_space<vmem_shared>> -> memref<640xf32, #tpu.memory_space<vmem_shared>>
        %dma_start3A_182 = tpu.memref_slice %arg13[%mul3A_4] : memref<10240xf32, #tpu.memory_space<vmem_shared>> -> memref<640xf32, #tpu.memory_space<vmem_shared>>
        %dma_start3A_183 = arith.constant 0 : i32
        %dma_start3A_184 = tpu.memref_slice %arg14[%dma_start3A_183] : memref<656xf32, #tpu.memory_space<vmem>> -> memref<640xf32, #tpu.memory_space<vmem>>
        tpu.enqueue_dma source(%dma_start3A_184 : memref<640xf32, #tpu.memory_space<vmem>>) target(%dma_start3A_182 : memref<640xf32, #tpu.memory_space<vmem_shared>>) target_semaphore(%run_scoped3A_178 : memref<!tpu.dma_semaphore, #tpu.memory_space<semaphore_mem>>)
        %dma_wait3A = arith.constant 0 : i32
        %dma_wait3A_185 = tpu.memref_slice %arg14[%dma_wait3A] : memref<656xf32, #tpu.memory_space<vmem>> -> memref<640xf32, #tpu.memory_space<vmem>>
        %dma_wait3A_186 = tpu.memref_slice %arg13[%mul3A_4] : memref<10240xf32, #tpu.memory_space<vmem_shared>> -> memref<640xf32, #tpu.memory_space<vmem_shared>>
        %dma_wait3A_187 = tpu.memref_slice %arg13[%mul3A_4] : memref<10240xf32, #tpu.memory_space<vmem_shared>> -> memref<640xf32, #tpu.memory_space<vmem_shared>>
        %dma_wait3A_188 = arith.constant 0 : i32
        %dma_wait3A_189 = tpu.memref_slice %arg14[%dma_wait3A_188] : memref<656xf32, #tpu.memory_space<vmem>> -> memref<640xf32, #tpu.memory_space<vmem>>
        tpu.wait_dma2 semaphore(%run_scoped3A_178 : memref<!tpu.dma_semaphore, #tpu.memory_space<semaphore_mem>>) src(%dma_wait3A_189 : memref<640xf32, #tpu.memory_space<vmem>>) dst(%dma_wait3A_187 : memref<640xf32, #tpu.memory_space<vmem_shared>>)
        tpu.yield
      }) : () -> ()
      %scan3A_47 = arith.constant 0 : i32
      %scan3A_48 = arith.constant 10 : i32
      %scan3A_49 = arith.addi %scan3A_47, %scan3A_48 : i32
      %scan3A_50 = arith.constant 1 : i32
      scf.for %scan3A_178 = %scan3A_47 to %scan3A_49 step %scan3A_50  : i32 {
        %mul3A_179 = arith.constant 1 : i32
        %mul3A_180 = arith.muli %scan3A_178, %mul3A_179 : i32
        %add3A_181 = arith.constant 0 : i32
        %add3A_182 = arith.addi %add3A_181, %mul3A_180 : i32
        %mul3A_183 = arith.constant 64 : i32
        %mul3A_184 = arith.muli %add3A_182, %mul3A_183 : i32
        %add3A_185 = arith.addi %mul3A_4, %mul3A_184 : i32
        "tpu.region"() ({
          %run_scoped3A_197 = tpu.sem_alloc : memref<!tpu.dma_semaphore, #tpu.memory_space<semaphore_mem>>
          %dma_start3A_198 = tpu.memref_slice %arg3[%add3A_18, %add3A_185] : memref<2x10240xi32, #tpu.memory_space<hbm>> -> memref<1x64xi32, #tpu.memory_space<hbm>>
          %dma_start3A_199 = tpu.memref_squeeze %dma_start3A_198 : memref<1x64xi32, #tpu.memory_space<hbm>> -> memref<64xi32, #tpu.memory_space<hbm>>
          %dma_start3A_200 = tpu.memref_slice %arg3[%add3A_18, %add3A_185] : memref<2x10240xi32, #tpu.memory_space<hbm>> -> memref<1x64xi32, #tpu.memory_space<hbm>>
          %dma_start3A_201 = tpu.memref_squeeze %dma_start3A_200 : memref<1x64xi32, #tpu.memory_space<hbm>> -> memref<64xi32, #tpu.memory_space<hbm>>
          tpu.enqueue_dma source(%dma_start3A_201 : memref<64xi32, #tpu.memory_space<hbm>>) target(%arg24 : memref<64xi32, #tpu.memory_space<vmem>>) target_semaphore(%run_scoped3A_197 : memref<!tpu.dma_semaphore, #tpu.memory_space<semaphore_mem>>)
          %dma_wait3A_202 = tpu.memref_slice %arg3[%add3A_18, %add3A_185] : memref<2x10240xi32, #tpu.memory_space<hbm>> -> memref<1x64xi32, #tpu.memory_space<hbm>>
          %dma_wait3A_203 = tpu.memref_squeeze %dma_wait3A_202 : memref<1x64xi32, #tpu.memory_space<hbm>> -> memref<64xi32, #tpu.memory_space<hbm>>
          %dma_wait3A_204 = tpu.memref_slice %arg3[%add3A_18, %add3A_185] : memref<2x10240xi32, #tpu.memory_space<hbm>> -> memref<1x64xi32, #tpu.memory_space<hbm>>
          %dma_wait3A_205 = tpu.memref_squeeze %dma_wait3A_204 : memref<1x64xi32, #tpu.memory_space<hbm>> -> memref<64xi32, #tpu.memory_space<hbm>>
          tpu.wait_dma2 semaphore(%run_scoped3A_197 : memref<!tpu.dma_semaphore, #tpu.memory_space<semaphore_mem>>) src(%dma_wait3A_205 : memref<64xi32, #tpu.memory_space<hbm>>) dst(%arg24 : memref<64xi32, #tpu.memory_space<vmem>>)
          tpu.yield
        }) : () -> ()
        %dma_start3A_186 = arith.constant 0 : i32
        %dma_start3A_187 = arith.constant 0 : i32
        %dma_start3A_188 = tpu.memref_slice %arg2[%dma_start3A_186, %dma_start3A_187] : memref<100000x128xf32, #tpu.memory_space<hbm>> -> memref<100000x128xf32, #tpu.memory_space<hbm>>
        tpu.enqueue_indirect_dma source(%dma_start3A_188 : memref<100000x128xf32, #tpu.memory_space<hbm>>) target(%arg23 : memref<64x128xf32, #tpu.memory_space<vmem>>) offsets(%arg24 : memref<64xi32, #tpu.memory_space<vmem>>) semaphore(%arg30 : memref<!tpu.dma_semaphore, #tpu.memory_space<semaphore_mem>>)
        %dma_wait3A = arith.constant 0 : i32
        %dma_wait3A_189 = arith.constant 0 : i32
        %dma_wait3A_190 = tpu.memref_slice %arg2[%dma_wait3A, %dma_wait3A_189] : memref<100000x128xf32, #tpu.memory_space<hbm>> -> memref<100000x128xf32, #tpu.memory_space<hbm>>
        tpu.wait_indirect_dma semaphore(%arg30 : memref<!tpu.dma_semaphore, #tpu.memory_space<semaphore_mem>>) src(%dma_wait3A_190 : memref<100000x128xf32, #tpu.memory_space<hbm>>) dst(%arg23 : memref<64x128xf32, #tpu.memory_space<vmem>>)
        %scan3A_191 = arith.constant 0 : i32
        %scan3A_192 = arith.constant 64 : i32
        %scan3A_193 = arith.addi %scan3A_191, %scan3A_192 : i32
        %scan3A_194 = arith.constant 1 : i32
        scf.for %scan3A_197 = %scan3A_191 to %scan3A_193 step %scan3A_194  : i32 {
          %mul3A_198 = arith.constant 1 : i32
          %mul3A_199 = arith.muli %scan3A_197, %mul3A_198 : i32
          %add3A_200 = arith.constant 0 : i32
          %add3A_201 = arith.addi %add3A_200, %mul3A_199 : i32
          %mul3A_202 = arith.constant 64 : i32
          %mul3A_203 = arith.muli %add3A_182, %mul3A_202 : i32
          %add3A_204 = arith.addi %mul3A_203, %add3A_201 : i32
          %get3A_205 = arith.index_cast %add3A_204 : i32 to index
          %get3A_206 = tpu.vector_load %arg16[%get3A_205] {strides = array<i32>} : memref<656xf32, #tpu.memory_space<vmem>>, vector<16xf32>,
          %slice3A = vector.extract_strided_slice %get3A_206 {offsets = [0], sizes = [1], strides = [1]} : vector<16xf32> to vector<1xf32>
          %squeeze3A = vector.extract %slice3A[0] : f32 from vector<1xf32>
          %broadcast_in_dim3A_207 = vector.broadcast %squeeze3A : f32 to vector<16xf32>
          %mul3A_208 = arith.constant 64 : i32
          %mul3A_209 = arith.muli %arg0, %mul3A_208 : i32
          %add3A_210 = arith.constant 0 : i32
          %add3A_211 = arith.addi %mul3A_209, %add3A_210 : i32
          %get3A_212 = arith.index_cast %add3A_201 : i32 to index
          %get3A_213 = arith.index_cast %add3A_211 : i32 to index
          %get3A_214 = tpu.vector_load %arg23[%get3A_212, %get3A_213] {strides = array<i32>} : memref<64x128xf32, #tpu.memory_space<vmem>>, vector<16xf32>,
          %mul3A_215 = arith.mulf %get3A_214, %broadcast_in_dim3A_207 : vector<16xf32>
          %swap3A_216 = arith.index_cast %add3A_201 : i32 to index
          %swap3A_217 = arith.constant 0 : index
          %swap3A_218 = tpu.vector_load %arg22[%swap3A_216, %swap3A_217] {strides = array<i32>} : memref<64x64xf32, #tpu.memory_space<vmem>>, vector<16xf32>,
          tpu.vector_store %arg22[%swap3A_216, %swap3A_217], %mul3A_215 {strides = array<i32>} : memref<64x64xf32, #tpu.memory_space<vmem>>, vector<16xf32>,
          %mul3A_219 = arith.constant 64 : i32
          %mul3A_220 = arith.muli %arg0, %mul3A_219 : i32
          %add3A_221 = arith.constant 16 : i32
          %add3A_222 = arith.addi %mul3A_220, %add3A_221 : i32
          %get3A_223 = arith.index_cast %add3A_201 : i32 to index
          %get3A_224 = arith.index_cast %add3A_222 : i32 to index
          %get3A_225 = tpu.vector_load %arg23[%get3A_223, %get3A_224] {strides = array<i32>} : memref<64x128xf32, #tpu.memory_space<vmem>>, vector<16xf32>,
          %mul3A_226 = arith.mulf %get3A_225, %broadcast_in_dim3A_207 : vector<16xf32>
          %swap3A_227 = arith.index_cast %add3A_201 : i32 to index
          %swap3A_228 = arith.constant 16 : index
          %swap3A_229 = tpu.vector_load %arg22[%swap3A_227, %swap3A_228] {strides = array<i32>} : memref<64x64xf32, #tpu.memory_space<vmem>>, vector<16xf32>,
          tpu.vector_store %arg22[%swap3A_227, %swap3A_228], %mul3A_226 {strides = array<i32>} : memref<64x64xf32, #tpu.memory_space<vmem>>, vector<16xf32>,
          %mul3A_230 = arith.constant 64 : i32
          %mul3A_231 = arith.muli %arg0, %mul3A_230 : i32
          %add3A_232 = arith.constant 32 : i32
          %add3A_233 = arith.addi %mul3A_231, %add3A_232 : i32
          %get3A_234 = arith.index_cast %add3A_201 : i32 to index
          %get3A_235 = arith.index_cast %add3A_233 : i32 to index
          %get3A_236 = tpu.vector_load %arg23[%get3A_234, %get3A_235] {strides = array<i32>} : memref<64x128xf32, #tpu.memory_space<vmem>>, vector<16xf32>,
          %mul3A_237 = arith.mulf %get3A_236, %broadcast_in_dim3A_207 : vector<16xf32>
          %swap3A_238 = arith.index_cast %add3A_201 : i32 to index
          %swap3A_239 = arith.constant 32 : index
          %swap3A_240 = tpu.vector_load %arg22[%swap3A_238, %swap3A_239] {strides = array<i32>} : memref<64x64xf32, #tpu.memory_space<vmem>>, vector<16xf32>,
          tpu.vector_store %arg22[%swap3A_238, %swap3A_239], %mul3A_237 {strides = array<i32>} : memref<64x64xf32, #tpu.memory_space<vmem>>, vector<16xf32>,
          %mul3A_241 = arith.constant 64 : i32
          %mul3A_242 = arith.muli %arg0, %mul3A_241 : i32
          %add3A_243 = arith.constant 48 : i32
          %add3A_244 = arith.addi %mul3A_242, %add3A_243 : i32
          %get3A_245 = arith.index_cast %add3A_201 : i32 to index
          %get3A_246 = arith.index_cast %add3A_244 : i32 to index
          %get3A_247 = tpu.vector_load %arg23[%get3A_245, %get3A_246] {strides = array<i32>} : memref<64x128xf32, #tpu.memory_space<vmem>>, vector<16xf32>,
          %mul3A_248 = arith.mulf %get3A_247, %broadcast_in_dim3A_207 : vector<16xf32>
          %swap3A_249 = arith.index_cast %add3A_201 : i32 to index
          %swap3A_250 = arith.constant 48 : index
          %swap3A_251 = tpu.vector_load %arg22[%swap3A_249, %swap3A_250] {strides = array<i32>} : memref<64x64xf32, #tpu.memory_space<vmem>>, vector<16xf32>,
          tpu.vector_store %arg22[%swap3A_249, %swap3A_250], %mul3A_248 {strides = array<i32>} : memref<64x64xf32, #tpu.memory_space<vmem>>, vector<16xf32>,
        }
        %scan3A_195 = arith.constant 64 : i32
        %add3A_196 = arith.addi %mul3A_0, %add3A_185 : i32
        "tpu.region"() ({
          %run_scoped3A_197 = tpu.sem_alloc : memref<!tpu.dma_semaphore, #tpu.memory_space<semaphore_mem>>
          %dma_start3A_198 = arith.constant 0 : i32
          %dma_start3A_199 = tpu.memref_slice %arg7[%add3A_196, %dma_start3A_198] : memref<20480x64xf32, #tpu.memory_space<hbm>> -> memref<64x64xf32, #tpu.memory_space<hbm>>
          %dma_start3A_200 = arith.constant 0 : i32
          %dma_start3A_201 = tpu.memref_slice %arg7[%add3A_196, %dma_start3A_200] : memref<20480x64xf32, #tpu.memory_space<hbm>> -> memref<64x64xf32, #tpu.memory_space<hbm>>
          tpu.enqueue_dma source(%arg22 : memref<64x64xf32, #tpu.memory_space<vmem>>) target(%dma_start3A_201 : memref<64x64xf32, #tpu.memory_space<hbm>>) target_semaphore(%run_scoped3A_197 : memref<!tpu.dma_semaphore, #tpu.memory_space<semaphore_mem>>)
          %dma_wait3A_202 = arith.constant 0 : i32
          %dma_wait3A_203 = tpu.memref_slice %arg7[%add3A_196, %dma_wait3A_202] : memref<20480x64xf32, #tpu.memory_space<hbm>> -> memref<64x64xf32, #tpu.memory_space<hbm>>
          %dma_wait3A_204 = arith.constant 0 : i32
          %dma_wait3A_205 = tpu.memref_slice %arg7[%add3A_196, %dma_wait3A_204] : memref<20480x64xf32, #tpu.memory_space<hbm>> -> memref<64x64xf32, #tpu.memory_space<hbm>>
          tpu.wait_dma2 semaphore(%run_scoped3A_197 : memref<!tpu.dma_semaphore, #tpu.memory_space<semaphore_mem>>) src(%arg22 : memref<64x64xf32, #tpu.memory_space<vmem>>) dst(%dma_wait3A_205 : memref<64x64xf32, #tpu.memory_space<hbm>>)
          tpu.yield
        }) : () -> ()
      }
      %scan3A_51 = arith.constant 10 : i32
      %barrier3A_52 = arith.constant 0 : index
      tpu.barrier barrier_id(%barrier3A_52)
      %add3A_53 = arith.constant 0 : i32
      %add3A_54 = arith.addi %mul3A_2, %add3A_53 : i32
      "tpu.region"() ({
        %run_scoped3A_178 = tpu.sem_alloc : memref<!tpu.dma_semaphore, #tpu.memory_space<semaphore_mem>>
        %dma_start3A_179 = arith.constant 0 : i32
        %dma_start3A_180 = tpu.memref_slice %arg4[%add3A_18, %dma_start3A_179, %add3A_54] : memref<2x2x323584xi32, #tpu.memory_space<hbm>> -> memref<1x2x128xi32, #tpu.memory_space<hbm>>
        %dma_start3A_181 = tpu.memref_squeeze %dma_start3A_180 : memref<1x2x128xi32, #tpu.memory_space<hbm>> -> memref<2x128xi32, #tpu.memory_space<hbm>>
        %dma_start3A_182 = arith.constant 0 : i32
        %dma_start3A_183 = tpu.memref_slice %arg4[%add3A_18, %dma_start3A_182, %add3A_54] : memref<2x2x323584xi32, #tpu.memory_space<hbm>> -> memref<1x2x128xi32, #tpu.memory_space<hbm>>
        %dma_start3A_184 = tpu.memref_squeeze %dma_start3A_183 : memref<1x2x128xi32, #tpu.memory_space<hbm>> -> memref<2x128xi32, #tpu.memory_space<hbm>>
        tpu.enqueue_dma source(%dma_start3A_184 : memref<2x128xi32, #tpu.memory_space<hbm>>) target(%arg20 : memref<2x128xi32, #tpu.memory_space<vmem>>) target_semaphore(%run_scoped3A_178 : memref<!tpu.dma_semaphore, #tpu.memory_space<semaphore_mem>>)
        %dma_wait3A = arith.constant 0 : i32
        %dma_wait3A_185 = tpu.memref_slice %arg4[%add3A_18, %dma_wait3A, %add3A_54] : memref<2x2x323584xi32, #tpu.memory_space<hbm>> -> memref<1x2x128xi32, #tpu.memory_space<hbm>>
        %dma_wait3A_186 = tpu.memref_squeeze %dma_wait3A_185 : memref<1x2x128xi32, #tpu.memory_space<hbm>> -> memref<2x128xi32, #tpu.memory_space<hbm>>
        %dma_wait3A_187 = arith.constant 0 : i32
        %dma_wait3A_188 = tpu.memref_slice %arg4[%add3A_18, %dma_wait3A_187, %add3A_54] : memref<2x2x323584xi32, #tpu.memory_space<hbm>> -> memref<1x2x128xi32, #tpu.memory_space<hbm>>
        %dma_wait3A_189 = tpu.memref_squeeze %dma_wait3A_188 : memref<1x2x128xi32, #tpu.memory_space<hbm>> -> memref<2x128xi32, #tpu.memory_space<hbm>>
        tpu.wait_dma2 semaphore(%run_scoped3A_178 : memref<!tpu.dma_semaphore, #tpu.memory_space<semaphore_mem>>) src(%dma_wait3A_189 : memref<2x128xi32, #tpu.memory_space<hbm>>) dst(%arg20 : memref<2x128xi32, #tpu.memory_space<vmem>>)
        tpu.yield
      }) : () -> ()
      %get3A = arith.constant 0 : i32
      %get3A_55 = arith.index_cast %get3A : i32 to index
      %get3A_56 = arith.constant 0 : index
      %get3A_57 = tpu.vector_load %arg20[%get3A_55, %get3A_56] {strides = array<i32>} : memref<2x128xi32, #tpu.memory_space<vmem>>, vector<16xi32>,
      %add3A_58 = vector.broadcast %mul3A_0 : i32 to vector<16xi32>
      %add3A_59 = arith.addi %get3A_57, %add3A_58 : vector<16xi32>
      %swap3A = arith.constant 0 : index
      %swap3A_60 = tpu.vector_load %arg35[%swap3A] {strides = array<i32>} : memref<128xi32, #tpu.memory_space<vmem>>, vector<16xi32>,
      tpu.vector_store %arg35[%swap3A], %add3A_59 {strides = array<i32>} : memref<128xi32, #tpu.memory_space<vmem>>, vector<16xi32>,
      %get3A_61 = arith.constant 0 : i32
      %get3A_62 = arith.index_cast %get3A_61 : i32 to index
      %get3A_63 = arith.constant 16 : index
      %get3A_64 = tpu.vector_load %arg20[%get3A_62, %get3A_63] {strides = array<i32>} : memref<2x128xi32, #tpu.memory_space<vmem>>, vector<16xi32>,
      %add3A_65 = vector.broadcast %mul3A_0 : i32 to vector<16xi32>
      %add3A_66 = arith.addi %get3A_64, %add3A_65 : vector<16xi32>
      %swap3A_67 = arith.constant 16 : index
      %swap3A_68 = tpu.vector_load %arg35[%swap3A_67] {strides = array<i32>} : memref<128xi32, #tpu.memory_space<vmem>>, vector<16xi32>,
      tpu.vector_store %arg35[%swap3A_67], %add3A_66 {strides = array<i32>} : memref<128xi32, #tpu.memory_space<vmem>>, vector<16xi32>,
      %get3A_69 = arith.constant 0 : i32
      %get3A_70 = arith.index_cast %get3A_69 : i32 to index
      %get3A_71 = arith.constant 32 : index
      %get3A_72 = tpu.vector_load %arg20[%get3A_70, %get3A_71] {strides = array<i32>} : memref<2x128xi32, #tpu.memory_space<vmem>>, vector<16xi32>,
      %add3A_73 = vector.broadcast %mul3A_0 : i32 to vector<16xi32>
      %add3A_74 = arith.addi %get3A_72, %add3A_73 : vector<16xi32>
      %swap3A_75 = arith.constant 32 : index
      %swap3A_76 = tpu.vector_load %arg35[%swap3A_75] {strides = array<i32>} : memref<128xi32, #tpu.memory_space<vmem>>, vector<16xi32>,
      tpu.vector_store %arg35[%swap3A_75], %add3A_74 {strides = array<i32>} : memref<128xi32, #tpu.memory_space<vmem>>, vector<16xi32>,
      %get3A_77 = arith.constant 0 : i32
      %get3A_78 = arith.index_cast %get3A_77 : i32 to index
      %get3A_79 = arith.constant 48 : index
      %get3A_80 = tpu.vector_load %arg20[%get3A_78, %get3A_79] {strides = array<i32>} : memref<2x128xi32, #tpu.memory_space<vmem>>, vector<16xi32>,
      %add3A_81 = vector.broadcast %mul3A_0 : i32 to vector<16xi32>
      %add3A_82 = arith.addi %get3A_80, %add3A_81 : vector<16xi32>
      %swap3A_83 = arith.constant 48 : index
      %swap3A_84 = tpu.vector_load %arg35[%swap3A_83] {strides = array<i32>} : memref<128xi32, #tpu.memory_space<vmem>>, vector<16xi32>,
      tpu.vector_store %arg35[%swap3A_83], %add3A_82 {strides = array<i32>} : memref<128xi32, #tpu.memory_space<vmem>>, vector<16xi32>,
      %get3A_85 = arith.constant 0 : i32
      %get3A_86 = arith.index_cast %get3A_85 : i32 to index
      %get3A_87 = arith.constant 64 : index
      %get3A_88 = tpu.vector_load %arg20[%get3A_86, %get3A_87] {strides = array<i32>} : memref<2x128xi32, #tpu.memory_space<vmem>>, vector<16xi32>,
      %add3A_89 = vector.broadcast %mul3A_0 : i32 to vector<16xi32>
      %add3A_90 = arith.addi %get3A_88, %add3A_89 : vector<16xi32>
      %swap3A_91 = arith.constant 64 : index
      %swap3A_92 = tpu.vector_load %arg35[%swap3A_91] {strides = array<i32>} : memref<128xi32, #tpu.memory_space<vmem>>, vector<16xi32>,
      tpu.vector_store %arg35[%swap3A_91], %add3A_90 {strides = array<i32>} : memref<128xi32, #tpu.memory_space<vmem>>, vector<16xi32>,
      %get3A_93 = arith.constant 0 : i32
      %get3A_94 = arith.index_cast %get3A_93 : i32 to index
      %get3A_95 = arith.constant 80 : index
      %get3A_96 = tpu.vector_load %arg20[%get3A_94, %get3A_95] {strides = array<i32>} : memref<2x128xi32, #tpu.memory_space<vmem>>, vector<16xi32>,
      %add3A_97 = vector.broadcast %mul3A_0 : i32 to vector<16xi32>
      %add3A_98 = arith.addi %get3A_96, %add3A_97 : vector<16xi32>
      %swap3A_99 = arith.constant 80 : index
      %swap3A_100 = tpu.vector_load %arg35[%swap3A_99] {strides = array<i32>} : memref<128xi32, #tpu.memory_space<vmem>>, vector<16xi32>,
      tpu.vector_store %arg35[%swap3A_99], %add3A_98 {strides = array<i32>} : memref<128xi32, #tpu.memory_space<vmem>>, vector<16xi32>,
      %get3A_101 = arith.constant 0 : i32
      %get3A_102 = arith.index_cast %get3A_101 : i32 to index
      %get3A_103 = arith.constant 96 : index
      %get3A_104 = tpu.vector_load %arg20[%get3A_102, %get3A_103] {strides = array<i32>} : memref<2x128xi32, #tpu.memory_space<vmem>>, vector<16xi32>,
      %add3A_105 = vector.broadcast %mul3A_0 : i32 to vector<16xi32>
      %add3A_106 = arith.addi %get3A_104, %add3A_105 : vector<16xi32>
      %swap3A_107 = arith.constant 96 : index
      %swap3A_108 = tpu.vector_load %arg35[%swap3A_107] {strides = array<i32>} : memref<128xi32, #tpu.memory_space<vmem>>, vector<16xi32>,
      tpu.vector_store %arg35[%swap3A_107], %add3A_106 {strides = array<i32>} : memref<128xi32, #tpu.memory_space<vmem>>, vector<16xi32>,
      %get3A_109 = arith.constant 0 : i32
      %get3A_110 = arith.index_cast %get3A_109 : i32 to index
      %get3A_111 = arith.constant 112 : index
      %get3A_112 = tpu.vector_load %arg20[%get3A_110, %get3A_111] {strides = array<i32>} : memref<2x128xi32, #tpu.memory_space<vmem>>, vector<16xi32>,
      %add3A_113 = vector.broadcast %mul3A_0 : i32 to vector<16xi32>
      %add3A_114 = arith.addi %get3A_112, %add3A_113 : vector<16xi32>
      %swap3A_115 = arith.constant 112 : index
      %swap3A_116 = tpu.vector_load %arg35[%swap3A_115] {strides = array<i32>} : memref<128xi32, #tpu.memory_space<vmem>>, vector<16xi32>,
      tpu.vector_store %arg35[%swap3A_115], %add3A_114 {strides = array<i32>} : memref<128xi32, #tpu.memory_space<vmem>>, vector<16xi32>,
      %dma_start3A = arith.constant 0 : i32
      %dma_start3A_117 = arith.constant 0 : i32
      %dma_start3A_118 = tpu.memref_slice %arg7[%dma_start3A, %dma_start3A_117] : memref<20480x64xf32, #tpu.memory_space<hbm>> -> memref<20480x64xf32, #tpu.memory_space<hbm>>
      tpu.enqueue_indirect_dma source(%dma_start3A_118 : memref<20480x64xf32, #tpu.memory_space<hbm>>) target(%arg29 : memref<128x64xf32, #tpu.memory_space<vmem>>) offsets(%arg35 : memref<128xi32, #tpu.memory_space<vmem>>) semaphore(%arg30 : memref<!tpu.dma_semaphore, #tpu.memory_space<semaphore_mem>>)
      %scan3A_119 = arith.constant 0 : i32
      %scan3A_120 = arith.constant 79 : i32
      %scan3A_121 = arith.addi %scan3A_119, %scan3A_120 : i32
      %scan3A_122 = arith.constant 1 : i32
      scf.for %scan3A_178 = %scan3A_119 to %scan3A_121 step %scan3A_122  : i32 {
        %mul3A_179 = arith.constant 1 : i32
        %mul3A_180 = arith.muli %scan3A_178, %mul3A_179 : i32
        %add3A_181 = arith.constant 0 : i32
        %add3A_182 = arith.addi %add3A_181, %mul3A_180 : i32
        %mul3A_183 = arith.constant 2 : i32
        %mul3A_184 = arith.muli %mul3A_183, %add3A_182 : i32
        %add3A_185 = arith.constant 1 : i32
        %add3A_186 = arith.addi %mul3A_184, %add3A_185 : i32
        %mul3A_187 = arith.constant 128 : i32
        %mul3A_188 = arith.muli %add3A_186, %mul3A_187 : i32
        %add3A_189 = arith.addi %mul3A_2, %mul3A_188 : i32
        "tpu.region"() ({
          %run_scoped3A_270 = tpu.sem_alloc : memref<!tpu.dma_semaphore, #tpu.memory_space<semaphore_mem>>
          %dma_start3A_271 = arith.constant 0 : i32
          %dma_start3A_272 = tpu.memref_slice %arg4[%add3A_18, %dma_start3A_271, %add3A_189] : memref<2x2x323584xi32, #tpu.memory_space<hbm>> -> memref<1x2x128xi32, #tpu.memory_space<hbm>>
          %dma_start3A_273 = tpu.memref_squeeze %dma_start3A_272 : memref<1x2x128xi32, #tpu.memory_space<hbm>> -> memref<2x128xi32, #tpu.memory_space<hbm>>
          %dma_start3A_274 = arith.constant 0 : i32
          %dma_start3A_275 = tpu.memref_slice %arg4[%add3A_18, %dma_start3A_274, %add3A_189] : memref<2x2x323584xi32, #tpu.memory_space<hbm>> -> memref<1x2x128xi32, #tpu.memory_space<hbm>>
          %dma_start3A_276 = tpu.memref_squeeze %dma_start3A_275 : memref<1x2x128xi32, #tpu.memory_space<hbm>> -> memref<2x128xi32, #tpu.memory_space<hbm>>
          tpu.enqueue_dma source(%dma_start3A_276 : memref<2x128xi32, #tpu.memory_space<hbm>>) target(%arg21 : memref<2x128xi32, #tpu.memory_space<vmem>>) target_semaphore(%run_scoped3A_270 : memref<!tpu.dma_semaphore, #tpu.memory_space<semaphore_mem>>)
          %dma_wait3A_277 = arith.constant 0 : i32
          %dma_wait3A_278 = tpu.memref_slice %arg4[%add3A_18, %dma_wait3A_277, %add3A_189] : memref<2x2x323584xi32, #tpu.memory_space<hbm>> -> memref<1x2x128xi32, #tpu.memory_space<hbm>>
          %dma_wait3A_279 = tpu.memref_squeeze %dma_wait3A_278 : memref<1x2x128xi32, #tpu.memory_space<hbm>> -> memref<2x128xi32, #tpu.memory_space<hbm>>
          %dma_wait3A_280 = arith.constant 0 : i32
          %dma_wait3A_281 = tpu.memref_slice %arg4[%add3A_18, %dma_wait3A_280, %add3A_189] : memref<2x2x323584xi32, #tpu.memory_space<hbm>> -> memref<1x2x128xi32, #tpu.memory_space<hbm>>
          %dma_wait3A_282 = tpu.memref_squeeze %dma_wait3A_281 : memref<1x2x128xi32, #tpu.memory_space<hbm>> -> memref<2x128xi32, #tpu.memory_space<hbm>>
          tpu.wait_dma2 semaphore(%run_scoped3A_270 : memref<!tpu.dma_semaphore, #tpu.memory_space<semaphore_mem>>) src(%dma_wait3A_282 : memref<2x128xi32, #tpu.memory_space<hbm>>) dst(%arg21 : memref<2x128xi32, #tpu.memory_space<vmem>>)
          tpu.yield
        }) : () -> ()
        %get3A_190 = arith.constant 0 : i32
        %get3A_191 = arith.index_cast %get3A_190 : i32 to index
        %get3A_192 = arith.constant 0 : index
        %get3A_193 = tpu.vector_load %arg21[%get3A_191, %get3A_192] {strides = array<i32>} : memref<2x128xi32, #tpu.memory_space<vmem>>, vector<16xi32>,
        %add3A_194 = vector.broadcast %mul3A_0 : i32 to vector<16xi32>
        %add3A_195 = arith.addi %get3A_193, %add3A_194 : vector<16xi32>
        %swap3A_196 = arith.constant 0 : index
        %swap3A_197 = tpu.vector_load %arg34[%swap3A_196] {strides = array<i32>} : memref<128xi32, #tpu.memory_space<vmem>>, vector<16xi32>,
        tpu.vector_store %arg34[%swap3A_196], %add3A_195 {strides = array<i32>} : memref<128xi32, #tpu.memory_space<vmem>>, vector<16xi32>,
        %get3A_198 = arith.constant 0 : i32
        %get3A_199 = arith.index_cast %get3A_198 : i32 to index
        %get3A_200 = arith.constant 16 : index
        %get3A_201 = tpu.vector_load %arg21[%get3A_199, %get3A_200] {strides = array<i32>} : memref<2x128xi32, #tpu.memory_space<vmem>>, vector<16xi32>,
        %add3A_202 = vector.broadcast %mul3A_0 : i32 to vector<16xi32>
        %add3A_203 = arith.addi %get3A_201, %add3A_202 : vector<16xi32>
        %swap3A_204 = arith.constant 16 : index
        %swap3A_205 = tpu.vector_load %arg34[%swap3A_204] {strides = array<i32>} : memref<128xi32, #tpu.memory_space<vmem>>, vector<16xi32>,
        tpu.vector_store %arg34[%swap3A_204], %add3A_203 {strides = array<i32>} : memref<128xi32, #tpu.memory_space<vmem>>, vector<16xi32>,
        %get3A_206 = arith.constant 0 : i32
        %get3A_207 = arith.index_cast %get3A_206 : i32 to index
        %get3A_208 = arith.constant 32 : index
        %get3A_209 = tpu.vector_load %arg21[%get3A_207, %get3A_208] {strides = array<i32>} : memref<2x128xi32, #tpu.memory_space<vmem>>, vector<16xi32>,
        %add3A_210 = vector.broadcast %mul3A_0 : i32 to vector<16xi32>
        %add3A_211 = arith.addi %get3A_209, %add3A_210 : vector<16xi32>
        %swap3A_212 = arith.constant 32 : index
        %swap3A_213 = tpu.vector_load %arg34[%swap3A_212] {strides = array<i32>} : memref<128xi32, #tpu.memory_space<vmem>>, vector<16xi32>,
        tpu.vector_store %arg34[%swap3A_212], %add3A_211 {strides = array<i32>} : memref<128xi32, #tpu.memory_space<vmem>>, vector<16xi32>,
        %get3A_214 = arith.constant 0 : i32
        %get3A_215 = arith.index_cast %get3A_214 : i32 to index
        %get3A_216 = arith.constant 48 : index
        %get3A_217 = tpu.vector_load %arg21[%get3A_215, %get3A_216] {strides = array<i32>} : memref<2x128xi32, #tpu.memory_space<vmem>>, vector<16xi32>,
        %add3A_218 = vector.broadcast %mul3A_0 : i32 to vector<16xi32>
        %add3A_219 = arith.addi %get3A_217, %add3A_218 : vector<16xi32>
        %swap3A_220 = arith.constant 48 : index
        %swap3A_221 = tpu.vector_load %arg34[%swap3A_220] {strides = array<i32>} : memref<128xi32, #tpu.memory_space<vmem>>, vector<16xi32>,
        tpu.vector_store %arg34[%swap3A_220], %add3A_219 {strides = array<i32>} : memref<128xi32, #tpu.memory_space<vmem>>, vector<16xi32>,
        %get3A_222 = arith.constant 0 : i32
        %get3A_223 = arith.index_cast %get3A_222 : i32 to index
        %get3A_224 = arith.constant 64 : index
        %get3A_225 = tpu.vector_load %arg21[%get3A_223, %get3A_224] {strides = array<i32>} : memref<2x128xi32, #tpu.memory_space<vmem>>, vector<16xi32>,
        %add3A_226 = vector.broadcast %mul3A_0 : i32 to vector<16xi32>
        %add3A_227 = arith.addi %get3A_225, %add3A_226 : vector<16xi32>
        %swap3A_228 = arith.constant 64 : index
        %swap3A_229 = tpu.vector_load %arg34[%swap3A_228] {strides = array<i32>} : memref<128xi32, #tpu.memory_space<vmem>>, vector<16xi32>,
        tpu.vector_store %arg34[%swap3A_228], %add3A_227 {strides = array<i32>} : memref<128xi32, #tpu.memory_space<vmem>>, vector<16xi32>,
        %get3A_230 = arith.constant 0 : i32
        %get3A_231 = arith.index_cast %get3A_230 : i32 to index
        %get3A_232 = arith.constant 80 : index
        %get3A_233 = tpu.vector_load %arg21[%get3A_231, %get3A_232] {strides = array<i32>} : memref<2x128xi32, #tpu.memory_space<vmem>>, vector<16xi32>,
        %add3A_234 = vector.broadcast %mul3A_0 : i32 to vector<16xi32>
        %add3A_235 = arith.addi %get3A_233, %add3A_234 : vector<16xi32>
        %swap3A_236 = arith.constant 80 : index
        %swap3A_237 = tpu.vector_load %arg34[%swap3A_236] {strides = array<i32>} : memref<128xi32, #tpu.memory_space<vmem>>, vector<16xi32>,
        tpu.vector_store %arg34[%swap3A_236], %add3A_235 {strides = array<i32>} : memref<128xi32, #tpu.memory_space<vmem>>, vector<16xi32>,
        %get3A_238 = arith.constant 0 : i32
        %get3A_239 = arith.index_cast %get3A_238 : i32 to index
        %get3A_240 = arith.constant 96 : index
        %get3A_241 = tpu.vector_load %arg21[%get3A_239, %get3A_240] {strides = array<i32>} : memref<2x128xi32, #tpu.memory_space<vmem>>, vector<16xi32>,
        %add3A_242 = vector.broadcast %mul3A_0 : i32 to vector<16xi32>
        %add3A_243 = arith.addi %get3A_241, %add3A_242 : vector<16xi32>
        %swap3A_244 = arith.constant 96 : index
        %swap3A_245 = tpu.vector_load %arg34[%swap3A_244] {strides = array<i32>} : memref<128xi32, #tpu.memory_space<vmem>>, vector<16xi32>,
        tpu.vector_store %arg34[%swap3A_244], %add3A_243 {strides = array<i32>} : memref<128xi32, #tpu.memory_space<vmem>>, vector<16xi32>,
        %get3A_246 = arith.constant 0 : i32
        %get3A_247 = arith.index_cast %get3A_246 : i32 to index
        %get3A_248 = arith.constant 112 : index
        %get3A_249 = tpu.vector_load %arg21[%get3A_247, %get3A_248] {strides = array<i32>} : memref<2x128xi32, #tpu.memory_space<vmem>>, vector<16xi32>,
        %add3A_250 = vector.broadcast %mul3A_0 : i32 to vector<16xi32>
        %add3A_251 = arith.addi %get3A_249, %add3A_250 : vector<16xi32>
        %swap3A_252 = arith.constant 112 : index
        %swap3A_253 = tpu.vector_load %arg34[%swap3A_252] {strides = array<i32>} : memref<128xi32, #tpu.memory_space<vmem>>, vector<16xi32>,
        tpu.vector_store %arg34[%swap3A_252], %add3A_251 {strides = array<i32>} : memref<128xi32, #tpu.memory_space<vmem>>, vector<16xi32>,
        %dma_start3A_254 = arith.constant 0 : i32
        %dma_start3A_255 = arith.constant 0 : i32
        %dma_start3A_256 = tpu.memref_slice %arg7[%dma_start3A_254, %dma_start3A_255] : memref<20480x64xf32, #tpu.memory_space<hbm>> -> memref<20480x64xf32, #tpu.memory_space<hbm>>
        tpu.enqueue_indirect_dma source(%dma_start3A_256 : memref<20480x64xf32, #tpu.memory_space<hbm>>) target(%arg28 : memref<128x64xf32, #tpu.memory_space<vmem>>) offsets(%arg34 : memref<128xi32, #tpu.memory_space<vmem>>) semaphore(%arg31 : memref<!tpu.dma_semaphore, #tpu.memory_space<semaphore_mem>>)
        %dma_wait3A = arith.constant 0 : i32
        %dma_wait3A_257 = arith.constant 0 : i32
        %dma_wait3A_258 = tpu.memref_slice %arg7[%dma_wait3A, %dma_wait3A_257] : memref<20480x64xf32, #tpu.memory_space<hbm>> -> memref<20480x64xf32, #tpu.memory_space<hbm>>
        tpu.wait_indirect_dma semaphore(%arg30 : memref<!tpu.dma_semaphore, #tpu.memory_space<semaphore_mem>>) src(%dma_wait3A_258 : memref<20480x64xf32, #tpu.memory_space<hbm>>) dst(%arg29 : memref<128x64xf32, #tpu.memory_space<vmem>>)
        %run_scoped3A_259 = arith.constant 1 : i32
        "tpu.region"() ({
          %run_scoped3A_270 = tpu.sem_alloc : memref<!tpu.dma_semaphore, #tpu.memory_space<semaphore_mem>>
          %dma_start3A_271 = arith.constant 0 : i32
          %dma_start3A_272 = tpu.memref_slice %arg20[%run_scoped3A_259, %dma_start3A_271] : memref<2x128xi32, #tpu.memory_space<vmem>> -> memref<1x128xi32, #tpu.memory_space<vmem>>
          %dma_start3A_273 = tpu.memref_squeeze %dma_start3A_272 : memref<1x128xi32, #tpu.memory_space<vmem>> -> memref<128xi32, #tpu.memory_space<vmem>>
          %dma_start3A_274 = arith.constant 0 : i32
          %dma_start3A_275 = arith.constant 0 : i32
          %dma_start3A_276 = tpu.memref_slice %arg9[%dma_start3A_274, %dma_start3A_275] : memref<10240x64xf32, #tpu.memory_space<vmem_shared>> -> memref<10240x64xf32, #tpu.memory_space<vmem_shared>>
          tpu.enqueue_indirect_dma source(%arg29 : memref<128x64xf32, #tpu.memory_space<vmem>>) target(%dma_start3A_276 : memref<10240x64xf32, #tpu.memory_space<vmem_shared>>) offsets(%dma_start3A_273 : memref<128xi32, #tpu.memory_space<vmem>>) semaphore(%run_scoped3A_270 : memref<!tpu.dma_semaphore, #tpu.memory_space<semaphore_mem>>) {add = true}
          %dma_wait3A_277 = arith.constant 0 : i32
          %dma_wait3A_278 = tpu.memref_slice %arg20[%run_scoped3A_259, %dma_wait3A_277] : memref<2x128xi32, #tpu.memory_space<vmem>> -> memref<1x128xi32, #tpu.memory_space<vmem>>
          %dma_wait3A_279 = tpu.memref_squeeze %dma_wait3A_278 : memref<1x128xi32, #tpu.memory_space<vmem>> -> memref<128xi32, #tpu.memory_space<vmem>>
          %dma_wait3A_280 = arith.constant 0 : i32
          %dma_wait3A_281 = arith.constant 0 : i32
          %dma_wait3A_282 = tpu.memref_slice %arg9[%dma_wait3A_280, %dma_wait3A_281] : memref<10240x64xf32, #tpu.memory_space<vmem_shared>> -> memref<10240x64xf32, #tpu.memory_space<vmem_shared>>
          tpu.wait_indirect_dma semaphore(%run_scoped3A_270 : memref<!tpu.dma_semaphore, #tpu.memory_space<semaphore_mem>>) src(%arg29 : memref<128x64xf32, #tpu.memory_space<vmem>>) dst(%dma_wait3A_282 : memref<10240x64xf32, #tpu.memory_space<vmem_shared>>)
          tpu.yield
        }) : () -> ()
        %add3A_260 = arith.constant 2 : i32
        %add3A_261 = arith.addi %mul3A_184, %add3A_260 : i32
        %lt3A = arith.constant 158 : i32
        %lt3A_262 = arith.cmpi slt, %add3A_261, %lt3A : i32
        %convert_element_type3A_263 = arith.extui %lt3A_262 : i1 to i32
        %cond3A_264 = arith.constant 0 : i32
        %cond3A_265 = arith.cmpi ne, %convert_element_type3A_263, %cond3A_264 : i32
        scf.if %cond3A_265 {
          %add3A_270 = arith.constant 2 : i32
          %add3A_271 = arith.addi %mul3A_184, %add3A_270 : i32
          %mul3A_272 = arith.constant 128 : i32
          %mul3A_273 = arith.muli %add3A_271, %mul3A_272 : i32
          %add3A_274 = arith.addi %mul3A_2, %mul3A_273 : i32
          "tpu.region"() ({
            %run_scoped3A_342 = tpu.sem_alloc : memref<!tpu.dma_semaphore, #tpu.memory_space<semaphore_mem>>
            %dma_start3A_343 = arith.constant 0 : i32
            %dma_start3A_344 = tpu.memref_slice %arg4[%add3A_18, %dma_start3A_343, %add3A_274] : memref<2x2x323584xi32, #tpu.memory_space<hbm>> -> memref<1x2x128xi32, #tpu.memory_space<hbm>>
            %dma_start3A_345 = tpu.memref_squeeze %dma_start3A_344 : memref<1x2x128xi32, #tpu.memory_space<hbm>> -> memref<2x128xi32, #tpu.memory_space<hbm>>
            %dma_start3A_346 = arith.constant 0 : i32
            %dma_start3A_347 = tpu.memref_slice %arg4[%add3A_18, %dma_start3A_346, %add3A_274] : memref<2x2x323584xi32, #tpu.memory_space<hbm>> -> memref<1x2x128xi32, #tpu.memory_space<hbm>>
            %dma_start3A_348 = tpu.memref_squeeze %dma_start3A_347 : memref<1x2x128xi32, #tpu.memory_space<hbm>> -> memref<2x128xi32, #tpu.memory_space<hbm>>
            tpu.enqueue_dma source(%dma_start3A_348 : memref<2x128xi32, #tpu.memory_space<hbm>>) target(%arg20 : memref<2x128xi32, #tpu.memory_space<vmem>>) target_semaphore(%run_scoped3A_342 : memref<!tpu.dma_semaphore, #tpu.memory_space<semaphore_mem>>)
            %dma_wait3A_349 = arith.constant 0 : i32
            %dma_wait3A_350 = tpu.memref_slice %arg4[%add3A_18, %dma_wait3A_349, %add3A_274] : memref<2x2x323584xi32, #tpu.memory_space<hbm>> -> memref<1x2x128xi32, #tpu.memory_space<hbm>>
            %dma_wait3A_351 = tpu.memref_squeeze %dma_wait3A_350 : memref<1x2x128xi32, #tpu.memory_space<hbm>> -> memref<2x128xi32, #tpu.memory_space<hbm>>
            %dma_wait3A_352 = arith.constant 0 : i32
            %dma_wait3A_353 = tpu.memref_slice %arg4[%add3A_18, %dma_wait3A_352, %add3A_274] : memref<2x2x323584xi32, #tpu.memory_space<hbm>> -> memref<1x2x128xi32, #tpu.memory_space<hbm>>
            %dma_wait3A_354 = tpu.memref_squeeze %dma_wait3A_353 : memref<1x2x128xi32, #tpu.memory_space<hbm>> -> memref<2x128xi32, #tpu.memory_space<hbm>>
            tpu.wait_dma2 semaphore(%run_scoped3A_342 : memref<!tpu.dma_semaphore, #tpu.memory_space<semaphore_mem>>) src(%dma_wait3A_354 : memref<2x128xi32, #tpu.memory_space<hbm>>) dst(%arg20 : memref<2x128xi32, #tpu.memory_space<vmem>>)
            tpu.yield
          }) : () -> ()
          %get3A_275 = arith.constant 0 : i32
          %get3A_276 = arith.index_cast %get3A_275 : i32 to index
          %get3A_277 = arith.constant 0 : index
          %get3A_278 = tpu.vector_load %arg20[%get3A_276, %get3A_277] {strides = array<i32>} : memref<2x128xi32, #tpu.memory_space<vmem>>, vector<16xi32>,
          %add3A_279 = vector.broadcast %mul3A_0 : i32 to vector<16xi32>
          %add3A_280 = arith.addi %get3A_278, %add3A_279 : vector<16xi32>
          %swap3A_281 = arith.constant 0 : index
          %swap3A_282 = tpu.vector_load %arg35[%swap3A_281] {strides = array<i32>} : memref<128xi32, #tpu.memory_space<vmem>>, vector<16xi32>,
          tpu.vector_store %arg35[%swap3A_281], %add3A_280 {strides = array<i32>} : memref<128xi32, #tpu.memory_space<vmem>>, vector<16xi32>,
          %get3A_283 = arith.constant 0 : i32
          %get3A_284 = arith.index_cast %get3A_283 : i32 to index
          %get3A_285 = arith.constant 16 : index
          %get3A_286 = tpu.vector_load %arg20[%get3A_284, %get3A_285] {strides = array<i32>} : memref<2x128xi32, #tpu.memory_space<vmem>>, vector<16xi32>,
          %add3A_287 = vector.broadcast %mul3A_0 : i32 to vector<16xi32>
          %add3A_288 = arith.addi %get3A_286, %add3A_287 : vector<16xi32>
          %swap3A_289 = arith.constant 16 : index
          %swap3A_290 = tpu.vector_load %arg35[%swap3A_289] {strides = array<i32>} : memref<128xi32, #tpu.memory_space<vmem>>, vector<16xi32>,
          tpu.vector_store %arg35[%swap3A_289], %add3A_288 {strides = array<i32>} : memref<128xi32, #tpu.memory_space<vmem>>, vector<16xi32>,
          %get3A_291 = arith.constant 0 : i32
          %get3A_292 = arith.index_cast %get3A_291 : i32 to index
          %get3A_293 = arith.constant 32 : index
          %get3A_294 = tpu.vector_load %arg20[%get3A_292, %get3A_293] {strides = array<i32>} : memref<2x128xi32, #tpu.memory_space<vmem>>, vector<16xi32>,
          %add3A_295 = vector.broadcast %mul3A_0 : i32 to vector<16xi32>
          %add3A_296 = arith.addi %get3A_294, %add3A_295 : vector<16xi32>
          %swap3A_297 = arith.constant 32 : index
          %swap3A_298 = tpu.vector_load %arg35[%swap3A_297] {strides = array<i32>} : memref<128xi32, #tpu.memory_space<vmem>>, vector<16xi32>,
          tpu.vector_store %arg35[%swap3A_297], %add3A_296 {strides = array<i32>} : memref<128xi32, #tpu.memory_space<vmem>>, vector<16xi32>,
          %get3A_299 = arith.constant 0 : i32
          %get3A_300 = arith.index_cast %get3A_299 : i32 to index
          %get3A_301 = arith.constant 48 : index
          %get3A_302 = tpu.vector_load %arg20[%get3A_300, %get3A_301] {strides = array<i32>} : memref<2x128xi32, #tpu.memory_space<vmem>>, vector<16xi32>,
          %add3A_303 = vector.broadcast %mul3A_0 : i32 to vector<16xi32>
          %add3A_304 = arith.addi %get3A_302, %add3A_303 : vector<16xi32>
          %swap3A_305 = arith.constant 48 : index
          %swap3A_306 = tpu.vector_load %arg35[%swap3A_305] {strides = array<i32>} : memref<128xi32, #tpu.memory_space<vmem>>, vector<16xi32>,
          tpu.vector_store %arg35[%swap3A_305], %add3A_304 {strides = array<i32>} : memref<128xi32, #tpu.memory_space<vmem>>, vector<16xi32>,
          %get3A_307 = arith.constant 0 : i32
          %get3A_308 = arith.index_cast %get3A_307 : i32 to index
          %get3A_309 = arith.constant 64 : index
          %get3A_310 = tpu.vector_load %arg20[%get3A_308, %get3A_309] {strides = array<i32>} : memref<2x128xi32, #tpu.memory_space<vmem>>, vector<16xi32>,
          %add3A_311 = vector.broadcast %mul3A_0 : i32 to vector<16xi32>
          %add3A_312 = arith.addi %get3A_310, %add3A_311 : vector<16xi32>
          %swap3A_313 = arith.constant 64 : index
          %swap3A_314 = tpu.vector_load %arg35[%swap3A_313] {strides = array<i32>} : memref<128xi32, #tpu.memory_space<vmem>>, vector<16xi32>,
          tpu.vector_store %arg35[%swap3A_313], %add3A_312 {strides = array<i32>} : memref<128xi32, #tpu.memory_space<vmem>>, vector<16xi32>,
          %get3A_315 = arith.constant 0 : i32
          %get3A_316 = arith.index_cast %get3A_315 : i32 to index
          %get3A_317 = arith.constant 80 : index
          %get3A_318 = tpu.vector_load %arg20[%get3A_316, %get3A_317] {strides = array<i32>} : memref<2x128xi32, #tpu.memory_space<vmem>>, vector<16xi32>,
          %add3A_319 = vector.broadcast %mul3A_0 : i32 to vector<16xi32>
          %add3A_320 = arith.addi %get3A_318, %add3A_319 : vector<16xi32>
          %swap3A_321 = arith.constant 80 : index
          %swap3A_322 = tpu.vector_load %arg35[%swap3A_321] {strides = array<i32>} : memref<128xi32, #tpu.memory_space<vmem>>, vector<16xi32>,
          tpu.vector_store %arg35[%swap3A_321], %add3A_320 {strides = array<i32>} : memref<128xi32, #tpu.memory_space<vmem>>, vector<16xi32>,
          %get3A_323 = arith.constant 0 : i32
          %get3A_324 = arith.index_cast %get3A_323 : i32 to index
          %get3A_325 = arith.constant 96 : index
          %get3A_326 = tpu.vector_load %arg20[%get3A_324, %get3A_325] {strides = array<i32>} : memref<2x128xi32, #tpu.memory_space<vmem>>, vector<16xi32>,
          %add3A_327 = vector.broadcast %mul3A_0 : i32 to vector<16xi32>
          %add3A_328 = arith.addi %get3A_326, %add3A_327 : vector<16xi32>
          %swap3A_329 = arith.constant 96 : index
          %swap3A_330 = tpu.vector_load %arg35[%swap3A_329] {strides = array<i32>} : memref<128xi32, #tpu.memory_space<vmem>>, vector<16xi32>,
          tpu.vector_store %arg35[%swap3A_329], %add3A_328 {strides = array<i32>} : memref<128xi32, #tpu.memory_space<vmem>>, vector<16xi32>,
          %get3A_331 = arith.constant 0 : i32
          %get3A_332 = arith.index_cast %get3A_331 : i32 to index
          %get3A_333 = arith.constant 112 : index
          %get3A_334 = tpu.vector_load %arg20[%get3A_332, %get3A_333] {strides = array<i32>} : memref<2x128xi32, #tpu.memory_space<vmem>>, vector<16xi32>,
          %add3A_335 = vector.broadcast %mul3A_0 : i32 to vector<16xi32>
          %add3A_336 = arith.addi %get3A_334, %add3A_335 : vector<16xi32>
          %swap3A_337 = arith.constant 112 : index
          %swap3A_338 = tpu.vector_load %arg35[%swap3A_337] {strides = array<i32>} : memref<128xi32, #tpu.memory_space<vmem>>, vector<16xi32>,
          tpu.vector_store %arg35[%swap3A_337], %add3A_336 {strides = array<i32>} : memref<128xi32, #tpu.memory_space<vmem>>, vector<16xi32>,
          %dma_start3A_339 = arith.constant 0 : i32
          %dma_start3A_340 = arith.constant 0 : i32
          %dma_start3A_341 = tpu.memref_slice %arg7[%dma_start3A_339, %dma_start3A_340] : memref<20480x64xf32, #tpu.memory_space<hbm>> -> memref<20480x64xf32, #tpu.memory_space<hbm>>
          tpu.enqueue_indirect_dma source(%dma_start3A_341 : memref<20480x64xf32, #tpu.memory_space<hbm>>) target(%arg29 : memref<128x64xf32, #tpu.memory_space<vmem>>) offsets(%arg35 : memref<128xi32, #tpu.memory_space<vmem>>) semaphore(%arg30 : memref<!tpu.dma_semaphore, #tpu.memory_space<semaphore_mem>>)
        } else {
        }
        %dma_wait3A_266 = arith.constant 0 : i32
        %dma_wait3A_267 = arith.constant 0 : i32
        %dma_wait3A_268 = tpu.memref_slice %arg7[%dma_wait3A_266, %dma_wait3A_267] : memref<20480x64xf32, #tpu.memory_space<hbm>> -> memref<20480x64xf32, #tpu.memory_space<hbm>>
        tpu.wait_indirect_dma semaphore(%arg31 : memref<!tpu.dma_semaphore, #tpu.memory_space<semaphore_mem>>) src(%dma_wait3A_268 : memref<20480x64xf32, #tpu.memory_space<hbm>>) dst(%arg28 : memref<128x64xf32, #tpu.memory_space<vmem>>)
        %run_scoped3A_269 = arith.constant 1 : i32
        "tpu.region"() ({
          %run_scoped3A_270 = tpu.sem_alloc : memref<!tpu.dma_semaphore, #tpu.memory_space<semaphore_mem>>
          %dma_start3A_271 = arith.constant 0 : i32
          %dma_start3A_272 = tpu.memref_slice %arg21[%run_scoped3A_269, %dma_start3A_271] : memref<2x128xi32, #tpu.memory_space<vmem>> -> memref<1x128xi32, #tpu.memory_space<vmem>>
          %dma_start3A_273 = tpu.memref_squeeze %dma_start3A_272 : memref<1x128xi32, #tpu.memory_space<vmem>> -> memref<128xi32, #tpu.memory_space<vmem>>
          %dma_start3A_274 = arith.constant 0 : i32
          %dma_start3A_275 = arith.constant 0 : i32
          %dma_start3A_276 = tpu.memref_slice %arg9[%dma_start3A_274, %dma_start3A_275] : memref<10240x64xf32, #tpu.memory_space<vmem_shared>> -> memref<10240x64xf32, #tpu.memory_space<vmem_shared>>
          tpu.enqueue_indirect_dma source(%arg28 : memref<128x64xf32, #tpu.memory_space<vmem>>) target(%dma_start3A_276 : memref<10240x64xf32, #tpu.memory_space<vmem_shared>>) offsets(%dma_start3A_273 : memref<128xi32, #tpu.memory_space<vmem>>) semaphore(%run_scoped3A_270 : memref<!tpu.dma_semaphore, #tpu.memory_space<semaphore_mem>>) {add = true}
          %dma_wait3A_277 = arith.constant 0 : i32
          %dma_wait3A_278 = tpu.memref_slice %arg21[%run_scoped3A_269, %dma_wait3A_277] : memref<2x128xi32, #tpu.memory_space<vmem>> -> memref<1x128xi32, #tpu.memory_space<vmem>>
          %dma_wait3A_279 = tpu.memref_squeeze %dma_wait3A_278 : memref<1x128xi32, #tpu.memory_space<vmem>> -> memref<128xi32, #tpu.memory_space<vmem>>
          %dma_wait3A_280 = arith.constant 0 : i32
          %dma_wait3A_281 = arith.constant 0 : i32
          %dma_wait3A_282 = tpu.memref_slice %arg9[%dma_wait3A_280, %dma_wait3A_281] : memref<10240x64xf32, #tpu.memory_space<vmem_shared>> -> memref<10240x64xf32, #tpu.memory_space<vmem_shared>>
          tpu.wait_indirect_dma semaphore(%run_scoped3A_270 : memref<!tpu.dma_semaphore, #tpu.memory_space<semaphore_mem>>) src(%arg28 : memref<128x64xf32, #tpu.memory_space<vmem>>) dst(%dma_wait3A_282 : memref<10240x64xf32, #tpu.memory_space<vmem_shared>>)
          tpu.yield
        }) : () -> ()
      }
      %scan3A_123 = arith.constant 79 : i32
      %barrier3A_124 = arith.constant 0 : index
      tpu.barrier barrier_id(%barrier3A_124)
      %scan3A_125 = arith.constant 0 : i32
      %scan3A_126 = arith.constant 5 : i32
      %scan3A_127 = arith.addi %scan3A_125, %scan3A_126 : i32
      %scan3A_128 = arith.constant 1 : i32
      scf.for %scan3A_178 = %scan3A_125 to %scan3A_127 step %scan3A_128  : i32 {
        %mul3A_179 = arith.constant 1 : i32
        %mul3A_180 = arith.muli %scan3A_178, %mul3A_179 : i32
        %add3A_181 = arith.constant 0 : i32
        %add3A_182 = arith.addi %add3A_181, %mul3A_180 : i32
        %mul3A_183 = arith.constant 128 : i32
        %mul3A_184 = arith.muli %add3A_182, %mul3A_183 : i32
        %add3A_185 = arith.addi %mul3A_4, %mul3A_184 : i32
        "tpu.region"() ({
          %run_scoped3A_193 = tpu.sem_alloc : memref<!tpu.dma_semaphore, #tpu.memory_space<semaphore_mem>>
          %dma_start3A_194 = arith.constant 0 : i32
          %dma_start3A_195 = tpu.memref_slice %arg9[%add3A_185, %dma_start3A_194] : memref<10240x64xf32, #tpu.memory_space<vmem_shared>> -> memref<128x64xf32, #tpu.memory_space<vmem_shared>>
          %dma_start3A_196 = arith.constant 0 : i32
          %dma_start3A_197 = tpu.memref_slice %arg9[%add3A_185, %dma_start3A_196] : memref<10240x64xf32, #tpu.memory_space<vmem_shared>> -> memref<128x64xf32, #tpu.memory_space<vmem_shared>>
          tpu.enqueue_dma source(%dma_start3A_197 : memref<128x64xf32, #tpu.memory_space<vmem_shared>>) target(%arg37 : memref<128x64xf32, #tpu.memory_space<vmem>>) target_semaphore(%run_scoped3A_193 : memref<!tpu.dma_semaphore, #tpu.memory_space<semaphore_mem>>)
          %dma_wait3A = arith.constant 0 : i32
          %dma_wait3A_198 = tpu.memref_slice %arg9[%add3A_185, %dma_wait3A] : memref<10240x64xf32, #tpu.memory_space<vmem_shared>> -> memref<128x64xf32, #tpu.memory_space<vmem_shared>>
          %dma_wait3A_199 = arith.constant 0 : i32
          %dma_wait3A_200 = tpu.memref_slice %arg9[%add3A_185, %dma_wait3A_199] : memref<10240x64xf32, #tpu.memory_space<vmem_shared>> -> memref<128x64xf32, #tpu.memory_space<vmem_shared>>
          tpu.wait_dma2 semaphore(%run_scoped3A_193 : memref<!tpu.dma_semaphore, #tpu.memory_space<semaphore_mem>>) src(%dma_wait3A_200 : memref<128x64xf32, #tpu.memory_space<vmem_shared>>) dst(%arg37 : memref<128x64xf32, #tpu.memory_space<vmem>>)
          tpu.yield
        }) : () -> ()
        %add3A_186 = arith.addi %mul3A_0, %add3A_185 : i32
        "tpu.region"() ({
          %run_scoped3A_193 = tpu.sem_alloc : memref<!tpu.dma_semaphore, #tpu.memory_space<semaphore_mem>>
          %dma_start3A_194 = arith.constant 0 : i32
          %dma_start3A_195 = tpu.memref_slice %arg7[%add3A_186, %dma_start3A_194] : memref<20480x64xf32, #tpu.memory_space<hbm>> -> memref<128x64xf32, #tpu.memory_space<hbm>>
          %dma_start3A_196 = arith.constant 0 : i32
          %dma_start3A_197 = tpu.memref_slice %arg7[%add3A_186, %dma_start3A_196] : memref<20480x64xf32, #tpu.memory_space<hbm>> -> memref<128x64xf32, #tpu.memory_space<hbm>>
          tpu.enqueue_dma source(%dma_start3A_197 : memref<128x64xf32, #tpu.memory_space<hbm>>) target(%arg39 : memref<128x64xf32, #tpu.memory_space<vmem>>) target_semaphore(%run_scoped3A_193 : memref<!tpu.dma_semaphore, #tpu.memory_space<semaphore_mem>>)
          %dma_wait3A = arith.constant 0 : i32
          %dma_wait3A_198 = tpu.memref_slice %arg7[%add3A_186, %dma_wait3A] : memref<20480x64xf32, #tpu.memory_space<hbm>> -> memref<128x64xf32, #tpu.memory_space<hbm>>
          %dma_wait3A_199 = arith.constant 0 : i32
          %dma_wait3A_200 = tpu.memref_slice %arg7[%add3A_186, %dma_wait3A_199] : memref<20480x64xf32, #tpu.memory_space<hbm>> -> memref<128x64xf32, #tpu.memory_space<hbm>>
          tpu.wait_dma2 semaphore(%run_scoped3A_193 : memref<!tpu.dma_semaphore, #tpu.memory_space<semaphore_mem>>) src(%dma_wait3A_200 : memref<128x64xf32, #tpu.memory_space<hbm>>) dst(%arg39 : memref<128x64xf32, #tpu.memory_space<vmem>>)
          tpu.yield
        }) : () -> ()
        %scan3A_187 = arith.constant 0 : i32
        %scan3A_188 = arith.constant 128 : i32
        %scan3A_189 = arith.addi %scan3A_187, %scan3A_188 : i32
        %scan3A_190 = arith.constant 1 : i32
        scf.for %scan3A_193 = %scan3A_187 to %scan3A_189 step %scan3A_190  : i32 {
          %mul3A_194 = arith.constant 1 : i32
          %mul3A_195 = arith.muli %scan3A_193, %mul3A_194 : i32
          %add3A_196 = arith.constant 0 : i32
          %add3A_197 = arith.addi %add3A_196, %mul3A_195 : i32
          %mul3A_198 = arith.constant 128 : i32
          %mul3A_199 = arith.muli %add3A_182, %mul3A_198 : i32
          %add3A_200 = arith.addi %mul3A_199, %add3A_197 : i32
          %get3A_201 = arith.index_cast %add3A_200 : i32 to index
          %get3A_202 = tpu.vector_load %arg14[%get3A_201] {strides = array<i32>} : memref<656xf32, #tpu.memory_space<vmem>>, vector<16xf32>,
          %slice3A = vector.extract_strided_slice %get3A_202 {offsets = [0], sizes = [1], strides = [1]} : vector<16xf32> to vector<1xf32>
          %squeeze3A = vector.extract %slice3A[0] : f32 from vector<1xf32>
          %broadcast_in_dim3A_203 = vector.broadcast %squeeze3A : f32 to vector<16xf32>
          %get3A_204 = arith.index_cast %add3A_197 : i32 to index
          %get3A_205 = arith.constant 0 : index
          %get3A_206 = tpu.vector_load %arg37[%get3A_204, %get3A_205] {strides = array<i32>} : memref<128x64xf32, #tpu.memory_space<vmem>>, vector<16xf32>,
          %get3A_207 = arith.index_cast %add3A_197 : i32 to index
          %get3A_208 = arith.constant 0 : index
          %get3A_209 = tpu.vector_load %arg39[%get3A_207, %get3A_208] {strides = array<i32>} : memref<128x64xf32, #tpu.memory_space<vmem>>, vector<16xf32>,
          %add3A_210 = arith.addf %get3A_206, %get3A_209 : vector<16xf32>
          %mul3A_211 = arith.mulf %add3A_210, %broadcast_in_dim3A_203 : vector<16xf32>
          %swap3A_212 = arith.index_cast %add3A_197 : i32 to index
          %swap3A_213 = arith.constant 0 : index
          %swap3A_214 = tpu.vector_load %arg37[%swap3A_212, %swap3A_213] {strides = array<i32>} : memref<128x64xf32, #tpu.memory_space<vmem>>, vector<16xf32>,
          tpu.vector_store %arg37[%swap3A_212, %swap3A_213], %mul3A_211 {strides = array<i32>} : memref<128x64xf32, #tpu.memory_space<vmem>>, vector<16xf32>,
          %get3A_215 = arith.index_cast %add3A_197 : i32 to index
          %get3A_216 = arith.constant 16 : index
          %get3A_217 = tpu.vector_load %arg37[%get3A_215, %get3A_216] {strides = array<i32>} : memref<128x64xf32, #tpu.memory_space<vmem>>, vector<16xf32>,
          %get3A_218 = arith.index_cast %add3A_197 : i32 to index
          %get3A_219 = arith.constant 16 : index
          %get3A_220 = tpu.vector_load %arg39[%get3A_218, %get3A_219] {strides = array<i32>} : memref<128x64xf32, #tpu.memory_space<vmem>>, vector<16xf32>,
          %add3A_221 = arith.addf %get3A_217, %get3A_220 : vector<16xf32>
          %mul3A_222 = arith.mulf %add3A_221, %broadcast_in_dim3A_203 : vector<16xf32>
          %swap3A_223 = arith.index_cast %add3A_197 : i32 to index
          %swap3A_224 = arith.constant 16 : index
          %swap3A_225 = tpu.vector_load %arg37[%swap3A_223, %swap3A_224] {strides = array<i32>} : memref<128x64xf32, #tpu.memory_space<vmem>>, vector<16xf32>,
          tpu.vector_store %arg37[%swap3A_223, %swap3A_224], %mul3A_222 {strides = array<i32>} : memref<128x64xf32, #tpu.memory_space<vmem>>, vector<16xf32>,
          %get3A_226 = arith.index_cast %add3A_197 : i32 to index
          %get3A_227 = arith.constant 32 : index
          %get3A_228 = tpu.vector_load %arg37[%get3A_226, %get3A_227] {strides = array<i32>} : memref<128x64xf32, #tpu.memory_space<vmem>>, vector<16xf32>,
          %get3A_229 = arith.index_cast %add3A_197 : i32 to index
          %get3A_230 = arith.constant 32 : index
          %get3A_231 = tpu.vector_load %arg39[%get3A_229, %get3A_230] {strides = array<i32>} : memref<128x64xf32, #tpu.memory_space<vmem>>, vector<16xf32>,
          %add3A_232 = arith.addf %get3A_228, %get3A_231 : vector<16xf32>
          %mul3A_233 = arith.mulf %add3A_232, %broadcast_in_dim3A_203 : vector<16xf32>
          %swap3A_234 = arith.index_cast %add3A_197 : i32 to index
          %swap3A_235 = arith.constant 32 : index
          %swap3A_236 = tpu.vector_load %arg37[%swap3A_234, %swap3A_235] {strides = array<i32>} : memref<128x64xf32, #tpu.memory_space<vmem>>, vector<16xf32>,
          tpu.vector_store %arg37[%swap3A_234, %swap3A_235], %mul3A_233 {strides = array<i32>} : memref<128x64xf32, #tpu.memory_space<vmem>>, vector<16xf32>,
          %get3A_237 = arith.index_cast %add3A_197 : i32 to index
          %get3A_238 = arith.constant 48 : index
          %get3A_239 = tpu.vector_load %arg37[%get3A_237, %get3A_238] {strides = array<i32>} : memref<128x64xf32, #tpu.memory_space<vmem>>, vector<16xf32>,
          %get3A_240 = arith.index_cast %add3A_197 : i32 to index
          %get3A_241 = arith.constant 48 : index
          %get3A_242 = tpu.vector_load %arg39[%get3A_240, %get3A_241] {strides = array<i32>} : memref<128x64xf32, #tpu.memory_space<vmem>>, vector<16xf32>,
          %add3A_243 = arith.addf %get3A_239, %get3A_242 : vector<16xf32>
          %mul3A_244 = arith.mulf %add3A_243, %broadcast_in_dim3A_203 : vector<16xf32>
          %swap3A_245 = arith.index_cast %add3A_197 : i32 to index
          %swap3A_246 = arith.constant 48 : index
          %swap3A_247 = tpu.vector_load %arg37[%swap3A_245, %swap3A_246] {strides = array<i32>} : memref<128x64xf32, #tpu.memory_space<vmem>>, vector<16xf32>,
          tpu.vector_store %arg37[%swap3A_245, %swap3A_246], %mul3A_244 {strides = array<i32>} : memref<128x64xf32, #tpu.memory_space<vmem>>, vector<16xf32>,
        }
        %scan3A_191 = arith.constant 128 : i32
        %add3A_192 = arith.addi %mul3A_0, %add3A_185 : i32
        "tpu.region"() ({
          %run_scoped3A_193 = tpu.sem_alloc : memref<!tpu.dma_semaphore, #tpu.memory_space<semaphore_mem>>
          %dma_start3A_194 = arith.constant 0 : i32
          %dma_start3A_195 = tpu.memref_slice %arg8[%add3A_192, %dma_start3A_194] : memref<20480x64xf32, #tpu.memory_space<hbm>> -> memref<128x64xf32, #tpu.memory_space<hbm>>
          %dma_start3A_196 = arith.constant 0 : i32
          %dma_start3A_197 = tpu.memref_slice %arg8[%add3A_192, %dma_start3A_196] : memref<20480x64xf32, #tpu.memory_space<hbm>> -> memref<128x64xf32, #tpu.memory_space<hbm>>
          tpu.enqueue_dma source(%arg37 : memref<128x64xf32, #tpu.memory_space<vmem>>) target(%dma_start3A_197 : memref<128x64xf32, #tpu.memory_space<hbm>>) target_semaphore(%run_scoped3A_193 : memref<!tpu.dma_semaphore, #tpu.memory_space<semaphore_mem>>)
          %dma_wait3A = arith.constant 0 : i32
          %dma_wait3A_198 = tpu.memref_slice %arg8[%add3A_192, %dma_wait3A] : memref<20480x64xf32, #tpu.memory_space<hbm>> -> memref<128x64xf32, #tpu.memory_space<hbm>>
          %dma_wait3A_199 = arith.constant 0 : i32
          %dma_wait3A_200 = tpu.memref_slice %arg8[%add3A_192, %dma_wait3A_199] : memref<20480x64xf32, #tpu.memory_space<hbm>> -> memref<128x64xf32, #tpu.memory_space<hbm>>
          tpu.wait_dma2 semaphore(%run_scoped3A_193 : memref<!tpu.dma_semaphore, #tpu.memory_space<semaphore_mem>>) src(%arg37 : memref<128x64xf32, #tpu.memory_space<vmem>>) dst(%dma_wait3A_200 : memref<128x64xf32, #tpu.memory_space<hbm>>)
          tpu.yield
        }) : () -> ()
      }
      %scan3A_129 = arith.constant 5 : i32
      %eq3A_130 = arith.constant 0 : i32
      %eq3A_131 = arith.cmpi eq, %arg1, %eq3A_130 : i32
      %convert_element_type3A_132 = arith.extui %eq3A_131 : i1 to i32
      %cond3A_133 = arith.constant 0 : i32
      %cond3A_134 = arith.cmpi ne, %convert_element_type3A_132, %cond3A_133 : i32
      scf.if %cond3A_134 {
        "tpu.region"() ({
          %run_scoped3A_834 = tpu.sem_alloc : memref<!tpu.dma_semaphore, #tpu.memory_space<semaphore_mem>>
          %dma_start3A_835 = arith.constant 0 : i32
          %dma_start3A_836 = tpu.memref_slice %arg33[%dma_start3A_835] : memref<10240xi32, #tpu.memory_space<vmem>> -> memref<10000xi32, #tpu.memory_space<vmem>>
          %dma_start3A_837 = arith.constant 0 : i32
          %dma_start3A_838 = tpu.memref_slice %arg5[%add3A_18, %dma_start3A_837] : memref<2x10000xi32, #tpu.memory_space<hbm>> -> memref<1x10000xi32, #tpu.memory_space<hbm>>
          %dma_start3A_839 = tpu.memref_squeeze %dma_start3A_838 : memref<1x10000xi32, #tpu.memory_space<hbm>> -> memref<10000xi32, #tpu.memory_space<hbm>>
          %dma_start3A_840 = arith.constant 0 : i32
          %dma_start3A_841 = tpu.memref_slice %arg33[%dma_start3A_840] : memref<10240xi32, #tpu.memory_space<vmem>> -> memref<10000xi32, #tpu.memory_space<vmem>>
          %dma_start3A_842 = arith.constant 0 : i32
          %dma_start3A_843 = tpu.memref_slice %arg5[%add3A_18, %dma_start3A_842] : memref<2x10000xi32, #tpu.memory_space<hbm>> -> memref<1x10000xi32, #tpu.memory_space<hbm>>
          %dma_start3A_844 = tpu.memref_squeeze %dma_start3A_843 : memref<1x10000xi32, #tpu.memory_space<hbm>> -> memref<10000xi32, #tpu.memory_space<hbm>>
          tpu.enqueue_dma source(%dma_start3A_844 : memref<10000xi32, #tpu.memory_space<hbm>>) target(%dma_start3A_841 : memref<10000xi32, #tpu.memory_space<vmem>>) target_semaphore(%run_scoped3A_834 : memref<!tpu.dma_semaphore, #tpu.memory_space<semaphore_mem>>)
          %dma_wait3A = arith.constant 0 : i32
          %dma_wait3A_845 = tpu.memref_slice %arg33[%dma_wait3A] : memref<10240xi32, #tpu.memory_space<vmem>> -> memref<10000xi32, #tpu.memory_space<vmem>>
          %dma_wait3A_846 = arith.constant 0 : i32
          %dma_wait3A_847 = tpu.memref_slice %arg5[%add3A_18, %dma_wait3A_846] : memref<2x10000xi32, #tpu.memory_space<hbm>> -> memref<1x10000xi32, #tpu.memory_space<hbm>>
          %dma_wait3A_848 = tpu.memref_squeeze %dma_wait3A_847 : memref<1x10000xi32, #tpu.memory_space<hbm>> -> memref<10000xi32, #tpu.memory_space<hbm>>
          %dma_wait3A_849 = arith.constant 0 : i32
          %dma_wait3A_850 = tpu.memref_slice %arg33[%dma_wait3A_849] : memref<10240xi32, #tpu.memory_space<vmem>> -> memref<10000xi32, #tpu.memory_space<vmem>>
          %dma_wait3A_851 = arith.constant 0 : i32
          %dma_wait3A_852 = tpu.memref_slice %arg5[%add3A_18, %dma_wait3A_851] : memref<2x10000xi32, #tpu.memory_space<hbm>> -> memref<1x10000xi32, #tpu.memory_space<hbm>>
          %dma_wait3A_853 = tpu.memref_squeeze %dma_wait3A_852 : memref<1x10000xi32, #tpu.memory_space<hbm>> -> memref<10000xi32, #tpu.memory_space<hbm>>
          tpu.wait_dma2 semaphore(%run_scoped3A_834 : memref<!tpu.dma_semaphore, #tpu.memory_space<semaphore_mem>>) src(%dma_wait3A_853 : memref<10000xi32, #tpu.memory_space<hbm>>) dst(%dma_wait3A_850 : memref<10000xi32, #tpu.memory_space<vmem>>)
          tpu.yield
        }) : () -> ()
        %scan3A_178 = arith.constant 0 : i32
        %scan3A_179 = arith.constant 16 : i32
        %scan3A_180 = arith.addi %scan3A_178, %scan3A_179 : i32
        %scan3A_181 = arith.constant 1 : i32
        scf.for %scan3A_834 = %scan3A_178 to %scan3A_180 step %scan3A_181  : i32 {
          %mul3A_835 = arith.constant 1 : i32
          %mul3A_836 = arith.muli %scan3A_834, %mul3A_835 : i32
          %add3A_837 = arith.constant 0 : i32
          %add3A_838 = arith.addi %add3A_837, %mul3A_836 : i32
          %broadcast_in_dim3A_839 = arith.constant 10000 : i32
          %broadcast_in_dim3A_840 = vector.broadcast %broadcast_in_dim3A_839 : i32 to vector<16xi32>
          %mul3A_841 = arith.constant 16 : i32
          %mul3A_842 = arith.muli %add3A_838, %mul3A_841 : i32
          %swap3A_843 = arith.index_cast %mul3A_842 : i32 to index
          %swap3A_844 = tpu.vector_load %arg10[%swap3A_843] {strides = array<i32>} : memref<256xi32, #tpu.memory_space<vmem>>, vector<16xi32>,
          tpu.vector_store %arg10[%swap3A_843], %broadcast_in_dim3A_840 {strides = array<i32>} : memref<256xi32, #tpu.memory_space<vmem>>, vector<16xi32>,
        }
        %scan3A_182 = arith.constant 16 : i32
        %scan3A_183 = arith.constant 0 : i32
        %scan3A_184 = arith.constant 625 : i32
        %scan3A_185 = arith.addi %scan3A_183, %scan3A_184 : i32
        %scan3A_186 = arith.constant 1 : i32
        scf.for %scan3A_834 = %scan3A_183 to %scan3A_185 step %scan3A_186  : i32 {
          %mul3A_835 = arith.constant 1 : i32
          %mul3A_836 = arith.muli %scan3A_834, %mul3A_835 : i32
          %add3A_837 = arith.constant 0 : i32
          %add3A_838 = arith.addi %add3A_837, %mul3A_836 : i32
          %iota3A = tpu.iota {dimensions = array<i32: 0>} : vector<16xi32>
          %mul3A_839 = arith.constant 16 : i32
          %mul3A_840 = arith.muli %add3A_838, %mul3A_839 : i32
          %add3A_841 = vector.broadcast %mul3A_840 : i32 to vector<16xi32>
          %add3A_842 = arith.addi %iota3A, %add3A_841 : vector<16xi32>
          %mul3A_843 = arith.constant 16 : i32
          %mul3A_844 = arith.muli %add3A_838, %mul3A_843 : i32
          %get3A_845 = arith.index_cast %mul3A_844 : i32 to index
          %get3A_846 = tpu.vector_load %arg33[%get3A_845] {strides = array<i32>} : memref<10240xi32, #tpu.memory_space<vmem>>, vector<16xi32>,
          %sub3A_847 = arith.constant 1 : i32
          %sub3A_848 = vector.broadcast %sub3A_847 : i32 to vector<16xi32>
          %sub3A_849 = arith.subi %add3A_842, %sub3A_848 : vector<16xi32>
          %max3A = arith.constant 0 : i32
          %max3A_850 = vector.broadcast %max3A : i32 to vector<16xi32>
          %max3A_851 = arith.maxsi %sub3A_849, %max3A_850 : vector<16xi32>
          %gather3A = tpu.vector_load_idx %arg33[%max3A_851] : memref<10240xi32, #tpu.memory_space<vmem>>[vector<16xi32>], vector<16xi32>,
          %ne3A_852 = arith.cmpi ne, %get3A_846, %gather3A : vector<16xi32>
          %eq3A_853 = arith.constant 0 : i32
          %eq3A_854 = vector.broadcast %eq3A_853 : i32 to vector<16xi32>
          %eq3A_855 = arith.cmpi eq, %add3A_842, %eq3A_854 : vector<16xi32>
          %or3A = arith.ori %ne3A_852, %eq3A_855 : vector<16xi1>
          tpu.vector_store_idx %arg10[%get3A_846], %add3A_842 masked %or3A : memref<256xi32, #tpu.memory_space<vmem>>[vector<16xi32>], vector<16xi32>, vector<16xi1>
        }
        %scan3A_187 = arith.constant 625 : i32
        %get3A_188 = arith.constant 240 : index
        %get3A_189 = tpu.vector_load %arg10[%get3A_188] {strides = array<i32>} : memref<256xi32, #tpu.memory_space<vmem>>, vector<16xi32>,
        %rev3A = arith.constant 15 : i32
        %rev3A_190 = vector.broadcast %rev3A : i32 to vector<16xi32>
        %rev3A_191 = tpu.iota {dimensions = array<i32: 0>} : vector<16xi32>
        %rev3A_192 = arith.subi %rev3A_190, %rev3A_191 : vector<16xi32>
        %rev3A_193 = tpu.dynamic_gather %get3A_189[%rev3A_192] in [0] : vector<16xi32>, vector<16xi32> -> vector<16xi32>
        %neg3A = arith.constant 0 : i32
        %neg3A_194 = vector.broadcast %neg3A : i32 to vector<16xi32>
        %neg3A_195 = arith.subi %neg3A_194, %rev3A_193 : vector<16xi32>
        %broadcast_in_dim3A_196 = arith.constant true
        %broadcast_in_dim3A_197 = vector.broadcast %broadcast_in_dim3A_196 : i1 to vector<16xi1>
        %masked_cummax3A = arith.constant -2147483648 : i32
        %masked_cummax3A_198 = vector.broadcast %masked_cummax3A : i32 to vector<16xi32>
        %masked_cummax3A_199 = arith.xori %neg3A_195, %masked_cummax3A_198 : vector<16xi32>
        %masked_cummax3A_200 = tpu.scan <max>, %masked_cummax3A_199 masked %broadcast_in_dim3A_197 : vector<16xi32>, vector<16xi1> -> vector<16xi32>
        %masked_cummax3A_201 = arith.xori %masked_cummax3A_200, %masked_cummax3A_198 : vector<16xi32>
        %neg3A_202 = arith.constant 0 : i32
        %neg3A_203 = vector.broadcast %neg3A_202 : i32 to vector<16xi32>
        %neg3A_204 = arith.subi %neg3A_203, %masked_cummax3A_201 : vector<16xi32>
        %broadcast_in_dim3A_205 = arith.constant 10000 : i32
        %broadcast_in_dim3A_206 = vector.broadcast %broadcast_in_dim3A_205 : i32 to vector<16xi32>
        %min3A = arith.minsi %neg3A_204, %broadcast_in_dim3A_206 : vector<16xi32>
        %reduce_min3A = arith.constant true
        %reduce_min3A_207 = vector.broadcast %reduce_min3A : i1 to vector<16xi1>
        %reduce_min3A_208 = arith.constant -2147483648 : i32
        %reduce_min3A_209 = vector.broadcast %reduce_min3A_208 : i32 to vector<16xi32>
        %reduce_min3A_210 = arith.xori %min3A, %reduce_min3A_209 : vector<16xi32>
        %reduce_min3A_211 = tpu.scan <min>, %reduce_min3A_210 masked %reduce_min3A_207 : vector<16xi32>, vector<16xi1> -> vector<16xi32>
        %reduce_min3A_212 = arith.xori %reduce_min3A_211, %reduce_min3A_209 : vector<16xi32>
        %reduce_min3A_213 = vector.extract %reduce_min3A_212[15] : i32 from vector<16xi32>
        %rev3A_214 = arith.constant 15 : i32
        %rev3A_215 = vector.broadcast %rev3A_214 : i32 to vector<16xi32>
        %rev3A_216 = tpu.iota {dimensions = array<i32: 0>} : vector<16xi32>
        %rev3A_217 = arith.subi %rev3A_215, %rev3A_216 : vector<16xi32>
        %rev3A_218 = tpu.dynamic_gather %min3A[%rev3A_217] in [0] : vector<16xi32>, vector<16xi32> -> vector<16xi32>
        %min3A_219 = arith.constant 9999 : i32
        %min3A_220 = vector.broadcast %min3A_219 : i32 to vector<16xi32>
        %min3A_221 = arith.minsi %rev3A_218, %min3A_220 : vector<16xi32>
        %swap3A_222 = arith.constant 240 : index
        %swap3A_223 = tpu.vector_load %arg10[%swap3A_222] {strides = array<i32>} : memref<256xi32, #tpu.memory_space<vmem>>, vector<16xi32>,
        tpu.vector_store %arg10[%swap3A_222], %min3A_221 {strides = array<i32>} : memref<256xi32, #tpu.memory_space<vmem>>, vector<16xi32>,
        %get3A_224 = arith.constant 224 : index
        %get3A_225 = tpu.vector_load %arg10[%get3A_224] {strides = array<i32>} : memref<256xi32, #tpu.memory_space<vmem>>, vector<16xi32>,
        %rev3A_226 = arith.constant 15 : i32
        %rev3A_227 = vector.broadcast %rev3A_226 : i32 to vector<16xi32>
        %rev3A_228 = tpu.iota {dimensions = array<i32: 0>} : vector<16xi32>
        %rev3A_229 = arith.subi %rev3A_227, %rev3A_228 : vector<16xi32>
        %rev3A_230 = tpu.dynamic_gather %get3A_225[%rev3A_229] in [0] : vector<16xi32>, vector<16xi32> -> vector<16xi32>
        %neg3A_231 = arith.constant 0 : i32
        %neg3A_232 = vector.broadcast %neg3A_231 : i32 to vector<16xi32>
        %neg3A_233 = arith.subi %neg3A_232, %rev3A_230 : vector<16xi32>
        %broadcast_in_dim3A_234 = arith.constant true
        %broadcast_in_dim3A_235 = vector.broadcast %broadcast_in_dim3A_234 : i1 to vector<16xi1>
        %masked_cummax3A_236 = arith.constant -2147483648 : i32
        %masked_cummax3A_237 = vector.broadcast %masked_cummax3A_236 : i32 to vector<16xi32>
        %masked_cummax3A_238 = arith.xori %neg3A_233, %masked_cummax3A_237 : vector<16xi32>
        %masked_cummax3A_239 = tpu.scan <max>, %masked_cummax3A_238 masked %broadcast_in_dim3A_235 : vector<16xi32>, vector<16xi1> -> vector<16xi32>
        %masked_cummax3A_240 = arith.xori %masked_cummax3A_239, %masked_cummax3A_237 : vector<16xi32>
        %neg3A_241 = arith.constant 0 : i32
        %neg3A_242 = vector.broadcast %neg3A_241 : i32 to vector<16xi32>
        %neg3A_243 = arith.subi %neg3A_242, %masked_cummax3A_240 : vector<16xi32>
        %broadcast_in_dim3A_244 = vector.broadcast %reduce_min3A_213 : i32 to vector<16xi32>
        %min3A_245 = arith.minsi %neg3A_243, %broadcast_in_dim3A_244 : vector<16xi32>
        %reduce_min3A_246 = arith.constant true
        %reduce_min3A_247 = vector.broadcast %reduce_min3A_246 : i1 to vector<16xi1>
        %reduce_min3A_248 = arith.constant -2147483648 : i32
        %reduce_min3A_249 = vector.broadcast %reduce_min3A_248 : i32 to vector<16xi32>
        %reduce_min3A_250 = arith.xori %min3A_245, %reduce_min3A_249 : vector<16xi32>
        %reduce_min3A_251 = tpu.scan <min>, %reduce_min3A_250 masked %reduce_min3A_247 : vector<16xi32>, vector<16xi1> -> vector<16xi32>
        %reduce_min3A_252 = arith.xori %reduce_min3A_251, %reduce_min3A_249 : vector<16xi32>
        %reduce_min3A_253 = vector.extract %reduce_min3A_252[15] : i32 from vector<16xi32>
        %rev3A_254 = arith.constant 15 : i32
        %rev3A_255 = vector.broadcast %rev3A_254 : i32 to vector<16xi32>
        %rev3A_256 = tpu.iota {dimensions = array<i32: 0>} : vector<16xi32>
        %rev3A_257 = arith.subi %rev3A_255, %rev3A_256 : vector<16xi32>
        %rev3A_258 = tpu.dynamic_gather %min3A_245[%rev3A_257] in [0] : vector<16xi32>, vector<16xi32> -> vector<16xi32>
        %min3A_259 = arith.constant 9999 : i32
        %min3A_260 = vector.broadcast %min3A_259 : i32 to vector<16xi32>
        %min3A_261 = arith.minsi %rev3A_258, %min3A_260 : vector<16xi32>
        %swap3A_262 = arith.constant 224 : index
        %swap3A_263 = tpu.vector_load %arg10[%swap3A_262] {strides = array<i32>} : memref<256xi32, #tpu.memory_space<vmem>>, vector<16xi32>,
        tpu.vector_store %arg10[%swap3A_262], %min3A_261 {strides = array<i32>} : memref<256xi32, #tpu.memory_space<vmem>>, vector<16xi32>,
        %get3A_264 = arith.constant 208 : index
        %get3A_265 = tpu.vector_load %arg10[%get3A_264] {strides = array<i32>} : memref<256xi32, #tpu.memory_space<vmem>>, vector<16xi32>,
        %rev3A_266 = arith.constant 15 : i32
        %rev3A_267 = vector.broadcast %rev3A_266 : i32 to vector<16xi32>
        %rev3A_268 = tpu.iota {dimensions = array<i32: 0>} : vector<16xi32>
        %rev3A_269 = arith.subi %rev3A_267, %rev3A_268 : vector<16xi32>
        %rev3A_270 = tpu.dynamic_gather %get3A_265[%rev3A_269] in [0] : vector<16xi32>, vector<16xi32> -> vector<16xi32>
        %neg3A_271 = arith.constant 0 : i32
        %neg3A_272 = vector.broadcast %neg3A_271 : i32 to vector<16xi32>
        %neg3A_273 = arith.subi %neg3A_272, %rev3A_270 : vector<16xi32>
        %broadcast_in_dim3A_274 = arith.constant true
        %broadcast_in_dim3A_275 = vector.broadcast %broadcast_in_dim3A_274 : i1 to vector<16xi1>
        %masked_cummax3A_276 = arith.constant -2147483648 : i32
        %masked_cummax3A_277 = vector.broadcast %masked_cummax3A_276 : i32 to vector<16xi32>
        %masked_cummax3A_278 = arith.xori %neg3A_273, %masked_cummax3A_277 : vector<16xi32>
        %masked_cummax3A_279 = tpu.scan <max>, %masked_cummax3A_278 masked %broadcast_in_dim3A_275 : vector<16xi32>, vector<16xi1> -> vector<16xi32>
        %masked_cummax3A_280 = arith.xori %masked_cummax3A_279, %masked_cummax3A_277 : vector<16xi32>
        %neg3A_281 = arith.constant 0 : i32
        %neg3A_282 = vector.broadcast %neg3A_281 : i32 to vector<16xi32>
        %neg3A_283 = arith.subi %neg3A_282, %masked_cummax3A_280 : vector<16xi32>
        %broadcast_in_dim3A_284 = vector.broadcast %reduce_min3A_253 : i32 to vector<16xi32>
        %min3A_285 = arith.minsi %neg3A_283, %broadcast_in_dim3A_284 : vector<16xi32>
        %reduce_min3A_286 = arith.constant true
        %reduce_min3A_287 = vector.broadcast %reduce_min3A_286 : i1 to vector<16xi1>
        %reduce_min3A_288 = arith.constant -2147483648 : i32
        %reduce_min3A_289 = vector.broadcast %reduce_min3A_288 : i32 to vector<16xi32>
        %reduce_min3A_290 = arith.xori %min3A_285, %reduce_min3A_289 : vector<16xi32>
        %reduce_min3A_291 = tpu.scan <min>, %reduce_min3A_290 masked %reduce_min3A_287 : vector<16xi32>, vector<16xi1> -> vector<16xi32>
        %reduce_min3A_292 = arith.xori %reduce_min3A_291, %reduce_min3A_289 : vector<16xi32>
        %reduce_min3A_293 = vector.extract %reduce_min3A_292[15] : i32 from vector<16xi32>
        %rev3A_294 = arith.constant 15 : i32
        %rev3A_295 = vector.broadcast %rev3A_294 : i32 to vector<16xi32>
        %rev3A_296 = tpu.iota {dimensions = array<i32: 0>} : vector<16xi32>
        %rev3A_297 = arith.subi %rev3A_295, %rev3A_296 : vector<16xi32>
        %rev3A_298 = tpu.dynamic_gather %min3A_285[%rev3A_297] in [0] : vector<16xi32>, vector<16xi32> -> vector<16xi32>
        %min3A_299 = arith.constant 9999 : i32
        %min3A_300 = vector.broadcast %min3A_299 : i32 to vector<16xi32>
        %min3A_301 = arith.minsi %rev3A_298, %min3A_300 : vector<16xi32>
        %swap3A_302 = arith.constant 208 : index
        %swap3A_303 = tpu.vector_load %arg10[%swap3A_302] {strides = array<i32>} : memref<256xi32, #tpu.memory_space<vmem>>, vector<16xi32>,
        tpu.vector_store %arg10[%swap3A_302], %min3A_301 {strides = array<i32>} : memref<256xi32, #tpu.memory_space<vmem>>, vector<16xi32>,
        %get3A_304 = arith.constant 192 : index
        %get3A_305 = tpu.vector_load %arg10[%get3A_304] {strides = array<i32>} : memref<256xi32, #tpu.memory_space<vmem>>, vector<16xi32>,
        %rev3A_306 = arith.constant 15 : i32
        %rev3A_307 = vector.broadcast %rev3A_306 : i32 to vector<16xi32>
        %rev3A_308 = tpu.iota {dimensions = array<i32: 0>} : vector<16xi32>
        %rev3A_309 = arith.subi %rev3A_307, %rev3A_308 : vector<16xi32>
        %rev3A_310 = tpu.dynamic_gather %get3A_305[%rev3A_309] in [0] : vector<16xi32>, vector<16xi32> -> vector<16xi32>
        %neg3A_311 = arith.constant 0 : i32
        %neg3A_312 = vector.broadcast %neg3A_311 : i32 to vector<16xi32>
        %neg3A_313 = arith.subi %neg3A_312, %rev3A_310 : vector<16xi32>
        %broadcast_in_dim3A_314 = arith.constant true
        %broadcast_in_dim3A_315 = vector.broadcast %broadcast_in_dim3A_314 : i1 to vector<16xi1>
        %masked_cummax3A_316 = arith.constant -2147483648 : i32
        %masked_cummax3A_317 = vector.broadcast %masked_cummax3A_316 : i32 to vector<16xi32>
        %masked_cummax3A_318 = arith.xori %neg3A_313, %masked_cummax3A_317 : vector<16xi32>
        %masked_cummax3A_319 = tpu.scan <max>, %masked_cummax3A_318 masked %broadcast_in_dim3A_315 : vector<16xi32>, vector<16xi1> -> vector<16xi32>
        %masked_cummax3A_320 = arith.xori %masked_cummax3A_319, %masked_cummax3A_317 : vector<16xi32>
        %neg3A_321 = arith.constant 0 : i32
        %neg3A_322 = vector.broadcast %neg3A_321 : i32 to vector<16xi32>
        %neg3A_323 = arith.subi %neg3A_322, %masked_cummax3A_320 : vector<16xi32>
        %broadcast_in_dim3A_324 = vector.broadcast %reduce_min3A_293 : i32 to vector<16xi32>
        %min3A_325 = arith.minsi %neg3A_323, %broadcast_in_dim3A_324 : vector<16xi32>
        %reduce_min3A_326 = arith.constant true
        %reduce_min3A_327 = vector.broadcast %reduce_min3A_326 : i1 to vector<16xi1>
        %reduce_min3A_328 = arith.constant -2147483648 : i32
        %reduce_min3A_329 = vector.broadcast %reduce_min3A_328 : i32 to vector<16xi32>
        %reduce_min3A_330 = arith.xori %min3A_325, %reduce_min3A_329 : vector<16xi32>
        %reduce_min3A_331 = tpu.scan <min>, %reduce_min3A_330 masked %reduce_min3A_327 : vector<16xi32>, vector<16xi1> -> vector<16xi32>
        %reduce_min3A_332 = arith.xori %reduce_min3A_331, %reduce_min3A_329 : vector<16xi32>
        %reduce_min3A_333 = vector.extract %reduce_min3A_332[15] : i32 from vector<16xi32>
        %rev3A_334 = arith.constant 15 : i32
        %rev3A_335 = vector.broadcast %rev3A_334 : i32 to vector<16xi32>
        %rev3A_336 = tpu.iota {dimensions = array<i32: 0>} : vector<16xi32>
        %rev3A_337 = arith.subi %rev3A_335, %rev3A_336 : vector<16xi32>
        %rev3A_338 = tpu.dynamic_gather %min3A_325[%rev3A_337] in [0] : vector<16xi32>, vector<16xi32> -> vector<16xi32>
        %min3A_339 = arith.constant 9999 : i32
        %min3A_340 = vector.broadcast %min3A_339 : i32 to vector<16xi32>
        %min3A_341 = arith.minsi %rev3A_338, %min3A_340 : vector<16xi32>
        %swap3A_342 = arith.constant 192 : index
        %swap3A_343 = tpu.vector_load %arg10[%swap3A_342] {strides = array<i32>} : memref<256xi32, #tpu.memory_space<vmem>>, vector<16xi32>,
        tpu.vector_store %arg10[%swap3A_342], %min3A_341 {strides = array<i32>} : memref<256xi32, #tpu.memory_space<vmem>>, vector<16xi32>,
        %get3A_344 = arith.constant 176 : index
        %get3A_345 = tpu.vector_load %arg10[%get3A_344] {strides = array<i32>} : memref<256xi32, #tpu.memory_space<vmem>>, vector<16xi32>,
        %rev3A_346 = arith.constant 15 : i32
        %rev3A_347 = vector.broadcast %rev3A_346 : i32 to vector<16xi32>
        %rev3A_348 = tpu.iota {dimensions = array<i32: 0>} : vector<16xi32>
        %rev3A_349 = arith.subi %rev3A_347, %rev3A_348 : vector<16xi32>
        %rev3A_350 = tpu.dynamic_gather %get3A_345[%rev3A_349] in [0] : vector<16xi32>, vector<16xi32> -> vector<16xi32>
        %neg3A_351 = arith.constant 0 : i32
        %neg3A_352 = vector.broadcast %neg3A_351 : i32 to vector<16xi32>
        %neg3A_353 = arith.subi %neg3A_352, %rev3A_350 : vector<16xi32>
        %broadcast_in_dim3A_354 = arith.constant true
        %broadcast_in_dim3A_355 = vector.broadcast %broadcast_in_dim3A_354 : i1 to vector<16xi1>
        %masked_cummax3A_356 = arith.constant -2147483648 : i32
        %masked_cummax3A_357 = vector.broadcast %masked_cummax3A_356 : i32 to vector<16xi32>
        %masked_cummax3A_358 = arith.xori %neg3A_353, %masked_cummax3A_357 : vector<16xi32>
        %masked_cummax3A_359 = tpu.scan <max>, %masked_cummax3A_358 masked %broadcast_in_dim3A_355 : vector<16xi32>, vector<16xi1> -> vector<16xi32>
        %masked_cummax3A_360 = arith.xori %masked_cummax3A_359, %masked_cummax3A_357 : vector<16xi32>
        %neg3A_361 = arith.constant 0 : i32
        %neg3A_362 = vector.broadcast %neg3A_361 : i32 to vector<16xi32>
        %neg3A_363 = arith.subi %neg3A_362, %masked_cummax3A_360 : vector<16xi32>
        %broadcast_in_dim3A_364 = vector.broadcast %reduce_min3A_333 : i32 to vector<16xi32>
        %min3A_365 = arith.minsi %neg3A_363, %broadcast_in_dim3A_364 : vector<16xi32>
        %reduce_min3A_366 = arith.constant true
        %reduce_min3A_367 = vector.broadcast %reduce_min3A_366 : i1 to vector<16xi1>
        %reduce_min3A_368 = arith.constant -2147483648 : i32
        %reduce_min3A_369 = vector.broadcast %reduce_min3A_368 : i32 to vector<16xi32>
        %reduce_min3A_370 = arith.xori %min3A_365, %reduce_min3A_369 : vector<16xi32>
        %reduce_min3A_371 = tpu.scan <min>, %reduce_min3A_370 masked %reduce_min3A_367 : vector<16xi32>, vector<16xi1> -> vector<16xi32>
        %reduce_min3A_372 = arith.xori %reduce_min3A_371, %reduce_min3A_369 : vector<16xi32>
        %reduce_min3A_373 = vector.extract %reduce_min3A_372[15] : i32 from vector<16xi32>
        %rev3A_374 = arith.constant 15 : i32
        %rev3A_375 = vector.broadcast %rev3A_374 : i32 to vector<16xi32>
        %rev3A_376 = tpu.iota {dimensions = array<i32: 0>} : vector<16xi32>
        %rev3A_377 = arith.subi %rev3A_375, %rev3A_376 : vector<16xi32>
        %rev3A_378 = tpu.dynamic_gather %min3A_365[%rev3A_377] in [0] : vector<16xi32>, vector<16xi32> -> vector<16xi32>
        %min3A_379 = arith.constant 9999 : i32
        %min3A_380 = vector.broadcast %min3A_379 : i32 to vector<16xi32>
        %min3A_381 = arith.minsi %rev3A_378, %min3A_380 : vector<16xi32>
        %swap3A_382 = arith.constant 176 : index
        %swap3A_383 = tpu.vector_load %arg10[%swap3A_382] {strides = array<i32>} : memref<256xi32, #tpu.memory_space<vmem>>, vector<16xi32>,
        tpu.vector_store %arg10[%swap3A_382], %min3A_381 {strides = array<i32>} : memref<256xi32, #tpu.memory_space<vmem>>, vector<16xi32>,
        %get3A_384 = arith.constant 160 : index
        %get3A_385 = tpu.vector_load %arg10[%get3A_384] {strides = array<i32>} : memref<256xi32, #tpu.memory_space<vmem>>, vector<16xi32>,
        %rev3A_386 = arith.constant 15 : i32
        %rev3A_387 = vector.broadcast %rev3A_386 : i32 to vector<16xi32>
        %rev3A_388 = tpu.iota {dimensions = array<i32: 0>} : vector<16xi32>
        %rev3A_389 = arith.subi %rev3A_387, %rev3A_388 : vector<16xi32>
        %rev3A_390 = tpu.dynamic_gather %get3A_385[%rev3A_389] in [0] : vector<16xi32>, vector<16xi32> -> vector<16xi32>
        %neg3A_391 = arith.constant 0 : i32
        %neg3A_392 = vector.broadcast %neg3A_391 : i32 to vector<16xi32>
        %neg3A_393 = arith.subi %neg3A_392, %rev3A_390 : vector<16xi32>
        %broadcast_in_dim3A_394 = arith.constant true
        %broadcast_in_dim3A_395 = vector.broadcast %broadcast_in_dim3A_394 : i1 to vector<16xi1>
        %masked_cummax3A_396 = arith.constant -2147483648 : i32
        %masked_cummax3A_397 = vector.broadcast %masked_cummax3A_396 : i32 to vector<16xi32>
        %masked_cummax3A_398 = arith.xori %neg3A_393, %masked_cummax3A_397 : vector<16xi32>
        %masked_cummax3A_399 = tpu.scan <max>, %masked_cummax3A_398 masked %broadcast_in_dim3A_395 : vector<16xi32>, vector<16xi1> -> vector<16xi32>
        %masked_cummax3A_400 = arith.xori %masked_cummax3A_399, %masked_cummax3A_397 : vector<16xi32>
        %neg3A_401 = arith.constant 0 : i32
        %neg3A_402 = vector.broadcast %neg3A_401 : i32 to vector<16xi32>
        %neg3A_403 = arith.subi %neg3A_402, %masked_cummax3A_400 : vector<16xi32>
        %broadcast_in_dim3A_404 = vector.broadcast %reduce_min3A_373 : i32 to vector<16xi32>
        %min3A_405 = arith.minsi %neg3A_403, %broadcast_in_dim3A_404 : vector<16xi32>
        %reduce_min3A_406 = arith.constant true
        %reduce_min3A_407 = vector.broadcast %reduce_min3A_406 : i1 to vector<16xi1>
        %reduce_min3A_408 = arith.constant -2147483648 : i32
        %reduce_min3A_409 = vector.broadcast %reduce_min3A_408 : i32 to vector<16xi32>
        %reduce_min3A_410 = arith.xori %min3A_405, %reduce_min3A_409 : vector<16xi32>
        %reduce_min3A_411 = tpu.scan <min>, %reduce_min3A_410 masked %reduce_min3A_407 : vector<16xi32>, vector<16xi1> -> vector<16xi32>
        %reduce_min3A_412 = arith.xori %reduce_min3A_411, %reduce_min3A_409 : vector<16xi32>
        %reduce_min3A_413 = vector.extract %reduce_min3A_412[15] : i32 from vector<16xi32>
        %rev3A_414 = arith.constant 15 : i32
        %rev3A_415 = vector.broadcast %rev3A_414 : i32 to vector<16xi32>
        %rev3A_416 = tpu.iota {dimensions = array<i32: 0>} : vector<16xi32>
        %rev3A_417 = arith.subi %rev3A_415, %rev3A_416 : vector<16xi32>
        %rev3A_418 = tpu.dynamic_gather %min3A_405[%rev3A_417] in [0] : vector<16xi32>, vector<16xi32> -> vector<16xi32>
        %min3A_419 = arith.constant 9999 : i32
        %min3A_420 = vector.broadcast %min3A_419 : i32 to vector<16xi32>
        %min3A_421 = arith.minsi %rev3A_418, %min3A_420 : vector<16xi32>
        %swap3A_422 = arith.constant 160 : index
        %swap3A_423 = tpu.vector_load %arg10[%swap3A_422] {strides = array<i32>} : memref<256xi32, #tpu.memory_space<vmem>>, vector<16xi32>,
        tpu.vector_store %arg10[%swap3A_422], %min3A_421 {strides = array<i32>} : memref<256xi32, #tpu.memory_space<vmem>>, vector<16xi32>,
        %get3A_424 = arith.constant 144 : index
        %get3A_425 = tpu.vector_load %arg10[%get3A_424] {strides = array<i32>} : memref<256xi32, #tpu.memory_space<vmem>>, vector<16xi32>,
        %rev3A_426 = arith.constant 15 : i32
        %rev3A_427 = vector.broadcast %rev3A_426 : i32 to vector<16xi32>
        %rev3A_428 = tpu.iota {dimensions = array<i32: 0>} : vector<16xi32>
        %rev3A_429 = arith.subi %rev3A_427, %rev3A_428 : vector<16xi32>
        %rev3A_430 = tpu.dynamic_gather %get3A_425[%rev3A_429] in [0] : vector<16xi32>, vector<16xi32> -> vector<16xi32>
        %neg3A_431 = arith.constant 0 : i32
        %neg3A_432 = vector.broadcast %neg3A_431 : i32 to vector<16xi32>
        %neg3A_433 = arith.subi %neg3A_432, %rev3A_430 : vector<16xi32>
        %broadcast_in_dim3A_434 = arith.constant true
        %broadcast_in_dim3A_435 = vector.broadcast %broadcast_in_dim3A_434 : i1 to vector<16xi1>
        %masked_cummax3A_436 = arith.constant -2147483648 : i32
        %masked_cummax3A_437 = vector.broadcast %masked_cummax3A_436 : i32 to vector<16xi32>
        %masked_cummax3A_438 = arith.xori %neg3A_433, %masked_cummax3A_437 : vector<16xi32>
        %masked_cummax3A_439 = tpu.scan <max>, %masked_cummax3A_438 masked %broadcast_in_dim3A_435 : vector<16xi32>, vector<16xi1> -> vector<16xi32>
        %masked_cummax3A_440 = arith.xori %masked_cummax3A_439, %masked_cummax3A_437 : vector<16xi32>
        %neg3A_441 = arith.constant 0 : i32
        %neg3A_442 = vector.broadcast %neg3A_441 : i32 to vector<16xi32>
        %neg3A_443 = arith.subi %neg3A_442, %masked_cummax3A_440 : vector<16xi32>
        %broadcast_in_dim3A_444 = vector.broadcast %reduce_min3A_413 : i32 to vector<16xi32>
        %min3A_445 = arith.minsi %neg3A_443, %broadcast_in_dim3A_444 : vector<16xi32>
        %reduce_min3A_446 = arith.constant true
        %reduce_min3A_447 = vector.broadcast %reduce_min3A_446 : i1 to vector<16xi1>
        %reduce_min3A_448 = arith.constant -2147483648 : i32
        %reduce_min3A_449 = vector.broadcast %reduce_min3A_448 : i32 to vector<16xi32>
        %reduce_min3A_450 = arith.xori %min3A_445, %reduce_min3A_449 : vector<16xi32>
        %reduce_min3A_451 = tpu.scan <min>, %reduce_min3A_450 masked %reduce_min3A_447 : vector<16xi32>, vector<16xi1> -> vector<16xi32>
        %reduce_min3A_452 = arith.xori %reduce_min3A_451, %reduce_min3A_449 : vector<16xi32>
        %reduce_min3A_453 = vector.extract %reduce_min3A_452[15] : i32 from vector<16xi32>
        %rev3A_454 = arith.constant 15 : i32
        %rev3A_455 = vector.broadcast %rev3A_454 : i32 to vector<16xi32>
        %rev3A_456 = tpu.iota {dimensions = array<i32: 0>} : vector<16xi32>
        %rev3A_457 = arith.subi %rev3A_455, %rev3A_456 : vector<16xi32>
        %rev3A_458 = tpu.dynamic_gather %min3A_445[%rev3A_457] in [0] : vector<16xi32>, vector<16xi32> -> vector<16xi32>
        %min3A_459 = arith.constant 9999 : i32
        %min3A_460 = vector.broadcast %min3A_459 : i32 to vector<16xi32>
        %min3A_461 = arith.minsi %rev3A_458, %min3A_460 : vector<16xi32>
        %swap3A_462 = arith.constant 144 : index
        %swap3A_463 = tpu.vector_load %arg10[%swap3A_462] {strides = array<i32>} : memref<256xi32, #tpu.memory_space<vmem>>, vector<16xi32>,
        tpu.vector_store %arg10[%swap3A_462], %min3A_461 {strides = array<i32>} : memref<256xi32, #tpu.memory_space<vmem>>, vector<16xi32>,
        %get3A_464 = arith.constant 128 : index
        %get3A_465 = tpu.vector_load %arg10[%get3A_464] {strides = array<i32>} : memref<256xi32, #tpu.memory_space<vmem>>, vector<16xi32>,
        %rev3A_466 = arith.constant 15 : i32
        %rev3A_467 = vector.broadcast %rev3A_466 : i32 to vector<16xi32>
        %rev3A_468 = tpu.iota {dimensions = array<i32: 0>} : vector<16xi32>
        %rev3A_469 = arith.subi %rev3A_467, %rev3A_468 : vector<16xi32>
        %rev3A_470 = tpu.dynamic_gather %get3A_465[%rev3A_469] in [0] : vector<16xi32>, vector<16xi32> -> vector<16xi32>
        %neg3A_471 = arith.constant 0 : i32
        %neg3A_472 = vector.broadcast %neg3A_471 : i32 to vector<16xi32>
        %neg3A_473 = arith.subi %neg3A_472, %rev3A_470 : vector<16xi32>
        %broadcast_in_dim3A_474 = arith.constant true
        %broadcast_in_dim3A_475 = vector.broadcast %broadcast_in_dim3A_474 : i1 to vector<16xi1>
        %masked_cummax3A_476 = arith.constant -2147483648 : i32
        %masked_cummax3A_477 = vector.broadcast %masked_cummax3A_476 : i32 to vector<16xi32>
        %masked_cummax3A_478 = arith.xori %neg3A_473, %masked_cummax3A_477 : vector<16xi32>
        %masked_cummax3A_479 = tpu.scan <max>, %masked_cummax3A_478 masked %broadcast_in_dim3A_475 : vector<16xi32>, vector<16xi1> -> vector<16xi32>
        %masked_cummax3A_480 = arith.xori %masked_cummax3A_479, %masked_cummax3A_477 : vector<16xi32>
        %neg3A_481 = arith.constant 0 : i32
        %neg3A_482 = vector.broadcast %neg3A_481 : i32 to vector<16xi32>
        %neg3A_483 = arith.subi %neg3A_482, %masked_cummax3A_480 : vector<16xi32>
        %broadcast_in_dim3A_484 = vector.broadcast %reduce_min3A_453 : i32 to vector<16xi32>
        %min3A_485 = arith.minsi %neg3A_483, %broadcast_in_dim3A_484 : vector<16xi32>
        %reduce_min3A_486 = arith.constant true
        %reduce_min3A_487 = vector.broadcast %reduce_min3A_486 : i1 to vector<16xi1>
        %reduce_min3A_488 = arith.constant -2147483648 : i32
        %reduce_min3A_489 = vector.broadcast %reduce_min3A_488 : i32 to vector<16xi32>
        %reduce_min3A_490 = arith.xori %min3A_485, %reduce_min3A_489 : vector<16xi32>
        %reduce_min3A_491 = tpu.scan <min>, %reduce_min3A_490 masked %reduce_min3A_487 : vector<16xi32>, vector<16xi1> -> vector<16xi32>
        %reduce_min3A_492 = arith.xori %reduce_min3A_491, %reduce_min3A_489 : vector<16xi32>
        %reduce_min3A_493 = vector.extract %reduce_min3A_492[15] : i32 from vector<16xi32>
        %rev3A_494 = arith.constant 15 : i32
        %rev3A_495 = vector.broadcast %rev3A_494 : i32 to vector<16xi32>
        %rev3A_496 = tpu.iota {dimensions = array<i32: 0>} : vector<16xi32>
        %rev3A_497 = arith.subi %rev3A_495, %rev3A_496 : vector<16xi32>
        %rev3A_498 = tpu.dynamic_gather %min3A_485[%rev3A_497] in [0] : vector<16xi32>, vector<16xi32> -> vector<16xi32>
        %min3A_499 = arith.constant 9999 : i32
        %min3A_500 = vector.broadcast %min3A_499 : i32 to vector<16xi32>
        %min3A_501 = arith.minsi %rev3A_498, %min3A_500 : vector<16xi32>
        %swap3A_502 = arith.constant 128 : index
        %swap3A_503 = tpu.vector_load %arg10[%swap3A_502] {strides = array<i32>} : memref<256xi32, #tpu.memory_space<vmem>>, vector<16xi32>,
        tpu.vector_store %arg10[%swap3A_502], %min3A_501 {strides = array<i32>} : memref<256xi32, #tpu.memory_space<vmem>>, vector<16xi32>,
        %get3A_504 = arith.constant 112 : index
        %get3A_505 = tpu.vector_load %arg10[%get3A_504] {strides = array<i32>} : memref<256xi32, #tpu.memory_space<vmem>>, vector<16xi32>,
        %rev3A_506 = arith.constant 15 : i32
        %rev3A_507 = vector.broadcast %rev3A_506 : i32 to vector<16xi32>
        %rev3A_508 = tpu.iota {dimensions = array<i32: 0>} : vector<16xi32>
        %rev3A_509 = arith.subi %rev3A_507, %rev3A_508 : vector<16xi32>
        %rev3A_510 = tpu.dynamic_gather %get3A_505[%rev3A_509] in [0] : vector<16xi32>, vector<16xi32> -> vector<16xi32>
        %neg3A_511 = arith.constant 0 : i32
        %neg3A_512 = vector.broadcast %neg3A_511 : i32 to vector<16xi32>
        %neg3A_513 = arith.subi %neg3A_512, %rev3A_510 : vector<16xi32>
        %broadcast_in_dim3A_514 = arith.constant true
        %broadcast_in_dim3A_515 = vector.broadcast %broadcast_in_dim3A_514 : i1 to vector<16xi1>
        %masked_cummax3A_516 = arith.constant -2147483648 : i32
        %masked_cummax3A_517 = vector.broadcast %masked_cummax3A_516 : i32 to vector<16xi32>
        %masked_cummax3A_518 = arith.xori %neg3A_513, %masked_cummax3A_517 : vector<16xi32>
        %masked_cummax3A_519 = tpu.scan <max>, %masked_cummax3A_518 masked %broadcast_in_dim3A_515 : vector<16xi32>, vector<16xi1> -> vector<16xi32>
        %masked_cummax3A_520 = arith.xori %masked_cummax3A_519, %masked_cummax3A_517 : vector<16xi32>
        %neg3A_521 = arith.constant 0 : i32
        %neg3A_522 = vector.broadcast %neg3A_521 : i32 to vector<16xi32>
        %neg3A_523 = arith.subi %neg3A_522, %masked_cummax3A_520 : vector<16xi32>
        %broadcast_in_dim3A_524 = vector.broadcast %reduce_min3A_493 : i32 to vector<16xi32>
        %min3A_525 = arith.minsi %neg3A_523, %broadcast_in_dim3A_524 : vector<16xi32>
        %reduce_min3A_526 = arith.constant true
        %reduce_min3A_527 = vector.broadcast %reduce_min3A_526 : i1 to vector<16xi1>
        %reduce_min3A_528 = arith.constant -2147483648 : i32
        %reduce_min3A_529 = vector.broadcast %reduce_min3A_528 : i32 to vector<16xi32>
        %reduce_min3A_530 = arith.xori %min3A_525, %reduce_min3A_529 : vector<16xi32>
        %reduce_min3A_531 = tpu.scan <min>, %reduce_min3A_530 masked %reduce_min3A_527 : vector<16xi32>, vector<16xi1> -> vector<16xi32>
        %reduce_min3A_532 = arith.xori %reduce_min3A_531, %reduce_min3A_529 : vector<16xi32>
        %reduce_min3A_533 = vector.extract %reduce_min3A_532[15] : i32 from vector<16xi32>
        %rev3A_534 = arith.constant 15 : i32
        %rev3A_535 = vector.broadcast %rev3A_534 : i32 to vector<16xi32>
        %rev3A_536 = tpu.iota {dimensions = array<i32: 0>} : vector<16xi32>
        %rev3A_537 = arith.subi %rev3A_535, %rev3A_536 : vector<16xi32>
        %rev3A_538 = tpu.dynamic_gather %min3A_525[%rev3A_537] in [0] : vector<16xi32>, vector<16xi32> -> vector<16xi32>
        %min3A_539 = arith.constant 9999 : i32
        %min3A_540 = vector.broadcast %min3A_539 : i32 to vector<16xi32>
        %min3A_541 = arith.minsi %rev3A_538, %min3A_540 : vector<16xi32>
        %swap3A_542 = arith.constant 112 : index
        %swap3A_543 = tpu.vector_load %arg10[%swap3A_542] {strides = array<i32>} : memref<256xi32, #tpu.memory_space<vmem>>, vector<16xi32>,
        tpu.vector_store %arg10[%swap3A_542], %min3A_541 {strides = array<i32>} : memref<256xi32, #tpu.memory_space<vmem>>, vector<16xi32>,
        %get3A_544 = arith.constant 96 : index
        %get3A_545 = tpu.vector_load %arg10[%get3A_544] {strides = array<i32>} : memref<256xi32, #tpu.memory_space<vmem>>, vector<16xi32>,
        %rev3A_546 = arith.constant 15 : i32
        %rev3A_547 = vector.broadcast %rev3A_546 : i32 to vector<16xi32>
        %rev3A_548 = tpu.iota {dimensions = array<i32: 0>} : vector<16xi32>
        %rev3A_549 = arith.subi %rev3A_547, %rev3A_548 : vector<16xi32>
        %rev3A_550 = tpu.dynamic_gather %get3A_545[%rev3A_549] in [0] : vector<16xi32>, vector<16xi32> -> vector<16xi32>
        %neg3A_551 = arith.constant 0 : i32
        %neg3A_552 = vector.broadcast %neg3A_551 : i32 to vector<16xi32>
        %neg3A_553 = arith.subi %neg3A_552, %rev3A_550 : vector<16xi32>
        %broadcast_in_dim3A_554 = arith.constant true
        %broadcast_in_dim3A_555 = vector.broadcast %broadcast_in_dim3A_554 : i1 to vector<16xi1>
        %masked_cummax3A_556 = arith.constant -2147483648 : i32
        %masked_cummax3A_557 = vector.broadcast %masked_cummax3A_556 : i32 to vector<16xi32>
        %masked_cummax3A_558 = arith.xori %neg3A_553, %masked_cummax3A_557 : vector<16xi32>
        %masked_cummax3A_559 = tpu.scan <max>, %masked_cummax3A_558 masked %broadcast_in_dim3A_555 : vector<16xi32>, vector<16xi1> -> vector<16xi32>
        %masked_cummax3A_560 = arith.xori %masked_cummax3A_559, %masked_cummax3A_557 : vector<16xi32>
        %neg3A_561 = arith.constant 0 : i32
        %neg3A_562 = vector.broadcast %neg3A_561 : i32 to vector<16xi32>
        %neg3A_563 = arith.subi %neg3A_562, %masked_cummax3A_560 : vector<16xi32>
        %broadcast_in_dim3A_564 = vector.broadcast %reduce_min3A_533 : i32 to vector<16xi32>
        %min3A_565 = arith.minsi %neg3A_563, %broadcast_in_dim3A_564 : vector<16xi32>
        %reduce_min3A_566 = arith.constant true
        %reduce_min3A_567 = vector.broadcast %reduce_min3A_566 : i1 to vector<16xi1>
        %reduce_min3A_568 = arith.constant -2147483648 : i32
        %reduce_min3A_569 = vector.broadcast %reduce_min3A_568 : i32 to vector<16xi32>
        %reduce_min3A_570 = arith.xori %min3A_565, %reduce_min3A_569 : vector<16xi32>
        %reduce_min3A_571 = tpu.scan <min>, %reduce_min3A_570 masked %reduce_min3A_567 : vector<16xi32>, vector<16xi1> -> vector<16xi32>
        %reduce_min3A_572 = arith.xori %reduce_min3A_571, %reduce_min3A_569 : vector<16xi32>
        %reduce_min3A_573 = vector.extract %reduce_min3A_572[15] : i32 from vector<16xi32>
        %rev3A_574 = arith.constant 15 : i32
        %rev3A_575 = vector.broadcast %rev3A_574 : i32 to vector<16xi32>
        %rev3A_576 = tpu.iota {dimensions = array<i32: 0>} : vector<16xi32>
        %rev3A_577 = arith.subi %rev3A_575, %rev3A_576 : vector<16xi32>
        %rev3A_578 = tpu.dynamic_gather %min3A_565[%rev3A_577] in [0] : vector<16xi32>, vector<16xi32> -> vector<16xi32>
        %min3A_579 = arith.constant 9999 : i32
        %min3A_580 = vector.broadcast %min3A_579 : i32 to vector<16xi32>
        %min3A_581 = arith.minsi %rev3A_578, %min3A_580 : vector<16xi32>
        %swap3A_582 = arith.constant 96 : index
        %swap3A_583 = tpu.vector_load %arg10[%swap3A_582] {strides = array<i32>} : memref<256xi32, #tpu.memory_space<vmem>>, vector<16xi32>,
        tpu.vector_store %arg10[%swap3A_582], %min3A_581 {strides = array<i32>} : memref<256xi32, #tpu.memory_space<vmem>>, vector<16xi32>,
        %get3A_584 = arith.constant 80 : index
        %get3A_585 = tpu.vector_load %arg10[%get3A_584] {strides = array<i32>} : memref<256xi32, #tpu.memory_space<vmem>>, vector<16xi32>,
        %rev3A_586 = arith.constant 15 : i32
        %rev3A_587 = vector.broadcast %rev3A_586 : i32 to vector<16xi32>
        %rev3A_588 = tpu.iota {dimensions = array<i32: 0>} : vector<16xi32>
        %rev3A_589 = arith.subi %rev3A_587, %rev3A_588 : vector<16xi32>
        %rev3A_590 = tpu.dynamic_gather %get3A_585[%rev3A_589] in [0] : vector<16xi32>, vector<16xi32> -> vector<16xi32>
        %neg3A_591 = arith.constant 0 : i32
        %neg3A_592 = vector.broadcast %neg3A_591 : i32 to vector<16xi32>
        %neg3A_593 = arith.subi %neg3A_592, %rev3A_590 : vector<16xi32>
        %broadcast_in_dim3A_594 = arith.constant true
        %broadcast_in_dim3A_595 = vector.broadcast %broadcast_in_dim3A_594 : i1 to vector<16xi1>
        %masked_cummax3A_596 = arith.constant -2147483648 : i32
        %masked_cummax3A_597 = vector.broadcast %masked_cummax3A_596 : i32 to vector<16xi32>
        %masked_cummax3A_598 = arith.xori %neg3A_593, %masked_cummax3A_597 : vector<16xi32>
        %masked_cummax3A_599 = tpu.scan <max>, %masked_cummax3A_598 masked %broadcast_in_dim3A_595 : vector<16xi32>, vector<16xi1> -> vector<16xi32>
        %masked_cummax3A_600 = arith.xori %masked_cummax3A_599, %masked_cummax3A_597 : vector<16xi32>
        %neg3A_601 = arith.constant 0 : i32
        %neg3A_602 = vector.broadcast %neg3A_601 : i32 to vector<16xi32>
        %neg3A_603 = arith.subi %neg3A_602, %masked_cummax3A_600 : vector<16xi32>
        %broadcast_in_dim3A_604 = vector.broadcast %reduce_min3A_573 : i32 to vector<16xi32>
        %min3A_605 = arith.minsi %neg3A_603, %broadcast_in_dim3A_604 : vector<16xi32>
        %reduce_min3A_606 = arith.constant true
        %reduce_min3A_607 = vector.broadcast %reduce_min3A_606 : i1 to vector<16xi1>
        %reduce_min3A_608 = arith.constant -2147483648 : i32
        %reduce_min3A_609 = vector.broadcast %reduce_min3A_608 : i32 to vector<16xi32>
        %reduce_min3A_610 = arith.xori %min3A_605, %reduce_min3A_609 : vector<16xi32>
        %reduce_min3A_611 = tpu.scan <min>, %reduce_min3A_610 masked %reduce_min3A_607 : vector<16xi32>, vector<16xi1> -> vector<16xi32>
        %reduce_min3A_612 = arith.xori %reduce_min3A_611, %reduce_min3A_609 : vector<16xi32>
        %reduce_min3A_613 = vector.extract %reduce_min3A_612[15] : i32 from vector<16xi32>
        %rev3A_614 = arith.constant 15 : i32
        %rev3A_615 = vector.broadcast %rev3A_614 : i32 to vector<16xi32>
        %rev3A_616 = tpu.iota {dimensions = array<i32: 0>} : vector<16xi32>
        %rev3A_617 = arith.subi %rev3A_615, %rev3A_616 : vector<16xi32>
        %rev3A_618 = tpu.dynamic_gather %min3A_605[%rev3A_617] in [0] : vector<16xi32>, vector<16xi32> -> vector<16xi32>
        %min3A_619 = arith.constant 9999 : i32
        %min3A_620 = vector.broadcast %min3A_619 : i32 to vector<16xi32>
        %min3A_621 = arith.minsi %rev3A_618, %min3A_620 : vector<16xi32>
        %swap3A_622 = arith.constant 80 : index
        %swap3A_623 = tpu.vector_load %arg10[%swap3A_622] {strides = array<i32>} : memref<256xi32, #tpu.memory_space<vmem>>, vector<16xi32>,
        tpu.vector_store %arg10[%swap3A_622], %min3A_621 {strides = array<i32>} : memref<256xi32, #tpu.memory_space<vmem>>, vector<16xi32>,
        %get3A_624 = arith.constant 64 : index
        %get3A_625 = tpu.vector_load %arg10[%get3A_624] {strides = array<i32>} : memref<256xi32, #tpu.memory_space<vmem>>, vector<16xi32>,
        %rev3A_626 = arith.constant 15 : i32
        %rev3A_627 = vector.broadcast %rev3A_626 : i32 to vector<16xi32>
        %rev3A_628 = tpu.iota {dimensions = array<i32: 0>} : vector<16xi32>
        %rev3A_629 = arith.subi %rev3A_627, %rev3A_628 : vector<16xi32>
        %rev3A_630 = tpu.dynamic_gather %get3A_625[%rev3A_629] in [0] : vector<16xi32>, vector<16xi32> -> vector<16xi32>
        %neg3A_631 = arith.constant 0 : i32
        %neg3A_632 = vector.broadcast %neg3A_631 : i32 to vector<16xi32>
        %neg3A_633 = arith.subi %neg3A_632, %rev3A_630 : vector<16xi32>
        %broadcast_in_dim3A_634 = arith.constant true
        %broadcast_in_dim3A_635 = vector.broadcast %broadcast_in_dim3A_634 : i1 to vector<16xi1>
        %masked_cummax3A_636 = arith.constant -2147483648 : i32
        %masked_cummax3A_637 = vector.broadcast %masked_cummax3A_636 : i32 to vector<16xi32>
        %masked_cummax3A_638 = arith.xori %neg3A_633, %masked_cummax3A_637 : vector<16xi32>
        %masked_cummax3A_639 = tpu.scan <max>, %masked_cummax3A_638 masked %broadcast_in_dim3A_635 : vector<16xi32>, vector<16xi1> -> vector<16xi32>
        %masked_cummax3A_640 = arith.xori %masked_cummax3A_639, %masked_cummax3A_637 : vector<16xi32>
        %neg3A_641 = arith.constant 0 : i32
        %neg3A_642 = vector.broadcast %neg3A_641 : i32 to vector<16xi32>
        %neg3A_643 = arith.subi %neg3A_642, %masked_cummax3A_640 : vector<16xi32>
        %broadcast_in_dim3A_644 = vector.broadcast %reduce_min3A_613 : i32 to vector<16xi32>
        %min3A_645 = arith.minsi %neg3A_643, %broadcast_in_dim3A_644 : vector<16xi32>
        %reduce_min3A_646 = arith.constant true
        %reduce_min3A_647 = vector.broadcast %reduce_min3A_646 : i1 to vector<16xi1>
        %reduce_min3A_648 = arith.constant -2147483648 : i32
        %reduce_min3A_649 = vector.broadcast %reduce_min3A_648 : i32 to vector<16xi32>
        %reduce_min3A_650 = arith.xori %min3A_645, %reduce_min3A_649 : vector<16xi32>
        %reduce_min3A_651 = tpu.scan <min>, %reduce_min3A_650 masked %reduce_min3A_647 : vector<16xi32>, vector<16xi1> -> vector<16xi32>
        %reduce_min3A_652 = arith.xori %reduce_min3A_651, %reduce_min3A_649 : vector<16xi32>
        %reduce_min3A_653 = vector.extract %reduce_min3A_652[15] : i32 from vector<16xi32>
        %rev3A_654 = arith.constant 15 : i32
        %rev3A_655 = vector.broadcast %rev3A_654 : i32 to vector<16xi32>
        %rev3A_656 = tpu.iota {dimensions = array<i32: 0>} : vector<16xi32>
        %rev3A_657 = arith.subi %rev3A_655, %rev3A_656 : vector<16xi32>
        %rev3A_658 = tpu.dynamic_gather %min3A_645[%rev3A_657] in [0] : vector<16xi32>, vector<16xi32> -> vector<16xi32>
        %min3A_659 = arith.constant 9999 : i32
        %min3A_660 = vector.broadcast %min3A_659 : i32 to vector<16xi32>
        %min3A_661 = arith.minsi %rev3A_658, %min3A_660 : vector<16xi32>
        %swap3A_662 = arith.constant 64 : index
        %swap3A_663 = tpu.vector_load %arg10[%swap3A_662] {strides = array<i32>} : memref<256xi32, #tpu.memory_space<vmem>>, vector<16xi32>,
        tpu.vector_store %arg10[%swap3A_662], %min3A_661 {strides = array<i32>} : memref<256xi32, #tpu.memory_space<vmem>>, vector<16xi32>,
        %get3A_664 = arith.constant 48 : index
        %get3A_665 = tpu.vector_load %arg10[%get3A_664] {strides = array<i32>} : memref<256xi32, #tpu.memory_space<vmem>>, vector<16xi32>,
        %rev3A_666 = arith.constant 15 : i32
        %rev3A_667 = vector.broadcast %rev3A_666 : i32 to vector<16xi32>
        %rev3A_668 = tpu.iota {dimensions = array<i32: 0>} : vector<16xi32>
        %rev3A_669 = arith.subi %rev3A_667, %rev3A_668 : vector<16xi32>
        %rev3A_670 = tpu.dynamic_gather %get3A_665[%rev3A_669] in [0] : vector<16xi32>, vector<16xi32> -> vector<16xi32>
        %neg3A_671 = arith.constant 0 : i32
        %neg3A_672 = vector.broadcast %neg3A_671 : i32 to vector<16xi32>
        %neg3A_673 = arith.subi %neg3A_672, %rev3A_670 : vector<16xi32>
        %broadcast_in_dim3A_674 = arith.constant true
        %broadcast_in_dim3A_675 = vector.broadcast %broadcast_in_dim3A_674 : i1 to vector<16xi1>
        %masked_cummax3A_676 = arith.constant -2147483648 : i32
        %masked_cummax3A_677 = vector.broadcast %masked_cummax3A_676 : i32 to vector<16xi32>
        %masked_cummax3A_678 = arith.xori %neg3A_673, %masked_cummax3A_677 : vector<16xi32>
        %masked_cummax3A_679 = tpu.scan <max>, %masked_cummax3A_678 masked %broadcast_in_dim3A_675 : vector<16xi32>, vector<16xi1> -> vector<16xi32>
        %masked_cummax3A_680 = arith.xori %masked_cummax3A_679, %masked_cummax3A_677 : vector<16xi32>
        %neg3A_681 = arith.constant 0 : i32
        %neg3A_682 = vector.broadcast %neg3A_681 : i32 to vector<16xi32>
        %neg3A_683 = arith.subi %neg3A_682, %masked_cummax3A_680 : vector<16xi32>
        %broadcast_in_dim3A_684 = vector.broadcast %reduce_min3A_653 : i32 to vector<16xi32>
        %min3A_685 = arith.minsi %neg3A_683, %broadcast_in_dim3A_684 : vector<16xi32>
        %reduce_min3A_686 = arith.constant true
        %reduce_min3A_687 = vector.broadcast %reduce_min3A_686 : i1 to vector<16xi1>
        %reduce_min3A_688 = arith.constant -2147483648 : i32
        %reduce_min3A_689 = vector.broadcast %reduce_min3A_688 : i32 to vector<16xi32>
        %reduce_min3A_690 = arith.xori %min3A_685, %reduce_min3A_689 : vector<16xi32>
        %reduce_min3A_691 = tpu.scan <min>, %reduce_min3A_690 masked %reduce_min3A_687 : vector<16xi32>, vector<16xi1> -> vector<16xi32>
        %reduce_min3A_692 = arith.xori %reduce_min3A_691, %reduce_min3A_689 : vector<16xi32>
        %reduce_min3A_693 = vector.extract %reduce_min3A_692[15] : i32 from vector<16xi32>
        %rev3A_694 = arith.constant 15 : i32
        %rev3A_695 = vector.broadcast %rev3A_694 : i32 to vector<16xi32>
        %rev3A_696 = tpu.iota {dimensions = array<i32: 0>} : vector<16xi32>
        %rev3A_697 = arith.subi %rev3A_695, %rev3A_696 : vector<16xi32>
        %rev3A_698 = tpu.dynamic_gather %min3A_685[%rev3A_697] in [0] : vector<16xi32>, vector<16xi32> -> vector<16xi32>
        %min3A_699 = arith.constant 9999 : i32
        %min3A_700 = vector.broadcast %min3A_699 : i32 to vector<16xi32>
        %min3A_701 = arith.minsi %rev3A_698, %min3A_700 : vector<16xi32>
        %swap3A_702 = arith.constant 48 : index
        %swap3A_703 = tpu.vector_load %arg10[%swap3A_702] {strides = array<i32>} : memref<256xi32, #tpu.memory_space<vmem>>, vector<16xi32>,
        tpu.vector_store %arg10[%swap3A_702], %min3A_701 {strides = array<i32>} : memref<256xi32, #tpu.memory_space<vmem>>, vector<16xi32>,
        %get3A_704 = arith.constant 32 : index
        %get3A_705 = tpu.vector_load %arg10[%get3A_704] {strides = array<i32>} : memref<256xi32, #tpu.memory_space<vmem>>, vector<16xi32>,
        %rev3A_706 = arith.constant 15 : i32
        %rev3A_707 = vector.broadcast %rev3A_706 : i32 to vector<16xi32>
        %rev3A_708 = tpu.iota {dimensions = array<i32: 0>} : vector<16xi32>
        %rev3A_709 = arith.subi %rev3A_707, %rev3A_708 : vector<16xi32>
        %rev3A_710 = tpu.dynamic_gather %get3A_705[%rev3A_709] in [0] : vector<16xi32>, vector<16xi32> -> vector<16xi32>
        %neg3A_711 = arith.constant 0 : i32
        %neg3A_712 = vector.broadcast %neg3A_711 : i32 to vector<16xi32>
        %neg3A_713 = arith.subi %neg3A_712, %rev3A_710 : vector<16xi32>
        %broadcast_in_dim3A_714 = arith.constant true
        %broadcast_in_dim3A_715 = vector.broadcast %broadcast_in_dim3A_714 : i1 to vector<16xi1>
        %masked_cummax3A_716 = arith.constant -2147483648 : i32
        %masked_cummax3A_717 = vector.broadcast %masked_cummax3A_716 : i32 to vector<16xi32>
        %masked_cummax3A_718 = arith.xori %neg3A_713, %masked_cummax3A_717 : vector<16xi32>
        %masked_cummax3A_719 = tpu.scan <max>, %masked_cummax3A_718 masked %broadcast_in_dim3A_715 : vector<16xi32>, vector<16xi1> -> vector<16xi32>
        %masked_cummax3A_720 = arith.xori %masked_cummax3A_719, %masked_cummax3A_717 : vector<16xi32>
        %neg3A_721 = arith.constant 0 : i32
        %neg3A_722 = vector.broadcast %neg3A_721 : i32 to vector<16xi32>
        %neg3A_723 = arith.subi %neg3A_722, %masked_cummax3A_720 : vector<16xi32>
        %broadcast_in_dim3A_724 = vector.broadcast %reduce_min3A_693 : i32 to vector<16xi32>
        %min3A_725 = arith.minsi %neg3A_723, %broadcast_in_dim3A_724 : vector<16xi32>
        %reduce_min3A_726 = arith.constant true
        %reduce_min3A_727 = vector.broadcast %reduce_min3A_726 : i1 to vector<16xi1>
        %reduce_min3A_728 = arith.constant -2147483648 : i32
        %reduce_min3A_729 = vector.broadcast %reduce_min3A_728 : i32 to vector<16xi32>
        %reduce_min3A_730 = arith.xori %min3A_725, %reduce_min3A_729 : vector<16xi32>
        %reduce_min3A_731 = tpu.scan <min>, %reduce_min3A_730 masked %reduce_min3A_727 : vector<16xi32>, vector<16xi1> -> vector<16xi32>
        %reduce_min3A_732 = arith.xori %reduce_min3A_731, %reduce_min3A_729 : vector<16xi32>
        %reduce_min3A_733 = vector.extract %reduce_min3A_732[15] : i32 from vector<16xi32>
        %rev3A_734 = arith.constant 15 : i32
        %rev3A_735 = vector.broadcast %rev3A_734 : i32 to vector<16xi32>
        %rev3A_736 = tpu.iota {dimensions = array<i32: 0>} : vector<16xi32>
        %rev3A_737 = arith.subi %rev3A_735, %rev3A_736 : vector<16xi32>
        %rev3A_738 = tpu.dynamic_gather %min3A_725[%rev3A_737] in [0] : vector<16xi32>, vector<16xi32> -> vector<16xi32>
        %min3A_739 = arith.constant 9999 : i32
        %min3A_740 = vector.broadcast %min3A_739 : i32 to vector<16xi32>
        %min3A_741 = arith.minsi %rev3A_738, %min3A_740 : vector<16xi32>
        %swap3A_742 = arith.constant 32 : index
        %swap3A_743 = tpu.vector_load %arg10[%swap3A_742] {strides = array<i32>} : memref<256xi32, #tpu.memory_space<vmem>>, vector<16xi32>,
        tpu.vector_store %arg10[%swap3A_742], %min3A_741 {strides = array<i32>} : memref<256xi32, #tpu.memory_space<vmem>>, vector<16xi32>,
        %get3A_744 = arith.constant 16 : index
        %get3A_745 = tpu.vector_load %arg10[%get3A_744] {strides = array<i32>} : memref<256xi32, #tpu.memory_space<vmem>>, vector<16xi32>,
        %rev3A_746 = arith.constant 15 : i32
        %rev3A_747 = vector.broadcast %rev3A_746 : i32 to vector<16xi32>
        %rev3A_748 = tpu.iota {dimensions = array<i32: 0>} : vector<16xi32>
        %rev3A_749 = arith.subi %rev3A_747, %rev3A_748 : vector<16xi32>
        %rev3A_750 = tpu.dynamic_gather %get3A_745[%rev3A_749] in [0] : vector<16xi32>, vector<16xi32> -> vector<16xi32>
        %neg3A_751 = arith.constant 0 : i32
        %neg3A_752 = vector.broadcast %neg3A_751 : i32 to vector<16xi32>
        %neg3A_753 = arith.subi %neg3A_752, %rev3A_750 : vector<16xi32>
        %broadcast_in_dim3A_754 = arith.constant true
        %broadcast_in_dim3A_755 = vector.broadcast %broadcast_in_dim3A_754 : i1 to vector<16xi1>
        %masked_cummax3A_756 = arith.constant -2147483648 : i32
        %masked_cummax3A_757 = vector.broadcast %masked_cummax3A_756 : i32 to vector<16xi32>
        %masked_cummax3A_758 = arith.xori %neg3A_753, %masked_cummax3A_757 : vector<16xi32>
        %masked_cummax3A_759 = tpu.scan <max>, %masked_cummax3A_758 masked %broadcast_in_dim3A_755 : vector<16xi32>, vector<16xi1> -> vector<16xi32>
        %masked_cummax3A_760 = arith.xori %masked_cummax3A_759, %masked_cummax3A_757 : vector<16xi32>
        %neg3A_761 = arith.constant 0 : i32
        %neg3A_762 = vector.broadcast %neg3A_761 : i32 to vector<16xi32>
        %neg3A_763 = arith.subi %neg3A_762, %masked_cummax3A_760 : vector<16xi32>
        %broadcast_in_dim3A_764 = vector.broadcast %reduce_min3A_733 : i32 to vector<16xi32>
        %min3A_765 = arith.minsi %neg3A_763, %broadcast_in_dim3A_764 : vector<16xi32>
        %reduce_min3A_766 = arith.constant true
        %reduce_min3A_767 = vector.broadcast %reduce_min3A_766 : i1 to vector<16xi1>
        %reduce_min3A_768 = arith.constant -2147483648 : i32
        %reduce_min3A_769 = vector.broadcast %reduce_min3A_768 : i32 to vector<16xi32>
        %reduce_min3A_770 = arith.xori %min3A_765, %reduce_min3A_769 : vector<16xi32>
        %reduce_min3A_771 = tpu.scan <min>, %reduce_min3A_770 masked %reduce_min3A_767 : vector<16xi32>, vector<16xi1> -> vector<16xi32>
        %reduce_min3A_772 = arith.xori %reduce_min3A_771, %reduce_min3A_769 : vector<16xi32>
        %reduce_min3A_773 = vector.extract %reduce_min3A_772[15] : i32 from vector<16xi32>
        %rev3A_774 = arith.constant 15 : i32
        %rev3A_775 = vector.broadcast %rev3A_774 : i32 to vector<16xi32>
        %rev3A_776 = tpu.iota {dimensions = array<i32: 0>} : vector<16xi32>
        %rev3A_777 = arith.subi %rev3A_775, %rev3A_776 : vector<16xi32>
        %rev3A_778 = tpu.dynamic_gather %min3A_765[%rev3A_777] in [0] : vector<16xi32>, vector<16xi32> -> vector<16xi32>
        %min3A_779 = arith.constant 9999 : i32
        %min3A_780 = vector.broadcast %min3A_779 : i32 to vector<16xi32>
        %min3A_781 = arith.minsi %rev3A_778, %min3A_780 : vector<16xi32>
        %swap3A_782 = arith.constant 16 : index
        %swap3A_783 = tpu.vector_load %arg10[%swap3A_782] {strides = array<i32>} : memref<256xi32, #tpu.memory_space<vmem>>, vector<16xi32>,
        tpu.vector_store %arg10[%swap3A_782], %min3A_781 {strides = array<i32>} : memref<256xi32, #tpu.memory_space<vmem>>, vector<16xi32>,
        %get3A_784 = arith.constant 0 : index
        %get3A_785 = tpu.vector_load %arg10[%get3A_784] {strides = array<i32>} : memref<256xi32, #tpu.memory_space<vmem>>, vector<16xi32>,
        %rev3A_786 = arith.constant 15 : i32
        %rev3A_787 = vector.broadcast %rev3A_786 : i32 to vector<16xi32>
        %rev3A_788 = tpu.iota {dimensions = array<i32: 0>} : vector<16xi32>
        %rev3A_789 = arith.subi %rev3A_787, %rev3A_788 : vector<16xi32>
        %rev3A_790 = tpu.dynamic_gather %get3A_785[%rev3A_789] in [0] : vector<16xi32>, vector<16xi32> -> vector<16xi32>
        %neg3A_791 = arith.constant 0 : i32
        %neg3A_792 = vector.broadcast %neg3A_791 : i32 to vector<16xi32>
        %neg3A_793 = arith.subi %neg3A_792, %rev3A_790 : vector<16xi32>
        %broadcast_in_dim3A_794 = arith.constant true
        %broadcast_in_dim3A_795 = vector.broadcast %broadcast_in_dim3A_794 : i1 to vector<16xi1>
        %masked_cummax3A_796 = arith.constant -2147483648 : i32
        %masked_cummax3A_797 = vector.broadcast %masked_cummax3A_796 : i32 to vector<16xi32>
        %masked_cummax3A_798 = arith.xori %neg3A_793, %masked_cummax3A_797 : vector<16xi32>
        %masked_cummax3A_799 = tpu.scan <max>, %masked_cummax3A_798 masked %broadcast_in_dim3A_795 : vector<16xi32>, vector<16xi1> -> vector<16xi32>
        %masked_cummax3A_800 = arith.xori %masked_cummax3A_799, %masked_cummax3A_797 : vector<16xi32>
        %neg3A_801 = arith.constant 0 : i32
        %neg3A_802 = vector.broadcast %neg3A_801 : i32 to vector<16xi32>
        %neg3A_803 = arith.subi %neg3A_802, %masked_cummax3A_800 : vector<16xi32>
        %broadcast_in_dim3A_804 = vector.broadcast %reduce_min3A_773 : i32 to vector<16xi32>
        %min3A_805 = arith.minsi %neg3A_803, %broadcast_in_dim3A_804 : vector<16xi32>
        %reduce_min3A_806 = arith.constant true
        %reduce_min3A_807 = vector.broadcast %reduce_min3A_806 : i1 to vector<16xi1>
        %reduce_min3A_808 = arith.constant -2147483648 : i32
        %reduce_min3A_809 = vector.broadcast %reduce_min3A_808 : i32 to vector<16xi32>
        %reduce_min3A_810 = arith.xori %min3A_805, %reduce_min3A_809 : vector<16xi32>
        %reduce_min3A_811 = tpu.scan <min>, %reduce_min3A_810 masked %reduce_min3A_807 : vector<16xi32>, vector<16xi1> -> vector<16xi32>
        %reduce_min3A_812 = arith.xori %reduce_min3A_811, %reduce_min3A_809 : vector<16xi32>
        %reduce_min3A_813 = vector.extract %reduce_min3A_812[15] : i32 from vector<16xi32>
        %rev3A_814 = arith.constant 15 : i32
        %rev3A_815 = vector.broadcast %rev3A_814 : i32 to vector<16xi32>
        %rev3A_816 = tpu.iota {dimensions = array<i32: 0>} : vector<16xi32>
        %rev3A_817 = arith.subi %rev3A_815, %rev3A_816 : vector<16xi32>
        %rev3A_818 = tpu.dynamic_gather %min3A_805[%rev3A_817] in [0] : vector<16xi32>, vector<16xi32> -> vector<16xi32>
        %min3A_819 = arith.constant 9999 : i32
        %min3A_820 = vector.broadcast %min3A_819 : i32 to vector<16xi32>
        %min3A_821 = arith.minsi %rev3A_818, %min3A_820 : vector<16xi32>
        %swap3A_822 = arith.constant 0 : index
        %swap3A_823 = tpu.vector_load %arg10[%swap3A_822] {strides = array<i32>} : memref<256xi32, #tpu.memory_space<vmem>>, vector<16xi32>,
        tpu.vector_store %arg10[%swap3A_822], %min3A_821 {strides = array<i32>} : memref<256xi32, #tpu.memory_space<vmem>>, vector<16xi32>,
        %scan3A_824 = arith.constant 0 : i32
        %scan3A_825 = arith.constant 640 : i32
        %scan3A_826 = arith.addi %scan3A_824, %scan3A_825 : i32
        %scan3A_827 = arith.constant 1 : i32
        scf.for %scan3A_834 = %scan3A_824 to %scan3A_826 step %scan3A_827  : i32 {
          %mul3A_835 = arith.constant 1 : i32
          %mul3A_836 = arith.muli %scan3A_834, %mul3A_835 : i32
          %add3A_837 = arith.constant 0 : i32
          %add3A_838 = arith.addi %add3A_837, %mul3A_836 : i32
          %broadcast_in_dim3A_839 = arith.constant -1 : i32
          %broadcast_in_dim3A_840 = vector.broadcast %broadcast_in_dim3A_839 : i32 to vector<16xi32>
          %mul3A_841 = arith.constant 16 : i32
          %mul3A_842 = arith.muli %add3A_838, %mul3A_841 : i32
          %swap3A_843 = arith.index_cast %mul3A_842 : i32 to index
          %swap3A_844 = tpu.vector_load %arg33[%swap3A_843] {strides = array<i32>} : memref<10240xi32, #tpu.memory_space<vmem>>, vector<16xi32>,
          tpu.vector_store %arg33[%swap3A_843], %broadcast_in_dim3A_840 {strides = array<i32>} : memref<10240xi32, #tpu.memory_space<vmem>>, vector<16xi32>,
        }
        %scan3A_828 = arith.constant 640 : i32
        %scan3A_829 = arith.constant 0 : i32
        %scan3A_830 = arith.constant 16 : i32
        %scan3A_831 = arith.addi %scan3A_829, %scan3A_830 : i32
        %scan3A_832 = arith.constant 1 : i32
        scf.for %scan3A_834 = %scan3A_829 to %scan3A_831 step %scan3A_832  : i32 {
          %mul3A_835 = arith.constant 1 : i32
          %mul3A_836 = arith.muli %scan3A_834, %mul3A_835 : i32
          %add3A_837 = arith.constant 0 : i32
          %add3A_838 = arith.addi %add3A_837, %mul3A_836 : i32
          %iota3A = tpu.iota {dimensions = array<i32: 0>} : vector<16xi32>
          %mul3A_839 = arith.constant 16 : i32
          %mul3A_840 = arith.muli %add3A_838, %mul3A_839 : i32
          %add3A_841 = vector.broadcast %mul3A_840 : i32 to vector<16xi32>
          %add3A_842 = arith.addi %iota3A, %add3A_841 : vector<16xi32>
          %mul3A_843 = arith.constant 16 : i32
          %mul3A_844 = arith.muli %add3A_838, %mul3A_843 : i32
          %get3A_845 = arith.index_cast %mul3A_844 : i32 to index
          %get3A_846 = tpu.vector_load %arg10[%get3A_845] {strides = array<i32>} : memref<256xi32, #tpu.memory_space<vmem>>, vector<16xi32>,
          %sub3A_847 = arith.constant 1 : i32
          %sub3A_848 = vector.broadcast %sub3A_847 : i32 to vector<16xi32>
          %sub3A_849 = arith.subi %add3A_842, %sub3A_848 : vector<16xi32>
          %max3A = arith.constant 0 : i32
          %max3A_850 = vector.broadcast %max3A : i32 to vector<16xi32>
          %max3A_851 = arith.maxsi %sub3A_849, %max3A_850 : vector<16xi32>
          %gather3A = tpu.vector_load_idx %arg10[%max3A_851] : memref<256xi32, #tpu.memory_space<vmem>>[vector<16xi32>], vector<16xi32>,
          %ne3A_852 = arith.cmpi ne, %get3A_846, %gather3A : vector<16xi32>
          %eq3A_853 = arith.constant 0 : i32
          %eq3A_854 = vector.broadcast %eq3A_853 : i32 to vector<16xi32>
          %eq3A_855 = arith.cmpi eq, %add3A_842, %eq3A_854 : vector<16xi32>
          %or3A = arith.ori %ne3A_852, %eq3A_855 : vector<16xi1>
          tpu.vector_store_idx %arg33[%get3A_846], %add3A_842 masked %or3A : memref<10240xi32, #tpu.memory_space<vmem>>[vector<16xi32>], vector<16xi32>, vector<16xi1>
        }
        %scan3A_833 = arith.constant 16 : i32
        "tpu.region"() ({
          %run_scoped3A_834 = tpu.sem_alloc : memref<!tpu.dma_semaphore, #tpu.memory_space<semaphore_mem>>
          tpu.enqueue_dma source(%arg33 : memref<10240xi32, #tpu.memory_space<vmem>>) target(%arg32 : memref<10240xi32, #tpu.memory_space<vmem_shared>>) target_semaphore(%run_scoped3A_834 : memref<!tpu.dma_semaphore, #tpu.memory_space<semaphore_mem>>)
          tpu.wait_dma2 semaphore(%run_scoped3A_834 : memref<!tpu.dma_semaphore, #tpu.memory_space<semaphore_mem>>) src(%arg33 : memref<10240xi32, #tpu.memory_space<vmem>>) dst(%arg32 : memref<10240xi32, #tpu.memory_space<vmem_shared>>)
          tpu.yield
        }) : () -> ()
      } else {
      }
      %barrier3A_135 = arith.constant 0 : index
      tpu.barrier barrier_id(%barrier3A_135)
      "tpu.region"() ({
        %run_scoped3A_178 = tpu.sem_alloc : memref<!tpu.dma_semaphore, #tpu.memory_space<semaphore_mem>>
        tpu.enqueue_dma source(%arg32 : memref<10240xi32, #tpu.memory_space<vmem_shared>>) target(%arg33 : memref<10240xi32, #tpu.memory_space<vmem>>) target_semaphore(%run_scoped3A_178 : memref<!tpu.dma_semaphore, #tpu.memory_space<semaphore_mem>>)
        tpu.wait_dma2 semaphore(%run_scoped3A_178 : memref<!tpu.dma_semaphore, #tpu.memory_space<semaphore_mem>>) src(%arg32 : memref<10240xi32, #tpu.memory_space<vmem_shared>>) dst(%arg33 : memref<10240xi32, #tpu.memory_space<vmem>>)
        tpu.yield
      }) : () -> ()
      "tpu.region"() ({
        %run_scoped3A_178 = tpu.sem_alloc : memref<!tpu.dma_semaphore, #tpu.memory_space<semaphore_mem>>
        %dma_start3A_179 = arith.constant 0 : i32
        %dma_start3A_180 = tpu.memref_slice %arg4[%add3A_18, %dma_start3A_179, %mul3A_2] : memref<2x2x323584xi32, #tpu.memory_space<hbm>> -> memref<1x2x128xi32, #tpu.memory_space<hbm>>
        %dma_start3A_181 = tpu.memref_squeeze %dma_start3A_180 : memref<1x2x128xi32, #tpu.memory_space<hbm>> -> memref<2x128xi32, #tpu.memory_space<hbm>>
        %dma_start3A_182 = arith.constant 0 : i32
        %dma_start3A_183 = tpu.memref_slice %arg4[%add3A_18, %dma_start3A_182, %mul3A_2] : memref<2x2x323584xi32, #tpu.memory_space<hbm>> -> memref<1x2x128xi32, #tpu.memory_space<hbm>>
        %dma_start3A_184 = tpu.memref_squeeze %dma_start3A_183 : memref<1x2x128xi32, #tpu.memory_space<hbm>> -> memref<2x128xi32, #tpu.memory_space<hbm>>
        tpu.enqueue_dma source(%dma_start3A_184 : memref<2x128xi32, #tpu.memory_space<hbm>>) target(%arg20 : memref<2x128xi32, #tpu.memory_space<vmem>>) target_semaphore(%run_scoped3A_178 : memref<!tpu.dma_semaphore, #tpu.memory_space<semaphore_mem>>)
        %dma_wait3A = arith.constant 0 : i32
        %dma_wait3A_185 = tpu.memref_slice %arg4[%add3A_18, %dma_wait3A, %mul3A_2] : memref<2x2x323584xi32, #tpu.memory_space<hbm>> -> memref<1x2x128xi32, #tpu.memory_space<hbm>>
        %dma_wait3A_186 = tpu.memref_squeeze %dma_wait3A_185 : memref<1x2x128xi32, #tpu.memory_space<hbm>> -> memref<2x128xi32, #tpu.memory_space<hbm>>
        %dma_wait3A_187 = arith.constant 0 : i32
        %dma_wait3A_188 = tpu.memref_slice %arg4[%add3A_18, %dma_wait3A_187, %mul3A_2] : memref<2x2x323584xi32, #tpu.memory_space<hbm>> -> memref<1x2x128xi32, #tpu.memory_space<hbm>>
        %dma_wait3A_189 = tpu.memref_squeeze %dma_wait3A_188 : memref<1x2x128xi32, #tpu.memory_space<hbm>> -> memref<2x128xi32, #tpu.memory_space<hbm>>
        tpu.wait_dma2 semaphore(%run_scoped3A_178 : memref<!tpu.dma_semaphore, #tpu.memory_space<semaphore_mem>>) src(%dma_wait3A_189 : memref<2x128xi32, #tpu.memory_space<hbm>>) dst(%arg20 : memref<2x128xi32, #tpu.memory_space<vmem>>)
        tpu.yield
      }) : () -> ()
      %scan3A_136 = arith.constant 0 : i32
      %scan3A_137 = arith.constant 0 : i32
      %scan3A_138 = arith.constant 158 : i32
      %scan3A_139 = arith.addi %scan3A_137, %scan3A_138 : i32
      %scan3A_140 = arith.constant 1 : i32
      %scan3A_141 = scf.for %scan3A_178 = %scan3A_137 to %scan3A_139 step %scan3A_140 iter_args(%scan3A_179 = %scan3A_136) -> (i32)  : i32 {
        %mul3A_180 = arith.constant 1 : i32
        %mul3A_181 = arith.muli %scan3A_178, %mul3A_180 : i32
        %add3A_182 = arith.constant 0 : i32
        %add3A_183 = arith.addi %add3A_182, %mul3A_181 : i32
        %add3A_184 = arith.constant 1 : i32
        %add3A_185 = arith.addi %add3A_183, %add3A_184 : i32
        %lt3A = arith.constant 158 : i32
        %lt3A_186 = arith.cmpi slt, %add3A_185, %lt3A : i32
        %convert_element_type3A_187 = arith.extui %lt3A_186 : i1 to i32
        %cond3A_188 = arith.constant 0 : i32
        %cond3A_189 = arith.cmpi ne, %convert_element_type3A_187, %cond3A_188 : i32
        scf.if %cond3A_189 {
          %add3A_442 = arith.constant 1 : i32
          %add3A_443 = arith.addi %add3A_183, %add3A_442 : i32
          %mul3A_444 = arith.constant 128 : i32
          %mul3A_445 = arith.muli %add3A_443, %mul3A_444 : i32
          %add3A_446 = arith.addi %mul3A_2, %mul3A_445 : i32
          %dma_start3A_447 = arith.constant 0 : i32
          %dma_start3A_448 = tpu.memref_slice %arg4[%add3A_18, %dma_start3A_447, %add3A_446] : memref<2x2x323584xi32, #tpu.memory_space<hbm>> -> memref<1x2x128xi32, #tpu.memory_space<hbm>>
          %dma_start3A_449 = tpu.memref_squeeze %dma_start3A_448 : memref<1x2x128xi32, #tpu.memory_space<hbm>> -> memref<2x128xi32, #tpu.memory_space<hbm>>
          %dma_start3A_450 = arith.constant 0 : i32
          %dma_start3A_451 = tpu.memref_slice %arg4[%add3A_18, %dma_start3A_450, %add3A_446] : memref<2x2x323584xi32, #tpu.memory_space<hbm>> -> memref<1x2x128xi32, #tpu.memory_space<hbm>>
          %dma_start3A_452 = tpu.memref_squeeze %dma_start3A_451 : memref<1x2x128xi32, #tpu.memory_space<hbm>> -> memref<2x128xi32, #tpu.memory_space<hbm>>
          tpu.enqueue_dma source(%dma_start3A_452 : memref<2x128xi32, #tpu.memory_space<hbm>>) target(%arg21 : memref<2x128xi32, #tpu.memory_space<vmem>>) target_semaphore(%arg31 : memref<!tpu.dma_semaphore, #tpu.memory_space<semaphore_mem>>)
        } else {
        }
        %get3A_190 = arith.constant 1 : i32
        %get3A_191 = arith.index_cast %get3A_190 : i32 to index
        %get3A_192 = arith.constant 0 : index
        %get3A_193 = tpu.vector_load %arg20[%get3A_191, %get3A_192] {strides = array<i32>} : memref<2x128xi32, #tpu.memory_space<vmem>>, vector<16xi32>,
        %gather3A = tpu.vector_load_idx %arg33[%get3A_193] : memref<10240xi32, #tpu.memory_space<vmem>>[vector<16xi32>], vector<16xi32>,
        %ge3A = arith.constant 0 : i32
        %ge3A_194 = vector.broadcast %ge3A : i32 to vector<16xi32>
        %ge3A_195 = arith.cmpi sge, %gather3A, %ge3A_194 : vector<16xi32>
        %get3A_196 = arith.constant 0 : i32
        %get3A_197 = arith.index_cast %get3A_196 : i32 to index
        %get3A_198 = arith.constant 0 : index
        %get3A_199 = tpu.vector_load %arg20[%get3A_197, %get3A_198] {strides = array<i32>} : memref<2x128xi32, #tpu.memory_space<vmem>>, vector<16xi32>,
        %add3A_200 = vector.broadcast %mul3A_0 : i32 to vector<16xi32>
        %add3A_201 = arith.addi %get3A_199, %add3A_200 : vector<16xi32>
        %swap3A_202 = arith.index_cast %scan3A_179 : i32 to index
        %swap3A_203 = tpu.vector_load %arg27[%swap3A_202] masked %ge3A_195 {strides = array<i32>} : memref<4224xi32, #tpu.memory_space<vmem>>, vector<16xi32>, vector<16xi1>
        tpu.vector_store %arg27[%swap3A_202], %add3A_201 masked %ge3A_195 {strides = array<i32>} : memref<4224xi32, #tpu.memory_space<vmem>>, vector<16xi32>, vector<16xi1>
        %swap3A_204 = arith.index_cast %scan3A_179 : i32 to index
        %swap3A_205 = tpu.vector_load %arg26[%swap3A_204] masked %ge3A_195 {strides = array<i32>} : memref<4224xi32, #tpu.memory_space<vmem>>, vector<16xi32>, vector<16xi1>
        tpu.vector_store %arg26[%swap3A_204], %gather3A masked %ge3A_195 {strides = array<i32>} : memref<4224xi32, #tpu.memory_space<vmem>>, vector<16xi32>, vector<16xi1>
        %jit3A_206 = arith.constant 1 : i32
        %jit3A_207 = arith.constant 0 : i32
        %broadcast_in_dim3A_208 = vector.broadcast %jit3A_206 : i32 to vector<16xi32>
        %broadcast_in_dim3A_209 = vector.broadcast %jit3A_207 : i32 to vector<16xi32>
        %select_n3A_210 = arith.select %ge3A_195, %broadcast_in_dim3A_208, %broadcast_in_dim3A_209 : vector<16xi1>, vector<16xi32>
        %reduce_sum3A = arith.constant true
        %reduce_sum3A_211 = vector.broadcast %reduce_sum3A : i1 to vector<16xi1>
        %reduce_sum3A_212 = tpu.scan <sum>, %select_n3A_210 masked %reduce_sum3A_211 : vector<16xi32>, vector<16xi1> -> vector<16xi32>
        %reduce_sum3A_213 = vector.extract %reduce_sum3A_212[15] : i32 from vector<16xi32>
        %add3A_214 = arith.addi %scan3A_179, %reduce_sum3A_213 : i32
        %get3A_215 = arith.constant 1 : i32
        %get3A_216 = arith.index_cast %get3A_215 : i32 to index
        %get3A_217 = arith.constant 16 : index
        %get3A_218 = tpu.vector_load %arg20[%get3A_216, %get3A_217] {strides = array<i32>} : memref<2x128xi32, #tpu.memory_space<vmem>>, vector<16xi32>,
        %gather3A_219 = tpu.vector_load_idx %arg33[%get3A_218] : memref<10240xi32, #tpu.memory_space<vmem>>[vector<16xi32>], vector<16xi32>,
        %ge3A_220 = arith.constant 0 : i32
        %ge3A_221 = vector.broadcast %ge3A_220 : i32 to vector<16xi32>
        %ge3A_222 = arith.cmpi sge, %gather3A_219, %ge3A_221 : vector<16xi32>
        %get3A_223 = arith.constant 0 : i32
        %get3A_224 = arith.index_cast %get3A_223 : i32 to index
        %get3A_225 = arith.constant 16 : index
        %get3A_226 = tpu.vector_load %arg20[%get3A_224, %get3A_225] {strides = array<i32>} : memref<2x128xi32, #tpu.memory_space<vmem>>, vector<16xi32>,
        %add3A_227 = vector.broadcast %mul3A_0 : i32 to vector<16xi32>
        %add3A_228 = arith.addi %get3A_226, %add3A_227 : vector<16xi32>
        %swap3A_229 = arith.index_cast %add3A_214 : i32 to index
        %swap3A_230 = tpu.vector_load %arg27[%swap3A_229] masked %ge3A_222 {strides = array<i32>} : memref<4224xi32, #tpu.memory_space<vmem>>, vector<16xi32>, vector<16xi1>
        tpu.vector_store %arg27[%swap3A_229], %add3A_228 masked %ge3A_222 {strides = array<i32>} : memref<4224xi32, #tpu.memory_space<vmem>>, vector<16xi32>, vector<16xi1>
        %swap3A_231 = arith.index_cast %add3A_214 : i32 to index
        %swap3A_232 = tpu.vector_load %arg26[%swap3A_231] masked %ge3A_222 {strides = array<i32>} : memref<4224xi32, #tpu.memory_space<vmem>>, vector<16xi32>, vector<16xi1>
        tpu.vector_store %arg26[%swap3A_231], %gather3A_219 masked %ge3A_222 {strides = array<i32>} : memref<4224xi32, #tpu.memory_space<vmem>>, vector<16xi32>, vector<16xi1>
        %jit3A_233 = arith.constant 1 : i32
        %jit3A_234 = arith.constant 0 : i32
        %broadcast_in_dim3A_235 = vector.broadcast %jit3A_233 : i32 to vector<16xi32>
        %broadcast_in_dim3A_236 = vector.broadcast %jit3A_234 : i32 to vector<16xi32>
        %select_n3A_237 = arith.select %ge3A_222, %broadcast_in_dim3A_235, %broadcast_in_dim3A_236 : vector<16xi1>, vector<16xi32>
        %reduce_sum3A_238 = arith.constant true
        %reduce_sum3A_239 = vector.broadcast %reduce_sum3A_238 : i1 to vector<16xi1>
        %reduce_sum3A_240 = tpu.scan <sum>, %select_n3A_237 masked %reduce_sum3A_239 : vector<16xi32>, vector<16xi1> -> vector<16xi32>
        %reduce_sum3A_241 = vector.extract %reduce_sum3A_240[15] : i32 from vector<16xi32>
        %add3A_242 = arith.addi %add3A_214, %reduce_sum3A_241 : i32
        %get3A_243 = arith.constant 1 : i32
        %get3A_244 = arith.index_cast %get3A_243 : i32 to index
        %get3A_245 = arith.constant 32 : index
        %get3A_246 = tpu.vector_load %arg20[%get3A_244, %get3A_245] {strides = array<i32>} : memref<2x128xi32, #tpu.memory_space<vmem>>, vector<16xi32>,
        %gather3A_247 = tpu.vector_load_idx %arg33[%get3A_246] : memref<10240xi32, #tpu.memory_space<vmem>>[vector<16xi32>], vector<16xi32>,
        %ge3A_248 = arith.constant 0 : i32
        %ge3A_249 = vector.broadcast %ge3A_248 : i32 to vector<16xi32>
        %ge3A_250 = arith.cmpi sge, %gather3A_247, %ge3A_249 : vector<16xi32>
        %get3A_251 = arith.constant 0 : i32
        %get3A_252 = arith.index_cast %get3A_251 : i32 to index
        %get3A_253 = arith.constant 32 : index
        %get3A_254 = tpu.vector_load %arg20[%get3A_252, %get3A_253] {strides = array<i32>} : memref<2x128xi32, #tpu.memory_space<vmem>>, vector<16xi32>,
        %add3A_255 = vector.broadcast %mul3A_0 : i32 to vector<16xi32>
        %add3A_256 = arith.addi %get3A_254, %add3A_255 : vector<16xi32>
        %swap3A_257 = arith.index_cast %add3A_242 : i32 to index
        %swap3A_258 = tpu.vector_load %arg27[%swap3A_257] masked %ge3A_250 {strides = array<i32>} : memref<4224xi32, #tpu.memory_space<vmem>>, vector<16xi32>, vector<16xi1>
        tpu.vector_store %arg27[%swap3A_257], %add3A_256 masked %ge3A_250 {strides = array<i32>} : memref<4224xi32, #tpu.memory_space<vmem>>, vector<16xi32>, vector<16xi1>
        %swap3A_259 = arith.index_cast %add3A_242 : i32 to index
        %swap3A_260 = tpu.vector_load %arg26[%swap3A_259] masked %ge3A_250 {strides = array<i32>} : memref<4224xi32, #tpu.memory_space<vmem>>, vector<16xi32>, vector<16xi1>
        tpu.vector_store %arg26[%swap3A_259], %gather3A_247 masked %ge3A_250 {strides = array<i32>} : memref<4224xi32, #tpu.memory_space<vmem>>, vector<16xi32>, vector<16xi1>
        %jit3A_261 = arith.constant 1 : i32
        %jit3A_262 = arith.constant 0 : i32
        %broadcast_in_dim3A_263 = vector.broadcast %jit3A_261 : i32 to vector<16xi32>
        %broadcast_in_dim3A_264 = vector.broadcast %jit3A_262 : i32 to vector<16xi32>
        %select_n3A_265 = arith.select %ge3A_250, %broadcast_in_dim3A_263, %broadcast_in_dim3A_264 : vector<16xi1>, vector<16xi32>
        %reduce_sum3A_266 = arith.constant true
        %reduce_sum3A_267 = vector.broadcast %reduce_sum3A_266 : i1 to vector<16xi1>
        %reduce_sum3A_268 = tpu.scan <sum>, %select_n3A_265 masked %reduce_sum3A_267 : vector<16xi32>, vector<16xi1> -> vector<16xi32>
        %reduce_sum3A_269 = vector.extract %reduce_sum3A_268[15] : i32 from vector<16xi32>
        %add3A_270 = arith.addi %add3A_242, %reduce_sum3A_269 : i32
        %get3A_271 = arith.constant 1 : i32
        %get3A_272 = arith.index_cast %get3A_271 : i32 to index
        %get3A_273 = arith.constant 48 : index
        %get3A_274 = tpu.vector_load %arg20[%get3A_272, %get3A_273] {strides = array<i32>} : memref<2x128xi32, #tpu.memory_space<vmem>>, vector<16xi32>,
        %gather3A_275 = tpu.vector_load_idx %arg33[%get3A_274] : memref<10240xi32, #tpu.memory_space<vmem>>[vector<16xi32>], vector<16xi32>,
        %ge3A_276 = arith.constant 0 : i32
        %ge3A_277 = vector.broadcast %ge3A_276 : i32 to vector<16xi32>
        %ge3A_278 = arith.cmpi sge, %gather3A_275, %ge3A_277 : vector<16xi32>
        %get3A_279 = arith.constant 0 : i32
        %get3A_280 = arith.index_cast %get3A_279 : i32 to index
        %get3A_281 = arith.constant 48 : index
        %get3A_282 = tpu.vector_load %arg20[%get3A_280, %get3A_281] {strides = array<i32>} : memref<2x128xi32, #tpu.memory_space<vmem>>, vector<16xi32>,
        %add3A_283 = vector.broadcast %mul3A_0 : i32 to vector<16xi32>
        %add3A_284 = arith.addi %get3A_282, %add3A_283 : vector<16xi32>
        %swap3A_285 = arith.index_cast %add3A_270 : i32 to index
        %swap3A_286 = tpu.vector_load %arg27[%swap3A_285] masked %ge3A_278 {strides = array<i32>} : memref<4224xi32, #tpu.memory_space<vmem>>, vector<16xi32>, vector<16xi1>
        tpu.vector_store %arg27[%swap3A_285], %add3A_284 masked %ge3A_278 {strides = array<i32>} : memref<4224xi32, #tpu.memory_space<vmem>>, vector<16xi32>, vector<16xi1>
        %swap3A_287 = arith.index_cast %add3A_270 : i32 to index
        %swap3A_288 = tpu.vector_load %arg26[%swap3A_287] masked %ge3A_278 {strides = array<i32>} : memref<4224xi32, #tpu.memory_space<vmem>>, vector<16xi32>, vector<16xi1>
        tpu.vector_store %arg26[%swap3A_287], %gather3A_275 masked %ge3A_278 {strides = array<i32>} : memref<4224xi32, #tpu.memory_space<vmem>>, vector<16xi32>, vector<16xi1>
        %jit3A_289 = arith.constant 1 : i32
        %jit3A_290 = arith.constant 0 : i32
        %broadcast_in_dim3A_291 = vector.broadcast %jit3A_289 : i32 to vector<16xi32>
        %broadcast_in_dim3A_292 = vector.broadcast %jit3A_290 : i32 to vector<16xi32>
        %select_n3A_293 = arith.select %ge3A_278, %broadcast_in_dim3A_291, %broadcast_in_dim3A_292 : vector<16xi1>, vector<16xi32>
        %reduce_sum3A_294 = arith.constant true
        %reduce_sum3A_295 = vector.broadcast %reduce_sum3A_294 : i1 to vector<16xi1>
        %reduce_sum3A_296 = tpu.scan <sum>, %select_n3A_293 masked %reduce_sum3A_295 : vector<16xi32>, vector<16xi1> -> vector<16xi32>
        %reduce_sum3A_297 = vector.extract %reduce_sum3A_296[15] : i32 from vector<16xi32>
        %add3A_298 = arith.addi %add3A_270, %reduce_sum3A_297 : i32
        %get3A_299 = arith.constant 1 : i32
        %get3A_300 = arith.index_cast %get3A_299 : i32 to index
        %get3A_301 = arith.constant 64 : index
        %get3A_302 = tpu.vector_load %arg20[%get3A_300, %get3A_301] {strides = array<i32>} : memref<2x128xi32, #tpu.memory_space<vmem>>, vector<16xi32>,
        %gather3A_303 = tpu.vector_load_idx %arg33[%get3A_302] : memref<10240xi32, #tpu.memory_space<vmem>>[vector<16xi32>], vector<16xi32>,
        %ge3A_304 = arith.constant 0 : i32
        %ge3A_305 = vector.broadcast %ge3A_304 : i32 to vector<16xi32>
        %ge3A_306 = arith.cmpi sge, %gather3A_303, %ge3A_305 : vector<16xi32>
        %get3A_307 = arith.constant 0 : i32
        %get3A_308 = arith.index_cast %get3A_307 : i32 to index
        %get3A_309 = arith.constant 64 : index
        %get3A_310 = tpu.vector_load %arg20[%get3A_308, %get3A_309] {strides = array<i32>} : memref<2x128xi32, #tpu.memory_space<vmem>>, vector<16xi32>,
        %add3A_311 = vector.broadcast %mul3A_0 : i32 to vector<16xi32>
        %add3A_312 = arith.addi %get3A_310, %add3A_311 : vector<16xi32>
        %swap3A_313 = arith.index_cast %add3A_298 : i32 to index
        %swap3A_314 = tpu.vector_load %arg27[%swap3A_313] masked %ge3A_306 {strides = array<i32>} : memref<4224xi32, #tpu.memory_space<vmem>>, vector<16xi32>, vector<16xi1>
        tpu.vector_store %arg27[%swap3A_313], %add3A_312 masked %ge3A_306 {strides = array<i32>} : memref<4224xi32, #tpu.memory_space<vmem>>, vector<16xi32>, vector<16xi1>
        %swap3A_315 = arith.index_cast %add3A_298 : i32 to index
        %swap3A_316 = tpu.vector_load %arg26[%swap3A_315] masked %ge3A_306 {strides = array<i32>} : memref<4224xi32, #tpu.memory_space<vmem>>, vector<16xi32>, vector<16xi1>
        tpu.vector_store %arg26[%swap3A_315], %gather3A_303 masked %ge3A_306 {strides = array<i32>} : memref<4224xi32, #tpu.memory_space<vmem>>, vector<16xi32>, vector<16xi1>
        %jit3A_317 = arith.constant 1 : i32
        %jit3A_318 = arith.constant 0 : i32
        %broadcast_in_dim3A_319 = vector.broadcast %jit3A_317 : i32 to vector<16xi32>
        %broadcast_in_dim3A_320 = vector.broadcast %jit3A_318 : i32 to vector<16xi32>
        %select_n3A_321 = arith.select %ge3A_306, %broadcast_in_dim3A_319, %broadcast_in_dim3A_320 : vector<16xi1>, vector<16xi32>
        %reduce_sum3A_322 = arith.constant true
        %reduce_sum3A_323 = vector.broadcast %reduce_sum3A_322 : i1 to vector<16xi1>
        %reduce_sum3A_324 = tpu.scan <sum>, %select_n3A_321 masked %reduce_sum3A_323 : vector<16xi32>, vector<16xi1> -> vector<16xi32>
        %reduce_sum3A_325 = vector.extract %reduce_sum3A_324[15] : i32 from vector<16xi32>
        %add3A_326 = arith.addi %add3A_298, %reduce_sum3A_325 : i32
        %get3A_327 = arith.constant 1 : i32
        %get3A_328 = arith.index_cast %get3A_327 : i32 to index
        %get3A_329 = arith.constant 80 : index
        %get3A_330 = tpu.vector_load %arg20[%get3A_328, %get3A_329] {strides = array<i32>} : memref<2x128xi32, #tpu.memory_space<vmem>>, vector<16xi32>,
        %gather3A_331 = tpu.vector_load_idx %arg33[%get3A_330] : memref<10240xi32, #tpu.memory_space<vmem>>[vector<16xi32>], vector<16xi32>,
        %ge3A_332 = arith.constant 0 : i32
        %ge3A_333 = vector.broadcast %ge3A_332 : i32 to vector<16xi32>
        %ge3A_334 = arith.cmpi sge, %gather3A_331, %ge3A_333 : vector<16xi32>
        %get3A_335 = arith.constant 0 : i32
        %get3A_336 = arith.index_cast %get3A_335 : i32 to index
        %get3A_337 = arith.constant 80 : index
        %get3A_338 = tpu.vector_load %arg20[%get3A_336, %get3A_337] {strides = array<i32>} : memref<2x128xi32, #tpu.memory_space<vmem>>, vector<16xi32>,
        %add3A_339 = vector.broadcast %mul3A_0 : i32 to vector<16xi32>
        %add3A_340 = arith.addi %get3A_338, %add3A_339 : vector<16xi32>
        %swap3A_341 = arith.index_cast %add3A_326 : i32 to index
        %swap3A_342 = tpu.vector_load %arg27[%swap3A_341] masked %ge3A_334 {strides = array<i32>} : memref<4224xi32, #tpu.memory_space<vmem>>, vector<16xi32>, vector<16xi1>
        tpu.vector_store %arg27[%swap3A_341], %add3A_340 masked %ge3A_334 {strides = array<i32>} : memref<4224xi32, #tpu.memory_space<vmem>>, vector<16xi32>, vector<16xi1>
        %swap3A_343 = arith.index_cast %add3A_326 : i32 to index
        %swap3A_344 = tpu.vector_load %arg26[%swap3A_343] masked %ge3A_334 {strides = array<i32>} : memref<4224xi32, #tpu.memory_space<vmem>>, vector<16xi32>, vector<16xi1>
        tpu.vector_store %arg26[%swap3A_343], %gather3A_331 masked %ge3A_334 {strides = array<i32>} : memref<4224xi32, #tpu.memory_space<vmem>>, vector<16xi32>, vector<16xi1>
        %jit3A_345 = arith.constant 1 : i32
        %jit3A_346 = arith.constant 0 : i32
        %broadcast_in_dim3A_347 = vector.broadcast %jit3A_345 : i32 to vector<16xi32>
        %broadcast_in_dim3A_348 = vector.broadcast %jit3A_346 : i32 to vector<16xi32>
        %select_n3A_349 = arith.select %ge3A_334, %broadcast_in_dim3A_347, %broadcast_in_dim3A_348 : vector<16xi1>, vector<16xi32>
        %reduce_sum3A_350 = arith.constant true
        %reduce_sum3A_351 = vector.broadcast %reduce_sum3A_350 : i1 to vector<16xi1>
        %reduce_sum3A_352 = tpu.scan <sum>, %select_n3A_349 masked %reduce_sum3A_351 : vector<16xi32>, vector<16xi1> -> vector<16xi32>
        %reduce_sum3A_353 = vector.extract %reduce_sum3A_352[15] : i32 from vector<16xi32>
        %add3A_354 = arith.addi %add3A_326, %reduce_sum3A_353 : i32
        %get3A_355 = arith.constant 1 : i32
        %get3A_356 = arith.index_cast %get3A_355 : i32 to index
        %get3A_357 = arith.constant 96 : index
        %get3A_358 = tpu.vector_load %arg20[%get3A_356, %get3A_357] {strides = array<i32>} : memref<2x128xi32, #tpu.memory_space<vmem>>, vector<16xi32>,
        %gather3A_359 = tpu.vector_load_idx %arg33[%get3A_358] : memref<10240xi32, #tpu.memory_space<vmem>>[vector<16xi32>], vector<16xi32>,
        %ge3A_360 = arith.constant 0 : i32
        %ge3A_361 = vector.broadcast %ge3A_360 : i32 to vector<16xi32>
        %ge3A_362 = arith.cmpi sge, %gather3A_359, %ge3A_361 : vector<16xi32>
        %get3A_363 = arith.constant 0 : i32
        %get3A_364 = arith.index_cast %get3A_363 : i32 to index
        %get3A_365 = arith.constant 96 : index
        %get3A_366 = tpu.vector_load %arg20[%get3A_364, %get3A_365] {strides = array<i32>} : memref<2x128xi32, #tpu.memory_space<vmem>>, vector<16xi32>,
        %add3A_367 = vector.broadcast %mul3A_0 : i32 to vector<16xi32>
        %add3A_368 = arith.addi %get3A_366, %add3A_367 : vector<16xi32>
        %swap3A_369 = arith.index_cast %add3A_354 : i32 to index
        %swap3A_370 = tpu.vector_load %arg27[%swap3A_369] masked %ge3A_362 {strides = array<i32>} : memref<4224xi32, #tpu.memory_space<vmem>>, vector<16xi32>, vector<16xi1>
        tpu.vector_store %arg27[%swap3A_369], %add3A_368 masked %ge3A_362 {strides = array<i32>} : memref<4224xi32, #tpu.memory_space<vmem>>, vector<16xi32>, vector<16xi1>
        %swap3A_371 = arith.index_cast %add3A_354 : i32 to index
        %swap3A_372 = tpu.vector_load %arg26[%swap3A_371] masked %ge3A_362 {strides = array<i32>} : memref<4224xi32, #tpu.memory_space<vmem>>, vector<16xi32>, vector<16xi1>
        tpu.vector_store %arg26[%swap3A_371], %gather3A_359 masked %ge3A_362 {strides = array<i32>} : memref<4224xi32, #tpu.memory_space<vmem>>, vector<16xi32>, vector<16xi1>
        %jit3A_373 = arith.constant 1 : i32
        %jit3A_374 = arith.constant 0 : i32
        %broadcast_in_dim3A_375 = vector.broadcast %jit3A_373 : i32 to vector<16xi32>
        %broadcast_in_dim3A_376 = vector.broadcast %jit3A_374 : i32 to vector<16xi32>
        %select_n3A_377 = arith.select %ge3A_362, %broadcast_in_dim3A_375, %broadcast_in_dim3A_376 : vector<16xi1>, vector<16xi32>
        %reduce_sum3A_378 = arith.constant true
        %reduce_sum3A_379 = vector.broadcast %reduce_sum3A_378 : i1 to vector<16xi1>
        %reduce_sum3A_380 = tpu.scan <sum>, %select_n3A_377 masked %reduce_sum3A_379 : vector<16xi32>, vector<16xi1> -> vector<16xi32>
        %reduce_sum3A_381 = vector.extract %reduce_sum3A_380[15] : i32 from vector<16xi32>
        %add3A_382 = arith.addi %add3A_354, %reduce_sum3A_381 : i32
        %get3A_383 = arith.constant 1 : i32
        %get3A_384 = arith.index_cast %get3A_383 : i32 to index
        %get3A_385 = arith.constant 112 : index
        %get3A_386 = tpu.vector_load %arg20[%get3A_384, %get3A_385] {strides = array<i32>} : memref<2x128xi32, #tpu.memory_space<vmem>>, vector<16xi32>,
        %gather3A_387 = tpu.vector_load_idx %arg33[%get3A_386] : memref<10240xi32, #tpu.memory_space<vmem>>[vector<16xi32>], vector<16xi32>,
        %ge3A_388 = arith.constant 0 : i32
        %ge3A_389 = vector.broadcast %ge3A_388 : i32 to vector<16xi32>
        %ge3A_390 = arith.cmpi sge, %gather3A_387, %ge3A_389 : vector<16xi32>
        %get3A_391 = arith.constant 0 : i32
        %get3A_392 = arith.index_cast %get3A_391 : i32 to index
        %get3A_393 = arith.constant 112 : index
        %get3A_394 = tpu.vector_load %arg20[%get3A_392, %get3A_393] {strides = array<i32>} : memref<2x128xi32, #tpu.memory_space<vmem>>, vector<16xi32>,
        %add3A_395 = vector.broadcast %mul3A_0 : i32 to vector<16xi32>
        %add3A_396 = arith.addi %get3A_394, %add3A_395 : vector<16xi32>
        %swap3A_397 = arith.index_cast %add3A_382 : i32 to index
        %swap3A_398 = tpu.vector_load %arg27[%swap3A_397] masked %ge3A_390 {strides = array<i32>} : memref<4224xi32, #tpu.memory_space<vmem>>, vector<16xi32>, vector<16xi1>
        tpu.vector_store %arg27[%swap3A_397], %add3A_396 masked %ge3A_390 {strides = array<i32>} : memref<4224xi32, #tpu.memory_space<vmem>>, vector<16xi32>, vector<16xi1>
        %swap3A_399 = arith.index_cast %add3A_382 : i32 to index
        %swap3A_400 = tpu.vector_load %arg26[%swap3A_399] masked %ge3A_390 {strides = array<i32>} : memref<4224xi32, #tpu.memory_space<vmem>>, vector<16xi32>, vector<16xi1>
        tpu.vector_store %arg26[%swap3A_399], %gather3A_387 masked %ge3A_390 {strides = array<i32>} : memref<4224xi32, #tpu.memory_space<vmem>>, vector<16xi32>, vector<16xi1>
        %jit3A_401 = arith.constant 1 : i32
        %jit3A_402 = arith.constant 0 : i32
        %broadcast_in_dim3A_403 = vector.broadcast %jit3A_401 : i32 to vector<16xi32>
        %broadcast_in_dim3A_404 = vector.broadcast %jit3A_402 : i32 to vector<16xi32>
        %select_n3A_405 = arith.select %ge3A_390, %broadcast_in_dim3A_403, %broadcast_in_dim3A_404 : vector<16xi1>, vector<16xi32>
        %reduce_sum3A_406 = arith.constant true
        %reduce_sum3A_407 = vector.broadcast %reduce_sum3A_406 : i1 to vector<16xi1>
        %reduce_sum3A_408 = tpu.scan <sum>, %select_n3A_405 masked %reduce_sum3A_407 : vector<16xi32>, vector<16xi1> -> vector<16xi32>
        %reduce_sum3A_409 = vector.extract %reduce_sum3A_408[15] : i32 from vector<16xi32>
        %add3A_410 = arith.addi %add3A_382, %reduce_sum3A_409 : i32
        %ge3A_411 = arith.constant 4096 : i32
        %ge3A_412 = arith.cmpi sge, %add3A_410, %ge3A_411 : i32
        %convert_element_type3A_413 = arith.extui %ge3A_412 : i1 to i32
        %cond3A_414 = arith.constant 0 : i32
        %cond3A_415 = arith.cmpi ne, %convert_element_type3A_413, %cond3A_414 : i32
        scf.if %cond3A_415 {
          %jit3A_442 = arith.constant 128 : i32
          %div3A_443 = arith.divsi %add3A_410, %jit3A_442 : i32
          %sign3A_444 = arith.constant 0 : i32
          %sign3A_445 = arith.cmpi sgt, %add3A_410, %sign3A_444 : i32
          %sign3A_446 = arith.extui %sign3A_445 : i1 to i32
          %sign3A_447 = arith.constant 0 : i32
          %sign3A_448 = arith.cmpi slt, %add3A_410, %sign3A_447 : i32
          %sign3A_449 = arith.extui %sign3A_448 : i1 to i32
          %sign3A_450 = arith.subi %sign3A_446, %sign3A_449 : i32
          %sign3A_451 = arith.constant 0 : i32
          %sign3A_452 = arith.cmpi sgt, %jit3A_442, %sign3A_451 : i32
          %sign3A_453 = arith.extui %sign3A_452 : i1 to i32
          %sign3A_454 = arith.constant 0 : i32
          %sign3A_455 = arith.cmpi slt, %jit3A_442, %sign3A_454 : i32
          %sign3A_456 = arith.extui %sign3A_455 : i1 to i32
          %sign3A_457 = arith.subi %sign3A_453, %sign3A_456 : i32
          %ne3A_458 = arith.cmpi ne, %sign3A_450, %sign3A_457 : i32
          %rem3A_459 = arith.remsi %add3A_410, %jit3A_442 : i32
          %ne3A_460 = arith.constant 0 : i32
          %ne3A_461 = arith.cmpi ne, %rem3A_459, %ne3A_460 : i32
          %and3A_462 = arith.andi %ne3A_458, %ne3A_461 : i1
          %sub3A_463 = arith.constant 1 : i32
          %sub3A_464 = arith.subi %div3A_443, %sub3A_463 : i32
          %select_n3A_465 = arith.select %and3A_462, %sub3A_464, %div3A_443 : i32
          %sub3A_466 = arith.constant 0 : i32
          %sub3A_467 = arith.subi %select_n3A_465, %sub3A_466 : i32
          %sub3A_468 = arith.constant 1 : i32
          %sub3A_469 = arith.constant 1 : i32
          %sub3A_470 = arith.subi %sub3A_468, %sub3A_469 : i32
          %add3A_471 = arith.addi %sub3A_467, %sub3A_470 : i32
          %div3A_472 = arith.constant 1 : i32
          %div3A_473 = arith.divsi %add3A_471, %div3A_472 : i32
          %while3A = arith.constant 1 : i32
          %while3A_474 = arith.constant 0 : i32
          %while3A_475 = arith.constant 0 : i32
          %while3A_476 = arith.subi %div3A_473, %while3A_475 : i32
          %while3A_477 = arith.addi %while3A_475, %while3A_476 : i32
          %while3A_478 = arith.constant 1 : i32
          %while3A_479 = arith.divsi %while3A_476, %while3A_478 : i32
          %while3A_480 = arith.muli %while3A_479, %while3A_478 : i32
          %while3A_481 = arith.addi %while3A_475, %while3A_480 : i32
          %while3A_482 = arith.constant 1 : i32
          scf.for %while3A_580 = %while3A_475 to %while3A_481 step %while3A_482  : i32 {
            %mul3A_581 = arith.muli %while3A_580, %while3A : i32
            %add3A_582 = arith.addi %while3A_474, %mul3A_581 : i32
            %mul3A_583 = arith.constant 128 : i32
            %mul3A_584 = arith.muli %add3A_582, %mul3A_583 : i32
            %dma_start3A_585 = tpu.memref_slice %arg27[%mul3A_584] : memref<4224xi32, #tpu.memory_space<vmem>> -> memref<128xi32, #tpu.memory_space<vmem>>
            %dma_start3A_586 = arith.constant 0 : i32
            %dma_start3A_587 = arith.constant 0 : i32
            %dma_start3A_588 = tpu.memref_slice %arg8[%dma_start3A_586, %dma_start3A_587] : memref<20480x64xf32, #tpu.memory_space<hbm>> -> memref<20480x64xf32, #tpu.memory_space<hbm>>
            tpu.enqueue_indirect_dma source(%dma_start3A_588 : memref<20480x64xf32, #tpu.memory_space<hbm>>) target(%arg29 : memref<128x64xf32, #tpu.memory_space<vmem>>) offsets(%dma_start3A_585 : memref<128xi32, #tpu.memory_space<vmem>>) semaphore(%arg30 : memref<!tpu.dma_semaphore, #tpu.memory_space<semaphore_mem>>)
            %dma_wait3A = tpu.memref_slice %arg27[%mul3A_584] : memref<4224xi32, #tpu.memory_space<vmem>> -> memref<128xi32, #tpu.memory_space<vmem>>
            %dma_wait3A_589 = arith.constant 0 : i32
            %dma_wait3A_590 = arith.constant 0 : i32
            %dma_wait3A_591 = tpu.memref_slice %arg8[%dma_wait3A_589, %dma_wait3A_590] : memref<20480x64xf32, #tpu.memory_space<hbm>> -> memref<20480x64xf32, #tpu.memory_space<hbm>>
            tpu.wait_indirect_dma semaphore(%arg30 : memref<!tpu.dma_semaphore, #tpu.memory_space<semaphore_mem>>) src(%dma_wait3A_591 : memref<20480x64xf32, #tpu.memory_space<hbm>>) dst(%arg29 : memref<128x64xf32, #tpu.memory_space<vmem>>)
            %mul3A_592 = arith.constant 128 : i32
            %mul3A_593 = arith.muli %add3A_582, %mul3A_592 : i32
            %add3A_594 = arith.constant 0 : i32
            %add3A_595 = arith.addi %mul3A_593, %add3A_594 : i32
            %get3A_596 = arith.index_cast %add3A_595 : i32 to index
            %get3A_597 = tpu.vector_load %arg26[%get3A_596] {strides = array<i32>} : memref<4224xi32, #tpu.memory_space<vmem>>, vector<16xi32>,
            "tpu.region"() ({
              %run_scoped3A_640 = tpu.sem_alloc : memref<!tpu.dma_semaphore, #tpu.memory_space<semaphore_mem>>
              %dma_start3A_641 = arith.constant 0 : i32
              %dma_start3A_642 = arith.constant 0 : i32
              %dma_start3A_643 = tpu.memref_slice %arg29[%dma_start3A_641, %dma_start3A_642] : memref<128x64xf32, #tpu.memory_space<vmem>> -> memref<16x64xf32, #tpu.memory_space<vmem>>
              %dma_start3A_644 = arith.constant 0 : i32
              %dma_start3A_645 = arith.constant 0 : i32
              %dma_start3A_646 = tpu.memref_slice %arg38[%dma_start3A_644, %dma_start3A_645] : memref<264x64xf32, #tpu.memory_space<vmem_shared>> -> memref<264x64xf32, #tpu.memory_space<vmem_shared>>
              tpu.enqueue_indirect_dma source(%dma_start3A_643 : memref<16x64xf32, #tpu.memory_space<vmem>>) target(%dma_start3A_646 : memref<264x64xf32, #tpu.memory_space<vmem_shared>>) offsets(%get3A_597 : vector<16xi32>) semaphore(%run_scoped3A_640 : memref<!tpu.dma_semaphore, #tpu.memory_space<semaphore_mem>>) {add = true}
              %dma_wait3A_647 = arith.constant 0 : i32
              %dma_wait3A_648 = arith.constant 0 : i32
              %dma_wait3A_649 = tpu.memref_slice %arg29[%dma_wait3A_647, %dma_wait3A_648] : memref<128x64xf32, #tpu.memory_space<vmem>> -> memref<16x64xf32, #tpu.memory_space<vmem>>
              %dma_wait3A_650 = arith.constant 0 : i32
              %dma_wait3A_651 = arith.constant 0 : i32
              %dma_wait3A_652 = tpu.memref_slice %arg38[%dma_wait3A_650, %dma_wait3A_651] : memref<264x64xf32, #tpu.memory_space<vmem_shared>> -> memref<264x64xf32, #tpu.memory_space<vmem_shared>>
              tpu.wait_indirect_dma semaphore(%run_scoped3A_640 : memref<!tpu.dma_semaphore, #tpu.memory_space<semaphore_mem>>) src(%dma_wait3A_649 : memref<16x64xf32, #tpu.memory_space<vmem>>) dst(%dma_wait3A_652 : memref<264x64xf32, #tpu.memory_space<vmem_shared>>)
              tpu.yield
            }) : () -> ()
            %mul3A_598 = arith.constant 128 : i32
            %mul3A_599 = arith.muli %add3A_582, %mul3A_598 : i32
            %add3A_600 = arith.constant 16 : i32
            %add3A_601 = arith.addi %mul3A_599, %add3A_600 : i32
            %get3A_602 = arith.index_cast %add3A_601 : i32 to index
            %get3A_603 = tpu.vector_load %arg26[%get3A_602] {strides = array<i32>} : memref<4224xi32, #tpu.memory_space<vmem>>, vector<16xi32>,
            "tpu.region"() ({
              %run_scoped3A_640 = tpu.sem_alloc : memref<!tpu.dma_semaphore, #tpu.memory_space<semaphore_mem>>
              %dma_start3A_641 = arith.constant 16 : i32
              %dma_start3A_642 = arith.constant 0 : i32
              %dma_start3A_643 = tpu.memref_slice %arg29[%dma_start3A_641, %dma_start3A_642] : memref<128x64xf32, #tpu.memory_space<vmem>> -> memref<16x64xf32, #tpu.memory_space<vmem>>
              %dma_start3A_644 = arith.constant 0 : i32
              %dma_start3A_645 = arith.constant 0 : i32
              %dma_start3A_646 = tpu.memref_slice %arg38[%dma_start3A_644, %dma_start3A_645] : memref<264x64xf32, #tpu.memory_space<vmem_shared>> -> memref<264x64xf32, #tpu.memory_space<vmem_shared>>
              tpu.enqueue_indirect_dma source(%dma_start3A_643 : memref<16x64xf32, #tpu.memory_space<vmem>>) target(%dma_start3A_646 : memref<264x64xf32, #tpu.memory_space<vmem_shared>>) offsets(%get3A_603 : vector<16xi32>) semaphore(%run_scoped3A_640 : memref<!tpu.dma_semaphore, #tpu.memory_space<semaphore_mem>>) {add = true}
              %dma_wait3A_647 = arith.constant 16 : i32
              %dma_wait3A_648 = arith.constant 0 : i32
              %dma_wait3A_649 = tpu.memref_slice %arg29[%dma_wait3A_647, %dma_wait3A_648] : memref<128x64xf32, #tpu.memory_space<vmem>> -> memref<16x64xf32, #tpu.memory_space<vmem>>
              %dma_wait3A_650 = arith.constant 0 : i32
              %dma_wait3A_651 = arith.constant 0 : i32
              %dma_wait3A_652 = tpu.memref_slice %arg38[%dma_wait3A_650, %dma_wait3A_651] : memref<264x64xf32, #tpu.memory_space<vmem_shared>> -> memref<264x64xf32, #tpu.memory_space<vmem_shared>>
              tpu.wait_indirect_dma semaphore(%run_scoped3A_640 : memref<!tpu.dma_semaphore, #tpu.memory_space<semaphore_mem>>) src(%dma_wait3A_649 : memref<16x64xf32, #tpu.memory_space<vmem>>) dst(%dma_wait3A_652 : memref<264x64xf32, #tpu.memory_space<vmem_shared>>)
              tpu.yield
            }) : () -> ()
            %mul3A_604 = arith.constant 128 : i32
            %mul3A_605 = arith.muli %add3A_582, %mul3A_604 : i32
            %add3A_606 = arith.constant 32 : i32
            %add3A_607 = arith.addi %mul3A_605, %add3A_606 : i32
            %get3A_608 = arith.index_cast %add3A_607 : i32 to index
            %get3A_609 = tpu.vector_load %arg26[%get3A_608] {strides = array<i32>} : memref<4224xi32, #tpu.memory_space<vmem>>, vector<16xi32>,
            "tpu.region"() ({
              %run_scoped3A_640 = tpu.sem_alloc : memref<!tpu.dma_semaphore, #tpu.memory_space<semaphore_mem>>
              %dma_start3A_641 = arith.constant 32 : i32
              %dma_start3A_642 = arith.constant 0 : i32
              %dma_start3A_643 = tpu.memref_slice %arg29[%dma_start3A_641, %dma_start3A_642] : memref<128x64xf32, #tpu.memory_space<vmem>> -> memref<16x64xf32, #tpu.memory_space<vmem>>
              %dma_start3A_644 = arith.constant 0 : i32
              %dma_start3A_645 = arith.constant 0 : i32
              %dma_start3A_646 = tpu.memref_slice %arg38[%dma_start3A_644, %dma_start3A_645] : memref<264x64xf32, #tpu.memory_space<vmem_shared>> -> memref<264x64xf32, #tpu.memory_space<vmem_shared>>
              tpu.enqueue_indirect_dma source(%dma_start3A_643 : memref<16x64xf32, #tpu.memory_space<vmem>>) target(%dma_start3A_646 : memref<264x64xf32, #tpu.memory_space<vmem_shared>>) offsets(%get3A_609 : vector<16xi32>) semaphore(%run_scoped3A_640 : memref<!tpu.dma_semaphore, #tpu.memory_space<semaphore_mem>>) {add = true}
              %dma_wait3A_647 = arith.constant 32 : i32
              %dma_wait3A_648 = arith.constant 0 : i32
              %dma_wait3A_649 = tpu.memref_slice %arg29[%dma_wait3A_647, %dma_wait3A_648] : memref<128x64xf32, #tpu.memory_space<vmem>> -> memref<16x64xf32, #tpu.memory_space<vmem>>
              %dma_wait3A_650 = arith.constant 0 : i32
              %dma_wait3A_651 = arith.constant 0 : i32
              %dma_wait3A_652 = tpu.memref_slice %arg38[%dma_wait3A_650, %dma_wait3A_651] : memref<264x64xf32, #tpu.memory_space<vmem_shared>> -> memref<264x64xf32, #tpu.memory_space<vmem_shared>>
              tpu.wait_indirect_dma semaphore(%run_scoped3A_640 : memref<!tpu.dma_semaphore, #tpu.memory_space<semaphore_mem>>) src(%dma_wait3A_649 : memref<16x64xf32, #tpu.memory_space<vmem>>) dst(%dma_wait3A_652 : memref<264x64xf32, #tpu.memory_space<vmem_shared>>)
              tpu.yield
            }) : () -> ()
            %mul3A_610 = arith.constant 128 : i32
            %mul3A_611 = arith.muli %add3A_582, %mul3A_610 : i32
            %add3A_612 = arith.constant 48 : i32
            %add3A_613 = arith.addi %mul3A_611, %add3A_612 : i32
            %get3A_614 = arith.index_cast %add3A_613 : i32 to index
            %get3A_615 = tpu.vector_load %arg26[%get3A_614] {strides = array<i32>} : memref<4224xi32, #tpu.memory_space<vmem>>, vector<16xi32>,
            "tpu.region"() ({
              %run_scoped3A_640 = tpu.sem_alloc : memref<!tpu.dma_semaphore, #tpu.memory_space<semaphore_mem>>
              %dma_start3A_641 = arith.constant 48 : i32
              %dma_start3A_642 = arith.constant 0 : i32
              %dma_start3A_643 = tpu.memref_slice %arg29[%dma_start3A_641, %dma_start3A_642] : memref<128x64xf32, #tpu.memory_space<vmem>> -> memref<16x64xf32, #tpu.memory_space<vmem>>
              %dma_start3A_644 = arith.constant 0 : i32
              %dma_start3A_645 = arith.constant 0 : i32
              %dma_start3A_646 = tpu.memref_slice %arg38[%dma_start3A_644, %dma_start3A_645] : memref<264x64xf32, #tpu.memory_space<vmem_shared>> -> memref<264x64xf32, #tpu.memory_space<vmem_shared>>
              tpu.enqueue_indirect_dma source(%dma_start3A_643 : memref<16x64xf32, #tpu.memory_space<vmem>>) target(%dma_start3A_646 : memref<264x64xf32, #tpu.memory_space<vmem_shared>>) offsets(%get3A_615 : vector<16xi32>) semaphore(%run_scoped3A_640 : memref<!tpu.dma_semaphore, #tpu.memory_space<semaphore_mem>>) {add = true}
              %dma_wait3A_647 = arith.constant 48 : i32
              %dma_wait3A_648 = arith.constant 0 : i32
              %dma_wait3A_649 = tpu.memref_slice %arg29[%dma_wait3A_647, %dma_wait3A_648] : memref<128x64xf32, #tpu.memory_space<vmem>> -> memref<16x64xf32, #tpu.memory_space<vmem>>
              %dma_wait3A_650 = arith.constant 0 : i32
              %dma_wait3A_651 = arith.constant 0 : i32
              %dma_wait3A_652 = tpu.memref_slice %arg38[%dma_wait3A_650, %dma_wait3A_651] : memref<264x64xf32, #tpu.memory_space<vmem_shared>> -> memref<264x64xf32, #tpu.memory_space<vmem_shared>>
              tpu.wait_indirect_dma semaphore(%run_scoped3A_640 : memref<!tpu.dma_semaphore, #tpu.memory_space<semaphore_mem>>) src(%dma_wait3A_649 : memref<16x64xf32, #tpu.memory_space<vmem>>) dst(%dma_wait3A_652 : memref<264x64xf32, #tpu.memory_space<vmem_shared>>)
              tpu.yield
            }) : () -> ()
            %mul3A_616 = arith.constant 128 : i32
            %mul3A_617 = arith.muli %add3A_582, %mul3A_616 : i32
            %add3A_618 = arith.constant 64 : i32
            %add3A_619 = arith.addi %mul3A_617, %add3A_618 : i32
            %get3A_620 = arith.index_cast %add3A_619 : i32 to index
            %get3A_621 = tpu.vector_load %arg26[%get3A_620] {strides = array<i32>} : memref<4224xi32, #tpu.memory_space<vmem>>, vector<16xi32>,
            "tpu.region"() ({
              %run_scoped3A_640 = tpu.sem_alloc : memref<!tpu.dma_semaphore, #tpu.memory_space<semaphore_mem>>
              %dma_start3A_641 = arith.constant 64 : i32
              %dma_start3A_642 = arith.constant 0 : i32
              %dma_start3A_643 = tpu.memref_slice %arg29[%dma_start3A_641, %dma_start3A_642] : memref<128x64xf32, #tpu.memory_space<vmem>> -> memref<16x64xf32, #tpu.memory_space<vmem>>
              %dma_start3A_644 = arith.constant 0 : i32
              %dma_start3A_645 = arith.constant 0 : i32
              %dma_start3A_646 = tpu.memref_slice %arg38[%dma_start3A_644, %dma_start3A_645] : memref<264x64xf32, #tpu.memory_space<vmem_shared>> -> memref<264x64xf32, #tpu.memory_space<vmem_shared>>
              tpu.enqueue_indirect_dma source(%dma_start3A_643 : memref<16x64xf32, #tpu.memory_space<vmem>>) target(%dma_start3A_646 : memref<264x64xf32, #tpu.memory_space<vmem_shared>>) offsets(%get3A_621 : vector<16xi32>) semaphore(%run_scoped3A_640 : memref<!tpu.dma_semaphore, #tpu.memory_space<semaphore_mem>>) {add = true}
              %dma_wait3A_647 = arith.constant 64 : i32
              %dma_wait3A_648 = arith.constant 0 : i32
              %dma_wait3A_649 = tpu.memref_slice %arg29[%dma_wait3A_647, %dma_wait3A_648] : memref<128x64xf32, #tpu.memory_space<vmem>> -> memref<16x64xf32, #tpu.memory_space<vmem>>
              %dma_wait3A_650 = arith.constant 0 : i32
              %dma_wait3A_651 = arith.constant 0 : i32
              %dma_wait3A_652 = tpu.memref_slice %arg38[%dma_wait3A_650, %dma_wait3A_651] : memref<264x64xf32, #tpu.memory_space<vmem_shared>> -> memref<264x64xf32, #tpu.memory_space<vmem_shared>>
              tpu.wait_indirect_dma semaphore(%run_scoped3A_640 : memref<!tpu.dma_semaphore, #tpu.memory_space<semaphore_mem>>) src(%dma_wait3A_649 : memref<16x64xf32, #tpu.memory_space<vmem>>) dst(%dma_wait3A_652 : memref<264x64xf32, #tpu.memory_space<vmem_shared>>)
              tpu.yield
            }) : () -> ()
            %mul3A_622 = arith.constant 128 : i32
            %mul3A_623 = arith.muli %add3A_582, %mul3A_622 : i32
            %add3A_624 = arith.constant 80 : i32
            %add3A_625 = arith.addi %mul3A_623, %add3A_624 : i32
            %get3A_626 = arith.index_cast %add3A_625 : i32 to index
            %get3A_627 = tpu.vector_load %arg26[%get3A_626] {strides = array<i32>} : memref<4224xi32, #tpu.memory_space<vmem>>, vector<16xi32>,
            "tpu.region"() ({
              %run_scoped3A_640 = tpu.sem_alloc : memref<!tpu.dma_semaphore, #tpu.memory_space<semaphore_mem>>
              %dma_start3A_641 = arith.constant 80 : i32
              %dma_start3A_642 = arith.constant 0 : i32
              %dma_start3A_643 = tpu.memref_slice %arg29[%dma_start3A_641, %dma_start3A_642] : memref<128x64xf32, #tpu.memory_space<vmem>> -> memref<16x64xf32, #tpu.memory_space<vmem>>
              %dma_start3A_644 = arith.constant 0 : i32
              %dma_start3A_645 = arith.constant 0 : i32
              %dma_start3A_646 = tpu.memref_slice %arg38[%dma_start3A_644, %dma_start3A_645] : memref<264x64xf32, #tpu.memory_space<vmem_shared>> -> memref<264x64xf32, #tpu.memory_space<vmem_shared>>
              tpu.enqueue_indirect_dma source(%dma_start3A_643 : memref<16x64xf32, #tpu.memory_space<vmem>>) target(%dma_start3A_646 : memref<264x64xf32, #tpu.memory_space<vmem_shared>>) offsets(%get3A_627 : vector<16xi32>) semaphore(%run_scoped3A_640 : memref<!tpu.dma_semaphore, #tpu.memory_space<semaphore_mem>>) {add = true}
              %dma_wait3A_647 = arith.constant 80 : i32
              %dma_wait3A_648 = arith.constant 0 : i32
              %dma_wait3A_649 = tpu.memref_slice %arg29[%dma_wait3A_647, %dma_wait3A_648] : memref<128x64xf32, #tpu.memory_space<vmem>> -> memref<16x64xf32, #tpu.memory_space<vmem>>
              %dma_wait3A_650 = arith.constant 0 : i32
              %dma_wait3A_651 = arith.constant 0 : i32
              %dma_wait3A_652 = tpu.memref_slice %arg38[%dma_wait3A_650, %dma_wait3A_651] : memref<264x64xf32, #tpu.memory_space<vmem_shared>> -> memref<264x64xf32, #tpu.memory_space<vmem_shared>>
              tpu.wait_indirect_dma semaphore(%run_scoped3A_640 : memref<!tpu.dma_semaphore, #tpu.memory_space<semaphore_mem>>) src(%dma_wait3A_649 : memref<16x64xf32, #tpu.memory_space<vmem>>) dst(%dma_wait3A_652 : memref<264x64xf32, #tpu.memory_space<vmem_shared>>)
              tpu.yield
            }) : () -> ()
            %mul3A_628 = arith.constant 128 : i32
            %mul3A_629 = arith.muli %add3A_582, %mul3A_628 : i32
            %add3A_630 = arith.constant 96 : i32
            %add3A_631 = arith.addi %mul3A_629, %add3A_630 : i32
            %get3A_632 = arith.index_cast %add3A_631 : i32 to index
            %get3A_633 = tpu.vector_load %arg26[%get3A_632] {strides = array<i32>} : memref<4224xi32, #tpu.memory_space<vmem>>, vector<16xi32>,
            "tpu.region"() ({
              %run_scoped3A_640 = tpu.sem_alloc : memref<!tpu.dma_semaphore, #tpu.memory_space<semaphore_mem>>
              %dma_start3A_641 = arith.constant 96 : i32
              %dma_start3A_642 = arith.constant 0 : i32
              %dma_start3A_643 = tpu.memref_slice %arg29[%dma_start3A_641, %dma_start3A_642] : memref<128x64xf32, #tpu.memory_space<vmem>> -> memref<16x64xf32, #tpu.memory_space<vmem>>
              %dma_start3A_644 = arith.constant 0 : i32
              %dma_start3A_645 = arith.constant 0 : i32
              %dma_start3A_646 = tpu.memref_slice %arg38[%dma_start3A_644, %dma_start3A_645] : memref<264x64xf32, #tpu.memory_space<vmem_shared>> -> memref<264x64xf32, #tpu.memory_space<vmem_shared>>
              tpu.enqueue_indirect_dma source(%dma_start3A_643 : memref<16x64xf32, #tpu.memory_space<vmem>>) target(%dma_start3A_646 : memref<264x64xf32, #tpu.memory_space<vmem_shared>>) offsets(%get3A_633 : vector<16xi32>) semaphore(%run_scoped3A_640 : memref<!tpu.dma_semaphore, #tpu.memory_space<semaphore_mem>>) {add = true}
              %dma_wait3A_647 = arith.constant 96 : i32
              %dma_wait3A_648 = arith.constant 0 : i32
              %dma_wait3A_649 = tpu.memref_slice %arg29[%dma_wait3A_647, %dma_wait3A_648] : memref<128x64xf32, #tpu.memory_space<vmem>> -> memref<16x64xf32, #tpu.memory_space<vmem>>
              %dma_wait3A_650 = arith.constant 0 : i32
              %dma_wait3A_651 = arith.constant 0 : i32
              %dma_wait3A_652 = tpu.memref_slice %arg38[%dma_wait3A_650, %dma_wait3A_651] : memref<264x64xf32, #tpu.memory_space<vmem_shared>> -> memref<264x64xf32, #tpu.memory_space<vmem_shared>>
              tpu.wait_indirect_dma semaphore(%run_scoped3A_640 : memref<!tpu.dma_semaphore, #tpu.memory_space<semaphore_mem>>) src(%dma_wait3A_649 : memref<16x64xf32, #tpu.memory_space<vmem>>) dst(%dma_wait3A_652 : memref<264x64xf32, #tpu.memory_space<vmem_shared>>)
              tpu.yield
            }) : () -> ()
            %mul3A_634 = arith.constant 128 : i32
            %mul3A_635 = arith.muli %add3A_582, %mul3A_634 : i32
            %add3A_636 = arith.constant 112 : i32
            %add3A_637 = arith.addi %mul3A_635, %add3A_636 : i32
            %get3A_638 = arith.index_cast %add3A_637 : i32 to index
            %get3A_639 = tpu.vector_load %arg26[%get3A_638] {strides = array<i32>} : memref<4224xi32, #tpu.memory_space<vmem>>, vector<16xi32>,
            "tpu.region"() ({
              %run_scoped3A_640 = tpu.sem_alloc : memref<!tpu.dma_semaphore, #tpu.memory_space<semaphore_mem>>
              %dma_start3A_641 = arith.constant 112 : i32
              %dma_start3A_642 = arith.constant 0 : i32
              %dma_start3A_643 = tpu.memref_slice %arg29[%dma_start3A_641, %dma_start3A_642] : memref<128x64xf32, #tpu.memory_space<vmem>> -> memref<16x64xf32, #tpu.memory_space<vmem>>
              %dma_start3A_644 = arith.constant 0 : i32
              %dma_start3A_645 = arith.constant 0 : i32
              %dma_start3A_646 = tpu.memref_slice %arg38[%dma_start3A_644, %dma_start3A_645] : memref<264x64xf32, #tpu.memory_space<vmem_shared>> -> memref<264x64xf32, #tpu.memory_space<vmem_shared>>
              tpu.enqueue_indirect_dma source(%dma_start3A_643 : memref<16x64xf32, #tpu.memory_space<vmem>>) target(%dma_start3A_646 : memref<264x64xf32, #tpu.memory_space<vmem_shared>>) offsets(%get3A_639 : vector<16xi32>) semaphore(%run_scoped3A_640 : memref<!tpu.dma_semaphore, #tpu.memory_space<semaphore_mem>>) {add = true}
              %dma_wait3A_647 = arith.constant 112 : i32
              %dma_wait3A_648 = arith.constant 0 : i32
              %dma_wait3A_649 = tpu.memref_slice %arg29[%dma_wait3A_647, %dma_wait3A_648] : memref<128x64xf32, #tpu.memory_space<vmem>> -> memref<16x64xf32, #tpu.memory_space<vmem>>
              %dma_wait3A_650 = arith.constant 0 : i32
              %dma_wait3A_651 = arith.constant 0 : i32
              %dma_wait3A_652 = tpu.memref_slice %arg38[%dma_wait3A_650, %dma_wait3A_651] : memref<264x64xf32, #tpu.memory_space<vmem_shared>> -> memref<264x64xf32, #tpu.memory_space<vmem_shared>>
              tpu.wait_indirect_dma semaphore(%run_scoped3A_640 : memref<!tpu.dma_semaphore, #tpu.memory_space<semaphore_mem>>) src(%dma_wait3A_649 : memref<16x64xf32, #tpu.memory_space<vmem>>) dst(%dma_wait3A_652 : memref<264x64xf32, #tpu.memory_space<vmem_shared>>)
              tpu.yield
            }) : () -> ()
          }
          %while3A_483 = arith.constant 1 : i32
          scf.for %while3A_580 = %while3A_481 to %while3A_477 step %while3A_483  : i32 {
            %mul3A_581 = arith.muli %while3A_580, %while3A : i32
            %add3A_582 = arith.addi %while3A_474, %mul3A_581 : i32
            %mul3A_583 = arith.constant 128 : i32
            %mul3A_584 = arith.muli %add3A_582, %mul3A_583 : i32
            %dma_start3A_585 = tpu.memref_slice %arg27[%mul3A_584] : memref<4224xi32, #tpu.memory_space<vmem>> -> memref<128xi32, #tpu.memory_space<vmem>>
            %dma_start3A_586 = arith.constant 0 : i32
            %dma_start3A_587 = arith.constant 0 : i32
            %dma_start3A_588 = tpu.memref_slice %arg8[%dma_start3A_586, %dma_start3A_587] : memref<20480x64xf32, #tpu.memory_space<hbm>> -> memref<20480x64xf32, #tpu.memory_space<hbm>>
            tpu.enqueue_indirect_dma source(%dma_start3A_588 : memref<20480x64xf32, #tpu.memory_space<hbm>>) target(%arg29 : memref<128x64xf32, #tpu.memory_space<vmem>>) offsets(%dma_start3A_585 : memref<128xi32, #tpu.memory_space<vmem>>) semaphore(%arg30 : memref<!tpu.dma_semaphore, #tpu.memory_space<semaphore_mem>>)
            %dma_wait3A = tpu.memref_slice %arg27[%mul3A_584] : memref<4224xi32, #tpu.memory_space<vmem>> -> memref<128xi32, #tpu.memory_space<vmem>>
            %dma_wait3A_589 = arith.constant 0 : i32
            %dma_wait3A_590 = arith.constant 0 : i32
            %dma_wait3A_591 = tpu.memref_slice %arg8[%dma_wait3A_589, %dma_wait3A_590] : memref<20480x64xf32, #tpu.memory_space<hbm>> -> memref<20480x64xf32, #tpu.memory_space<hbm>>
            tpu.wait_indirect_dma semaphore(%arg30 : memref<!tpu.dma_semaphore, #tpu.memory_space<semaphore_mem>>) src(%dma_wait3A_591 : memref<20480x64xf32, #tpu.memory_space<hbm>>) dst(%arg29 : memref<128x64xf32, #tpu.memory_space<vmem>>)
            %mul3A_592 = arith.constant 128 : i32
            %mul3A_593 = arith.muli %add3A_582, %mul3A_592 : i32
            %add3A_594 = arith.constant 0 : i32
            %add3A_595 = arith.addi %mul3A_593, %add3A_594 : i32
            %get3A_596 = arith.index_cast %add3A_595 : i32 to index
            %get3A_597 = tpu.vector_load %arg26[%get3A_596] {strides = array<i32>} : memref<4224xi32, #tpu.memory_space<vmem>>, vector<16xi32>,
            "tpu.region"() ({
              %run_scoped3A_640 = tpu.sem_alloc : memref<!tpu.dma_semaphore, #tpu.memory_space<semaphore_mem>>
              %dma_start3A_641 = arith.constant 0 : i32
              %dma_start3A_642 = arith.constant 0 : i32
              %dma_start3A_643 = tpu.memref_slice %arg29[%dma_start3A_641, %dma_start3A_642] : memref<128x64xf32, #tpu.memory_space<vmem>> -> memref<16x64xf32, #tpu.memory_space<vmem>>
              %dma_start3A_644 = arith.constant 0 : i32
              %dma_start3A_645 = arith.constant 0 : i32
              %dma_start3A_646 = tpu.memref_slice %arg38[%dma_start3A_644, %dma_start3A_645] : memref<264x64xf32, #tpu.memory_space<vmem_shared>> -> memref<264x64xf32, #tpu.memory_space<vmem_shared>>
              tpu.enqueue_indirect_dma source(%dma_start3A_643 : memref<16x64xf32, #tpu.memory_space<vmem>>) target(%dma_start3A_646 : memref<264x64xf32, #tpu.memory_space<vmem_shared>>) offsets(%get3A_597 : vector<16xi32>) semaphore(%run_scoped3A_640 : memref<!tpu.dma_semaphore, #tpu.memory_space<semaphore_mem>>) {add = true}
              %dma_wait3A_647 = arith.constant 0 : i32
              %dma_wait3A_648 = arith.constant 0 : i32
              %dma_wait3A_649 = tpu.memref_slice %arg29[%dma_wait3A_647, %dma_wait3A_648] : memref<128x64xf32, #tpu.memory_space<vmem>> -> memref<16x64xf32, #tpu.memory_space<vmem>>
              %dma_wait3A_650 = arith.constant 0 : i32
              %dma_wait3A_651 = arith.constant 0 : i32
              %dma_wait3A_652 = tpu.memref_slice %arg38[%dma_wait3A_650, %dma_wait3A_651] : memref<264x64xf32, #tpu.memory_space<vmem_shared>> -> memref<264x64xf32, #tpu.memory_space<vmem_shared>>
              tpu.wait_indirect_dma semaphore(%run_scoped3A_640 : memref<!tpu.dma_semaphore, #tpu.memory_space<semaphore_mem>>) src(%dma_wait3A_649 : memref<16x64xf32, #tpu.memory_space<vmem>>) dst(%dma_wait3A_652 : memref<264x64xf32, #tpu.memory_space<vmem_shared>>)
              tpu.yield
            }) : () -> ()
            %mul3A_598 = arith.constant 128 : i32
            %mul3A_599 = arith.muli %add3A_582, %mul3A_598 : i32
            %add3A_600 = arith.constant 16 : i32
            %add3A_601 = arith.addi %mul3A_599, %add3A_600 : i32
            %get3A_602 = arith.index_cast %add3A_601 : i32 to index
            %get3A_603 = tpu.vector_load %arg26[%get3A_602] {strides = array<i32>} : memref<4224xi32, #tpu.memory_space<vmem>>, vector<16xi32>,
            "tpu.region"() ({
              %run_scoped3A_640 = tpu.sem_alloc : memref<!tpu.dma_semaphore, #tpu.memory_space<semaphore_mem>>
              %dma_start3A_641 = arith.constant 16 : i32
              %dma_start3A_642 = arith.constant 0 : i32
              %dma_start3A_643 = tpu.memref_slice %arg29[%dma_start3A_641, %dma_start3A_642] : memref<128x64xf32, #tpu.memory_space<vmem>> -> memref<16x64xf32, #tpu.memory_space<vmem>>
              %dma_start3A_644 = arith.constant 0 : i32
              %dma_start3A_645 = arith.constant 0 : i32
              %dma_start3A_646 = tpu.memref_slice %arg38[%dma_start3A_644, %dma_start3A_645] : memref<264x64xf32, #tpu.memory_space<vmem_shared>> -> memref<264x64xf32, #tpu.memory_space<vmem_shared>>
              tpu.enqueue_indirect_dma source(%dma_start3A_643 : memref<16x64xf32, #tpu.memory_space<vmem>>) target(%dma_start3A_646 : memref<264x64xf32, #tpu.memory_space<vmem_shared>>) offsets(%get3A_603 : vector<16xi32>) semaphore(%run_scoped3A_640 : memref<!tpu.dma_semaphore, #tpu.memory_space<semaphore_mem>>) {add = true}
              %dma_wait3A_647 = arith.constant 16 : i32
              %dma_wait3A_648 = arith.constant 0 : i32
              %dma_wait3A_649 = tpu.memref_slice %arg29[%dma_wait3A_647, %dma_wait3A_648] : memref<128x64xf32, #tpu.memory_space<vmem>> -> memref<16x64xf32, #tpu.memory_space<vmem>>
              %dma_wait3A_650 = arith.constant 0 : i32
              %dma_wait3A_651 = arith.constant 0 : i32
              %dma_wait3A_652 = tpu.memref_slice %arg38[%dma_wait3A_650, %dma_wait3A_651] : memref<264x64xf32, #tpu.memory_space<vmem_shared>> -> memref<264x64xf32, #tpu.memory_space<vmem_shared>>
              tpu.wait_indirect_dma semaphore(%run_scoped3A_640 : memref<!tpu.dma_semaphore, #tpu.memory_space<semaphore_mem>>) src(%dma_wait3A_649 : memref<16x64xf32, #tpu.memory_space<vmem>>) dst(%dma_wait3A_652 : memref<264x64xf32, #tpu.memory_space<vmem_shared>>)
              tpu.yield
            }) : () -> ()
            %mul3A_604 = arith.constant 128 : i32
            %mul3A_605 = arith.muli %add3A_582, %mul3A_604 : i32
            %add3A_606 = arith.constant 32 : i32
            %add3A_607 = arith.addi %mul3A_605, %add3A_606 : i32
            %get3A_608 = arith.index_cast %add3A_607 : i32 to index
            %get3A_609 = tpu.vector_load %arg26[%get3A_608] {strides = array<i32>} : memref<4224xi32, #tpu.memory_space<vmem>>, vector<16xi32>,
            "tpu.region"() ({
              %run_scoped3A_640 = tpu.sem_alloc : memref<!tpu.dma_semaphore, #tpu.memory_space<semaphore_mem>>
              %dma_start3A_641 = arith.constant 32 : i32
              %dma_start3A_642 = arith.constant 0 : i32
              %dma_start3A_643 = tpu.memref_slice %arg29[%dma_start3A_641, %dma_start3A_642] : memref<128x64xf32, #tpu.memory_space<vmem>> -> memref<16x64xf32, #tpu.memory_space<vmem>>
              %dma_start3A_644 = arith.constant 0 : i32
              %dma_start3A_645 = arith.constant 0 : i32
              %dma_start3A_646 = tpu.memref_slice %arg38[%dma_start3A_644, %dma_start3A_645] : memref<264x64xf32, #tpu.memory_space<vmem_shared>> -> memref<264x64xf32, #tpu.memory_space<vmem_shared>>
              tpu.enqueue_indirect_dma source(%dma_start3A_643 : memref<16x64xf32, #tpu.memory_space<vmem>>) target(%dma_start3A_646 : memref<264x64xf32, #tpu.memory_space<vmem_shared>>) offsets(%get3A_609 : vector<16xi32>) semaphore(%run_scoped3A_640 : memref<!tpu.dma_semaphore, #tpu.memory_space<semaphore_mem>>) {add = true}
              %dma_wait3A_647 = arith.constant 32 : i32
              %dma_wait3A_648 = arith.constant 0 : i32
              %dma_wait3A_649 = tpu.memref_slice %arg29[%dma_wait3A_647, %dma_wait3A_648] : memref<128x64xf32, #tpu.memory_space<vmem>> -> memref<16x64xf32, #tpu.memory_space<vmem>>
              %dma_wait3A_650 = arith.constant 0 : i32
              %dma_wait3A_651 = arith.constant 0 : i32
              %dma_wait3A_652 = tpu.memref_slice %arg38[%dma_wait3A_650, %dma_wait3A_651] : memref<264x64xf32, #tpu.memory_space<vmem_shared>> -> memref<264x64xf32, #tpu.memory_space<vmem_shared>>
              tpu.wait_indirect_dma semaphore(%run_scoped3A_640 : memref<!tpu.dma_semaphore, #tpu.memory_space<semaphore_mem>>) src(%dma_wait3A_649 : memref<16x64xf32, #tpu.memory_space<vmem>>) dst(%dma_wait3A_652 : memref<264x64xf32, #tpu.memory_space<vmem_shared>>)
              tpu.yield
            }) : () -> ()
            %mul3A_610 = arith.constant 128 : i32
            %mul3A_611 = arith.muli %add3A_582, %mul3A_610 : i32
            %add3A_612 = arith.constant 48 : i32
            %add3A_613 = arith.addi %mul3A_611, %add3A_612 : i32
            %get3A_614 = arith.index_cast %add3A_613 : i32 to index
            %get3A_615 = tpu.vector_load %arg26[%get3A_614] {strides = array<i32>} : memref<4224xi32, #tpu.memory_space<vmem>>, vector<16xi32>,
            "tpu.region"() ({
              %run_scoped3A_640 = tpu.sem_alloc : memref<!tpu.dma_semaphore, #tpu.memory_space<semaphore_mem>>
              %dma_start3A_641 = arith.constant 48 : i32
              %dma_start3A_642 = arith.constant 0 : i32
              %dma_start3A_643 = tpu.memref_slice %arg29[%dma_start3A_641, %dma_start3A_642] : memref<128x64xf32, #tpu.memory_space<vmem>> -> memref<16x64xf32, #tpu.memory_space<vmem>>
              %dma_start3A_644 = arith.constant 0 : i32
              %dma_start3A_645 = arith.constant 0 : i32
              %dma_start3A_646 = tpu.memref_slice %arg38[%dma_start3A_644, %dma_start3A_645] : memref<264x64xf32, #tpu.memory_space<vmem_shared>> -> memref<264x64xf32, #tpu.memory_space<vmem_shared>>
              tpu.enqueue_indirect_dma source(%dma_start3A_643 : memref<16x64xf32, #tpu.memory_space<vmem>>) target(%dma_start3A_646 : memref<264x64xf32, #tpu.memory_space<vmem_shared>>) offsets(%get3A_615 : vector<16xi32>) semaphore(%run_scoped3A_640 : memref<!tpu.dma_semaphore, #tpu.memory_space<semaphore_mem>>) {add = true}
              %dma_wait3A_647 = arith.constant 48 : i32
              %dma_wait3A_648 = arith.constant 0 : i32
              %dma_wait3A_649 = tpu.memref_slice %arg29[%dma_wait3A_647, %dma_wait3A_648] : memref<128x64xf32, #tpu.memory_space<vmem>> -> memref<16x64xf32, #tpu.memory_space<vmem>>
              %dma_wait3A_650 = arith.constant 0 : i32
              %dma_wait3A_651 = arith.constant 0 : i32
              %dma_wait3A_652 = tpu.memref_slice %arg38[%dma_wait3A_650, %dma_wait3A_651] : memref<264x64xf32, #tpu.memory_space<vmem_shared>> -> memref<264x64xf32, #tpu.memory_space<vmem_shared>>
              tpu.wait_indirect_dma semaphore(%run_scoped3A_640 : memref<!tpu.dma_semaphore, #tpu.memory_space<semaphore_mem>>) src(%dma_wait3A_649 : memref<16x64xf32, #tpu.memory_space<vmem>>) dst(%dma_wait3A_652 : memref<264x64xf32, #tpu.memory_space<vmem_shared>>)
              tpu.yield
            }) : () -> ()
            %mul3A_616 = arith.constant 128 : i32
            %mul3A_617 = arith.muli %add3A_582, %mul3A_616 : i32
            %add3A_618 = arith.constant 64 : i32
            %add3A_619 = arith.addi %mul3A_617, %add3A_618 : i32
            %get3A_620 = arith.index_cast %add3A_619 : i32 to index
            %get3A_621 = tpu.vector_load %arg26[%get3A_620] {strides = array<i32>} : memref<4224xi32, #tpu.memory_space<vmem>>, vector<16xi32>,
            "tpu.region"() ({
              %run_scoped3A_640 = tpu.sem_alloc : memref<!tpu.dma_semaphore, #tpu.memory_space<semaphore_mem>>
              %dma_start3A_641 = arith.constant 64 : i32
              %dma_start3A_642 = arith.constant 0 : i32
              %dma_start3A_643 = tpu.memref_slice %arg29[%dma_start3A_641, %dma_start3A_642] : memref<128x64xf32, #tpu.memory_space<vmem>> -> memref<16x64xf32, #tpu.memory_space<vmem>>
              %dma_start3A_644 = arith.constant 0 : i32
              %dma_start3A_645 = arith.constant 0 : i32
              %dma_start3A_646 = tpu.memref_slice %arg38[%dma_start3A_644, %dma_start3A_645] : memref<264x64xf32, #tpu.memory_space<vmem_shared>> -> memref<264x64xf32, #tpu.memory_space<vmem_shared>>
              tpu.enqueue_indirect_dma source(%dma_start3A_643 : memref<16x64xf32, #tpu.memory_space<vmem>>) target(%dma_start3A_646 : memref<264x64xf32, #tpu.memory_space<vmem_shared>>) offsets(%get3A_621 : vector<16xi32>) semaphore(%run_scoped3A_640 : memref<!tpu.dma_semaphore, #tpu.memory_space<semaphore_mem>>) {add = true}
              %dma_wait3A_647 = arith.constant 64 : i32
              %dma_wait3A_648 = arith.constant 0 : i32
              %dma_wait3A_649 = tpu.memref_slice %arg29[%dma_wait3A_647, %dma_wait3A_648] : memref<128x64xf32, #tpu.memory_space<vmem>> -> memref<16x64xf32, #tpu.memory_space<vmem>>
              %dma_wait3A_650 = arith.constant 0 : i32
              %dma_wait3A_651 = arith.constant 0 : i32
              %dma_wait3A_652 = tpu.memref_slice %arg38[%dma_wait3A_650, %dma_wait3A_651] : memref<264x64xf32, #tpu.memory_space<vmem_shared>> -> memref<264x64xf32, #tpu.memory_space<vmem_shared>>
              tpu.wait_indirect_dma semaphore(%run_scoped3A_640 : memref<!tpu.dma_semaphore, #tpu.memory_space<semaphore_mem>>) src(%dma_wait3A_649 : memref<16x64xf32, #tpu.memory_space<vmem>>) dst(%dma_wait3A_652 : memref<264x64xf32, #tpu.memory_space<vmem_shared>>)
              tpu.yield
            }) : () -> ()
            %mul3A_622 = arith.constant 128 : i32
            %mul3A_623 = arith.muli %add3A_582, %mul3A_622 : i32
            %add3A_624 = arith.constant 80 : i32
            %add3A_625 = arith.addi %mul3A_623, %add3A_624 : i32
            %get3A_626 = arith.index_cast %add3A_625 : i32 to index
            %get3A_627 = tpu.vector_load %arg26[%get3A_626] {strides = array<i32>} : memref<4224xi32, #tpu.memory_space<vmem>>, vector<16xi32>,
            "tpu.region"() ({
              %run_scoped3A_640 = tpu.sem_alloc : memref<!tpu.dma_semaphore, #tpu.memory_space<semaphore_mem>>
              %dma_start3A_641 = arith.constant 80 : i32
              %dma_start3A_642 = arith.constant 0 : i32
              %dma_start3A_643 = tpu.memref_slice %arg29[%dma_start3A_641, %dma_start3A_642] : memref<128x64xf32, #tpu.memory_space<vmem>> -> memref<16x64xf32, #tpu.memory_space<vmem>>
              %dma_start3A_644 = arith.constant 0 : i32
              %dma_start3A_645 = arith.constant 0 : i32
              %dma_start3A_646 = tpu.memref_slice %arg38[%dma_start3A_644, %dma_start3A_645] : memref<264x64xf32, #tpu.memory_space<vmem_shared>> -> memref<264x64xf32, #tpu.memory_space<vmem_shared>>
              tpu.enqueue_indirect_dma source(%dma_start3A_643 : memref<16x64xf32, #tpu.memory_space<vmem>>) target(%dma_start3A_646 : memref<264x64xf32, #tpu.memory_space<vmem_shared>>) offsets(%get3A_627 : vector<16xi32>) semaphore(%run_scoped3A_640 : memref<!tpu.dma_semaphore, #tpu.memory_space<semaphore_mem>>) {add = true}
              %dma_wait3A_647 = arith.constant 80 : i32
              %dma_wait3A_648 = arith.constant 0 : i32
              %dma_wait3A_649 = tpu.memref_slice %arg29[%dma_wait3A_647, %dma_wait3A_648] : memref<128x64xf32, #tpu.memory_space<vmem>> -> memref<16x64xf32, #tpu.memory_space<vmem>>
              %dma_wait3A_650 = arith.constant 0 : i32
              %dma_wait3A_651 = arith.constant 0 : i32
              %dma_wait3A_652 = tpu.memref_slice %arg38[%dma_wait3A_650, %dma_wait3A_651] : memref<264x64xf32, #tpu.memory_space<vmem_shared>> -> memref<264x64xf32, #tpu.memory_space<vmem_shared>>
              tpu.wait_indirect_dma semaphore(%run_scoped3A_640 : memref<!tpu.dma_semaphore, #tpu.memory_space<semaphore_mem>>) src(%dma_wait3A_649 : memref<16x64xf32, #tpu.memory_space<vmem>>) dst(%dma_wait3A_652 : memref<264x64xf32, #tpu.memory_space<vmem_shared>>)
              tpu.yield
            }) : () -> ()
            %mul3A_628 = arith.constant 128 : i32
            %mul3A_629 = arith.muli %add3A_582, %mul3A_628 : i32
            %add3A_630 = arith.constant 96 : i32
            %add3A_631 = arith.addi %mul3A_629, %add3A_630 : i32
            %get3A_632 = arith.index_cast %add3A_631 : i32 to index
            %get3A_633 = tpu.vector_load %arg26[%get3A_632] {strides = array<i32>} : memref<4224xi32, #tpu.memory_space<vmem>>, vector<16xi32>,
            "tpu.region"() ({
              %run_scoped3A_640 = tpu.sem_alloc : memref<!tpu.dma_semaphore, #tpu.memory_space<semaphore_mem>>
              %dma_start3A_641 = arith.constant 96 : i32
              %dma_start3A_642 = arith.constant 0 : i32
              %dma_start3A_643 = tpu.memref_slice %arg29[%dma_start3A_641, %dma_start3A_642] : memref<128x64xf32, #tpu.memory_space<vmem>> -> memref<16x64xf32, #tpu.memory_space<vmem>>
              %dma_start3A_644 = arith.constant 0 : i32
              %dma_start3A_645 = arith.constant 0 : i32
              %dma_start3A_646 = tpu.memref_slice %arg38[%dma_start3A_644, %dma_start3A_645] : memref<264x64xf32, #tpu.memory_space<vmem_shared>> -> memref<264x64xf32, #tpu.memory_space<vmem_shared>>
              tpu.enqueue_indirect_dma source(%dma_start3A_643 : memref<16x64xf32, #tpu.memory_space<vmem>>) target(%dma_start3A_646 : memref<264x64xf32, #tpu.memory_space<vmem_shared>>) offsets(%get3A_633 : vector<16xi32>) semaphore(%run_scoped3A_640 : memref<!tpu.dma_semaphore, #tpu.memory_space<semaphore_mem>>) {add = true}
              %dma_wait3A_647 = arith.constant 96 : i32
              %dma_wait3A_648 = arith.constant 0 : i32
              %dma_wait3A_649 = tpu.memref_slice %arg29[%dma_wait3A_647, %dma_wait3A_648] : memref<128x64xf32, #tpu.memory_space<vmem>> -> memref<16x64xf32, #tpu.memory_space<vmem>>
              %dma_wait3A_650 = arith.constant 0 : i32
              %dma_wait3A_651 = arith.constant 0 : i32
              %dma_wait3A_652 = tpu.memref_slice %arg38[%dma_wait3A_650, %dma_wait3A_651] : memref<264x64xf32, #tpu.memory_space<vmem_shared>> -> memref<264x64xf32, #tpu.memory_space<vmem_shared>>
              tpu.wait_indirect_dma semaphore(%run_scoped3A_640 : memref<!tpu.dma_semaphore, #tpu.memory_space<semaphore_mem>>) src(%dma_wait3A_649 : memref<16x64xf32, #tpu.memory_space<vmem>>) dst(%dma_wait3A_652 : memref<264x64xf32, #tpu.memory_space<vmem_shared>>)
              tpu.yield
            }) : () -> ()
            %mul3A_634 = arith.constant 128 : i32
            %mul3A_635 = arith.muli %add3A_582, %mul3A_634 : i32
            %add3A_636 = arith.constant 112 : i32
            %add3A_637 = arith.addi %mul3A_635, %add3A_636 : i32
            %get3A_638 = arith.index_cast %add3A_637 : i32 to index
            %get3A_639 = tpu.vector_load %arg26[%get3A_638] {strides = array<i32>} : memref<4224xi32, #tpu.memory_space<vmem>>, vector<16xi32>,
            "tpu.region"() ({
              %run_scoped3A_640 = tpu.sem_alloc : memref<!tpu.dma_semaphore, #tpu.memory_space<semaphore_mem>>
              %dma_start3A_641 = arith.constant 112 : i32
              %dma_start3A_642 = arith.constant 0 : i32
              %dma_start3A_643 = tpu.memref_slice %arg29[%dma_start3A_641, %dma_start3A_642] : memref<128x64xf32, #tpu.memory_space<vmem>> -> memref<16x64xf32, #tpu.memory_space<vmem>>
              %dma_start3A_644 = arith.constant 0 : i32
              %dma_start3A_645 = arith.constant 0 : i32
              %dma_start3A_646 = tpu.memref_slice %arg38[%dma_start3A_644, %dma_start3A_645] : memref<264x64xf32, #tpu.memory_space<vmem_shared>> -> memref<264x64xf32, #tpu.memory_space<vmem_shared>>
              tpu.enqueue_indirect_dma source(%dma_start3A_643 : memref<16x64xf32, #tpu.memory_space<vmem>>) target(%dma_start3A_646 : memref<264x64xf32, #tpu.memory_space<vmem_shared>>) offsets(%get3A_639 : vector<16xi32>) semaphore(%run_scoped3A_640 : memref<!tpu.dma_semaphore, #tpu.memory_space<semaphore_mem>>) {add = true}
              %dma_wait3A_647 = arith.constant 112 : i32
              %dma_wait3A_648 = arith.constant 0 : i32
              %dma_wait3A_649 = tpu.memref_slice %arg29[%dma_wait3A_647, %dma_wait3A_648] : memref<128x64xf32, #tpu.memory_space<vmem>> -> memref<16x64xf32, #tpu.memory_space<vmem>>
              %dma_wait3A_650 = arith.constant 0 : i32
              %dma_wait3A_651 = arith.constant 0 : i32
              %dma_wait3A_652 = tpu.memref_slice %arg38[%dma_wait3A_650, %dma_wait3A_651] : memref<264x64xf32, #tpu.memory_space<vmem_shared>> -> memref<264x64xf32, #tpu.memory_space<vmem_shared>>
              tpu.wait_indirect_dma semaphore(%run_scoped3A_640 : memref<!tpu.dma_semaphore, #tpu.memory_space<semaphore_mem>>) src(%dma_wait3A_649 : memref<16x64xf32, #tpu.memory_space<vmem>>) dst(%dma_wait3A_652 : memref<264x64xf32, #tpu.memory_space<vmem_shared>>)
              tpu.yield
            }) : () -> ()
          }
          %mul3A_484 = arith.constant 128 : i32
          %mul3A_485 = arith.muli %select_n3A_465, %mul3A_484 : i32
          %add3A_486 = arith.constant 0 : i32
          %add3A_487 = arith.addi %mul3A_485, %add3A_486 : i32
          %get3A_488 = arith.index_cast %add3A_487 : i32 to index
          %get3A_489 = tpu.vector_load %arg27[%get3A_488] {strides = array<i32>} : memref<4224xi32, #tpu.memory_space<vmem>>, vector<16xi32>,
          %swap3A_490 = arith.constant 0 : index
          %swap3A_491 = tpu.vector_load %arg27[%swap3A_490] {strides = array<i32>} : memref<4224xi32, #tpu.memory_space<vmem>>, vector<16xi32>,
          tpu.vector_store %arg27[%swap3A_490], %get3A_489 {strides = array<i32>} : memref<4224xi32, #tpu.memory_space<vmem>>, vector<16xi32>,
          %get3A_492 = arith.index_cast %add3A_487 : i32 to index
          %get3A_493 = tpu.vector_load %arg26[%get3A_492] {strides = array<i32>} : memref<4224xi32, #tpu.memory_space<vmem>>, vector<16xi32>,
          %swap3A_494 = arith.constant 0 : index
          %swap3A_495 = tpu.vector_load %arg26[%swap3A_494] {strides = array<i32>} : memref<4224xi32, #tpu.memory_space<vmem>>, vector<16xi32>,
          tpu.vector_store %arg26[%swap3A_494], %get3A_493 {strides = array<i32>} : memref<4224xi32, #tpu.memory_space<vmem>>, vector<16xi32>,
          %mul3A_496 = arith.constant 128 : i32
          %mul3A_497 = arith.muli %select_n3A_465, %mul3A_496 : i32
          %add3A_498 = arith.constant 16 : i32
          %add3A_499 = arith.addi %mul3A_497, %add3A_498 : i32
          %get3A_500 = arith.index_cast %add3A_499 : i32 to index
          %get3A_501 = tpu.vector_load %arg27[%get3A_500] {strides = array<i32>} : memref<4224xi32, #tpu.memory_space<vmem>>, vector<16xi32>,
          %swap3A_502 = arith.constant 16 : index
          %swap3A_503 = tpu.vector_load %arg27[%swap3A_502] {strides = array<i32>} : memref<4224xi32, #tpu.memory_space<vmem>>, vector<16xi32>,
          tpu.vector_store %arg27[%swap3A_502], %get3A_501 {strides = array<i32>} : memref<4224xi32, #tpu.memory_space<vmem>>, vector<16xi32>,
          %get3A_504 = arith.index_cast %add3A_499 : i32 to index
          %get3A_505 = tpu.vector_load %arg26[%get3A_504] {strides = array<i32>} : memref<4224xi32, #tpu.memory_space<vmem>>, vector<16xi32>,
          %swap3A_506 = arith.constant 16 : index
          %swap3A_507 = tpu.vector_load %arg26[%swap3A_506] {strides = array<i32>} : memref<4224xi32, #tpu.memory_space<vmem>>, vector<16xi32>,
          tpu.vector_store %arg26[%swap3A_506], %get3A_505 {strides = array<i32>} : memref<4224xi32, #tpu.memory_space<vmem>>, vector<16xi32>,
          %mul3A_508 = arith.constant 128 : i32
          %mul3A_509 = arith.muli %select_n3A_465, %mul3A_508 : i32
          %add3A_510 = arith.constant 32 : i32
          %add3A_511 = arith.addi %mul3A_509, %add3A_510 : i32
          %get3A_512 = arith.index_cast %add3A_511 : i32 to index
          %get3A_513 = tpu.vector_load %arg27[%get3A_512] {strides = array<i32>} : memref<4224xi32, #tpu.memory_space<vmem>>, vector<16xi32>,
          %swap3A_514 = arith.constant 32 : index
          %swap3A_515 = tpu.vector_load %arg27[%swap3A_514] {strides = array<i32>} : memref<4224xi32, #tpu.memory_space<vmem>>, vector<16xi32>,
          tpu.vector_store %arg27[%swap3A_514], %get3A_513 {strides = array<i32>} : memref<4224xi32, #tpu.memory_space<vmem>>, vector<16xi32>,
          %get3A_516 = arith.index_cast %add3A_511 : i32 to index
          %get3A_517 = tpu.vector_load %arg26[%get3A_516] {strides = array<i32>} : memref<4224xi32, #tpu.memory_space<vmem>>, vector<16xi32>,
          %swap3A_518 = arith.constant 32 : index
          %swap3A_519 = tpu.vector_load %arg26[%swap3A_518] {strides = array<i32>} : memref<4224xi32, #tpu.memory_space<vmem>>, vector<16xi32>,
          tpu.vector_store %arg26[%swap3A_518], %get3A_517 {strides = array<i32>} : memref<4224xi32, #tpu.memory_space<vmem>>, vector<16xi32>,
          %mul3A_520 = arith.constant 128 : i32
          %mul3A_521 = arith.muli %select_n3A_465, %mul3A_520 : i32
          %add3A_522 = arith.constant 48 : i32
          %add3A_523 = arith.addi %mul3A_521, %add3A_522 : i32
          %get3A_524 = arith.index_cast %add3A_523 : i32 to index
          %get3A_525 = tpu.vector_load %arg27[%get3A_524] {strides = array<i32>} : memref<4224xi32, #tpu.memory_space<vmem>>, vector<16xi32>,
          %swap3A_526 = arith.constant 48 : index
          %swap3A_527 = tpu.vector_load %arg27[%swap3A_526] {strides = array<i32>} : memref<4224xi32, #tpu.memory_space<vmem>>, vector<16xi32>,
          tpu.vector_store %arg27[%swap3A_526], %get3A_525 {strides = array<i32>} : memref<4224xi32, #tpu.memory_space<vmem>>, vector<16xi32>,
          %get3A_528 = arith.index_cast %add3A_523 : i32 to index
          %get3A_529 = tpu.vector_load %arg26[%get3A_528] {strides = array<i32>} : memref<4224xi32, #tpu.memory_space<vmem>>, vector<16xi32>,
          %swap3A_530 = arith.constant 48 : index
          %swap3A_531 = tpu.vector_load %arg26[%swap3A_530] {strides = array<i32>} : memref<4224xi32, #tpu.memory_space<vmem>>, vector<16xi32>,
          tpu.vector_store %arg26[%swap3A_530], %get3A_529 {strides = array<i32>} : memref<4224xi32, #tpu.memory_space<vmem>>, vector<16xi32>,
          %mul3A_532 = arith.constant 128 : i32
          %mul3A_533 = arith.muli %select_n3A_465, %mul3A_532 : i32
          %add3A_534 = arith.constant 64 : i32
          %add3A_535 = arith.addi %mul3A_533, %add3A_534 : i32
          %get3A_536 = arith.index_cast %add3A_535 : i32 to index
          %get3A_537 = tpu.vector_load %arg27[%get3A_536] {strides = array<i32>} : memref<4224xi32, #tpu.memory_space<vmem>>, vector<16xi32>,
          %swap3A_538 = arith.constant 64 : index
          %swap3A_539 = tpu.vector_load %arg27[%swap3A_538] {strides = array<i32>} : memref<4224xi32, #tpu.memory_space<vmem>>, vector<16xi32>,
          tpu.vector_store %arg27[%swap3A_538], %get3A_537 {strides = array<i32>} : memref<4224xi32, #tpu.memory_space<vmem>>, vector<16xi32>,
          %get3A_540 = arith.index_cast %add3A_535 : i32 to index
          %get3A_541 = tpu.vector_load %arg26[%get3A_540] {strides = array<i32>} : memref<4224xi32, #tpu.memory_space<vmem>>, vector<16xi32>,
          %swap3A_542 = arith.constant 64 : index
          %swap3A_543 = tpu.vector_load %arg26[%swap3A_542] {strides = array<i32>} : memref<4224xi32, #tpu.memory_space<vmem>>, vector<16xi32>,
          tpu.vector_store %arg26[%swap3A_542], %get3A_541 {strides = array<i32>} : memref<4224xi32, #tpu.memory_space<vmem>>, vector<16xi32>,
          %mul3A_544 = arith.constant 128 : i32
          %mul3A_545 = arith.muli %select_n3A_465, %mul3A_544 : i32
          %add3A_546 = arith.constant 80 : i32
          %add3A_547 = arith.addi %mul3A_545, %add3A_546 : i32
          %get3A_548 = arith.index_cast %add3A_547 : i32 to index
          %get3A_549 = tpu.vector_load %arg27[%get3A_548] {strides = array<i32>} : memref<4224xi32, #tpu.memory_space<vmem>>, vector<16xi32>,
          %swap3A_550 = arith.constant 80 : index
          %swap3A_551 = tpu.vector_load %arg27[%swap3A_550] {strides = array<i32>} : memref<4224xi32, #tpu.memory_space<vmem>>, vector<16xi32>,
          tpu.vector_store %arg27[%swap3A_550], %get3A_549 {strides = array<i32>} : memref<4224xi32, #tpu.memory_space<vmem>>, vector<16xi32>,
          %get3A_552 = arith.index_cast %add3A_547 : i32 to index
          %get3A_553 = tpu.vector_load %arg26[%get3A_552] {strides = array<i32>} : memref<4224xi32, #tpu.memory_space<vmem>>, vector<16xi32>,
          %swap3A_554 = arith.constant 80 : index
          %swap3A_555 = tpu.vector_load %arg26[%swap3A_554] {strides = array<i32>} : memref<4224xi32, #tpu.memory_space<vmem>>, vector<16xi32>,
          tpu.vector_store %arg26[%swap3A_554], %get3A_553 {strides = array<i32>} : memref<4224xi32, #tpu.memory_space<vmem>>, vector<16xi32>,
          %mul3A_556 = arith.constant 128 : i32
          %mul3A_557 = arith.muli %select_n3A_465, %mul3A_556 : i32
          %add3A_558 = arith.constant 96 : i32
          %add3A_559 = arith.addi %mul3A_557, %add3A_558 : i32
          %get3A_560 = arith.index_cast %add3A_559 : i32 to index
          %get3A_561 = tpu.vector_load %arg27[%get3A_560] {strides = array<i32>} : memref<4224xi32, #tpu.memory_space<vmem>>, vector<16xi32>,
          %swap3A_562 = arith.constant 96 : index
          %swap3A_563 = tpu.vector_load %arg27[%swap3A_562] {strides = array<i32>} : memref<4224xi32, #tpu.memory_space<vmem>>, vector<16xi32>,
          tpu.vector_store %arg27[%swap3A_562], %get3A_561 {strides = array<i32>} : memref<4224xi32, #tpu.memory_space<vmem>>, vector<16xi32>,
          %get3A_564 = arith.index_cast %add3A_559 : i32 to index
          %get3A_565 = tpu.vector_load %arg26[%get3A_564] {strides = array<i32>} : memref<4224xi32, #tpu.memory_space<vmem>>, vector<16xi32>,
          %swap3A_566 = arith.constant 96 : index
          %swap3A_567 = tpu.vector_load %arg26[%swap3A_566] {strides = array<i32>} : memref<4224xi32, #tpu.memory_space<vmem>>, vector<16xi32>,
          tpu.vector_store %arg26[%swap3A_566], %get3A_565 {strides = array<i32>} : memref<4224xi32, #tpu.memory_space<vmem>>, vector<16xi32>,
          %mul3A_568 = arith.constant 128 : i32
          %mul3A_569 = arith.muli %select_n3A_465, %mul3A_568 : i32
          %add3A_570 = arith.constant 112 : i32
          %add3A_571 = arith.addi %mul3A_569, %add3A_570 : i32
          %get3A_572 = arith.index_cast %add3A_571 : i32 to index
          %get3A_573 = tpu.vector_load %arg27[%get3A_572] {strides = array<i32>} : memref<4224xi32, #tpu.memory_space<vmem>>, vector<16xi32>,
          %swap3A_574 = arith.constant 112 : index
          %swap3A_575 = tpu.vector_load %arg27[%swap3A_574] {strides = array<i32>} : memref<4224xi32, #tpu.memory_space<vmem>>, vector<16xi32>,
          tpu.vector_store %arg27[%swap3A_574], %get3A_573 {strides = array<i32>} : memref<4224xi32, #tpu.memory_space<vmem>>, vector<16xi32>,
          %get3A_576 = arith.index_cast %add3A_571 : i32 to index
          %get3A_577 = tpu.vector_load %arg26[%get3A_576] {strides = array<i32>} : memref<4224xi32, #tpu.memory_space<vmem>>, vector<16xi32>,
          %swap3A_578 = arith.constant 112 : index
          %swap3A_579 = tpu.vector_load %arg26[%swap3A_578] {strides = array<i32>} : memref<4224xi32, #tpu.memory_space<vmem>>, vector<16xi32>,
          tpu.vector_store %arg26[%swap3A_578], %get3A_577 {strides = array<i32>} : memref<4224xi32, #tpu.memory_space<vmem>>, vector<16xi32>,
        } else {
        }
        %ge3A_416 = arith.constant 4096 : i32
        %ge3A_417 = arith.cmpi sge, %add3A_410, %ge3A_416 : i32
        %jit3A_418 = arith.constant 128 : i32
        %eq3A_419 = arith.constant 0 : i32
        %eq3A_420 = arith.cmpi eq, %jit3A_418, %eq3A_419 : i32
        %jit3A_421 = arith.constant 1 : i32
        %select_n3A_422 = arith.select %eq3A_420, %jit3A_421, %jit3A_418 : i32
        %rem3A_423 = arith.remsi %add3A_410, %select_n3A_422 : i32
        %ne3A_424 = arith.constant 0 : i32
        %ne3A_425 = arith.cmpi ne, %rem3A_423, %ne3A_424 : i32
        %lt3A_426 = arith.constant 0 : i32
        %lt3A_427 = arith.cmpi slt, %rem3A_423, %lt3A_426 : i32
        %lt3A_428 = arith.constant 0 : i32
        %lt3A_429 = arith.cmpi slt, %select_n3A_422, %lt3A_428 : i32
        %ne3A_430 = arith.xori %lt3A_427, %lt3A_429 : i1
        %and3A_431 = arith.andi %ne3A_430, %ne3A_425 : i1
        %add3A_432 = arith.addi %rem3A_423, %select_n3A_422 : i32
        %select_n3A_433 = arith.select %and3A_431, %add3A_432, %rem3A_423 : i32
        %select_n3A_434 = arith.select %ge3A_417, %select_n3A_433, %add3A_410 : i32
        %add3A_435 = arith.constant 1 : i32
        %add3A_436 = arith.addi %add3A_183, %add3A_435 : i32
        %lt3A_437 = arith.constant 158 : i32
        %lt3A_438 = arith.cmpi slt, %add3A_436, %lt3A_437 : i32
        %convert_element_type3A_439 = arith.extui %lt3A_438 : i1 to i32
        %cond3A_440 = arith.constant 0 : i32
        %cond3A_441 = arith.cmpi ne, %convert_element_type3A_439, %cond3A_440 : i32
        scf.if %cond3A_441 {
          %add3A_442 = arith.constant 1 : i32
          %add3A_443 = arith.addi %add3A_183, %add3A_442 : i32
          %mul3A_444 = arith.constant 128 : i32
          %mul3A_445 = arith.muli %add3A_443, %mul3A_444 : i32
          %add3A_446 = arith.addi %mul3A_2, %mul3A_445 : i32
          %dma_wait3A = arith.constant 0 : i32
          %dma_wait3A_447 = tpu.memref_slice %arg4[%add3A_18, %dma_wait3A, %add3A_446] : memref<2x2x323584xi32, #tpu.memory_space<hbm>> -> memref<1x2x128xi32, #tpu.memory_space<hbm>>
          %dma_wait3A_448 = tpu.memref_squeeze %dma_wait3A_447 : memref<1x2x128xi32, #tpu.memory_space<hbm>> -> memref<2x128xi32, #tpu.memory_space<hbm>>
          %dma_wait3A_449 = arith.constant 0 : i32
          %dma_wait3A_450 = tpu.memref_slice %arg4[%add3A_18, %dma_wait3A_449, %add3A_446] : memref<2x2x323584xi32, #tpu.memory_space<hbm>> -> memref<1x2x128xi32, #tpu.memory_space<hbm>>
          %dma_wait3A_451 = tpu.memref_squeeze %dma_wait3A_450 : memref<1x2x128xi32, #tpu.memory_space<hbm>> -> memref<2x128xi32, #tpu.memory_space<hbm>>
          tpu.wait_dma2 semaphore(%arg31 : memref<!tpu.dma_semaphore, #tpu.memory_space<semaphore_mem>>) src(%dma_wait3A_451 : memref<2x128xi32, #tpu.memory_space<hbm>>) dst(%arg21 : memref<2x128xi32, #tpu.memory_space<vmem>>)
          %get3A_452 = arith.constant 0 : i32
          %get3A_453 = arith.index_cast %get3A_452 : i32 to index
          %get3A_454 = arith.constant 0 : index
          %get3A_455 = tpu.vector_load %arg21[%get3A_453, %get3A_454] {strides = array<i32>} : memref<2x128xi32, #tpu.memory_space<vmem>>, vector<16xi32>,
          %swap3A_456 = arith.constant 0 : i32
          %swap3A_457 = arith.index_cast %swap3A_456 : i32 to index
          %swap3A_458 = arith.constant 0 : index
          %swap3A_459 = tpu.vector_load %arg20[%swap3A_457, %swap3A_458] {strides = array<i32>} : memref<2x128xi32, #tpu.memory_space<vmem>>, vector<16xi32>,
          tpu.vector_store %arg20[%swap3A_457, %swap3A_458], %get3A_455 {strides = array<i32>} : memref<2x128xi32, #tpu.memory_space<vmem>>, vector<16xi32>,
          %get3A_460 = arith.constant 1 : i32
          %get3A_461 = arith.index_cast %get3A_460 : i32 to index
          %get3A_462 = arith.constant 0 : index
          %get3A_463 = tpu.vector_load %arg21[%get3A_461, %get3A_462] {strides = array<i32>} : memref<2x128xi32, #tpu.memory_space<vmem>>, vector<16xi32>,
          %swap3A_464 = arith.constant 1 : i32
          %swap3A_465 = arith.index_cast %swap3A_464 : i32 to index
          %swap3A_466 = arith.constant 0 : index
          %swap3A_467 = tpu.vector_load %arg20[%swap3A_465, %swap3A_466] {strides = array<i32>} : memref<2x128xi32, #tpu.memory_space<vmem>>, vector<16xi32>,
          tpu.vector_store %arg20[%swap3A_465, %swap3A_466], %get3A_463 {strides = array<i32>} : memref<2x128xi32, #tpu.memory_space<vmem>>, vector<16xi32>,
          %get3A_468 = arith.constant 0 : i32
          %get3A_469 = arith.index_cast %get3A_468 : i32 to index
          %get3A_470 = arith.constant 16 : index
          %get3A_471 = tpu.vector_load %arg21[%get3A_469, %get3A_470] {strides = array<i32>} : memref<2x128xi32, #tpu.memory_space<vmem>>, vector<16xi32>,
          %swap3A_472 = arith.constant 0 : i32
          %swap3A_473 = arith.index_cast %swap3A_472 : i32 to index
          %swap3A_474 = arith.constant 16 : index
          %swap3A_475 = tpu.vector_load %arg20[%swap3A_473, %swap3A_474] {strides = array<i32>} : memref<2x128xi32, #tpu.memory_space<vmem>>, vector<16xi32>,
          tpu.vector_store %arg20[%swap3A_473, %swap3A_474], %get3A_471 {strides = array<i32>} : memref<2x128xi32, #tpu.memory_space<vmem>>, vector<16xi32>,
          %get3A_476 = arith.constant 1 : i32
          %get3A_477 = arith.index_cast %get3A_476 : i32 to index
          %get3A_478 = arith.constant 16 : index
          %get3A_479 = tpu.vector_load %arg21[%get3A_477, %get3A_478] {strides = array<i32>} : memref<2x128xi32, #tpu.memory_space<vmem>>, vector<16xi32>,
          %swap3A_480 = arith.constant 1 : i32
          %swap3A_481 = arith.index_cast %swap3A_480 : i32 to index
          %swap3A_482 = arith.constant 16 : index
          %swap3A_483 = tpu.vector_load %arg20[%swap3A_481, %swap3A_482] {strides = array<i32>} : memref<2x128xi32, #tpu.memory_space<vmem>>, vector<16xi32>,
          tpu.vector_store %arg20[%swap3A_481, %swap3A_482], %get3A_479 {strides = array<i32>} : memref<2x128xi32, #tpu.memory_space<vmem>>, vector<16xi32>,
          %get3A_484 = arith.constant 0 : i32
          %get3A_485 = arith.index_cast %get3A_484 : i32 to index
          %get3A_486 = arith.constant 32 : index
          %get3A_487 = tpu.vector_load %arg21[%get3A_485, %get3A_486] {strides = array<i32>} : memref<2x128xi32, #tpu.memory_space<vmem>>, vector<16xi32>,
          %swap3A_488 = arith.constant 0 : i32
          %swap3A_489 = arith.index_cast %swap3A_488 : i32 to index
          %swap3A_490 = arith.constant 32 : index
          %swap3A_491 = tpu.vector_load %arg20[%swap3A_489, %swap3A_490] {strides = array<i32>} : memref<2x128xi32, #tpu.memory_space<vmem>>, vector<16xi32>,
          tpu.vector_store %arg20[%swap3A_489, %swap3A_490], %get3A_487 {strides = array<i32>} : memref<2x128xi32, #tpu.memory_space<vmem>>, vector<16xi32>,
          %get3A_492 = arith.constant 1 : i32
          %get3A_493 = arith.index_cast %get3A_492 : i32 to index
          %get3A_494 = arith.constant 32 : index
          %get3A_495 = tpu.vector_load %arg21[%get3A_493, %get3A_494] {strides = array<i32>} : memref<2x128xi32, #tpu.memory_space<vmem>>, vector<16xi32>,
          %swap3A_496 = arith.constant 1 : i32
          %swap3A_497 = arith.index_cast %swap3A_496 : i32 to index
          %swap3A_498 = arith.constant 32 : index
          %swap3A_499 = tpu.vector_load %arg20[%swap3A_497, %swap3A_498] {strides = array<i32>} : memref<2x128xi32, #tpu.memory_space<vmem>>, vector<16xi32>,
          tpu.vector_store %arg20[%swap3A_497, %swap3A_498], %get3A_495 {strides = array<i32>} : memref<2x128xi32, #tpu.memory_space<vmem>>, vector<16xi32>,
          %get3A_500 = arith.constant 0 : i32
          %get3A_501 = arith.index_cast %get3A_500 : i32 to index
          %get3A_502 = arith.constant 48 : index
          %get3A_503 = tpu.vector_load %arg21[%get3A_501, %get3A_502] {strides = array<i32>} : memref<2x128xi32, #tpu.memory_space<vmem>>, vector<16xi32>,
          %swap3A_504 = arith.constant 0 : i32
          %swap3A_505 = arith.index_cast %swap3A_504 : i32 to index
          %swap3A_506 = arith.constant 48 : index
          %swap3A_507 = tpu.vector_load %arg20[%swap3A_505, %swap3A_506] {strides = array<i32>} : memref<2x128xi32, #tpu.memory_space<vmem>>, vector<16xi32>,
          tpu.vector_store %arg20[%swap3A_505, %swap3A_506], %get3A_503 {strides = array<i32>} : memref<2x128xi32, #tpu.memory_space<vmem>>, vector<16xi32>,
          %get3A_508 = arith.constant 1 : i32
          %get3A_509 = arith.index_cast %get3A_508 : i32 to index
          %get3A_510 = arith.constant 48 : index
          %get3A_511 = tpu.vector_load %arg21[%get3A_509, %get3A_510] {strides = array<i32>} : memref<2x128xi32, #tpu.memory_space<vmem>>, vector<16xi32>,
          %swap3A_512 = arith.constant 1 : i32
          %swap3A_513 = arith.index_cast %swap3A_512 : i32 to index
          %swap3A_514 = arith.constant 48 : index
          %swap3A_515 = tpu.vector_load %arg20[%swap3A_513, %swap3A_514] {strides = array<i32>} : memref<2x128xi32, #tpu.memory_space<vmem>>, vector<16xi32>,
          tpu.vector_store %arg20[%swap3A_513, %swap3A_514], %get3A_511 {strides = array<i32>} : memref<2x128xi32, #tpu.memory_space<vmem>>, vector<16xi32>,
          %get3A_516 = arith.constant 0 : i32
          %get3A_517 = arith.index_cast %get3A_516 : i32 to index
          %get3A_518 = arith.constant 64 : index
          %get3A_519 = tpu.vector_load %arg21[%get3A_517, %get3A_518] {strides = array<i32>} : memref<2x128xi32, #tpu.memory_space<vmem>>, vector<16xi32>,
          %swap3A_520 = arith.constant 0 : i32
          %swap3A_521 = arith.index_cast %swap3A_520 : i32 to index
          %swap3A_522 = arith.constant 64 : index
          %swap3A_523 = tpu.vector_load %arg20[%swap3A_521, %swap3A_522] {strides = array<i32>} : memref<2x128xi32, #tpu.memory_space<vmem>>, vector<16xi32>,
          tpu.vector_store %arg20[%swap3A_521, %swap3A_522], %get3A_519 {strides = array<i32>} : memref<2x128xi32, #tpu.memory_space<vmem>>, vector<16xi32>,
          %get3A_524 = arith.constant 1 : i32
          %get3A_525 = arith.index_cast %get3A_524 : i32 to index
          %get3A_526 = arith.constant 64 : index
          %get3A_527 = tpu.vector_load %arg21[%get3A_525, %get3A_526] {strides = array<i32>} : memref<2x128xi32, #tpu.memory_space<vmem>>, vector<16xi32>,
          %swap3A_528 = arith.constant 1 : i32
          %swap3A_529 = arith.index_cast %swap3A_528 : i32 to index
          %swap3A_530 = arith.constant 64 : index
          %swap3A_531 = tpu.vector_load %arg20[%swap3A_529, %swap3A_530] {strides = array<i32>} : memref<2x128xi32, #tpu.memory_space<vmem>>, vector<16xi32>,
          tpu.vector_store %arg20[%swap3A_529, %swap3A_530], %get3A_527 {strides = array<i32>} : memref<2x128xi32, #tpu.memory_space<vmem>>, vector<16xi32>,
          %get3A_532 = arith.constant 0 : i32
          %get3A_533 = arith.index_cast %get3A_532 : i32 to index
          %get3A_534 = arith.constant 80 : index
          %get3A_535 = tpu.vector_load %arg21[%get3A_533, %get3A_534] {strides = array<i32>} : memref<2x128xi32, #tpu.memory_space<vmem>>, vector<16xi32>,
          %swap3A_536 = arith.constant 0 : i32
          %swap3A_537 = arith.index_cast %swap3A_536 : i32 to index
          %swap3A_538 = arith.constant 80 : index
          %swap3A_539 = tpu.vector_load %arg20[%swap3A_537, %swap3A_538] {strides = array<i32>} : memref<2x128xi32, #tpu.memory_space<vmem>>, vector<16xi32>,
          tpu.vector_store %arg20[%swap3A_537, %swap3A_538], %get3A_535 {strides = array<i32>} : memref<2x128xi32, #tpu.memory_space<vmem>>, vector<16xi32>,
          %get3A_540 = arith.constant 1 : i32
          %get3A_541 = arith.index_cast %get3A_540 : i32 to index
          %get3A_542 = arith.constant 80 : index
          %get3A_543 = tpu.vector_load %arg21[%get3A_541, %get3A_542] {strides = array<i32>} : memref<2x128xi32, #tpu.memory_space<vmem>>, vector<16xi32>,
          %swap3A_544 = arith.constant 1 : i32
          %swap3A_545 = arith.index_cast %swap3A_544 : i32 to index
          %swap3A_546 = arith.constant 80 : index
          %swap3A_547 = tpu.vector_load %arg20[%swap3A_545, %swap3A_546] {strides = array<i32>} : memref<2x128xi32, #tpu.memory_space<vmem>>, vector<16xi32>,
          tpu.vector_store %arg20[%swap3A_545, %swap3A_546], %get3A_543 {strides = array<i32>} : memref<2x128xi32, #tpu.memory_space<vmem>>, vector<16xi32>,
          %get3A_548 = arith.constant 0 : i32
          %get3A_549 = arith.index_cast %get3A_548 : i32 to index
          %get3A_550 = arith.constant 96 : index
          %get3A_551 = tpu.vector_load %arg21[%get3A_549, %get3A_550] {strides = array<i32>} : memref<2x128xi32, #tpu.memory_space<vmem>>, vector<16xi32>,
          %swap3A_552 = arith.constant 0 : i32
          %swap3A_553 = arith.index_cast %swap3A_552 : i32 to index
          %swap3A_554 = arith.constant 96 : index
          %swap3A_555 = tpu.vector_load %arg20[%swap3A_553, %swap3A_554] {strides = array<i32>} : memref<2x128xi32, #tpu.memory_space<vmem>>, vector<16xi32>,
          tpu.vector_store %arg20[%swap3A_553, %swap3A_554], %get3A_551 {strides = array<i32>} : memref<2x128xi32, #tpu.memory_space<vmem>>, vector<16xi32>,
          %get3A_556 = arith.constant 1 : i32
          %get3A_557 = arith.index_cast %get3A_556 : i32 to index
          %get3A_558 = arith.constant 96 : index
          %get3A_559 = tpu.vector_load %arg21[%get3A_557, %get3A_558] {strides = array<i32>} : memref<2x128xi32, #tpu.memory_space<vmem>>, vector<16xi32>,
          %swap3A_560 = arith.constant 1 : i32
          %swap3A_561 = arith.index_cast %swap3A_560 : i32 to index
          %swap3A_562 = arith.constant 96 : index
          %swap3A_563 = tpu.vector_load %arg20[%swap3A_561, %swap3A_562] {strides = array<i32>} : memref<2x128xi32, #tpu.memory_space<vmem>>, vector<16xi32>,
          tpu.vector_store %arg20[%swap3A_561, %swap3A_562], %get3A_559 {strides = array<i32>} : memref<2x128xi32, #tpu.memory_space<vmem>>, vector<16xi32>,
          %get3A_564 = arith.constant 0 : i32
          %get3A_565 = arith.index_cast %get3A_564 : i32 to index
          %get3A_566 = arith.constant 112 : index
          %get3A_567 = tpu.vector_load %arg21[%get3A_565, %get3A_566] {strides = array<i32>} : memref<2x128xi32, #tpu.memory_space<vmem>>, vector<16xi32>,
          %swap3A_568 = arith.constant 0 : i32
          %swap3A_569 = arith.index_cast %swap3A_568 : i32 to index
          %swap3A_570 = arith.constant 112 : index
          %swap3A_571 = tpu.vector_load %arg20[%swap3A_569, %swap3A_570] {strides = array<i32>} : memref<2x128xi32, #tpu.memory_space<vmem>>, vector<16xi32>,
          tpu.vector_store %arg20[%swap3A_569, %swap3A_570], %get3A_567 {strides = array<i32>} : memref<2x128xi32, #tpu.memory_space<vmem>>, vector<16xi32>,
          %get3A_572 = arith.constant 1 : i32
          %get3A_573 = arith.index_cast %get3A_572 : i32 to index
          %get3A_574 = arith.constant 112 : index
          %get3A_575 = tpu.vector_load %arg21[%get3A_573, %get3A_574] {strides = array<i32>} : memref<2x128xi32, #tpu.memory_space<vmem>>, vector<16xi32>,
          %swap3A_576 = arith.constant 1 : i32
          %swap3A_577 = arith.index_cast %swap3A_576 : i32 to index
          %swap3A_578 = arith.constant 112 : index
          %swap3A_579 = tpu.vector_load %arg20[%swap3A_577, %swap3A_578] {strides = array<i32>} : memref<2x128xi32, #tpu.memory_space<vmem>>, vector<16xi32>,
          tpu.vector_store %arg20[%swap3A_577, %swap3A_578], %get3A_575 {strides = array<i32>} : memref<2x128xi32, #tpu.memory_space<vmem>>, vector<16xi32>,
        } else {
        }
        scf.yield %select_n3A_434 : i32
      }
      %scan3A_142 = arith.constant 158 : i32
      %add3A_143 = arith.constant 128 : i32
      %add3A_144 = arith.addi %scan3A_141, %add3A_143 : i32
      %sub3A = arith.constant 1 : i32
      %sub3A_145 = arith.subi %add3A_144, %sub3A : i32
      %jit3A = arith.constant 128 : i32
      %div3A = arith.divsi %sub3A_145, %jit3A : i32
      %sign3A = arith.constant 0 : i32
      %sign3A_146 = arith.cmpi sgt, %sub3A_145, %sign3A : i32
      %sign3A_147 = arith.extui %sign3A_146 : i1 to i32
      %sign3A_148 = arith.constant 0 : i32
      %sign3A_149 = arith.cmpi slt, %sub3A_145, %sign3A_148 : i32
      %sign3A_150 = arith.extui %sign3A_149 : i1 to i32
      %sign3A_151 = arith.subi %sign3A_147, %sign3A_150 : i32
      %sign3A_152 = arith.constant 0 : i32
      %sign3A_153 = arith.cmpi sgt, %jit3A, %sign3A_152 : i32
      %sign3A_154 = arith.extui %sign3A_153 : i1 to i32
      %sign3A_155 = arith.constant 0 : i32
      %sign3A_156 = arith.cmpi slt, %jit3A, %sign3A_155 : i32
      %sign3A_157 = arith.extui %sign3A_156 : i1 to i32
      %sign3A_158 = arith.subi %sign3A_154, %sign3A_157 : i32
      %ne3A = arith.cmpi ne, %sign3A_151, %sign3A_158 : i32
      %rem3A = arith.remsi %sub3A_145, %jit3A : i32
      %ne3A_159 = arith.constant 0 : i32
      %ne3A_160 = arith.cmpi ne, %rem3A, %ne3A_159 : i32
      %and3A = arith.andi %ne3A, %ne3A_160 : i1
      %sub3A_161 = arith.constant 1 : i32
      %sub3A_162 = arith.subi %div3A, %sub3A_161 : i32
      %select_n3A = arith.select %and3A, %sub3A_162, %div3A : i32
      %sub3A_163 = arith.constant 1 : i32
      %sub3A_164 = arith.subi %select_n3A, %sub3A_163 : i32
      %mul3A_165 = arith.constant 128 : i32
      %mul3A_166 = arith.muli %sub3A_164, %mul3A_165 : i32
      %gt3A = arith.constant 0 : i32
      %gt3A_167 = arith.cmpi sgt, %select_n3A, %gt3A : i32
      %convert_element_type3A_168 = arith.extui %gt3A_167 : i1 to i32
      %cond3A_169 = arith.constant 0 : i32
      %cond3A_170 = arith.cmpi ne, %convert_element_type3A_168, %cond3A_169 : i32
      scf.if %cond3A_170 {
        %iota3A = tpu.iota {dimensions = array<i32: 0>} : vector<16xi32>
        %add3A_178 = arith.constant 0 : i32
        %add3A_179 = arith.addi %mul3A_166, %add3A_178 : i32
        %add3A_180 = vector.broadcast %add3A_179 : i32 to vector<16xi32>
        %add3A_181 = arith.addi %iota3A, %add3A_180 : vector<16xi32>
        %lt3A = vector.broadcast %scan3A_141 : i32 to vector<16xi32>
        %lt3A_182 = arith.cmpi slt, %add3A_181, %lt3A : vector<16xi32>
        %add3A_183 = arith.constant 0 : i32
        %add3A_184 = arith.addi %mul3A_166, %add3A_183 : i32
        %get3A_185 = arith.index_cast %add3A_184 : i32 to index
        %get3A_186 = tpu.vector_load %arg27[%get3A_185] {strides = array<i32>} : memref<4224xi32, #tpu.memory_space<vmem>>, vector<16xi32>,
        %jit3A_187 = arith.constant 0 : i32
        %broadcast_in_dim3A_188 = vector.broadcast %jit3A_187 : i32 to vector<16xi32>
        %select_n3A_189 = arith.select %lt3A_182, %get3A_186, %broadcast_in_dim3A_188 : vector<16xi1>, vector<16xi32>
        %add3A_190 = arith.constant 0 : i32
        %add3A_191 = arith.addi %mul3A_166, %add3A_190 : i32
        %swap3A_192 = arith.index_cast %add3A_191 : i32 to index
        %swap3A_193 = tpu.vector_load %arg27[%swap3A_192] {strides = array<i32>} : memref<4224xi32, #tpu.memory_space<vmem>>, vector<16xi32>,
        tpu.vector_store %arg27[%swap3A_192], %select_n3A_189 {strides = array<i32>} : memref<4224xi32, #tpu.memory_space<vmem>>, vector<16xi32>,
        %add3A_194 = arith.constant 0 : i32
        %add3A_195 = arith.addi %mul3A_166, %add3A_194 : i32
        %get3A_196 = arith.index_cast %add3A_195 : i32 to index
        %get3A_197 = tpu.vector_load %arg26[%get3A_196] {strides = array<i32>} : memref<4224xi32, #tpu.memory_space<vmem>>, vector<16xi32>,
        %jit3A_198 = arith.constant 256 : i32
        %broadcast_in_dim3A_199 = vector.broadcast %jit3A_198 : i32 to vector<16xi32>
        %select_n3A_200 = arith.select %lt3A_182, %get3A_197, %broadcast_in_dim3A_199 : vector<16xi1>, vector<16xi32>
        %add3A_201 = arith.constant 0 : i32
        %add3A_202 = arith.addi %mul3A_166, %add3A_201 : i32
        %swap3A_203 = arith.index_cast %add3A_202 : i32 to index
        %swap3A_204 = tpu.vector_load %arg26[%swap3A_203] {strides = array<i32>} : memref<4224xi32, #tpu.memory_space<vmem>>, vector<16xi32>,
        tpu.vector_store %arg26[%swap3A_203], %select_n3A_200 {strides = array<i32>} : memref<4224xi32, #tpu.memory_space<vmem>>, vector<16xi32>,
        %iota3A_205 = tpu.iota {dimensions = array<i32: 0>} : vector<16xi32>
        %add3A_206 = arith.constant 16 : i32
        %add3A_207 = arith.addi %mul3A_166, %add3A_206 : i32
        %add3A_208 = vector.broadcast %add3A_207 : i32 to vector<16xi32>
        %add3A_209 = arith.addi %iota3A_205, %add3A_208 : vector<16xi32>
        %lt3A_210 = vector.broadcast %scan3A_141 : i32 to vector<16xi32>
        %lt3A_211 = arith.cmpi slt, %add3A_209, %lt3A_210 : vector<16xi32>
        %add3A_212 = arith.constant 16 : i32
        %add3A_213 = arith.addi %mul3A_166, %add3A_212 : i32
        %get3A_214 = arith.index_cast %add3A_213 : i32 to index
        %get3A_215 = tpu.vector_load %arg27[%get3A_214] {strides = array<i32>} : memref<4224xi32, #tpu.memory_space<vmem>>, vector<16xi32>,
        %jit3A_216 = arith.constant 0 : i32
        %broadcast_in_dim3A_217 = vector.broadcast %jit3A_216 : i32 to vector<16xi32>
        %select_n3A_218 = arith.select %lt3A_211, %get3A_215, %broadcast_in_dim3A_217 : vector<16xi1>, vector<16xi32>
        %add3A_219 = arith.constant 16 : i32
        %add3A_220 = arith.addi %mul3A_166, %add3A_219 : i32
        %swap3A_221 = arith.index_cast %add3A_220 : i32 to index
        %swap3A_222 = tpu.vector_load %arg27[%swap3A_221] {strides = array<i32>} : memref<4224xi32, #tpu.memory_space<vmem>>, vector<16xi32>,
        tpu.vector_store %arg27[%swap3A_221], %select_n3A_218 {strides = array<i32>} : memref<4224xi32, #tpu.memory_space<vmem>>, vector<16xi32>,
        %add3A_223 = arith.constant 16 : i32
        %add3A_224 = arith.addi %mul3A_166, %add3A_223 : i32
        %get3A_225 = arith.index_cast %add3A_224 : i32 to index
        %get3A_226 = tpu.vector_load %arg26[%get3A_225] {strides = array<i32>} : memref<4224xi32, #tpu.memory_space<vmem>>, vector<16xi32>,
        %jit3A_227 = arith.constant 256 : i32
        %broadcast_in_dim3A_228 = vector.broadcast %jit3A_227 : i32 to vector<16xi32>
        %select_n3A_229 = arith.select %lt3A_211, %get3A_226, %broadcast_in_dim3A_228 : vector<16xi1>, vector<16xi32>
        %add3A_230 = arith.constant 16 : i32
        %add3A_231 = arith.addi %mul3A_166, %add3A_230 : i32
        %swap3A_232 = arith.index_cast %add3A_231 : i32 to index
        %swap3A_233 = tpu.vector_load %arg26[%swap3A_232] {strides = array<i32>} : memref<4224xi32, #tpu.memory_space<vmem>>, vector<16xi32>,
        tpu.vector_store %arg26[%swap3A_232], %select_n3A_229 {strides = array<i32>} : memref<4224xi32, #tpu.memory_space<vmem>>, vector<16xi32>,
        %iota3A_234 = tpu.iota {dimensions = array<i32: 0>} : vector<16xi32>
        %add3A_235 = arith.constant 32 : i32
        %add3A_236 = arith.addi %mul3A_166, %add3A_235 : i32
        %add3A_237 = vector.broadcast %add3A_236 : i32 to vector<16xi32>
        %add3A_238 = arith.addi %iota3A_234, %add3A_237 : vector<16xi32>
        %lt3A_239 = vector.broadcast %scan3A_141 : i32 to vector<16xi32>
        %lt3A_240 = arith.cmpi slt, %add3A_238, %lt3A_239 : vector<16xi32>
        %add3A_241 = arith.constant 32 : i32
        %add3A_242 = arith.addi %mul3A_166, %add3A_241 : i32
        %get3A_243 = arith.index_cast %add3A_242 : i32 to index
        %get3A_244 = tpu.vector_load %arg27[%get3A_243] {strides = array<i32>} : memref<4224xi32, #tpu.memory_space<vmem>>, vector<16xi32>,
        %jit3A_245 = arith.constant 0 : i32
        %broadcast_in_dim3A_246 = vector.broadcast %jit3A_245 : i32 to vector<16xi32>
        %select_n3A_247 = arith.select %lt3A_240, %get3A_244, %broadcast_in_dim3A_246 : vector<16xi1>, vector<16xi32>
        %add3A_248 = arith.constant 32 : i32
        %add3A_249 = arith.addi %mul3A_166, %add3A_248 : i32
        %swap3A_250 = arith.index_cast %add3A_249 : i32 to index
        %swap3A_251 = tpu.vector_load %arg27[%swap3A_250] {strides = array<i32>} : memref<4224xi32, #tpu.memory_space<vmem>>, vector<16xi32>,
        tpu.vector_store %arg27[%swap3A_250], %select_n3A_247 {strides = array<i32>} : memref<4224xi32, #tpu.memory_space<vmem>>, vector<16xi32>,
        %add3A_252 = arith.constant 32 : i32
        %add3A_253 = arith.addi %mul3A_166, %add3A_252 : i32
        %get3A_254 = arith.index_cast %add3A_253 : i32 to index
        %get3A_255 = tpu.vector_load %arg26[%get3A_254] {strides = array<i32>} : memref<4224xi32, #tpu.memory_space<vmem>>, vector<16xi32>,
        %jit3A_256 = arith.constant 256 : i32
        %broadcast_in_dim3A_257 = vector.broadcast %jit3A_256 : i32 to vector<16xi32>
        %select_n3A_258 = arith.select %lt3A_240, %get3A_255, %broadcast_in_dim3A_257 : vector<16xi1>, vector<16xi32>
        %add3A_259 = arith.constant 32 : i32
        %add3A_260 = arith.addi %mul3A_166, %add3A_259 : i32
        %swap3A_261 = arith.index_cast %add3A_260 : i32 to index
        %swap3A_262 = tpu.vector_load %arg26[%swap3A_261] {strides = array<i32>} : memref<4224xi32, #tpu.memory_space<vmem>>, vector<16xi32>,
        tpu.vector_store %arg26[%swap3A_261], %select_n3A_258 {strides = array<i32>} : memref<4224xi32, #tpu.memory_space<vmem>>, vector<16xi32>,
        %iota3A_263 = tpu.iota {dimensions = array<i32: 0>} : vector<16xi32>
        %add3A_264 = arith.constant 48 : i32
        %add3A_265 = arith.addi %mul3A_166, %add3A_264 : i32
        %add3A_266 = vector.broadcast %add3A_265 : i32 to vector<16xi32>
        %add3A_267 = arith.addi %iota3A_263, %add3A_266 : vector<16xi32>
        %lt3A_268 = vector.broadcast %scan3A_141 : i32 to vector<16xi32>
        %lt3A_269 = arith.cmpi slt, %add3A_267, %lt3A_268 : vector<16xi32>
        %add3A_270 = arith.constant 48 : i32
        %add3A_271 = arith.addi %mul3A_166, %add3A_270 : i32
        %get3A_272 = arith.index_cast %add3A_271 : i32 to index
        %get3A_273 = tpu.vector_load %arg27[%get3A_272] {strides = array<i32>} : memref<4224xi32, #tpu.memory_space<vmem>>, vector<16xi32>,
        %jit3A_274 = arith.constant 0 : i32
        %broadcast_in_dim3A_275 = vector.broadcast %jit3A_274 : i32 to vector<16xi32>
        %select_n3A_276 = arith.select %lt3A_269, %get3A_273, %broadcast_in_dim3A_275 : vector<16xi1>, vector<16xi32>
        %add3A_277 = arith.constant 48 : i32
        %add3A_278 = arith.addi %mul3A_166, %add3A_277 : i32
        %swap3A_279 = arith.index_cast %add3A_278 : i32 to index
        %swap3A_280 = tpu.vector_load %arg27[%swap3A_279] {strides = array<i32>} : memref<4224xi32, #tpu.memory_space<vmem>>, vector<16xi32>,
        tpu.vector_store %arg27[%swap3A_279], %select_n3A_276 {strides = array<i32>} : memref<4224xi32, #tpu.memory_space<vmem>>, vector<16xi32>,
        %add3A_281 = arith.constant 48 : i32
        %add3A_282 = arith.addi %mul3A_166, %add3A_281 : i32
        %get3A_283 = arith.index_cast %add3A_282 : i32 to index
        %get3A_284 = tpu.vector_load %arg26[%get3A_283] {strides = array<i32>} : memref<4224xi32, #tpu.memory_space<vmem>>, vector<16xi32>,
        %jit3A_285 = arith.constant 256 : i32
        %broadcast_in_dim3A_286 = vector.broadcast %jit3A_285 : i32 to vector<16xi32>
        %select_n3A_287 = arith.select %lt3A_269, %get3A_284, %broadcast_in_dim3A_286 : vector<16xi1>, vector<16xi32>
        %add3A_288 = arith.constant 48 : i32
        %add3A_289 = arith.addi %mul3A_166, %add3A_288 : i32
        %swap3A_290 = arith.index_cast %add3A_289 : i32 to index
        %swap3A_291 = tpu.vector_load %arg26[%swap3A_290] {strides = array<i32>} : memref<4224xi32, #tpu.memory_space<vmem>>, vector<16xi32>,
        tpu.vector_store %arg26[%swap3A_290], %select_n3A_287 {strides = array<i32>} : memref<4224xi32, #tpu.memory_space<vmem>>, vector<16xi32>,
        %iota3A_292 = tpu.iota {dimensions = array<i32: 0>} : vector<16xi32>
        %add3A_293 = arith.constant 64 : i32
        %add3A_294 = arith.addi %mul3A_166, %add3A_293 : i32
        %add3A_295 = vector.broadcast %add3A_294 : i32 to vector<16xi32>
        %add3A_296 = arith.addi %iota3A_292, %add3A_295 : vector<16xi32>
        %lt3A_297 = vector.broadcast %scan3A_141 : i32 to vector<16xi32>
        %lt3A_298 = arith.cmpi slt, %add3A_296, %lt3A_297 : vector<16xi32>
        %add3A_299 = arith.constant 64 : i32
        %add3A_300 = arith.addi %mul3A_166, %add3A_299 : i32
        %get3A_301 = arith.index_cast %add3A_300 : i32 to index
        %get3A_302 = tpu.vector_load %arg27[%get3A_301] {strides = array<i32>} : memref<4224xi32, #tpu.memory_space<vmem>>, vector<16xi32>,
        %jit3A_303 = arith.constant 0 : i32
        %broadcast_in_dim3A_304 = vector.broadcast %jit3A_303 : i32 to vector<16xi32>
        %select_n3A_305 = arith.select %lt3A_298, %get3A_302, %broadcast_in_dim3A_304 : vector<16xi1>, vector<16xi32>
        %add3A_306 = arith.constant 64 : i32
        %add3A_307 = arith.addi %mul3A_166, %add3A_306 : i32
        %swap3A_308 = arith.index_cast %add3A_307 : i32 to index
        %swap3A_309 = tpu.vector_load %arg27[%swap3A_308] {strides = array<i32>} : memref<4224xi32, #tpu.memory_space<vmem>>, vector<16xi32>,
        tpu.vector_store %arg27[%swap3A_308], %select_n3A_305 {strides = array<i32>} : memref<4224xi32, #tpu.memory_space<vmem>>, vector<16xi32>,
        %add3A_310 = arith.constant 64 : i32
        %add3A_311 = arith.addi %mul3A_166, %add3A_310 : i32
        %get3A_312 = arith.index_cast %add3A_311 : i32 to index
        %get3A_313 = tpu.vector_load %arg26[%get3A_312] {strides = array<i32>} : memref<4224xi32, #tpu.memory_space<vmem>>, vector<16xi32>,
        %jit3A_314 = arith.constant 256 : i32
        %broadcast_in_dim3A_315 = vector.broadcast %jit3A_314 : i32 to vector<16xi32>
        %select_n3A_316 = arith.select %lt3A_298, %get3A_313, %broadcast_in_dim3A_315 : vector<16xi1>, vector<16xi32>
        %add3A_317 = arith.constant 64 : i32
        %add3A_318 = arith.addi %mul3A_166, %add3A_317 : i32
        %swap3A_319 = arith.index_cast %add3A_318 : i32 to index
        %swap3A_320 = tpu.vector_load %arg26[%swap3A_319] {strides = array<i32>} : memref<4224xi32, #tpu.memory_space<vmem>>, vector<16xi32>,
        tpu.vector_store %arg26[%swap3A_319], %select_n3A_316 {strides = array<i32>} : memref<4224xi32, #tpu.memory_space<vmem>>, vector<16xi32>,
        %iota3A_321 = tpu.iota {dimensions = array<i32: 0>} : vector<16xi32>
        %add3A_322 = arith.constant 80 : i32
        %add3A_323 = arith.addi %mul3A_166, %add3A_322 : i32
        %add3A_324 = vector.broadcast %add3A_323 : i32 to vector<16xi32>
        %add3A_325 = arith.addi %iota3A_321, %add3A_324 : vector<16xi32>
        %lt3A_326 = vector.broadcast %scan3A_141 : i32 to vector<16xi32>
        %lt3A_327 = arith.cmpi slt, %add3A_325, %lt3A_326 : vector<16xi32>
        %add3A_328 = arith.constant 80 : i32
        %add3A_329 = arith.addi %mul3A_166, %add3A_328 : i32
        %get3A_330 = arith.index_cast %add3A_329 : i32 to index
        %get3A_331 = tpu.vector_load %arg27[%get3A_330] {strides = array<i32>} : memref<4224xi32, #tpu.memory_space<vmem>>, vector<16xi32>,
        %jit3A_332 = arith.constant 0 : i32
        %broadcast_in_dim3A_333 = vector.broadcast %jit3A_332 : i32 to vector<16xi32>
        %select_n3A_334 = arith.select %lt3A_327, %get3A_331, %broadcast_in_dim3A_333 : vector<16xi1>, vector<16xi32>
        %add3A_335 = arith.constant 80 : i32
        %add3A_336 = arith.addi %mul3A_166, %add3A_335 : i32
        %swap3A_337 = arith.index_cast %add3A_336 : i32 to index
        %swap3A_338 = tpu.vector_load %arg27[%swap3A_337] {strides = array<i32>} : memref<4224xi32, #tpu.memory_space<vmem>>, vector<16xi32>,
        tpu.vector_store %arg27[%swap3A_337], %select_n3A_334 {strides = array<i32>} : memref<4224xi32, #tpu.memory_space<vmem>>, vector<16xi32>,
        %add3A_339 = arith.constant 80 : i32
        %add3A_340 = arith.addi %mul3A_166, %add3A_339 : i32
        %get3A_341 = arith.index_cast %add3A_340 : i32 to index
        %get3A_342 = tpu.vector_load %arg26[%get3A_341] {strides = array<i32>} : memref<4224xi32, #tpu.memory_space<vmem>>, vector<16xi32>,
        %jit3A_343 = arith.constant 256 : i32
        %broadcast_in_dim3A_344 = vector.broadcast %jit3A_343 : i32 to vector<16xi32>
        %select_n3A_345 = arith.select %lt3A_327, %get3A_342, %broadcast_in_dim3A_344 : vector<16xi1>, vector<16xi32>
        %add3A_346 = arith.constant 80 : i32
        %add3A_347 = arith.addi %mul3A_166, %add3A_346 : i32
        %swap3A_348 = arith.index_cast %add3A_347 : i32 to index
        %swap3A_349 = tpu.vector_load %arg26[%swap3A_348] {strides = array<i32>} : memref<4224xi32, #tpu.memory_space<vmem>>, vector<16xi32>,
        tpu.vector_store %arg26[%swap3A_348], %select_n3A_345 {strides = array<i32>} : memref<4224xi32, #tpu.memory_space<vmem>>, vector<16xi32>,
        %iota3A_350 = tpu.iota {dimensions = array<i32: 0>} : vector<16xi32>
        %add3A_351 = arith.constant 96 : i32
        %add3A_352 = arith.addi %mul3A_166, %add3A_351 : i32
        %add3A_353 = vector.broadcast %add3A_352 : i32 to vector<16xi32>
        %add3A_354 = arith.addi %iota3A_350, %add3A_353 : vector<16xi32>
        %lt3A_355 = vector.broadcast %scan3A_141 : i32 to vector<16xi32>
        %lt3A_356 = arith.cmpi slt, %add3A_354, %lt3A_355 : vector<16xi32>
        %add3A_357 = arith.constant 96 : i32
        %add3A_358 = arith.addi %mul3A_166, %add3A_357 : i32
        %get3A_359 = arith.index_cast %add3A_358 : i32 to index
        %get3A_360 = tpu.vector_load %arg27[%get3A_359] {strides = array<i32>} : memref<4224xi32, #tpu.memory_space<vmem>>, vector<16xi32>,
        %jit3A_361 = arith.constant 0 : i32
        %broadcast_in_dim3A_362 = vector.broadcast %jit3A_361 : i32 to vector<16xi32>
        %select_n3A_363 = arith.select %lt3A_356, %get3A_360, %broadcast_in_dim3A_362 : vector<16xi1>, vector<16xi32>
        %add3A_364 = arith.constant 96 : i32
        %add3A_365 = arith.addi %mul3A_166, %add3A_364 : i32
        %swap3A_366 = arith.index_cast %add3A_365 : i32 to index
        %swap3A_367 = tpu.vector_load %arg27[%swap3A_366] {strides = array<i32>} : memref<4224xi32, #tpu.memory_space<vmem>>, vector<16xi32>,
        tpu.vector_store %arg27[%swap3A_366], %select_n3A_363 {strides = array<i32>} : memref<4224xi32, #tpu.memory_space<vmem>>, vector<16xi32>,
        %add3A_368 = arith.constant 96 : i32
        %add3A_369 = arith.addi %mul3A_166, %add3A_368 : i32
        %get3A_370 = arith.index_cast %add3A_369 : i32 to index
        %get3A_371 = tpu.vector_load %arg26[%get3A_370] {strides = array<i32>} : memref<4224xi32, #tpu.memory_space<vmem>>, vector<16xi32>,
        %jit3A_372 = arith.constant 256 : i32
        %broadcast_in_dim3A_373 = vector.broadcast %jit3A_372 : i32 to vector<16xi32>
        %select_n3A_374 = arith.select %lt3A_356, %get3A_371, %broadcast_in_dim3A_373 : vector<16xi1>, vector<16xi32>
        %add3A_375 = arith.constant 96 : i32
        %add3A_376 = arith.addi %mul3A_166, %add3A_375 : i32
        %swap3A_377 = arith.index_cast %add3A_376 : i32 to index
        %swap3A_378 = tpu.vector_load %arg26[%swap3A_377] {strides = array<i32>} : memref<4224xi32, #tpu.memory_space<vmem>>, vector<16xi32>,
        tpu.vector_store %arg26[%swap3A_377], %select_n3A_374 {strides = array<i32>} : memref<4224xi32, #tpu.memory_space<vmem>>, vector<16xi32>,
        %iota3A_379 = tpu.iota {dimensions = array<i32: 0>} : vector<16xi32>
        %add3A_380 = arith.constant 112 : i32
        %add3A_381 = arith.addi %mul3A_166, %add3A_380 : i32
        %add3A_382 = vector.broadcast %add3A_381 : i32 to vector<16xi32>
        %add3A_383 = arith.addi %iota3A_379, %add3A_382 : vector<16xi32>
        %lt3A_384 = vector.broadcast %scan3A_141 : i32 to vector<16xi32>
        %lt3A_385 = arith.cmpi slt, %add3A_383, %lt3A_384 : vector<16xi32>
        %add3A_386 = arith.constant 112 : i32
        %add3A_387 = arith.addi %mul3A_166, %add3A_386 : i32
        %get3A_388 = arith.index_cast %add3A_387 : i32 to index
        %get3A_389 = tpu.vector_load %arg27[%get3A_388] {strides = array<i32>} : memref<4224xi32, #tpu.memory_space<vmem>>, vector<16xi32>,
        %jit3A_390 = arith.constant 0 : i32
        %broadcast_in_dim3A_391 = vector.broadcast %jit3A_390 : i32 to vector<16xi32>
        %select_n3A_392 = arith.select %lt3A_385, %get3A_389, %broadcast_in_dim3A_391 : vector<16xi1>, vector<16xi32>
        %add3A_393 = arith.constant 112 : i32
        %add3A_394 = arith.addi %mul3A_166, %add3A_393 : i32
        %swap3A_395 = arith.index_cast %add3A_394 : i32 to index
        %swap3A_396 = tpu.vector_load %arg27[%swap3A_395] {strides = array<i32>} : memref<4224xi32, #tpu.memory_space<vmem>>, vector<16xi32>,
        tpu.vector_store %arg27[%swap3A_395], %select_n3A_392 {strides = array<i32>} : memref<4224xi32, #tpu.memory_space<vmem>>, vector<16xi32>,
        %add3A_397 = arith.constant 112 : i32
        %add3A_398 = arith.addi %mul3A_166, %add3A_397 : i32
        %get3A_399 = arith.index_cast %add3A_398 : i32 to index
        %get3A_400 = tpu.vector_load %arg26[%get3A_399] {strides = array<i32>} : memref<4224xi32, #tpu.memory_space<vmem>>, vector<16xi32>,
        %jit3A_401 = arith.constant 256 : i32
        %broadcast_in_dim3A_402 = vector.broadcast %jit3A_401 : i32 to vector<16xi32>
        %select_n3A_403 = arith.select %lt3A_385, %get3A_400, %broadcast_in_dim3A_402 : vector<16xi1>, vector<16xi32>
        %add3A_404 = arith.constant 112 : i32
        %add3A_405 = arith.addi %mul3A_166, %add3A_404 : i32
        %swap3A_406 = arith.index_cast %add3A_405 : i32 to index
        %swap3A_407 = tpu.vector_load %arg26[%swap3A_406] {strides = array<i32>} : memref<4224xi32, #tpu.memory_space<vmem>>, vector<16xi32>,
        tpu.vector_store %arg26[%swap3A_406], %select_n3A_403 {strides = array<i32>} : memref<4224xi32, #tpu.memory_space<vmem>>, vector<16xi32>,
        %sub3A_408 = arith.constant 0 : i32
        %sub3A_409 = arith.subi %select_n3A, %sub3A_408 : i32
        %sub3A_410 = arith.constant 1 : i32
        %sub3A_411 = arith.constant 1 : i32
        %sub3A_412 = arith.subi %sub3A_410, %sub3A_411 : i32
        %add3A_413 = arith.addi %sub3A_409, %sub3A_412 : i32
        %div3A_414 = arith.constant 1 : i32
        %div3A_415 = arith.divsi %add3A_413, %div3A_414 : i32
        %while3A = arith.constant 1 : i32
        %while3A_416 = arith.constant 0 : i32
        %while3A_417 = arith.constant 0 : i32
        %while3A_418 = arith.subi %div3A_415, %while3A_417 : i32
        %while3A_419 = arith.addi %while3A_417, %while3A_418 : i32
        %while3A_420 = arith.constant 1 : i32
        %while3A_421 = arith.divsi %while3A_418, %while3A_420 : i32
        %while3A_422 = arith.muli %while3A_421, %while3A_420 : i32
        %while3A_423 = arith.addi %while3A_417, %while3A_422 : i32
        %while3A_424 = arith.constant 1 : i32
        scf.for %while3A_426 = %while3A_417 to %while3A_423 step %while3A_424  : i32 {
          %mul3A_427 = arith.muli %while3A_426, %while3A : i32
          %add3A_428 = arith.addi %while3A_416, %mul3A_427 : i32
          %mul3A_429 = arith.constant 128 : i32
          %mul3A_430 = arith.muli %add3A_428, %mul3A_429 : i32
          %dma_start3A_431 = tpu.memref_slice %arg27[%mul3A_430] : memref<4224xi32, #tpu.memory_space<vmem>> -> memref<128xi32, #tpu.memory_space<vmem>>
          %dma_start3A_432 = arith.constant 0 : i32
          %dma_start3A_433 = arith.constant 0 : i32
          %dma_start3A_434 = tpu.memref_slice %arg8[%dma_start3A_432, %dma_start3A_433] : memref<20480x64xf32, #tpu.memory_space<hbm>> -> memref<20480x64xf32, #tpu.memory_space<hbm>>
          tpu.enqueue_indirect_dma source(%dma_start3A_434 : memref<20480x64xf32, #tpu.memory_space<hbm>>) target(%arg29 : memref<128x64xf32, #tpu.memory_space<vmem>>) offsets(%dma_start3A_431 : memref<128xi32, #tpu.memory_space<vmem>>) semaphore(%arg30 : memref<!tpu.dma_semaphore, #tpu.memory_space<semaphore_mem>>)
          %dma_wait3A = tpu.memref_slice %arg27[%mul3A_430] : memref<4224xi32, #tpu.memory_space<vmem>> -> memref<128xi32, #tpu.memory_space<vmem>>
          %dma_wait3A_435 = arith.constant 0 : i32
          %dma_wait3A_436 = arith.constant 0 : i32
          %dma_wait3A_437 = tpu.memref_slice %arg8[%dma_wait3A_435, %dma_wait3A_436] : memref<20480x64xf32, #tpu.memory_space<hbm>> -> memref<20480x64xf32, #tpu.memory_space<hbm>>
          tpu.wait_indirect_dma semaphore(%arg30 : memref<!tpu.dma_semaphore, #tpu.memory_space<semaphore_mem>>) src(%dma_wait3A_437 : memref<20480x64xf32, #tpu.memory_space<hbm>>) dst(%arg29 : memref<128x64xf32, #tpu.memory_space<vmem>>)
          %mul3A_438 = arith.constant 128 : i32
          %mul3A_439 = arith.muli %add3A_428, %mul3A_438 : i32
          %add3A_440 = arith.constant 0 : i32
          %add3A_441 = arith.addi %mul3A_439, %add3A_440 : i32
          %get3A_442 = arith.index_cast %add3A_441 : i32 to index
          %get3A_443 = tpu.vector_load %arg26[%get3A_442] {strides = array<i32>} : memref<4224xi32, #tpu.memory_space<vmem>>, vector<16xi32>,
          "tpu.region"() ({
            %run_scoped3A_486 = tpu.sem_alloc : memref<!tpu.dma_semaphore, #tpu.memory_space<semaphore_mem>>
            %dma_start3A_487 = arith.constant 0 : i32
            %dma_start3A_488 = arith.constant 0 : i32
            %dma_start3A_489 = tpu.memref_slice %arg29[%dma_start3A_487, %dma_start3A_488] : memref<128x64xf32, #tpu.memory_space<vmem>> -> memref<16x64xf32, #tpu.memory_space<vmem>>
            %dma_start3A_490 = arith.constant 0 : i32
            %dma_start3A_491 = arith.constant 0 : i32
            %dma_start3A_492 = tpu.memref_slice %arg38[%dma_start3A_490, %dma_start3A_491] : memref<264x64xf32, #tpu.memory_space<vmem_shared>> -> memref<264x64xf32, #tpu.memory_space<vmem_shared>>
            tpu.enqueue_indirect_dma source(%dma_start3A_489 : memref<16x64xf32, #tpu.memory_space<vmem>>) target(%dma_start3A_492 : memref<264x64xf32, #tpu.memory_space<vmem_shared>>) offsets(%get3A_443 : vector<16xi32>) semaphore(%run_scoped3A_486 : memref<!tpu.dma_semaphore, #tpu.memory_space<semaphore_mem>>) {add = true}
            %dma_wait3A_493 = arith.constant 0 : i32
            %dma_wait3A_494 = arith.constant 0 : i32
            %dma_wait3A_495 = tpu.memref_slice %arg29[%dma_wait3A_493, %dma_wait3A_494] : memref<128x64xf32, #tpu.memory_space<vmem>> -> memref<16x64xf32, #tpu.memory_space<vmem>>
            %dma_wait3A_496 = arith.constant 0 : i32
            %dma_wait3A_497 = arith.constant 0 : i32
            %dma_wait3A_498 = tpu.memref_slice %arg38[%dma_wait3A_496, %dma_wait3A_497] : memref<264x64xf32, #tpu.memory_space<vmem_shared>> -> memref<264x64xf32, #tpu.memory_space<vmem_shared>>
            tpu.wait_indirect_dma semaphore(%run_scoped3A_486 : memref<!tpu.dma_semaphore, #tpu.memory_space<semaphore_mem>>) src(%dma_wait3A_495 : memref<16x64xf32, #tpu.memory_space<vmem>>) dst(%dma_wait3A_498 : memref<264x64xf32, #tpu.memory_space<vmem_shared>>)
            tpu.yield
          }) : () -> ()
          %mul3A_444 = arith.constant 128 : i32
          %mul3A_445 = arith.muli %add3A_428, %mul3A_444 : i32
          %add3A_446 = arith.constant 16 : i32
          %add3A_447 = arith.addi %mul3A_445, %add3A_446 : i32
          %get3A_448 = arith.index_cast %add3A_447 : i32 to index
          %get3A_449 = tpu.vector_load %arg26[%get3A_448] {strides = array<i32>} : memref<4224xi32, #tpu.memory_space<vmem>>, vector<16xi32>,
          "tpu.region"() ({
            %run_scoped3A_486 = tpu.sem_alloc : memref<!tpu.dma_semaphore, #tpu.memory_space<semaphore_mem>>
            %dma_start3A_487 = arith.constant 16 : i32
            %dma_start3A_488 = arith.constant 0 : i32
            %dma_start3A_489 = tpu.memref_slice %arg29[%dma_start3A_487, %dma_start3A_488] : memref<128x64xf32, #tpu.memory_space<vmem>> -> memref<16x64xf32, #tpu.memory_space<vmem>>
            %dma_start3A_490 = arith.constant 0 : i32
            %dma_start3A_491 = arith.constant 0 : i32
            %dma_start3A_492 = tpu.memref_slice %arg38[%dma_start3A_490, %dma_start3A_491] : memref<264x64xf32, #tpu.memory_space<vmem_shared>> -> memref<264x64xf32, #tpu.memory_space<vmem_shared>>
            tpu.enqueue_indirect_dma source(%dma_start3A_489 : memref<16x64xf32, #tpu.memory_space<vmem>>) target(%dma_start3A_492 : memref<264x64xf32, #tpu.memory_space<vmem_shared>>) offsets(%get3A_449 : vector<16xi32>) semaphore(%run_scoped3A_486 : memref<!tpu.dma_semaphore, #tpu.memory_space<semaphore_mem>>) {add = true}
            %dma_wait3A_493 = arith.constant 16 : i32
            %dma_wait3A_494 = arith.constant 0 : i32
            %dma_wait3A_495 = tpu.memref_slice %arg29[%dma_wait3A_493, %dma_wait3A_494] : memref<128x64xf32, #tpu.memory_space<vmem>> -> memref<16x64xf32, #tpu.memory_space<vmem>>
            %dma_wait3A_496 = arith.constant 0 : i32
            %dma_wait3A_497 = arith.constant 0 : i32
            %dma_wait3A_498 = tpu.memref_slice %arg38[%dma_wait3A_496, %dma_wait3A_497] : memref<264x64xf32, #tpu.memory_space<vmem_shared>> -> memref<264x64xf32, #tpu.memory_space<vmem_shared>>
            tpu.wait_indirect_dma semaphore(%run_scoped3A_486 : memref<!tpu.dma_semaphore, #tpu.memory_space<semaphore_mem>>) src(%dma_wait3A_495 : memref<16x64xf32, #tpu.memory_space<vmem>>) dst(%dma_wait3A_498 : memref<264x64xf32, #tpu.memory_space<vmem_shared>>)
            tpu.yield
          }) : () -> ()
          %mul3A_450 = arith.constant 128 : i32
          %mul3A_451 = arith.muli %add3A_428, %mul3A_450 : i32
          %add3A_452 = arith.constant 32 : i32
          %add3A_453 = arith.addi %mul3A_451, %add3A_452 : i32
          %get3A_454 = arith.index_cast %add3A_453 : i32 to index
          %get3A_455 = tpu.vector_load %arg26[%get3A_454] {strides = array<i32>} : memref<4224xi32, #tpu.memory_space<vmem>>, vector<16xi32>,
          "tpu.region"() ({
            %run_scoped3A_486 = tpu.sem_alloc : memref<!tpu.dma_semaphore, #tpu.memory_space<semaphore_mem>>
            %dma_start3A_487 = arith.constant 32 : i32
            %dma_start3A_488 = arith.constant 0 : i32
            %dma_start3A_489 = tpu.memref_slice %arg29[%dma_start3A_487, %dma_start3A_488] : memref<128x64xf32, #tpu.memory_space<vmem>> -> memref<16x64xf32, #tpu.memory_space<vmem>>
            %dma_start3A_490 = arith.constant 0 : i32
            %dma_start3A_491 = arith.constant 0 : i32
            %dma_start3A_492 = tpu.memref_slice %arg38[%dma_start3A_490, %dma_start3A_491] : memref<264x64xf32, #tpu.memory_space<vmem_shared>> -> memref<264x64xf32, #tpu.memory_space<vmem_shared>>
            tpu.enqueue_indirect_dma source(%dma_start3A_489 : memref<16x64xf32, #tpu.memory_space<vmem>>) target(%dma_start3A_492 : memref<264x64xf32, #tpu.memory_space<vmem_shared>>) offsets(%get3A_455 : vector<16xi32>) semaphore(%run_scoped3A_486 : memref<!tpu.dma_semaphore, #tpu.memory_space<semaphore_mem>>) {add = true}
            %dma_wait3A_493 = arith.constant 32 : i32
            %dma_wait3A_494 = arith.constant 0 : i32
            %dma_wait3A_495 = tpu.memref_slice %arg29[%dma_wait3A_493, %dma_wait3A_494] : memref<128x64xf32, #tpu.memory_space<vmem>> -> memref<16x64xf32, #tpu.memory_space<vmem>>
            %dma_wait3A_496 = arith.constant 0 : i32
            %dma_wait3A_497 = arith.constant 0 : i32
            %dma_wait3A_498 = tpu.memref_slice %arg38[%dma_wait3A_496, %dma_wait3A_497] : memref<264x64xf32, #tpu.memory_space<vmem_shared>> -> memref<264x64xf32, #tpu.memory_space<vmem_shared>>
            tpu.wait_indirect_dma semaphore(%run_scoped3A_486 : memref<!tpu.dma_semaphore, #tpu.memory_space<semaphore_mem>>) src(%dma_wait3A_495 : memref<16x64xf32, #tpu.memory_space<vmem>>) dst(%dma_wait3A_498 : memref<264x64xf32, #tpu.memory_space<vmem_shared>>)
            tpu.yield
          }) : () -> ()
          %mul3A_456 = arith.constant 128 : i32
          %mul3A_457 = arith.muli %add3A_428, %mul3A_456 : i32
          %add3A_458 = arith.constant 48 : i32
          %add3A_459 = arith.addi %mul3A_457, %add3A_458 : i32
          %get3A_460 = arith.index_cast %add3A_459 : i32 to index
          %get3A_461 = tpu.vector_load %arg26[%get3A_460] {strides = array<i32>} : memref<4224xi32, #tpu.memory_space<vmem>>, vector<16xi32>,
          "tpu.region"() ({
            %run_scoped3A_486 = tpu.sem_alloc : memref<!tpu.dma_semaphore, #tpu.memory_space<semaphore_mem>>
            %dma_start3A_487 = arith.constant 48 : i32
            %dma_start3A_488 = arith.constant 0 : i32
            %dma_start3A_489 = tpu.memref_slice %arg29[%dma_start3A_487, %dma_start3A_488] : memref<128x64xf32, #tpu.memory_space<vmem>> -> memref<16x64xf32, #tpu.memory_space<vmem>>
            %dma_start3A_490 = arith.constant 0 : i32
            %dma_start3A_491 = arith.constant 0 : i32
            %dma_start3A_492 = tpu.memref_slice %arg38[%dma_start3A_490, %dma_start3A_491] : memref<264x64xf32, #tpu.memory_space<vmem_shared>> -> memref<264x64xf32, #tpu.memory_space<vmem_shared>>
            tpu.enqueue_indirect_dma source(%dma_start3A_489 : memref<16x64xf32, #tpu.memory_space<vmem>>) target(%dma_start3A_492 : memref<264x64xf32, #tpu.memory_space<vmem_shared>>) offsets(%get3A_461 : vector<16xi32>) semaphore(%run_scoped3A_486 : memref<!tpu.dma_semaphore, #tpu.memory_space<semaphore_mem>>) {add = true}
            %dma_wait3A_493 = arith.constant 48 : i32
            %dma_wait3A_494 = arith.constant 0 : i32
            %dma_wait3A_495 = tpu.memref_slice %arg29[%dma_wait3A_493, %dma_wait3A_494] : memref<128x64xf32, #tpu.memory_space<vmem>> -> memref<16x64xf32, #tpu.memory_space<vmem>>
            %dma_wait3A_496 = arith.constant 0 : i32
            %dma_wait3A_497 = arith.constant 0 : i32
            %dma_wait3A_498 = tpu.memref_slice %arg38[%dma_wait3A_496, %dma_wait3A_497] : memref<264x64xf32, #tpu.memory_space<vmem_shared>> -> memref<264x64xf32, #tpu.memory_space<vmem_shared>>
            tpu.wait_indirect_dma semaphore(%run_scoped3A_486 : memref<!tpu.dma_semaphore, #tpu.memory_space<semaphore_mem>>) src(%dma_wait3A_495 : memref<16x64xf32, #tpu.memory_space<vmem>>) dst(%dma_wait3A_498 : memref<264x64xf32, #tpu.memory_space<vmem_shared>>)
            tpu.yield
          }) : () -> ()
          %mul3A_462 = arith.constant 128 : i32
          %mul3A_463 = arith.muli %add3A_428, %mul3A_462 : i32
          %add3A_464 = arith.constant 64 : i32
          %add3A_465 = arith.addi %mul3A_463, %add3A_464 : i32
          %get3A_466 = arith.index_cast %add3A_465 : i32 to index
          %get3A_467 = tpu.vector_load %arg26[%get3A_466] {strides = array<i32>} : memref<4224xi32, #tpu.memory_space<vmem>>, vector<16xi32>,
          "tpu.region"() ({
            %run_scoped3A_486 = tpu.sem_alloc : memref<!tpu.dma_semaphore, #tpu.memory_space<semaphore_mem>>
            %dma_start3A_487 = arith.constant 64 : i32
            %dma_start3A_488 = arith.constant 0 : i32
            %dma_start3A_489 = tpu.memref_slice %arg29[%dma_start3A_487, %dma_start3A_488] : memref<128x64xf32, #tpu.memory_space<vmem>> -> memref<16x64xf32, #tpu.memory_space<vmem>>
            %dma_start3A_490 = arith.constant 0 : i32
            %dma_start3A_491 = arith.constant 0 : i32
            %dma_start3A_492 = tpu.memref_slice %arg38[%dma_start3A_490, %dma_start3A_491] : memref<264x64xf32, #tpu.memory_space<vmem_shared>> -> memref<264x64xf32, #tpu.memory_space<vmem_shared>>
            tpu.enqueue_indirect_dma source(%dma_start3A_489 : memref<16x64xf32, #tpu.memory_space<vmem>>) target(%dma_start3A_492 : memref<264x64xf32, #tpu.memory_space<vmem_shared>>) offsets(%get3A_467 : vector<16xi32>) semaphore(%run_scoped3A_486 : memref<!tpu.dma_semaphore, #tpu.memory_space<semaphore_mem>>) {add = true}
            %dma_wait3A_493 = arith.constant 64 : i32
            %dma_wait3A_494 = arith.constant 0 : i32
            %dma_wait3A_495 = tpu.memref_slice %arg29[%dma_wait3A_493, %dma_wait3A_494] : memref<128x64xf32, #tpu.memory_space<vmem>> -> memref<16x64xf32, #tpu.memory_space<vmem>>
            %dma_wait3A_496 = arith.constant 0 : i32
            %dma_wait3A_497 = arith.constant 0 : i32
            %dma_wait3A_498 = tpu.memref_slice %arg38[%dma_wait3A_496, %dma_wait3A_497] : memref<264x64xf32, #tpu.memory_space<vmem_shared>> -> memref<264x64xf32, #tpu.memory_space<vmem_shared>>
            tpu.wait_indirect_dma semaphore(%run_scoped3A_486 : memref<!tpu.dma_semaphore, #tpu.memory_space<semaphore_mem>>) src(%dma_wait3A_495 : memref<16x64xf32, #tpu.memory_space<vmem>>) dst(%dma_wait3A_498 : memref<264x64xf32, #tpu.memory_space<vmem_shared>>)
            tpu.yield
          }) : () -> ()
          %mul3A_468 = arith.constant 128 : i32
          %mul3A_469 = arith.muli %add3A_428, %mul3A_468 : i32
          %add3A_470 = arith.constant 80 : i32
          %add3A_471 = arith.addi %mul3A_469, %add3A_470 : i32
          %get3A_472 = arith.index_cast %add3A_471 : i32 to index
          %get3A_473 = tpu.vector_load %arg26[%get3A_472] {strides = array<i32>} : memref<4224xi32, #tpu.memory_space<vmem>>, vector<16xi32>,
          "tpu.region"() ({
            %run_scoped3A_486 = tpu.sem_alloc : memref<!tpu.dma_semaphore, #tpu.memory_space<semaphore_mem>>
            %dma_start3A_487 = arith.constant 80 : i32
            %dma_start3A_488 = arith.constant 0 : i32
            %dma_start3A_489 = tpu.memref_slice %arg29[%dma_start3A_487, %dma_start3A_488] : memref<128x64xf32, #tpu.memory_space<vmem>> -> memref<16x64xf32, #tpu.memory_space<vmem>>
            %dma_start3A_490 = arith.constant 0 : i32
            %dma_start3A_491 = arith.constant 0 : i32
            %dma_start3A_492 = tpu.memref_slice %arg38[%dma_start3A_490, %dma_start3A_491] : memref<264x64xf32, #tpu.memory_space<vmem_shared>> -> memref<264x64xf32, #tpu.memory_space<vmem_shared>>
            tpu.enqueue_indirect_dma source(%dma_start3A_489 : memref<16x64xf32, #tpu.memory_space<vmem>>) target(%dma_start3A_492 : memref<264x64xf32, #tpu.memory_space<vmem_shared>>) offsets(%get3A_473 : vector<16xi32>) semaphore(%run_scoped3A_486 : memref<!tpu.dma_semaphore, #tpu.memory_space<semaphore_mem>>) {add = true}
            %dma_wait3A_493 = arith.constant 80 : i32
            %dma_wait3A_494 = arith.constant 0 : i32
            %dma_wait3A_495 = tpu.memref_slice %arg29[%dma_wait3A_493, %dma_wait3A_494] : memref<128x64xf32, #tpu.memory_space<vmem>> -> memref<16x64xf32, #tpu.memory_space<vmem>>
            %dma_wait3A_496 = arith.constant 0 : i32
            %dma_wait3A_497 = arith.constant 0 : i32
            %dma_wait3A_498 = tpu.memref_slice %arg38[%dma_wait3A_496, %dma_wait3A_497] : memref<264x64xf32, #tpu.memory_space<vmem_shared>> -> memref<264x64xf32, #tpu.memory_space<vmem_shared>>
            tpu.wait_indirect_dma semaphore(%run_scoped3A_486 : memref<!tpu.dma_semaphore, #tpu.memory_space<semaphore_mem>>) src(%dma_wait3A_495 : memref<16x64xf32, #tpu.memory_space<vmem>>) dst(%dma_wait3A_498 : memref<264x64xf32, #tpu.memory_space<vmem_shared>>)
            tpu.yield
          }) : () -> ()
          %mul3A_474 = arith.constant 128 : i32
          %mul3A_475 = arith.muli %add3A_428, %mul3A_474 : i32
          %add3A_476 = arith.constant 96 : i32
          %add3A_477 = arith.addi %mul3A_475, %add3A_476 : i32
          %get3A_478 = arith.index_cast %add3A_477 : i32 to index
          %get3A_479 = tpu.vector_load %arg26[%get3A_478] {strides = array<i32>} : memref<4224xi32, #tpu.memory_space<vmem>>, vector<16xi32>,
          "tpu.region"() ({
            %run_scoped3A_486 = tpu.sem_alloc : memref<!tpu.dma_semaphore, #tpu.memory_space<semaphore_mem>>
            %dma_start3A_487 = arith.constant 96 : i32
            %dma_start3A_488 = arith.constant 0 : i32
            %dma_start3A_489 = tpu.memref_slice %arg29[%dma_start3A_487, %dma_start3A_488] : memref<128x64xf32, #tpu.memory_space<vmem>> -> memref<16x64xf32, #tpu.memory_space<vmem>>
            %dma_start3A_490 = arith.constant 0 : i32
            %dma_start3A_491 = arith.constant 0 : i32
            %dma_start3A_492 = tpu.memref_slice %arg38[%dma_start3A_490, %dma_start3A_491] : memref<264x64xf32, #tpu.memory_space<vmem_shared>> -> memref<264x64xf32, #tpu.memory_space<vmem_shared>>
            tpu.enqueue_indirect_dma source(%dma_start3A_489 : memref<16x64xf32, #tpu.memory_space<vmem>>) target(%dma_start3A_492 : memref<264x64xf32, #tpu.memory_space<vmem_shared>>) offsets(%get3A_479 : vector<16xi32>) semaphore(%run_scoped3A_486 : memref<!tpu.dma_semaphore, #tpu.memory_space<semaphore_mem>>) {add = true}
            %dma_wait3A_493 = arith.constant 96 : i32
            %dma_wait3A_494 = arith.constant 0 : i32
            %dma_wait3A_495 = tpu.memref_slice %arg29[%dma_wait3A_493, %dma_wait3A_494] : memref<128x64xf32, #tpu.memory_space<vmem>> -> memref<16x64xf32, #tpu.memory_space<vmem>>
            %dma_wait3A_496 = arith.constant 0 : i32
            %dma_wait3A_497 = arith.constant 0 : i32
            %dma_wait3A_498 = tpu.memref_slice %arg38[%dma_wait3A_496, %dma_wait3A_497] : memref<264x64xf32, #tpu.memory_space<vmem_shared>> -> memref<264x64xf32, #tpu.memory_space<vmem_shared>>
            tpu.wait_indirect_dma semaphore(%run_scoped3A_486 : memref<!tpu.dma_semaphore, #tpu.memory_space<semaphore_mem>>) src(%dma_wait3A_495 : memref<16x64xf32, #tpu.memory_space<vmem>>) dst(%dma_wait3A_498 : memref<264x64xf32, #tpu.memory_space<vmem_shared>>)
            tpu.yield
          }) : () -> ()
          %mul3A_480 = arith.constant 128 : i32
          %mul3A_481 = arith.muli %add3A_428, %mul3A_480 : i32
          %add3A_482 = arith.constant 112 : i32
          %add3A_483 = arith.addi %mul3A_481, %add3A_482 : i32
          %get3A_484 = arith.index_cast %add3A_483 : i32 to index
          %get3A_485 = tpu.vector_load %arg26[%get3A_484] {strides = array<i32>} : memref<4224xi32, #tpu.memory_space<vmem>>, vector<16xi32>,
          "tpu.region"() ({
            %run_scoped3A_486 = tpu.sem_alloc : memref<!tpu.dma_semaphore, #tpu.memory_space<semaphore_mem>>
            %dma_start3A_487 = arith.constant 112 : i32
            %dma_start3A_488 = arith.constant 0 : i32
            %dma_start3A_489 = tpu.memref_slice %arg29[%dma_start3A_487, %dma_start3A_488] : memref<128x64xf32, #tpu.memory_space<vmem>> -> memref<16x64xf32, #tpu.memory_space<vmem>>
            %dma_start3A_490 = arith.constant 0 : i32
            %dma_start3A_491 = arith.constant 0 : i32
            %dma_start3A_492 = tpu.memref_slice %arg38[%dma_start3A_490, %dma_start3A_491] : memref<264x64xf32, #tpu.memory_space<vmem_shared>> -> memref<264x64xf32, #tpu.memory_space<vmem_shared>>
            tpu.enqueue_indirect_dma source(%dma_start3A_489 : memref<16x64xf32, #tpu.memory_space<vmem>>) target(%dma_start3A_492 : memref<264x64xf32, #tpu.memory_space<vmem_shared>>) offsets(%get3A_485 : vector<16xi32>) semaphore(%run_scoped3A_486 : memref<!tpu.dma_semaphore, #tpu.memory_space<semaphore_mem>>) {add = true}
            %dma_wait3A_493 = arith.constant 112 : i32
            %dma_wait3A_494 = arith.constant 0 : i32
            %dma_wait3A_495 = tpu.memref_slice %arg29[%dma_wait3A_493, %dma_wait3A_494] : memref<128x64xf32, #tpu.memory_space<vmem>> -> memref<16x64xf32, #tpu.memory_space<vmem>>
            %dma_wait3A_496 = arith.constant 0 : i32
            %dma_wait3A_497 = arith.constant 0 : i32
            %dma_wait3A_498 = tpu.memref_slice %arg38[%dma_wait3A_496, %dma_wait3A_497] : memref<264x64xf32, #tpu.memory_space<vmem_shared>> -> memref<264x64xf32, #tpu.memory_space<vmem_shared>>
            tpu.wait_indirect_dma semaphore(%run_scoped3A_486 : memref<!tpu.dma_semaphore, #tpu.memory_space<semaphore_mem>>) src(%dma_wait3A_495 : memref<16x64xf32, #tpu.memory_space<vmem>>) dst(%dma_wait3A_498 : memref<264x64xf32, #tpu.memory_space<vmem_shared>>)
            tpu.yield
          }) : () -> ()
        }
        %while3A_425 = arith.constant 1 : i32
        scf.for %while3A_426 = %while3A_423 to %while3A_419 step %while3A_425  : i32 {
          %mul3A_427 = arith.muli %while3A_426, %while3A : i32
          %add3A_428 = arith.addi %while3A_416, %mul3A_427 : i32
          %mul3A_429 = arith.constant 128 : i32
          %mul3A_430 = arith.muli %add3A_428, %mul3A_429 : i32
          %dma_start3A_431 = tpu.memref_slice %arg27[%mul3A_430] : memref<4224xi32, #tpu.memory_space<vmem>> -> memref<128xi32, #tpu.memory_space<vmem>>
          %dma_start3A_432 = arith.constant 0 : i32
          %dma_start3A_433 = arith.constant 0 : i32
          %dma_start3A_434 = tpu.memref_slice %arg8[%dma_start3A_432, %dma_start3A_433] : memref<20480x64xf32, #tpu.memory_space<hbm>> -> memref<20480x64xf32, #tpu.memory_space<hbm>>
          tpu.enqueue_indirect_dma source(%dma_start3A_434 : memref<20480x64xf32, #tpu.memory_space<hbm>>) target(%arg29 : memref<128x64xf32, #tpu.memory_space<vmem>>) offsets(%dma_start3A_431 : memref<128xi32, #tpu.memory_space<vmem>>) semaphore(%arg30 : memref<!tpu.dma_semaphore, #tpu.memory_space<semaphore_mem>>)
          %dma_wait3A = tpu.memref_slice %arg27[%mul3A_430] : memref<4224xi32, #tpu.memory_space<vmem>> -> memref<128xi32, #tpu.memory_space<vmem>>
          %dma_wait3A_435 = arith.constant 0 : i32
          %dma_wait3A_436 = arith.constant 0 : i32
          %dma_wait3A_437 = tpu.memref_slice %arg8[%dma_wait3A_435, %dma_wait3A_436] : memref<20480x64xf32, #tpu.memory_space<hbm>> -> memref<20480x64xf32, #tpu.memory_space<hbm>>
          tpu.wait_indirect_dma semaphore(%arg30 : memref<!tpu.dma_semaphore, #tpu.memory_space<semaphore_mem>>) src(%dma_wait3A_437 : memref<20480x64xf32, #tpu.memory_space<hbm>>) dst(%arg29 : memref<128x64xf32, #tpu.memory_space<vmem>>)
          %mul3A_438 = arith.constant 128 : i32
          %mul3A_439 = arith.muli %add3A_428, %mul3A_438 : i32
          %add3A_440 = arith.constant 0 : i32
          %add3A_441 = arith.addi %mul3A_439, %add3A_440 : i32
          %get3A_442 = arith.index_cast %add3A_441 : i32 to index
          %get3A_443 = tpu.vector_load %arg26[%get3A_442] {strides = array<i32>} : memref<4224xi32, #tpu.memory_space<vmem>>, vector<16xi32>,
          "tpu.region"() ({
            %run_scoped3A_486 = tpu.sem_alloc : memref<!tpu.dma_semaphore, #tpu.memory_space<semaphore_mem>>
            %dma_start3A_487 = arith.constant 0 : i32
            %dma_start3A_488 = arith.constant 0 : i32
            %dma_start3A_489 = tpu.memref_slice %arg29[%dma_start3A_487, %dma_start3A_488] : memref<128x64xf32, #tpu.memory_space<vmem>> -> memref<16x64xf32, #tpu.memory_space<vmem>>
            %dma_start3A_490 = arith.constant 0 : i32
            %dma_start3A_491 = arith.constant 0 : i32
            %dma_start3A_492 = tpu.memref_slice %arg38[%dma_start3A_490, %dma_start3A_491] : memref<264x64xf32, #tpu.memory_space<vmem_shared>> -> memref<264x64xf32, #tpu.memory_space<vmem_shared>>
            tpu.enqueue_indirect_dma source(%dma_start3A_489 : memref<16x64xf32, #tpu.memory_space<vmem>>) target(%dma_start3A_492 : memref<264x64xf32, #tpu.memory_space<vmem_shared>>) offsets(%get3A_443 : vector<16xi32>) semaphore(%run_scoped3A_486 : memref<!tpu.dma_semaphore, #tpu.memory_space<semaphore_mem>>) {add = true}
            %dma_wait3A_493 = arith.constant 0 : i32
            %dma_wait3A_494 = arith.constant 0 : i32
            %dma_wait3A_495 = tpu.memref_slice %arg29[%dma_wait3A_493, %dma_wait3A_494] : memref<128x64xf32, #tpu.memory_space<vmem>> -> memref<16x64xf32, #tpu.memory_space<vmem>>
            %dma_wait3A_496 = arith.constant 0 : i32
            %dma_wait3A_497 = arith.constant 0 : i32
            %dma_wait3A_498 = tpu.memref_slice %arg38[%dma_wait3A_496, %dma_wait3A_497] : memref<264x64xf32, #tpu.memory_space<vmem_shared>> -> memref<264x64xf32, #tpu.memory_space<vmem_shared>>
            tpu.wait_indirect_dma semaphore(%run_scoped3A_486 : memref<!tpu.dma_semaphore, #tpu.memory_space<semaphore_mem>>) src(%dma_wait3A_495 : memref<16x64xf32, #tpu.memory_space<vmem>>) dst(%dma_wait3A_498 : memref<264x64xf32, #tpu.memory_space<vmem_shared>>)
            tpu.yield
          }) : () -> ()
          %mul3A_444 = arith.constant 128 : i32
          %mul3A_445 = arith.muli %add3A_428, %mul3A_444 : i32
          %add3A_446 = arith.constant 16 : i32
          %add3A_447 = arith.addi %mul3A_445, %add3A_446 : i32
          %get3A_448 = arith.index_cast %add3A_447 : i32 to index
          %get3A_449 = tpu.vector_load %arg26[%get3A_448] {strides = array<i32>} : memref<4224xi32, #tpu.memory_space<vmem>>, vector<16xi32>,
          "tpu.region"() ({
            %run_scoped3A_486 = tpu.sem_alloc : memref<!tpu.dma_semaphore, #tpu.memory_space<semaphore_mem>>
            %dma_start3A_487 = arith.constant 16 : i32
            %dma_start3A_488 = arith.constant 0 : i32
            %dma_start3A_489 = tpu.memref_slice %arg29[%dma_start3A_487, %dma_start3A_488] : memref<128x64xf32, #tpu.memory_space<vmem>> -> memref<16x64xf32, #tpu.memory_space<vmem>>
            %dma_start3A_490 = arith.constant 0 : i32
            %dma_start3A_491 = arith.constant 0 : i32
            %dma_start3A_492 = tpu.memref_slice %arg38[%dma_start3A_490, %dma_start3A_491] : memref<264x64xf32, #tpu.memory_space<vmem_shared>> -> memref<264x64xf32, #tpu.memory_space<vmem_shared>>
            tpu.enqueue_indirect_dma source(%dma_start3A_489 : memref<16x64xf32, #tpu.memory_space<vmem>>) target(%dma_start3A_492 : memref<264x64xf32, #tpu.memory_space<vmem_shared>>) offsets(%get3A_449 : vector<16xi32>) semaphore(%run_scoped3A_486 : memref<!tpu.dma_semaphore, #tpu.memory_space<semaphore_mem>>) {add = true}
            %dma_wait3A_493 = arith.constant 16 : i32
            %dma_wait3A_494 = arith.constant 0 : i32
            %dma_wait3A_495 = tpu.memref_slice %arg29[%dma_wait3A_493, %dma_wait3A_494] : memref<128x64xf32, #tpu.memory_space<vmem>> -> memref<16x64xf32, #tpu.memory_space<vmem>>
            %dma_wait3A_496 = arith.constant 0 : i32
            %dma_wait3A_497 = arith.constant 0 : i32
            %dma_wait3A_498 = tpu.memref_slice %arg38[%dma_wait3A_496, %dma_wait3A_497] : memref<264x64xf32, #tpu.memory_space<vmem_shared>> -> memref<264x64xf32, #tpu.memory_space<vmem_shared>>
            tpu.wait_indirect_dma semaphore(%run_scoped3A_486 : memref<!tpu.dma_semaphore, #tpu.memory_space<semaphore_mem>>) src(%dma_wait3A_495 : memref<16x64xf32, #tpu.memory_space<vmem>>) dst(%dma_wait3A_498 : memref<264x64xf32, #tpu.memory_space<vmem_shared>>)
            tpu.yield
          }) : () -> ()
          %mul3A_450 = arith.constant 128 : i32
          %mul3A_451 = arith.muli %add3A_428, %mul3A_450 : i32
          %add3A_452 = arith.constant 32 : i32
          %add3A_453 = arith.addi %mul3A_451, %add3A_452 : i32
          %get3A_454 = arith.index_cast %add3A_453 : i32 to index
          %get3A_455 = tpu.vector_load %arg26[%get3A_454] {strides = array<i32>} : memref<4224xi32, #tpu.memory_space<vmem>>, vector<16xi32>,
          "tpu.region"() ({
            %run_scoped3A_486 = tpu.sem_alloc : memref<!tpu.dma_semaphore, #tpu.memory_space<semaphore_mem>>
            %dma_start3A_487 = arith.constant 32 : i32
            %dma_start3A_488 = arith.constant 0 : i32
            %dma_start3A_489 = tpu.memref_slice %arg29[%dma_start3A_487, %dma_start3A_488] : memref<128x64xf32, #tpu.memory_space<vmem>> -> memref<16x64xf32, #tpu.memory_space<vmem>>
            %dma_start3A_490 = arith.constant 0 : i32
            %dma_start3A_491 = arith.constant 0 : i32
            %dma_start3A_492 = tpu.memref_slice %arg38[%dma_start3A_490, %dma_start3A_491] : memref<264x64xf32, #tpu.memory_space<vmem_shared>> -> memref<264x64xf32, #tpu.memory_space<vmem_shared>>
            tpu.enqueue_indirect_dma source(%dma_start3A_489 : memref<16x64xf32, #tpu.memory_space<vmem>>) target(%dma_start3A_492 : memref<264x64xf32, #tpu.memory_space<vmem_shared>>) offsets(%get3A_455 : vector<16xi32>) semaphore(%run_scoped3A_486 : memref<!tpu.dma_semaphore, #tpu.memory_space<semaphore_mem>>) {add = true}
            %dma_wait3A_493 = arith.constant 32 : i32
            %dma_wait3A_494 = arith.constant 0 : i32
            %dma_wait3A_495 = tpu.memref_slice %arg29[%dma_wait3A_493, %dma_wait3A_494] : memref<128x64xf32, #tpu.memory_space<vmem>> -> memref<16x64xf32, #tpu.memory_space<vmem>>
            %dma_wait3A_496 = arith.constant 0 : i32
            %dma_wait3A_497 = arith.constant 0 : i32
            %dma_wait3A_498 = tpu.memref_slice %arg38[%dma_wait3A_496, %dma_wait3A_497] : memref<264x64xf32, #tpu.memory_space<vmem_shared>> -> memref<264x64xf32, #tpu.memory_space<vmem_shared>>
            tpu.wait_indirect_dma semaphore(%run_scoped3A_486 : memref<!tpu.dma_semaphore, #tpu.memory_space<semaphore_mem>>) src(%dma_wait3A_495 : memref<16x64xf32, #tpu.memory_space<vmem>>) dst(%dma_wait3A_498 : memref<264x64xf32, #tpu.memory_space<vmem_shared>>)
            tpu.yield
          }) : () -> ()
          %mul3A_456 = arith.constant 128 : i32
          %mul3A_457 = arith.muli %add3A_428, %mul3A_456 : i32
          %add3A_458 = arith.constant 48 : i32
          %add3A_459 = arith.addi %mul3A_457, %add3A_458 : i32
          %get3A_460 = arith.index_cast %add3A_459 : i32 to index
          %get3A_461 = tpu.vector_load %arg26[%get3A_460] {strides = array<i32>} : memref<4224xi32, #tpu.memory_space<vmem>>, vector<16xi32>,
          "tpu.region"() ({
            %run_scoped3A_486 = tpu.sem_alloc : memref<!tpu.dma_semaphore, #tpu.memory_space<semaphore_mem>>
            %dma_start3A_487 = arith.constant 48 : i32
            %dma_start3A_488 = arith.constant 0 : i32
            %dma_start3A_489 = tpu.memref_slice %arg29[%dma_start3A_487, %dma_start3A_488] : memref<128x64xf32, #tpu.memory_space<vmem>> -> memref<16x64xf32, #tpu.memory_space<vmem>>
            %dma_start3A_490 = arith.constant 0 : i32
            %dma_start3A_491 = arith.constant 0 : i32
            %dma_start3A_492 = tpu.memref_slice %arg38[%dma_start3A_490, %dma_start3A_491] : memref<264x64xf32, #tpu.memory_space<vmem_shared>> -> memref<264x64xf32, #tpu.memory_space<vmem_shared>>
            tpu.enqueue_indirect_dma source(%dma_start3A_489 : memref<16x64xf32, #tpu.memory_space<vmem>>) target(%dma_start3A_492 : memref<264x64xf32, #tpu.memory_space<vmem_shared>>) offsets(%get3A_461 : vector<16xi32>) semaphore(%run_scoped3A_486 : memref<!tpu.dma_semaphore, #tpu.memory_space<semaphore_mem>>) {add = true}
            %dma_wait3A_493 = arith.constant 48 : i32
            %dma_wait3A_494 = arith.constant 0 : i32
            %dma_wait3A_495 = tpu.memref_slice %arg29[%dma_wait3A_493, %dma_wait3A_494] : memref<128x64xf32, #tpu.memory_space<vmem>> -> memref<16x64xf32, #tpu.memory_space<vmem>>
            %dma_wait3A_496 = arith.constant 0 : i32
            %dma_wait3A_497 = arith.constant 0 : i32
            %dma_wait3A_498 = tpu.memref_slice %arg38[%dma_wait3A_496, %dma_wait3A_497] : memref<264x64xf32, #tpu.memory_space<vmem_shared>> -> memref<264x64xf32, #tpu.memory_space<vmem_shared>>
            tpu.wait_indirect_dma semaphore(%run_scoped3A_486 : memref<!tpu.dma_semaphore, #tpu.memory_space<semaphore_mem>>) src(%dma_wait3A_495 : memref<16x64xf32, #tpu.memory_space<vmem>>) dst(%dma_wait3A_498 : memref<264x64xf32, #tpu.memory_space<vmem_shared>>)
            tpu.yield
          }) : () -> ()
          %mul3A_462 = arith.constant 128 : i32
          %mul3A_463 = arith.muli %add3A_428, %mul3A_462 : i32
          %add3A_464 = arith.constant 64 : i32
          %add3A_465 = arith.addi %mul3A_463, %add3A_464 : i32
          %get3A_466 = arith.index_cast %add3A_465 : i32 to index
          %get3A_467 = tpu.vector_load %arg26[%get3A_466] {strides = array<i32>} : memref<4224xi32, #tpu.memory_space<vmem>>, vector<16xi32>,
          "tpu.region"() ({
            %run_scoped3A_486 = tpu.sem_alloc : memref<!tpu.dma_semaphore, #tpu.memory_space<semaphore_mem>>
            %dma_start3A_487 = arith.constant 64 : i32
            %dma_start3A_488 = arith.constant 0 : i32
            %dma_start3A_489 = tpu.memref_slice %arg29[%dma_start3A_487, %dma_start3A_488] : memref<128x64xf32, #tpu.memory_space<vmem>> -> memref<16x64xf32, #tpu.memory_space<vmem>>
            %dma_start3A_490 = arith.constant 0 : i32
            %dma_start3A_491 = arith.constant 0 : i32
            %dma_start3A_492 = tpu.memref_slice %arg38[%dma_start3A_490, %dma_start3A_491] : memref<264x64xf32, #tpu.memory_space<vmem_shared>> -> memref<264x64xf32, #tpu.memory_space<vmem_shared>>
            tpu.enqueue_indirect_dma source(%dma_start3A_489 : memref<16x64xf32, #tpu.memory_space<vmem>>) target(%dma_start3A_492 : memref<264x64xf32, #tpu.memory_space<vmem_shared>>) offsets(%get3A_467 : vector<16xi32>) semaphore(%run_scoped3A_486 : memref<!tpu.dma_semaphore, #tpu.memory_space<semaphore_mem>>) {add = true}
            %dma_wait3A_493 = arith.constant 64 : i32
            %dma_wait3A_494 = arith.constant 0 : i32
            %dma_wait3A_495 = tpu.memref_slice %arg29[%dma_wait3A_493, %dma_wait3A_494] : memref<128x64xf32, #tpu.memory_space<vmem>> -> memref<16x64xf32, #tpu.memory_space<vmem>>
            %dma_wait3A_496 = arith.constant 0 : i32
            %dma_wait3A_497 = arith.constant 0 : i32
            %dma_wait3A_498 = tpu.memref_slice %arg38[%dma_wait3A_496, %dma_wait3A_497] : memref<264x64xf32, #tpu.memory_space<vmem_shared>> -> memref<264x64xf32, #tpu.memory_space<vmem_shared>>
            tpu.wait_indirect_dma semaphore(%run_scoped3A_486 : memref<!tpu.dma_semaphore, #tpu.memory_space<semaphore_mem>>) src(%dma_wait3A_495 : memref<16x64xf32, #tpu.memory_space<vmem>>) dst(%dma_wait3A_498 : memref<264x64xf32, #tpu.memory_space<vmem_shared>>)
            tpu.yield
          }) : () -> ()
          %mul3A_468 = arith.constant 128 : i32
          %mul3A_469 = arith.muli %add3A_428, %mul3A_468 : i32
          %add3A_470 = arith.constant 80 : i32
          %add3A_471 = arith.addi %mul3A_469, %add3A_470 : i32
          %get3A_472 = arith.index_cast %add3A_471 : i32 to index
          %get3A_473 = tpu.vector_load %arg26[%get3A_472] {strides = array<i32>} : memref<4224xi32, #tpu.memory_space<vmem>>, vector<16xi32>,
          "tpu.region"() ({
            %run_scoped3A_486 = tpu.sem_alloc : memref<!tpu.dma_semaphore, #tpu.memory_space<semaphore_mem>>
            %dma_start3A_487 = arith.constant 80 : i32
            %dma_start3A_488 = arith.constant 0 : i32
            %dma_start3A_489 = tpu.memref_slice %arg29[%dma_start3A_487, %dma_start3A_488] : memref<128x64xf32, #tpu.memory_space<vmem>> -> memref<16x64xf32, #tpu.memory_space<vmem>>
            %dma_start3A_490 = arith.constant 0 : i32
            %dma_start3A_491 = arith.constant 0 : i32
            %dma_start3A_492 = tpu.memref_slice %arg38[%dma_start3A_490, %dma_start3A_491] : memref<264x64xf32, #tpu.memory_space<vmem_shared>> -> memref<264x64xf32, #tpu.memory_space<vmem_shared>>
            tpu.enqueue_indirect_dma source(%dma_start3A_489 : memref<16x64xf32, #tpu.memory_space<vmem>>) target(%dma_start3A_492 : memref<264x64xf32, #tpu.memory_space<vmem_shared>>) offsets(%get3A_473 : vector<16xi32>) semaphore(%run_scoped3A_486 : memref<!tpu.dma_semaphore, #tpu.memory_space<semaphore_mem>>) {add = true}
            %dma_wait3A_493 = arith.constant 80 : i32
            %dma_wait3A_494 = arith.constant 0 : i32
            %dma_wait3A_495 = tpu.memref_slice %arg29[%dma_wait3A_493, %dma_wait3A_494] : memref<128x64xf32, #tpu.memory_space<vmem>> -> memref<16x64xf32, #tpu.memory_space<vmem>>
            %dma_wait3A_496 = arith.constant 0 : i32
            %dma_wait3A_497 = arith.constant 0 : i32
            %dma_wait3A_498 = tpu.memref_slice %arg38[%dma_wait3A_496, %dma_wait3A_497] : memref<264x64xf32, #tpu.memory_space<vmem_shared>> -> memref<264x64xf32, #tpu.memory_space<vmem_shared>>
            tpu.wait_indirect_dma semaphore(%run_scoped3A_486 : memref<!tpu.dma_semaphore, #tpu.memory_space<semaphore_mem>>) src(%dma_wait3A_495 : memref<16x64xf32, #tpu.memory_space<vmem>>) dst(%dma_wait3A_498 : memref<264x64xf32, #tpu.memory_space<vmem_shared>>)
            tpu.yield
          }) : () -> ()
          %mul3A_474 = arith.constant 128 : i32
          %mul3A_475 = arith.muli %add3A_428, %mul3A_474 : i32
          %add3A_476 = arith.constant 96 : i32
          %add3A_477 = arith.addi %mul3A_475, %add3A_476 : i32
          %get3A_478 = arith.index_cast %add3A_477 : i32 to index
          %get3A_479 = tpu.vector_load %arg26[%get3A_478] {strides = array<i32>} : memref<4224xi32, #tpu.memory_space<vmem>>, vector<16xi32>,
          "tpu.region"() ({
            %run_scoped3A_486 = tpu.sem_alloc : memref<!tpu.dma_semaphore, #tpu.memory_space<semaphore_mem>>
            %dma_start3A_487 = arith.constant 96 : i32
            %dma_start3A_488 = arith.constant 0 : i32
            %dma_start3A_489 = tpu.memref_slice %arg29[%dma_start3A_487, %dma_start3A_488] : memref<128x64xf32, #tpu.memory_space<vmem>> -> memref<16x64xf32, #tpu.memory_space<vmem>>
            %dma_start3A_490 = arith.constant 0 : i32
            %dma_start3A_491 = arith.constant 0 : i32
            %dma_start3A_492 = tpu.memref_slice %arg38[%dma_start3A_490, %dma_start3A_491] : memref<264x64xf32, #tpu.memory_space<vmem_shared>> -> memref<264x64xf32, #tpu.memory_space<vmem_shared>>
            tpu.enqueue_indirect_dma source(%dma_start3A_489 : memref<16x64xf32, #tpu.memory_space<vmem>>) target(%dma_start3A_492 : memref<264x64xf32, #tpu.memory_space<vmem_shared>>) offsets(%get3A_479 : vector<16xi32>) semaphore(%run_scoped3A_486 : memref<!tpu.dma_semaphore, #tpu.memory_space<semaphore_mem>>) {add = true}
            %dma_wait3A_493 = arith.constant 96 : i32
            %dma_wait3A_494 = arith.constant 0 : i32
            %dma_wait3A_495 = tpu.memref_slice %arg29[%dma_wait3A_493, %dma_wait3A_494] : memref<128x64xf32, #tpu.memory_space<vmem>> -> memref<16x64xf32, #tpu.memory_space<vmem>>
            %dma_wait3A_496 = arith.constant 0 : i32
            %dma_wait3A_497 = arith.constant 0 : i32
            %dma_wait3A_498 = tpu.memref_slice %arg38[%dma_wait3A_496, %dma_wait3A_497] : memref<264x64xf32, #tpu.memory_space<vmem_shared>> -> memref<264x64xf32, #tpu.memory_space<vmem_shared>>
            tpu.wait_indirect_dma semaphore(%run_scoped3A_486 : memref<!tpu.dma_semaphore, #tpu.memory_space<semaphore_mem>>) src(%dma_wait3A_495 : memref<16x64xf32, #tpu.memory_space<vmem>>) dst(%dma_wait3A_498 : memref<264x64xf32, #tpu.memory_space<vmem_shared>>)
            tpu.yield
          }) : () -> ()
          %mul3A_480 = arith.constant 128 : i32
          %mul3A_481 = arith.muli %add3A_428, %mul3A_480 : i32
          %add3A_482 = arith.constant 112 : i32
          %add3A_483 = arith.addi %mul3A_481, %add3A_482 : i32
          %get3A_484 = arith.index_cast %add3A_483 : i32 to index
          %get3A_485 = tpu.vector_load %arg26[%get3A_484] {strides = array<i32>} : memref<4224xi32, #tpu.memory_space<vmem>>, vector<16xi32>,
          "tpu.region"() ({
            %run_scoped3A_486 = tpu.sem_alloc : memref<!tpu.dma_semaphore, #tpu.memory_space<semaphore_mem>>
            %dma_start3A_487 = arith.constant 112 : i32
            %dma_start3A_488 = arith.constant 0 : i32
            %dma_start3A_489 = tpu.memref_slice %arg29[%dma_start3A_487, %dma_start3A_488] : memref<128x64xf32, #tpu.memory_space<vmem>> -> memref<16x64xf32, #tpu.memory_space<vmem>>
            %dma_start3A_490 = arith.constant 0 : i32
            %dma_start3A_491 = arith.constant 0 : i32
            %dma_start3A_492 = tpu.memref_slice %arg38[%dma_start3A_490, %dma_start3A_491] : memref<264x64xf32, #tpu.memory_space<vmem_shared>> -> memref<264x64xf32, #tpu.memory_space<vmem_shared>>
            tpu.enqueue_indirect_dma source(%dma_start3A_489 : memref<16x64xf32, #tpu.memory_space<vmem>>) target(%dma_start3A_492 : memref<264x64xf32, #tpu.memory_space<vmem_shared>>) offsets(%get3A_485 : vector<16xi32>) semaphore(%run_scoped3A_486 : memref<!tpu.dma_semaphore, #tpu.memory_space<semaphore_mem>>) {add = true}
            %dma_wait3A_493 = arith.constant 112 : i32
            %dma_wait3A_494 = arith.constant 0 : i32
            %dma_wait3A_495 = tpu.memref_slice %arg29[%dma_wait3A_493, %dma_wait3A_494] : memref<128x64xf32, #tpu.memory_space<vmem>> -> memref<16x64xf32, #tpu.memory_space<vmem>>
            %dma_wait3A_496 = arith.constant 0 : i32
            %dma_wait3A_497 = arith.constant 0 : i32
            %dma_wait3A_498 = tpu.memref_slice %arg38[%dma_wait3A_496, %dma_wait3A_497] : memref<264x64xf32, #tpu.memory_space<vmem_shared>> -> memref<264x64xf32, #tpu.memory_space<vmem_shared>>
            tpu.wait_indirect_dma semaphore(%run_scoped3A_486 : memref<!tpu.dma_semaphore, #tpu.memory_space<semaphore_mem>>) src(%dma_wait3A_495 : memref<16x64xf32, #tpu.memory_space<vmem>>) dst(%dma_wait3A_498 : memref<264x64xf32, #tpu.memory_space<vmem_shared>>)
            tpu.yield
          }) : () -> ()
        }
      } else {
      }
      %barrier3A_171 = arith.constant 0 : index
      tpu.barrier barrier_id(%barrier3A_171)
      %eq3A_172 = arith.constant 0 : i32
      %eq3A_173 = arith.cmpi eq, %arg1, %eq3A_172 : i32
      %convert_element_type3A_174 = arith.extui %eq3A_173 : i1 to i32
      %cond3A_175 = arith.constant 0 : i32
      %cond3A_176 = arith.cmpi ne, %convert_element_type3A_174, %cond3A_175 : i32
      scf.if %cond3A_176 {
        "tpu.region"() ({
          %run_scoped3A_183 = tpu.sem_alloc : memref<!tpu.dma_semaphore, #tpu.memory_space<semaphore_mem>>
          tpu.enqueue_dma source(%arg15 : memref<10240xf32, #tpu.memory_space<vmem_shared>>) target(%arg17 : memref<10240xf32, #tpu.memory_space<vmem>>) target_semaphore(%run_scoped3A_183 : memref<!tpu.dma_semaphore, #tpu.memory_space<semaphore_mem>>)
          tpu.wait_dma2 semaphore(%run_scoped3A_183 : memref<!tpu.dma_semaphore, #tpu.memory_space<semaphore_mem>>) src(%arg15 : memref<10240xf32, #tpu.memory_space<vmem_shared>>) dst(%arg17 : memref<10240xf32, #tpu.memory_space<vmem>>)
          tpu.yield
        }) : () -> ()
        %scan3A_178 = arith.constant 0 : i32
        %scan3A_179 = arith.constant 16 : i32
        %scan3A_180 = arith.addi %scan3A_178, %scan3A_179 : i32
        %scan3A_181 = arith.constant 1 : i32
        scf.for %scan3A_183 = %scan3A_178 to %scan3A_180 step %scan3A_181  : i32 {
          %mul3A_184 = arith.constant 1 : i32
          %mul3A_185 = arith.muli %scan3A_183, %mul3A_184 : i32
          %add3A_186 = arith.constant 0 : i32
          %add3A_187 = arith.addi %add3A_186, %mul3A_185 : i32
          %mul3A_188 = arith.constant 16 : i32
          %mul3A_189 = arith.muli %add3A_187, %mul3A_188 : i32
          %get3A_190 = arith.index_cast %mul3A_189 : i32 to index
          %get3A_191 = tpu.vector_load %arg10[%get3A_190] {strides = array<i32>} : memref<256xi32, #tpu.memory_space<vmem>>, vector<16xi32>,
          %gather3A = tpu.vector_load_idx %arg33[%get3A_191] : memref<10240xi32, #tpu.memory_space<vmem>>[vector<16xi32>], vector<16xi32>,
          %gather3A_192 = tpu.vector_load_idx %arg17[%get3A_191] : memref<10240xf32, #tpu.memory_space<vmem>>[vector<16xi32>], vector<16xf32>,
          %swap3A_193 = arith.constant 0 : index
          %swap3A_194 = tpu.vector_load %arg19[%swap3A_193] {strides = array<i32>} : memref<32xf32, #tpu.memory_space<vmem>>, vector<16xf32>,
          tpu.vector_store %arg19[%swap3A_193], %gather3A_192 {strides = array<i32>} : memref<32xf32, #tpu.memory_space<vmem>>, vector<16xf32>,
          %dma_start3A_195 = arith.constant 0 : i32
          %dma_start3A_196 = arith.constant 0 : i32
          %dma_start3A_197 = tpu.memref_slice %arg37[%dma_start3A_195, %dma_start3A_196] : memref<128x64xf32, #tpu.memory_space<vmem>> -> memref<16x64xf32, #tpu.memory_space<vmem>>
          %dma_start3A_198 = arith.constant 0 : i32
          %dma_start3A_199 = arith.constant 0 : i32
          %dma_start3A_200 = tpu.memref_slice %arg38[%dma_start3A_198, %dma_start3A_199] : memref<264x64xf32, #tpu.memory_space<vmem_shared>> -> memref<264x64xf32, #tpu.memory_space<vmem_shared>>
          tpu.enqueue_indirect_dma source(%dma_start3A_200 : memref<264x64xf32, #tpu.memory_space<vmem_shared>>) target(%dma_start3A_197 : memref<16x64xf32, #tpu.memory_space<vmem>>) offsets(%gather3A : vector<16xi32>) semaphore(%arg30 : memref<!tpu.dma_semaphore, #tpu.memory_space<semaphore_mem>>)
          %dma_wait3A = arith.constant 0 : i32
          %dma_wait3A_201 = arith.constant 0 : i32
          %dma_wait3A_202 = tpu.memref_slice %arg37[%dma_wait3A, %dma_wait3A_201] : memref<128x64xf32, #tpu.memory_space<vmem>> -> memref<16x64xf32, #tpu.memory_space<vmem>>
          %dma_wait3A_203 = arith.constant 0 : i32
          %dma_wait3A_204 = arith.constant 0 : i32
          %dma_wait3A_205 = tpu.memref_slice %arg38[%dma_wait3A_203, %dma_wait3A_204] : memref<264x64xf32, #tpu.memory_space<vmem_shared>> -> memref<264x64xf32, #tpu.memory_space<vmem_shared>>
          tpu.wait_indirect_dma semaphore(%arg30 : memref<!tpu.dma_semaphore, #tpu.memory_space<semaphore_mem>>) src(%dma_wait3A_205 : memref<264x64xf32, #tpu.memory_space<vmem_shared>>) dst(%dma_wait3A_202 : memref<16x64xf32, #tpu.memory_space<vmem>>)
          %add3A_206 = vector.broadcast %mul3A_0 : i32 to vector<16xi32>
          %add3A_207 = arith.addi %get3A_191, %add3A_206 : vector<16xi32>
          %dma_start3A_208 = arith.constant 0 : i32
          %dma_start3A_209 = arith.constant 0 : i32
          %dma_start3A_210 = tpu.memref_slice %arg39[%dma_start3A_208, %dma_start3A_209] : memref<128x64xf32, #tpu.memory_space<vmem>> -> memref<16x64xf32, #tpu.memory_space<vmem>>
          %dma_start3A_211 = arith.constant 0 : i32
          %dma_start3A_212 = arith.constant 0 : i32
          %dma_start3A_213 = tpu.memref_slice %arg8[%dma_start3A_211, %dma_start3A_212] : memref<20480x64xf32, #tpu.memory_space<hbm>> -> memref<20480x64xf32, #tpu.memory_space<hbm>>
          tpu.enqueue_indirect_dma source(%dma_start3A_213 : memref<20480x64xf32, #tpu.memory_space<hbm>>) target(%dma_start3A_210 : memref<16x64xf32, #tpu.memory_space<vmem>>) offsets(%add3A_207 : vector<16xi32>) semaphore(%arg30 : memref<!tpu.dma_semaphore, #tpu.memory_space<semaphore_mem>>)
          %dma_wait3A_214 = arith.constant 0 : i32
          %dma_wait3A_215 = arith.constant 0 : i32
          %dma_wait3A_216 = tpu.memref_slice %arg39[%dma_wait3A_214, %dma_wait3A_215] : memref<128x64xf32, #tpu.memory_space<vmem>> -> memref<16x64xf32, #tpu.memory_space<vmem>>
          %dma_wait3A_217 = arith.constant 0 : i32
          %dma_wait3A_218 = arith.constant 0 : i32
          %dma_wait3A_219 = tpu.memref_slice %arg8[%dma_wait3A_217, %dma_wait3A_218] : memref<20480x64xf32, #tpu.memory_space<hbm>> -> memref<20480x64xf32, #tpu.memory_space<hbm>>
          tpu.wait_indirect_dma semaphore(%arg30 : memref<!tpu.dma_semaphore, #tpu.memory_space<semaphore_mem>>) src(%dma_wait3A_219 : memref<20480x64xf32, #tpu.memory_space<hbm>>) dst(%dma_wait3A_216 : memref<16x64xf32, #tpu.memory_space<vmem>>)
          %scan3A_220 = arith.constant 0 : i32
          %scan3A_221 = arith.constant 16 : i32
          %scan3A_222 = arith.addi %scan3A_220, %scan3A_221 : i32
          %scan3A_223 = arith.constant 1 : i32
          scf.for %scan3A_227 = %scan3A_220 to %scan3A_222 step %scan3A_223  : i32 {
            %mul3A_228 = arith.constant 1 : i32
            %mul3A_229 = arith.muli %scan3A_227, %mul3A_228 : i32
            %add3A_230 = arith.constant 0 : i32
            %add3A_231 = arith.addi %add3A_230, %mul3A_229 : i32
            %get3A_232 = arith.index_cast %add3A_231 : i32 to index
            %get3A_233 = tpu.vector_load %arg19[%get3A_232] {strides = array<i32>} : memref<32xf32, #tpu.memory_space<vmem>>, vector<16xf32>,
            %slice3A = vector.extract_strided_slice %get3A_233 {offsets = [0], sizes = [1], strides = [1]} : vector<16xf32> to vector<1xf32>
            %squeeze3A = vector.extract %slice3A[0] : f32 from vector<1xf32>
            %broadcast_in_dim3A_234 = vector.broadcast %squeeze3A : f32 to vector<16xf32>
            %get3A_235 = arith.index_cast %add3A_231 : i32 to index
            %get3A_236 = arith.constant 0 : index
            %get3A_237 = tpu.vector_load %arg37[%get3A_235, %get3A_236] {strides = array<i32>} : memref<128x64xf32, #tpu.memory_space<vmem>>, vector<16xf32>,
            %get3A_238 = arith.index_cast %add3A_231 : i32 to index
            %get3A_239 = arith.constant 0 : index
            %get3A_240 = tpu.vector_load %arg39[%get3A_238, %get3A_239] {strides = array<i32>} : memref<128x64xf32, #tpu.memory_space<vmem>>, vector<16xf32>,
            %add3A_241 = arith.addf %get3A_237, %get3A_240 : vector<16xf32>
            %mul3A_242 = arith.mulf %add3A_241, %broadcast_in_dim3A_234 : vector<16xf32>
            %swap3A_243 = arith.index_cast %add3A_231 : i32 to index
            %swap3A_244 = arith.constant 0 : index
            %swap3A_245 = tpu.vector_load %arg37[%swap3A_243, %swap3A_244] {strides = array<i32>} : memref<128x64xf32, #tpu.memory_space<vmem>>, vector<16xf32>,
            tpu.vector_store %arg37[%swap3A_243, %swap3A_244], %mul3A_242 {strides = array<i32>} : memref<128x64xf32, #tpu.memory_space<vmem>>, vector<16xf32>,
            %get3A_246 = arith.index_cast %add3A_231 : i32 to index
            %get3A_247 = arith.constant 16 : index
            %get3A_248 = tpu.vector_load %arg37[%get3A_246, %get3A_247] {strides = array<i32>} : memref<128x64xf32, #tpu.memory_space<vmem>>, vector<16xf32>,
            %get3A_249 = arith.index_cast %add3A_231 : i32 to index
            %get3A_250 = arith.constant 16 : index
            %get3A_251 = tpu.vector_load %arg39[%get3A_249, %get3A_250] {strides = array<i32>} : memref<128x64xf32, #tpu.memory_space<vmem>>, vector<16xf32>,
            %add3A_252 = arith.addf %get3A_248, %get3A_251 : vector<16xf32>
            %mul3A_253 = arith.mulf %add3A_252, %broadcast_in_dim3A_234 : vector<16xf32>
            %swap3A_254 = arith.index_cast %add3A_231 : i32 to index
            %swap3A_255 = arith.constant 16 : index
            %swap3A_256 = tpu.vector_load %arg37[%swap3A_254, %swap3A_255] {strides = array<i32>} : memref<128x64xf32, #tpu.memory_space<vmem>>, vector<16xf32>,
            tpu.vector_store %arg37[%swap3A_254, %swap3A_255], %mul3A_253 {strides = array<i32>} : memref<128x64xf32, #tpu.memory_space<vmem>>, vector<16xf32>,
            %get3A_257 = arith.index_cast %add3A_231 : i32 to index
            %get3A_258 = arith.constant 32 : index
            %get3A_259 = tpu.vector_load %arg37[%get3A_257, %get3A_258] {strides = array<i32>} : memref<128x64xf32, #tpu.memory_space<vmem>>, vector<16xf32>,
            %get3A_260 = arith.index_cast %add3A_231 : i32 to index
            %get3A_261 = arith.constant 32 : index
            %get3A_262 = tpu.vector_load %arg39[%get3A_260, %get3A_261] {strides = array<i32>} : memref<128x64xf32, #tpu.memory_space<vmem>>, vector<16xf32>,
            %add3A_263 = arith.addf %get3A_259, %get3A_262 : vector<16xf32>
            %mul3A_264 = arith.mulf %add3A_263, %broadcast_in_dim3A_234 : vector<16xf32>
            %swap3A_265 = arith.index_cast %add3A_231 : i32 to index
            %swap3A_266 = arith.constant 32 : index
            %swap3A_267 = tpu.vector_load %arg37[%swap3A_265, %swap3A_266] {strides = array<i32>} : memref<128x64xf32, #tpu.memory_space<vmem>>, vector<16xf32>,
            tpu.vector_store %arg37[%swap3A_265, %swap3A_266], %mul3A_264 {strides = array<i32>} : memref<128x64xf32, #tpu.memory_space<vmem>>, vector<16xf32>,
            %get3A_268 = arith.index_cast %add3A_231 : i32 to index
            %get3A_269 = arith.constant 48 : index
            %get3A_270 = tpu.vector_load %arg37[%get3A_268, %get3A_269] {strides = array<i32>} : memref<128x64xf32, #tpu.memory_space<vmem>>, vector<16xf32>,
            %get3A_271 = arith.index_cast %add3A_231 : i32 to index
            %get3A_272 = arith.constant 48 : index
            %get3A_273 = tpu.vector_load %arg39[%get3A_271, %get3A_272] {strides = array<i32>} : memref<128x64xf32, #tpu.memory_space<vmem>>, vector<16xf32>,
            %add3A_274 = arith.addf %get3A_270, %get3A_273 : vector<16xf32>
            %mul3A_275 = arith.mulf %add3A_274, %broadcast_in_dim3A_234 : vector<16xf32>
            %swap3A_276 = arith.index_cast %add3A_231 : i32 to index
            %swap3A_277 = arith.constant 48 : index
            %swap3A_278 = tpu.vector_load %arg37[%swap3A_276, %swap3A_277] {strides = array<i32>} : memref<128x64xf32, #tpu.memory_space<vmem>>, vector<16xf32>,
            tpu.vector_store %arg37[%swap3A_276, %swap3A_277], %mul3A_275 {strides = array<i32>} : memref<128x64xf32, #tpu.memory_space<vmem>>, vector<16xf32>,
          }
          %scan3A_224 = arith.constant 16 : i32
          %mul3A_225 = arith.constant 16 : i32
          %mul3A_226 = arith.muli %add3A_187, %mul3A_225 : i32
          "tpu.region"() ({
            %run_scoped3A_227 = tpu.sem_alloc : memref<!tpu.dma_semaphore, #tpu.memory_space<semaphore_mem>>
            %dma_start3A_228 = arith.constant 0 : i32
            %dma_start3A_229 = arith.constant 0 : i32
            %dma_start3A_230 = tpu.memref_slice %arg37[%dma_start3A_228, %dma_start3A_229] : memref<128x64xf32, #tpu.memory_space<vmem>> -> memref<16x64xf32, #tpu.memory_space<vmem>>
            %dma_start3A_231 = arith.constant 0 : i32
            %dma_start3A_232 = tpu.memref_slice %arg6[%add3A_18, %arg0, %mul3A_226, %dma_start3A_231] : memref<2x2x256x64xf32, #tpu.memory_space<hbm>> -> memref<1x1x16x64xf32, #tpu.memory_space<hbm>>
            %dma_start3A_233 = tpu.memref_squeeze %dma_start3A_232 : memref<1x1x16x64xf32, #tpu.memory_space<hbm>> -> memref<16x64xf32, #tpu.memory_space<hbm>>
            %dma_start3A_234 = arith.constant 0 : i32
            %dma_start3A_235 = tpu.memref_slice %arg6[%add3A_18, %arg0, %mul3A_226, %dma_start3A_234] : memref<2x2x256x64xf32, #tpu.memory_space<hbm>> -> memref<1x1x16x64xf32, #tpu.memory_space<hbm>>
            %dma_start3A_236 = tpu.memref_squeeze %dma_start3A_235 : memref<1x1x16x64xf32, #tpu.memory_space<hbm>> -> memref<16x64xf32, #tpu.memory_space<hbm>>
            %dma_start3A_237 = arith.constant 0 : i32
            %dma_start3A_238 = arith.constant 0 : i32
            %dma_start3A_239 = tpu.memref_slice %arg37[%dma_start3A_237, %dma_start3A_238] : memref<128x64xf32, #tpu.memory_space<vmem>> -> memref<16x64xf32, #tpu.memory_space<vmem>>
            tpu.enqueue_dma source(%dma_start3A_239 : memref<16x64xf32, #tpu.memory_space<vmem>>) target(%dma_start3A_236 : memref<16x64xf32, #tpu.memory_space<hbm>>) target_semaphore(%run_scoped3A_227 : memref<!tpu.dma_semaphore, #tpu.memory_space<semaphore_mem>>)
            %dma_wait3A_240 = arith.constant 0 : i32
            %dma_wait3A_241 = arith.constant 0 : i32
            %dma_wait3A_242 = tpu.memref_slice %arg37[%dma_wait3A_240, %dma_wait3A_241] : memref<128x64xf32, #tpu.memory_space<vmem>> -> memref<16x64xf32, #tpu.memory_space<vmem>>
            %dma_wait3A_243 = arith.constant 0 : i32
            %dma_wait3A_244 = tpu.memref_slice %arg6[%add3A_18, %arg0, %mul3A_226, %dma_wait3A_243] : memref<2x2x256x64xf32, #tpu.memory_space<hbm>> -> memref<1x1x16x64xf32, #tpu.memory_space<hbm>>
            %dma_wait3A_245 = tpu.memref_squeeze %dma_wait3A_244 : memref<1x1x16x64xf32, #tpu.memory_space<hbm>> -> memref<16x64xf32, #tpu.memory_space<hbm>>
            %dma_wait3A_246 = arith.constant 0 : i32
            %dma_wait3A_247 = tpu.memref_slice %arg6[%add3A_18, %arg0, %mul3A_226, %dma_wait3A_246] : memref<2x2x256x64xf32, #tpu.memory_space<hbm>> -> memref<1x1x16x64xf32, #tpu.memory_space<hbm>>
            %dma_wait3A_248 = tpu.memref_squeeze %dma_wait3A_247 : memref<1x1x16x64xf32, #tpu.memory_space<hbm>> -> memref<16x64xf32, #tpu.memory_space<hbm>>
            %dma_wait3A_249 = arith.constant 0 : i32
            %dma_wait3A_250 = arith.constant 0 : i32
            %dma_wait3A_251 = tpu.memref_slice %arg37[%dma_wait3A_249, %dma_wait3A_250] : memref<128x64xf32, #tpu.memory_space<vmem>> -> memref<16x64xf32, #tpu.memory_space<vmem>>
            tpu.wait_dma2 semaphore(%run_scoped3A_227 : memref<!tpu.dma_semaphore, #tpu.memory_space<semaphore_mem>>) src(%dma_wait3A_251 : memref<16x64xf32, #tpu.memory_space<vmem>>) dst(%dma_wait3A_248 : memref<16x64xf32, #tpu.memory_space<hbm>>)
            tpu.yield
          }) : () -> ()
        }
        %scan3A_182 = arith.constant 16 : i32
      } else {
      }
      %barrier3A_177 = arith.constant 0 : index
      tpu.barrier barrier_id(%barrier3A_177)
    }
    %scan3A_14 = arith.constant 2 : i32
    return
  }
}

module attributes {stable_mosaic.version = 14 : i64} {
  func.func @_tc_body(%arg0: memref<256x128xf32, #tpu.memory_space<vmem>>, %arg1: memref<256x128xf32, #tpu.memory_space<vmem>>, %arg2: memref<128x128xf32, #tpu.memory_space<vmem>>, %arg3: memref<128x128xf32, #tpu.memory_space<vmem>>, %arg4: memref<1x256xf32, #tpu.memory_space<vmem>>) attributes {dimension_semantics = [], scalar_prefetch = 0 : i64, scratch_operands = 0 : i64, tpu.core_type = #tpu.core_type<tc>} {
    %get3A = arith.constant 0 : index
    %get3A_0 = arith.constant 0 : index
    %get3A_1 = vector.load %arg2[%get3A, %get3A_0] : memref<128x128xf32, #tpu.memory_space<vmem>>, vector<128x128xf32>
    %get3A_2 = arith.constant 0 : index
    %get3A_3 = arith.constant 0 : index
    %get3A_4 = vector.load %arg3[%get3A_2, %get3A_3] : memref<128x128xf32, #tpu.memory_space<vmem>>, vector<128x128xf32>
    %dot_general3A = arith.constant dense<0.000000e+00> : vector<128x128xf32>
    %dot_general3A_5 = tpu.matmul %get3A_1, %get3A_4, %dot_general3A {dimension_numbers = #tpu.dot_dimension_numbers<[1], [0], [0], [1], [0, 0, 1, 1], [], []>, precision = #tpu.contract_precision<fp32>, transpose_lhs_hint = false} : vector<128x128xf32>, vector<128x128xf32>, vector<128x128xf32> -> vector<128x128xf32>
    %get3A_6 = arith.constant 0 : index
    %get3A_7 = arith.constant 0 : index
    %get3A_8 = vector.load %arg0[%get3A_6, %get3A_7] : memref<256x128xf32, #tpu.memory_space<vmem>>, vector<256x128xf32>
    %dot_general3A_9 = arith.constant dense<0.000000e+00> : vector<256x128xf32>
    %dot_general3A_10 = tpu.matmul %get3A_8, %dot_general3A_5, %dot_general3A_9 {dimension_numbers = #tpu.dot_dimension_numbers<[1], [0], [0], [1], [0, 0, 1, 1], [], []>, precision = #tpu.contract_precision<fp32>, transpose_lhs_hint = false} : vector<256x128xf32>, vector<128x128xf32>, vector<256x128xf32> -> vector<256x128xf32>
    %get3A_11 = arith.constant 0 : index
    %get3A_12 = arith.constant 0 : index
    %get3A_13 = vector.load %arg1[%get3A_11, %get3A_12] : memref<256x128xf32, #tpu.memory_space<vmem>>, vector<256x128xf32>
    %dot_general3A_14 = arith.constant dense<0.000000e+00> : vector<256x128xf32>
    %dot_general3A_15 = tpu.matmul %get3A_13, %dot_general3A_5, %dot_general3A_14 {dimension_numbers = #tpu.dot_dimension_numbers<[1], [0], [0], [1], [0, 0, 1, 1], [], []>, precision = #tpu.contract_precision<fp32>, transpose_lhs_hint = false} : vector<256x128xf32>, vector<128x128xf32>, vector<256x128xf32> -> vector<256x128xf32>
    %mul3A = arith.mulf %dot_general3A_10, %dot_general3A_10 : vector<256x128xf32>
    %reduce_sum3A = arith.constant dense<0.000000e+00> : vector<256xf32>
    %reduce_sum3A_16 = vector.multi_reduction <add>, %mul3A, %reduce_sum3A [1] : vector<256x128xf32> to vector<256xf32>
    %sqrt3A = math.sqrt %reduce_sum3A_16 : vector<256xf32>
    %max3A = arith.constant 9.99999997E-7 : f32
    %max3A_17 = vector.broadcast %max3A : f32 to vector<256xf32>
    %max3A_18 = arith.maximumf %sqrt3A, %max3A_17 : vector<256xf32>
    %mul3A_19 = arith.mulf %dot_general3A_15, %dot_general3A_15 : vector<256x128xf32>
    %reduce_sum3A_20 = arith.constant dense<0.000000e+00> : vector<256xf32>
    %reduce_sum3A_21 = vector.multi_reduction <add>, %mul3A_19, %reduce_sum3A_20 [1] : vector<256x128xf32> to vector<256xf32>
    %sqrt3A_22 = math.sqrt %reduce_sum3A_21 : vector<256xf32>
    %max3A_23 = arith.constant 9.99999997E-7 : f32
    %max3A_24 = vector.broadcast %max3A_23 : f32 to vector<256xf32>
    %max3A_25 = arith.maximumf %sqrt3A_22, %max3A_24 : vector<256xf32>
    %mul3A_26 = arith.mulf %dot_general3A_10, %dot_general3A_15 : vector<256x128xf32>
    %reduce_sum3A_27 = arith.constant dense<0.000000e+00> : vector<256xf32>
    %reduce_sum3A_28 = vector.multi_reduction <add>, %mul3A_26, %reduce_sum3A_27 [1] : vector<256x128xf32> to vector<256xf32>
    %mul3A_29 = arith.mulf %max3A_18, %max3A_25 : vector<256xf32>
    %div3A = arith.divf %reduce_sum3A_28, %mul3A_29 : vector<256xf32>
    %reshape3A = vector.shape_cast %div3A : vector<256xf32> to vector<1x256xf32>
    %swap3A = arith.constant 0 : index
    %swap3A_30 = arith.constant 0 : index
    %swap3A_31 = vector.load %arg4[%swap3A, %swap3A_30] : memref<1x256xf32, #tpu.memory_space<vmem>>, vector<1x256xf32>
    tpu.vector_store %arg4[%swap3A, %swap3A_30], %reshape3A {strides = array<i32>} : memref<1x256xf32, #tpu.memory_space<vmem>>, vector<1x256xf32>,
    return
  }
}

</mosaic_0001>

<sc_bundles>
// kernel: kernel.4.cloned.1.call-start
scs
__scs_entry_jumppad:
0x0: {  	(pc) =	sbr.rel $0x88, $3  }
0x1: {  	(tag) =	ssettag $0x0;
	lr =	simm.s32 $0x1  }
0x2: {  	[smem:$0x3F98] =	sst lr;
	_ =	strace $0xD0000000  }
0x3: {  	_ = 	snop  }
0x4: {  	_ = 	snop  }
0x5: {  	_ = 	snop  }
0x6: {  	_ = 	snop  }
0x7: {  	_ = 	snop  }
__scs_overlays_trampoline_lowered:
0x8: {  	[smem:$0x3FA7] =	sst s0  }
0x9: {  	[smem:$0x3FA8] =	sst s1  }
0xa: {  	[smem:$0x3FA9] =	sst s2  }
0xb: {  	[smem:$0x3FAA] =	sst s3  }
0xc: {  	[smem:$0x3FAB] =	sst s4  }
0xd: {  	[smem:$0x3FAC] =	sst s5  }
0xe: {  	[smem:$0x3FAD] =	sst s6  }
0xf: {  	[smem:$0x3FAE] =	sst s7  }
0x10: {  	[smem:$0x3FAF] =	sst s8  }
0x11: {  	[smem:$0x3FB0] =	sst s9;
	s0 =	simm.s32 @!p0 $0x0  }
0x12: {  	s1 =	sld [smem:$0x3F96];
	s0 =	simm.s32 @p0 $0x1  }
0x13: {  	[smem:$0x3FB1] =	sst s0;
	s0 =	simm.s32 @!p1 $0x0  }
0x14: {  	s2 =	sld [smem:$0x3F95];
	s0 =	simm.s32 @p1 $0x1  }
0x15: {  	[smem:$0x3FB2] =	sst s0;
	s0 =	simm.s32 @!p2 $0x0  }
0x16: {  	s3 =	sld [smem:$0x3FDB];
	s0 =	simm.s32 @p2 $0x1  }
0x17: {  	s4 =	simm.s32 $0x1BF5;
	[smem:$0x3FB4] =	sst s0  }
0x18: {  	s0 =	sld [smem:$0x3F97];
	_ =	swait.ge [sflag:s4], $0x0  }
0x19: {  	s7 =	sld [smem:$0x3F98]  }
0x1a: {  	s8 =	sadd.s32 $0xFFFFE003, lr  }
0x1b: {  	s9 =	sadd.s32 $0xFFFFFEF7, lr;
	s5 =	simm.s32 $0xFFFFFFFF;
	p2 =	slt.u32 s8, $0xFFFFF086  }
0x1c: {  	p1 =	slt.u32 s9, $0xF7A;
	s5 =	simm.s32 @!p2 $0x0  }
0x1d: {  	s5 =	simm.s32 @p1 $0x1;
	p0 =	seq.s32 s7, s2  }
0x1e: {  	s7 =	smul.u32 @!p0 $0xF7A, s2;
	p2 =	seq.s32 @!p0 s5, $0x0  }
0x1f: {  	s9 =	smul.u32 $0xF7A, s1;
	s8 =	simm.s32 @!p0 $0x1BF5;
	p2 =	por !p2, p0  }
0x20: {  	[sflag:s8] =	ssyncset.s32 @!p0 $0xFFFFF086;
	s6 =	sadd.s32 @!p0 s3, s7;
	s7 =	simm.s32 @!p0 $0x108  }
0x21: {  	s3 =	sadd.s32 s3, s9;
	s6 =	sadd.s32 @!p0 $0x88, s6;
	s7 =	simm.s32 @p2 $0x1082  }
0x22: {  	[simem:s7], [sflag:s8] =	dma.local @!p0 [hbm:s6], $0xF7A  }
0x23: {  	s9 =	sor.u32 $0xD0000000, s2;
	s6 =	simm.s32 $0x108;
	_ =	swait.ge @!p0 [sflag:s8], $0x0  }
0x24: {  	s3 =	sadd.s32 $0x88, s3;
	s6 =	simm.s32 @!p1 $0x1082;
	[sflag:s4] =	ssyncset.s32 $0xFFFFF086  }
0x25: {  	[simem:s6], [sflag:s4] =	dma.local [hbm:s3], $0xF7A  }
0x26: {  	[smem:$0x3F98] =	sst s1;
	(tag) =	ssettag s2;
	_ =	strace s9  }
0x27: {  	s1 =	sld [smem:$0x3FA8]  }
0x28: {  	s2 =	sld [smem:$0x3FA9]  }
0x29: {  	s4 =	sld [smem:$0x3FAB]  }
0x2a: {  	p0 =	seq.s32 s5, $0x0;
	s5 =	sld [smem:$0x3FAC]  }
0x2b: {  	s6 =	sld [smem:$0x3FAD]  }
0x2c: {  	s7 =	sld [smem:$0x3FAE]  }
0x2d: {  	s3 =	simm.s32 $0x108;
	s8 =	sld [smem:$0x3FAF]  }
0x2e: {  	s3 =	simm.s32 @!p0 $0x1082;
	s9 =	sld [smem:$0x3FB0]  }
0x2f: {  	lr =	sadd.s32 s0, s3;
	s0 =	sld [smem:$0x3FA7]  }
0x30: {  	s3 =	sld [smem:$0x3FAA]  }
0x31: {  	[smem:$0x3FB3] =	sst s10  }
0x32: {  	s10 =	sld [smem:$0x3FB1];
	_ =	sdelay $0x3  }
0x33: {  	p0 =	seq.s32 s10, $0x1;
	s10 =	sld [smem:$0x3FB3];
	_ =	sdelay $0x3  }
0x34: {  	[smem:$0x3FB3] =	sst s10  }
0x35: {  	s10 =	sld [smem:$0x3FB2];
	_ =	sdelay $0x3  }
0x36: {  	p1 =	seq.s32 s10, $0x1;
	s10 =	sld [smem:$0x3FB3];
	_ =	sdelay $0x3  }
0x37: {  	[smem:$0x3FB3] =	sst s10  }
0x38: {  	s10 =	sld [smem:$0x3FB4]  }
0x39: {  	_ = 	snop;
	(pc) =	sbr.ind lr, $3  }
0x3a: {  	_ = 	snop  }
0x3b: {  	_ = 	snop  }
0x3c: {  	p2 =	seq.s32 s10, $0x1;
	s10 =	sld [smem:$0x3FB3]  }
0x3d: {  	_ =	shalt  }
0x3e: {  	_ =	shalt  }
0x3f: {  	_ =	shalt  }
0x40: {  	_ =	shalt  }
0x41: {  	_ =	shalt  }
0x42: {  	_ =	shalt  }
0x43: {  	_ =	shalt  }
0x44: {  	_ =	shalt  }
0x45: {  	_ =	shalt  }
0x46: {  	_ =	shalt  }
0x47: {  	_ =	shalt  }
0x48: {  	_ =	shalt  }
0x49: {  	_ =	shalt  }
0x4a: {  	_ =	shalt  }
0x4b: {  	_ =	shalt  }
0x4c: {  	_ =	shalt  }
0x4d: {  	_ =	shalt  }
0x4e: {  	_ =	shalt  }
0x4f: {  	_ =	shalt  }
0x50: {  	_ =	shalt  }
0x51: {  	_ =	shalt  }
0x52: {  	_ =	shalt  }
0x53: {  	_ =	shalt  }
0x54: {  	_ =	shalt  }
0x55: {  	_ =	shalt  }
0x56: {  	_ =	shalt  }
0x57: {  	_ =	shalt  }
0x58: {  	_ =	shalt  }
0x59: {  	_ =	shalt  }
0x5a: {  	_ =	shalt  }
0x5b: {  	_ =	shalt  }
0x5c: {  	_ =	shalt  }
0x5d: {  	_ =	shalt  }
0x5e: {  	_ =	shalt  }
0x5f: {  	_ =	shalt  }
0x60: {  	_ =	shalt  }
0x61: {  	_ =	shalt  }
0x62: {  	_ =	shalt  }
0x63: {  	_ =	shalt  }
0x64: {  	_ =	shalt  }
0x65: {  	_ =	shalt  }
0x66: {  	_ =	shalt  }
0x67: {  	_ =	shalt  }
0x68: {  	_ =	shalt  }
0x69: {  	_ =	shalt  }
0x6a: {  	_ =	shalt  }
0x6b: {  	_ =	shalt  }
0x6c: {  	_ =	shalt  }
0x6d: {  	_ =	shalt  }
0x6e: {  	_ =	shalt  }
0x6f: {  	_ =	shalt  }
0x70: {  	_ =	shalt  }
0x71: {  	_ =	shalt  }
0x72: {  	_ =	shalt  }
0x73: {  	_ =	shalt  }
0x74: {  	_ =	shalt  }
0x75: {  	_ =	shalt  }
0x76: {  	_ =	shalt  }
0x77: {  	_ =	shalt  }
0x78: {  	_ =	shalt  }
0x79: {  	_ =	shalt  }
0x7a: {  	_ =	shalt  }
0x7b: {  	_ =	shalt  }
0x7c: {  	_ =	shalt  }
0x7d: {  	_ =	shalt  }
0x7e: {  	_ =	shalt  }
0x7f: {  	_ =	shalt  }
0x80: {  	_ =	shalt  }
0x81: {  	_ =	shalt  }
0x82: {  	_ =	shalt  }
0x83: {  	_ =	shalt  }
0x84: {  	_ =	shalt  }
0x85: {  	_ =	shalt  }
0x86: {  	_ =	shalt  }
0x87: {  	_ =	shalt  }
.Lfunc_end0:
.L_simem_size_0:
called_computation_lowered:
.L_overlay_start_0:
0x88: {  	s2 =	sld [smem:$0x3FD9]  }
0x89: {  	s3 =	sld [smem:$0x3FFE];
	_ =	sdelay $0x1  }
0x8a: {  	s1 =	srdreg.scid  }
0x8b: {  	s0 =	sand.u32 $0x1, s1  }
0x8c: {  	s17 =	sshll.u32 s0, $0xA;
	s2 =	sadd.s32 s3, s2  }
0x8d: {  	s2 =	sadd.s32 s2, s17  }
0x8e: {  	[smem:$0x3FBF] =	sst s2  }
0x8f: {  	_ = 	snop  }
0x90: {  	s2 =	sld [smem:$0x3FC3];
	(tm) =	ssettm $0x1  }
0x91: {  	s18 =	sld [smem:$0x3FFB];
	_ =	sdelay $0x3  }
0x92: {  	_ =	strace s18  }
0x93: {  	s3 =	sld [smem:$0x3FFC];
	_ =	sdelay $0x3  }
0x94: {  	_ =	strace s3  }
0x95: {  	s3 =	sld [smem:$0x3FFD];
	_ =	sdelay $0x3  }
0x96: {  	_ =	strace s3  }
0x97: {  	_ =	strace $0x8FFFFFFF  }
0x98: {  	s19 =	sld [smem:$0x3FDB];
	_ =	sdelay $0x1  }
0x99: {  	s4 =	simm.s32 $_scs_section_size  }
0x9a: {  	s5 =	simm.s32 $_size__tile_overlayer_lowered;
	s6 =	simm.s32 $_tile_overlayer_lowered  }
0x9b: {  	s22 =	simm.s32 $0x1BFF;
	s21 =	sshll.u32 s6, $0x1;
	s3 =	sadd.s32 s4, s19  }
0x9c: {  	s7 =	simm.s32 $0x0;
	s20 =	sshll.u32 s5, $0x1;
	s5 =	sadd.s32 s21, s3  }
0x9d: {  	[timem:s7], [sflag:s22] =	dma.local [hbm:s5], s20  }
0x9e: {  	_ =	swait.ge [sflag:s22], s20  }
0x9f: {  	s4 =	ssub.s32 $0x0, s20;
	[sflag:s22] =	ssyncset.done $0x0  }
0xa0: {  	[sflag:s22] =	ssyncadd.s32 s4;
	_ =	sdelay $0x1  }
0xa1: {  	s23 =	simm.s32 $0x1B8B  }
0xa2: {  	_ =	swait.ge [sflag:s23], $0x1  }
0xa3: {  	[sflag:s23] =	ssyncset.done $0x0  }
0xa4: {  	s25 =	simm.s32 $0x1B8E;
	s24 =	sld [smem:$0x3FFE];
	[sflag:s23] =	ssyncadd.s32 $0xFFFFFFFF  }
0xa5: {  	s26 =	simm.s32 $execute0_lowered;
	[smem:$0x3FD2] =	sst s25  }
0xa6: {  	s5 =	sshll.u32 s26, $0x1;
	_ =	strace $0x80000046;
	[dreg:$0x1] =	wrdreg $0xFFFFFFFF  }
0xa7: {  	s28 =	simm.s32 $_size_execute0_lowered;
	s3 =	sadd.s32 s3, s5;
	[dreg:$0x0] =	wrdreg $0x0  }
0xa8: {  	s5 =	sshll.u32 s28, $0x1;
	[dreg:$0x2] =	wrdreg s3  }
0xa9: {  	[dreg:$0x3] =	wrdreg s5  }
0xaa: {  	[dreg:$0x4] =	wrdreg $0xC0  }
0xab: {  	_ =	task [dreg:s7], $0x5FFFF  }
0xac: {  	[dreg:$0x1] =	wrdreg $0xFFFFFFFF  }
0xad: {  	[dreg:$0x0] =	wrdreg $0x60  }
0xae: {  	[dreg:$0x2] =	wrdreg s2  }
0xaf: {  	[dreg:$0x3] =	wrdreg s24  }
0xb0: {  	[dreg:$0x4] =	wrdreg $0xA1000  }
0xb1: {  	[dreg:$0x5] =	wrdreg $0x0  }
0xb2: {  	[dreg:$0x6] =	wrdreg $0x1B8800  }
0xb3: {  	[dreg:$0x7] =	wrdreg $0xAB100  }
0xb4: {  	[dreg:$0x8] =	wrdreg $0xA6000  }
0xb5: {  	[dreg:$0x9] =	wrdreg $0x16C800  }
0xb6: {  	[dreg:$0xa] =	wrdreg $0x9  }
0xb7: {  	_ =	task.clear_ibuf [dreg:s7], $0xBFFFF;
	_ =	strace $0x90000046  }
0xb8: {  	s29 =	simm.s32 $0x9;
	_ =	strace $0x80000048  }
0xb9: {  	_ =	swait.ge [sflag:s29], $0x1  }
0xba: {  	[sflag:s29] =	ssyncadd.s32 $0xFFFFFFFF  }
0xbb: {  	_ =	strace $0x90000048  }
0xbc: {  	_ =	sfence  }
0xbd: {  	s30 =	sld [smem:$0x0];
	_ =	sdelay $0x2  }
0xbe: {  	s31 =	sshll.u32 s1, $0xD;
	s1 =	sshrl.u32 s1, $0x2  }
0xbf: {  	s3 =	sand.u32 $0x4000, s31;
	s1 =	sadd.s32 s1, s30  }
0xc0: {  	s0 =	sor.u32 s3, s0;
	s1 =	sshll.u32 s1, $0x11  }
0xc1: {  	s0 =	sor.u32 s1, s0  }
0xc2: {  	s0 =	sadd.s32 $0x8F2B, s0  }
0xc3: {  	[sflag:s0] =	ssyncadd.remote.s32 $0x1  }
0xc4: {  	_ =	sfence.sel $0xFFFF  }
0xc5: {  	[dreg:$0x0] =	wrdreg $0xFFFFFFFF;
	(pc) =	sbr.abs _section_cstart, $3  }
0xc6: {  	[dreg:$0x1] =	wrdreg $0xFFFFFFFF  }
0xc7: {  	_ =	task.clear_ibuf [dreg:s7], $0x2FFFF;
	_ =	strace $0x9FFFFFFF  }
0xc8: {  	(tm) =	ssettm $0x7FFFFFFF  }
0xc9: {  	_ =	shalt  }
tec
execute0_lowered:
.L_overlay_start_1:
0x0: {  	(tag) =	ssettag $0x1  }
0x1: {  	s0 =	rddreg [dreg:$0x1]  }
0x2: {  	s1 =	rddreg [dreg:$0x2]  }
0x3: {  	s3 =	rddreg [dreg:$0x3]  }
0x4: {  	s4 =	rddreg [dreg:$0x4]  }
0x5: {  	s14 =	rddreg [dreg:$0x5]  }
0x6: {  	s2 =	rddreg [dreg:$0x6];
	s7 =	simm.s32 $0x0  }
0x7: {  	s5 =	srdreg.scid;
	s8 =	stileid.u32;
	s29 =	simm.s32 $0x4F000  }
0x8: {  	s31 =	simm.s32 $0xD9C0;
	s30 =	simm.s32 $0xDA40;
	[smem:$0x7FF] =	sst s7  }
0x9: {  	s6 =	sadd.s32 $0x1000, s0;
	s5 =	sand.u32 $0x1, s5;
	s9 =	sadd.s32 $0x1A00, s0  }
0xa: {  	s20 =	sadd.s32 $0x600, s0;
	_ =	strace $0x80000047;
	[dreg:$0x9] =	wrdreg s6  }
0xb: {  	s11 =	smul.u32 $0x28000, s8;
	s24 =	sadd.s32 $0x2000, s4;
	[dreg:$0xa] =	wrdreg s20  }
0xc: {  	s15 =	smul.u32 $0x280, s8;
	s26 =	sadd.s32 $0x4000, s4;
	[dreg:$0x10] =	wrdreg s24  }
0xd: {  	s12 =	sadd.s32 $0x29200, s0;
	s17 =	smul.u32 $0x4F00, s8;
	[dreg:$0x11] =	wrdreg s26  }
0xe: {  	s13 =	sadd.s32 $0x51200, s0;
	p0 =	sne.s32 s8, $0x0;
	[dreg:$0xc] =	wrdreg s15  }
0xf: {  	s8 =	simm.s32 $0x0;
	s28 =	sadd.s32 $0x4F080, s17;
	[dreg:$0xd] =	wrdreg s17  }
0x10: {  	s21 =	sshll.u32 s5, $0xB;
	s14 =	sadd.s32 s15, s14;
	[dreg:$0x12] =	wrdreg s28  }
0x11: {  	s16 =	smul.u32 $0x2800, s5;
	s2 =	sadd.s32 s15, s2;
	[dreg:$0x13] =	wrdreg s14  }
0x12: {  	s10 =	ssub.s32 $0x2, s5;
	s24 =	sadd.s32 $0x4F100, s17;
	[dreg:$0x14] =	wrdreg s2  }
0x13: {  	s6 =	sadd.s32 s21, s0;
	s26 =	sadd.s32 $0x100, s17;
	[dreg:$0x1c] =	wrdreg s24  }
0x14: {  	s22 =	sshrl.u32 s10, $0x1;
	s23 =	sshrl.u32 s11, $0x2;
	[dreg:$0x1d] =	wrdreg s26  }
0x15: {  	s25 =	sadd.s32 s15, s1;
	s15 =	sshll.u32 s5, $0x6;
	[dreg:$0xb] =	wrdreg s16  }
0x16: {  	s5 =	simm.s32 $0x12C80;
	s18 =	sadd.s32 $0x79200, s6;
	[dreg:$0xe] =	wrdreg s25  }
0x17: {  	s0 =	ssub.s32 s10, s22;
	s19 =	sadd.s32 $0xEAE0, s15;
	[dreg:$0x15] =	wrdreg s18  }
0x18: {  	s10 =	sadd.s32 s23, s3;
	s28 =	sor.u32 $0x80, s17;
	[dreg:$0x17] =	wrdreg s19  }
0x19: {  	s6 =	simm.s32 $0xD820;
	s15 =	simm.s32 $0x2;
	[dreg:$0xf] =	wrdreg s10  }
0x1a: {  	s2 =	simm.s32 $0x19700;
	s0 =	smax.u32 s0, $0x1;
	[dreg:$0x1e] =	wrdreg s28  }
0x1b: {  	s24 =	simm.s32 $0xD940;
	s20 =	sadd.s32 $0x2000, s10;
	[dreg:$0x16] =	wrdreg s0  }
.Ltmp0:
0x1c: {  	s21 =	sadd.s32 $0x4000, s10;
	[dreg:$0x18] =	wrdreg s20;
	(pc) =	sbr.rel .LBB2_1-.Ltmp0, $4  }
0x1d: {  	v1 =	vlaneseq.u32;
	v2 =	vimm.f32 $1.000000000e+00;
	s17 =	simm.s32 $0x16F00;
	s22 =	sadd.s32 $0x6000, s10;
	[dreg:$0x19] =	wrdreg s21  }
0x1e: {  	v3 =	vimm.f32 $0.0e+00;
	v4 =	vimm.f32 $5.000000000e-01;
	v7 =	vmul.u32 $0xFFFFFFFF, v1;
	s23 =	sadd.s32 $0x8000, s10;
	s10 =	simm.s32 $0x3;
	[dreg:$0x1a] =	wrdreg s22  }
0x1f: {  	v5 =	vimm.s32 $0x2710;
	v8 =	vimm.s32 $0xFFFFFFFF;
	v9 =	vimm.s32 $0x0;
	s18 =	simm.s32 $0x80;
	s19 =	simm.s32 $0x10B00;
	[dreg:$0x1b] =	wrdreg s23  }
0x20: {  	v6 =	vadd.s32 $0xFFFFFFFF, v1;
	v7 =	vadd.s32 $0xF, v7;
	v0 =	vmov s16;
	s23 =	simm.s32 $0x14C80;
	s20 =	simm.s32 $0x19800;
	s21 =	simm.s32 $0x1  }
.LBB2_41:
0x21: {  	s8 =	rddreg [dreg:$0x1f]  }
0x22: {  	s0 =	rddreg [dreg:$0x16];
	s8 =	sadd.s32 $0x1, s8  }
0x23: {  	p1 =	sne.s32 s8, s0  }
.Ltmp1:
0x24: {  	_ = 	snop;
	(pc) =	sbr.rel @!p1 .LBB2_42-.Ltmp1, $1  }
0x25: {  	_ =	sdelay $0x3  }
.LBB2_1:
0x26: {  	[tilespmem:$0x10B00] =	vst v2  }
0x27: {  	[tilespmem:$0x10B10] =	vst v2  }
0x28: {  	[tilespmem:$0x10B20] =	vst v2  }
.Ltmp2:
0x29: {  	[tilespmem:$0x10B30] =	vst v2;
	(pc) =	sbr.rel .LBB2_2-.Ltmp2, $4  }
0x2a: {  	[tilespmem:$0x10B40] =	vst v2  }
0x2b: {  	[tilespmem:$0x10B50] =	vst v2  }
0x2c: {  	[dreg:$0x1f] =	wrdreg s8;
	[tilespmem:$0x10B60] =	vst v2;
	s0 =	simm.s32 $0x0  }
0x2d: {  	[tilespmem:$0x10B70] =	vst v2;
	p2 =	por $0x1, $0x1;
	[smem:$0x7FD] =	sst s0  }
.LBB2_40:
.Ltmp3:
0x2e: {  	(pc) =	sbr.rel @!p1 .LBB2_41-.Ltmp3, $4  }
0x2f: {  	_ = 	snop  }
0x30: {  	[bflag:$0x0] =	sbarrier.arrive $0xFFFF;
	s0 =	simm.s32 $0x1  }
0x31: {  	[smem:$0x7FD] =	sst s0  }
0x32: {  	p2 =	por $0x0, $0x0;
	s25 =	rddreg [dreg:$0xe]  }
.LBB2_2:
0x33: {  	p1 =	por p2, p2;
	s8 =	simm.s32 $0x100;
	s0 =	simm.s32 $0x0  }
.LBB2_3:
0x34: {  	p2 =	sne.s32 s8, $0x7F00;
	[tilespmem:s0+$0x14CB0] =	vst v3;
	s11 =	smov.u32 s8;
	s8 =	sadd.s32 $0x100, s8  }
.Ltmp4:
0x35: {  	[tilespmem:s0+$0x14CA0] =	vst v3;
	(pc) =	sbr.rel @p2 .LBB2_3-.Ltmp4, $3  }
0x36: {  	[tilespmem:s0+$0x14C80] =	vst v3  }
0x37: {  	[tilespmem:s0+$0x14C90] =	vst v3;
	_ =	sdelay $0x1  }
0x38: {  	s0 =	sshra.s32 s11, $0x2  }
0x39: {  	[tilespmem:s0+$0x14CB0] =	vst v3  }
0x3a: {  	[tilespmem:s0+$0x14CA0] =	vst v3  }
0x3b: {  	[tilespmem:s0+$0x14C80] =	vst v3  }
0x3c: {  	[tilespmem:s0+$0x14C90] =	vst v3  }
0x3d: {  	[tilespmem:$0xA380] =	vst v3  }
0x3e: {  	[tilespmem:$0xA390] =	vst v3  }
0x3f: {  	[tilespmem:$0xA3A0] =	vst v3  }
0x40: {  	[tilespmem:$0xA3B0] =	vst v3  }
0x41: {  	[tilespmem:$0xA3C0] =	vst v3  }
0x42: {  	[tilespmem:$0xA3D0] =	vst v3  }
0x43: {  	[tilespmem:$0xA3E0] =	vst v3  }
0x44: {  	[tilespmem:$0xA3F0] =	vst v3  }
0x45: {  	[tilespmem:$0xA400] =	vst v3  }
0x46: {  	[tilespmem:$0xA410] =	vst v3  }
0x47: {  	[tilespmem:$0xA420] =	vst v3  }
0x48: {  	[tilespmem:$0xA430] =	vst v3  }
0x49: {  	[tilespmem:$0xA440] =	vst v3  }
0x4a: {  	[tilespmem:$0xA450] =	vst v3  }
0x4b: {  	[tilespmem:$0xA460] =	vst v3  }
0x4c: {  	[tilespmem:$0xA470] =	vst v3  }
0x4d: {  	[tilespmem:$0xA480] =	vst v3  }
0x4e: {  	[tilespmem:$0xA490] =	vst v3  }
0x4f: {  	[tilespmem:$0xA4A0] =	vst v3  }
0x50: {  	[tilespmem:$0xA4B0] =	vst v3  }
0x51: {  	[tilespmem:$0xA4C0] =	vst v3  }
0x52: {  	[tilespmem:$0xA4D0] =	vst v3  }
0x53: {  	[tilespmem:$0xA4E0] =	vst v3  }
0x54: {  	[tilespmem:$0xA4F0] =	vst v3  }
0x55: {  	[tilespmem:$0xA500] =	vst v3  }
0x56: {  	[tilespmem:$0xA510] =	vst v3  }
0x57: {  	[tilespmem:$0xA520] =	vst v3  }
0x58: {  	[tilespmem:$0xA530] =	vst v3  }
0x59: {  	[tilespmem:$0xA540] =	vst v3  }
0x5a: {  	[tilespmem:$0xA550] =	vst v3  }
0x5b: {  	[tilespmem:$0xA560] =	vst v3  }
0x5c: {  	[tilespmem:$0xA570] =	vst v3  }
0x5d: {  	[tilespmem:$0xA580] =	vst v3  }
0x5e: {  	[tilespmem:$0xA590] =	vst v3  }
0x5f: {  	[tilespmem:$0xA5A0] =	vst v3  }
0x60: {  	[tilespmem:$0xA5B0] =	vst v3  }
0x61: {  	[tilespmem:$0xA5C0] =	vst v3  }
0x62: {  	[tilespmem:$0xA5D0] =	vst v3  }
0x63: {  	[tilespmem:$0xA5E0] =	vst v3  }
0x64: {  	s26 =	simm.s32 $0xA380;
	[tilespmem:$0xA5F0] =	vst v3  }
0x65: {  	[spmem:s25] =	stream.linear.scatter [tilespmem:s26], [sflag:$0x3], $0x280, $0x38;
	[tilespmem:$0x1DCA0] =	vst v63  }
0x66: {  	_ =	swait.ge [sflag:s10], $0x280  }
0x67: {  	[sflag:s10] =	ssyncset.done $0x0  }
0x68: {  	s28 =	rddreg [dreg:$0xf];
	[sflag:s10] =	ssyncadd.s32 $0xFFFFFD80  }
0x69: {  	[spmem:s28] =	stream.linear.scatter [tilespmem:s23], [sflag:$0x3], $0x2000, $0x38;
	[tilespmem:$0x1DCA0] =	vst v63  }
0x6a: {  	_ =	swait.ge [sflag:s10], $0x2000  }
0x6b: {  	[sflag:s10] =	ssyncset.done $0x0  }
0x6c: {  	s8 =	rddreg [dreg:$0x18];
	[sflag:s10] =	ssyncadd.s32 $0xFFFFE000  }
0x6d: {  	[spmem:s8] =	stream.linear.scatter [tilespmem:s23], [sflag:$0x3], $0x2000, $0x38;
	[tilespmem:$0x1DCA0] =	vst v63  }
0x6e: {  	_ =	swait.ge [sflag:s10], $0x2000  }
0x6f: {  	[sflag:s10] =	ssyncset.done $0x0  }
0x70: {  	s11 =	rddreg [dreg:$0x19];
	[sflag:s10] =	ssyncadd.s32 $0xFFFFE000  }
0x71: {  	[spmem:s11] =	stream.linear.scatter [tilespmem:s23], [sflag:$0x3], $0x2000, $0x38;
	[tilespmem:$0x1DCA0] =	vst v63  }
0x72: {  	_ =	swait.ge [sflag:s10], $0x2000  }
0x73: {  	[sflag:s10] =	ssyncset.done $0x0  }
0x74: {  	s14 =	rddreg [dreg:$0x1a];
	[sflag:s10] =	ssyncadd.s32 $0xFFFFE000  }
0x75: {  	[spmem:s14] =	stream.linear.scatter [tilespmem:s23], [sflag:$0x3], $0x2000, $0x38;
	[tilespmem:$0x1DCA0] =	vst v63  }
0x76: {  	_ =	swait.ge [sflag:s10], $0x2000  }
0x77: {  	[sflag:s10] =	ssyncset.done $0x0  }
0x78: {  	s16 =	rddreg [dreg:$0x1b];
	[sflag:s10] =	ssyncadd.s32 $0xFFFFE000  }
0x79: {  	[spmem:s16] =	stream.linear.scatter [tilespmem:s23], [sflag:$0x3], $0x2000, $0x38;
	[tilespmem:$0x1DCA0] =	vst v63  }
0x7a: {  	_ =	swait.ge [sflag:s10], $0x2000  }
0x7b: {  	[sflag:s10] =	ssyncset.done $0x0  }
0x7c: {  	s0 =	simm.s32 @!p0 $0x14C80;
	s8 =	simm.s32 @!p0 $0x3;
	[sflag:s10] =	ssyncadd.s32 $0xFFFFE000  }
0x7d: {  	[spmem:s4] =	stream.linear.scatter @!p0 [tilespmem:s0], [sflag:$0x3], $0x2000, $0x38;
	[tilespmem:$0x1DCA0] =	vst v63  }
0x7e: {  	_ =	swait.ge @!p0 [sflag:s8], $0x2000  }
0x7f: {  	[sflag:s8] =	ssyncset.done @!p0 $0x0  }
0x80: {  	s11 =	rddreg [dreg:$0x10];
	[sflag:s8] =	ssyncadd.s32 @!p0 $0xFFFFE000  }
0x81: {  	[spmem:s11] =	stream.linear.scatter @!p0 [tilespmem:s0], [sflag:$0x3], $0x2000, $0x38;
	[tilespmem:$0x1DCA0] =	vst v63  }
0x82: {  	_ =	swait.ge @!p0 [sflag:s8], $0x2000  }
0x83: {  	[sflag:s8] =	ssyncset.done @!p0 $0x0;
	s22 =	sld [smem:$0x7FD]  }
0x84: {  	s11 =	rddreg [dreg:$0x11];
	[sflag:s8] =	ssyncadd.s32 @!p0 $0xFFFFE000  }
0x85: {  	[spmem:s11] =	stream.linear.scatter @!p0 [tilespmem:s0], [sflag:$0x3], $0x200, $0x38;
	[tilespmem:$0x1DCA0] =	vst v63  }
0x86: {  	s14 =	smul.u32 $0x9E000, s22;
	_ =	swait.ge @!p0 [sflag:s8], $0x200  }
0x87: {  	s26 =	rddreg [dreg:$0xd]  }
0x88: {  	[sflag:s8] =	ssyncset.done @!p0 $0x0;
	s26 =	sadd.s32 s26, s14  }
0x89: {  	[sflag:s8] =	ssyncadd.s32 @!p0 $0xFFFFFE00;
	s0 =	sshrl.u32 s26, $0x3  }
0x8a: {  	[bflag:$0x0] =	sbarrier.arrive $0xFFFF;
	s0 =	sadd.s32 s9, s0  }
0x8b: {  	s28 =	simm.s32 $0x0;
	[smem:$0x7FB] =	sst s0;
	s0 =	sadd.s32 $0x9E00, s0  }
0x8c: {  	[tilespmem:s6], [sflag:$0x3] =	stream.linear.gather [hbm4b:s0+s28], $0x80, $0x38;
	[tilespmem:$0x1DCA0] =	vst v63  }
0x8d: {  	_ =	swait.ge [sflag:s10], $0x80  }
0x8e: {  	s11 =	rddreg [dreg:$0x12]  }
0x8f: {  	[sflag:s10] =	ssyncset.done $0x0;
	s0 =	sadd.s32 s14, s11  }
0x90: {  	[sflag:s10] =	ssyncadd.s32 $0xFFFFFF80;
	s0 =	sshrl.u32 s0, $0x3  }
0x91: {  	[spmem:s1] =	stream.indirect.scatter.add.f32 [tilespmem:s19], [sflag:$0x1], $0x1, s6, s18, $0xb8;
	[tilespmem:$0x1DCA0] =	vst v63  }
0x92: {  	s8 =	sadd.s32 s0, s9  }
0x93: {  	s16 =	sadd.s32 $0x0, s8  }
0x94: {  	[tilespmem:s20], [sflag:$0x3] =	stream.linear.gather [hbm4b:s16+s7], $0x80, $0x38;
	[tilespmem:$0x1DCA0] =	vst v63  }
0x95: {  	_ =	swait.ge [sflag:s10], $0x80  }
0x96: {  	[sflag:s10] =	ssyncset.done $0x0;
	s22 =	rddreg [dreg:$0x1c]  }
0x97: {  	[smem:$0x7FC] =	sst s14;
	[sflag:s10] =	ssyncadd.s32 $0xFFFFFF80  }
0x98: {  	s11 =	sadd.s32 s14, s22;
	_ =	swait.ge [sflag:s21], $0x80  }
0x99: {  	s11 =	sshrl.u32 s11, $0x3;
	[sflag:s21] =	ssyncset.done $0x0  }
0x9a: {  	s11 =	sadd.s32 s11, s9;
	[sflag:s21] =	ssyncadd.s32 $0xFFFFFF80  }
0x9b: {  	[spmem:s1] =	stream.indirect.scatter.add.f32 [tilespmem:s19], [sflag:$0x2], $0x1, s20, s18, $0xb8;
	[tilespmem:$0x1DCA0] =	vst v63  }
0x9c: {  	s28 =	sadd.s32 $0x0, s11  }
0x9d: {  	[tilespmem:s6], [sflag:$0x3] =	stream.linear.gather [hbm4b:s28+s7], $0x80, $0x38;
	[tilespmem:$0x1DCA0] =	vst v63  }
0x9e: {  	_ =	swait.ge [sflag:s10], $0x80  }
0x9f: {  	[sflag:s10] =	ssyncset.done $0x0  }
0xa0: {  	[sflag:s10] =	ssyncadd.s32 $0xFFFFFF80  }
0xa1: {  	_ =	swait.ge [sflag:s15], $0x80  }
0xa2: {  	s16 =	simm.s32 $0x20;
	[sflag:s15] =	ssyncset.done $0x0  }
.LBB2_5:
0xa3: {  	p2 =	sne.s32 s16, $0x9A0  }
0xa4: {  	[sflag:s15] =	ssyncadd.s32 $0xFFFFFF80;
	s14 =	smov.u32 s16;
	s16 =	sadd.s32 $0x20, s16  }
0xa5: {  	[spmem:s1] =	stream.indirect.scatter.add.f32 [tilespmem:s19], [sflag:$0x1], $0x1, s6, s18, $0xb8;
	[tilespmem:$0x1DCA0] =	vst v63  }
0xa6: {  	s22 =	sadd.s32 s14, s8  }
0xa7: {  	[tilespmem:s20], [sflag:$0x3] =	stream.linear.gather [hbm4b:s22+s7], $0x80, $0x38;
	[tilespmem:$0x1DCA0] =	vst v63  }
0xa8: {  	_ =	swait.ge [sflag:s10], $0x80  }
0xa9: {  	[sflag:s10] =	ssyncset.done $0x0  }
0xaa: {  	[sflag:s10] =	ssyncadd.s32 $0xFFFFFF80  }
0xab: {  	_ =	swait.ge [sflag:s21], $0x80  }
0xac: {  	[sflag:s21] =	ssyncset.done $0x0  }
0xad: {  	[sflag:s21] =	ssyncadd.s32 $0xFFFFFF80  }
0xae: {  	[spmem:s1] =	stream.indirect.scatter.add.f32 [tilespmem:s19], [sflag:$0x2], $0x1, s20, s18, $0xb8;
	[tilespmem:$0x1DCA0] =	vst v63  }
0xaf: {  	s14 =	sadd.s32 s14, s11  }
0xb0: {  	[tilespmem:s6], [sflag:$0x3] =	stream.linear.gather [hbm4b:s14+s7], $0x80, $0x38;
	[tilespmem:$0x1DCA0] =	vst v63  }
.Ltmp5:
0xb1: {  	_ =	swait.ge [sflag:s10], $0x80;
	(pc) =	sbr.rel @p2 .LBB2_5-.Ltmp5, $4  }
0xb2: {  	[sflag:s10] =	ssyncset.done $0x0  }
0xb3: {  	[sflag:s10] =	ssyncadd.s32 $0xFFFFFF80  }
0xb4: {  	_ =	swait.ge [sflag:s15], $0x80  }
0xb5: {  	[sflag:s15] =	ssyncset.done $0x0  }
0xb6: {  	[sflag:s15] =	ssyncadd.s32 $0xFFFFFF80;
	s0 =	sadd.s32 s9, s0  }
0xb7: {  	[spmem:s1] =	stream.indirect.scatter.add.f32 [tilespmem:s19], [sflag:$0x1], $0x1, s6, s18, $0xb8;
	[tilespmem:$0x1DCA0] =	vst v63  }
0xb8: {  	s8 =	simm.s32 $0x0;
	s0 =	sadd.s32 $0x9C0, s0  }
0xb9: {  	[tilespmem:s20], [sflag:$0x3] =	stream.linear.gather [hbm4b:s0+s8], $0x80, $0x38;
	[tilespmem:$0x1DCA0] =	vst v63  }
0xba: {  	_ =	swait.ge [sflag:s10], $0x80  }
0xbb: {  	[sflag:s10] =	ssyncset.done $0x0  }
0xbc: {  	[sflag:s10] =	ssyncadd.s32 $0xFFFFFF80  }
0xbd: {  	_ =	swait.ge [sflag:s21], $0x80  }
0xbe: {  	[sflag:s21] =	ssyncset.done $0x0  }
0xbf: {  	[sflag:s21] =	ssyncadd.s32 $0xFFFFFF80  }
0xc0: {  	[spmem:s1] =	stream.indirect.scatter.add.f32 [tilespmem:s19], [sflag:$0x2], $0x1, s20, s18, $0xb8;
	[tilespmem:$0x1DCA0] =	vst v63  }
0xc1: {  	_ =	swait.ge [sflag:s15], $0x80  }
0xc2: {  	[sflag:s15] =	ssyncset.done $0x0  }
0xc3: {  	[sflag:s15] =	ssyncadd.s32 $0xFFFFFF80  }
0xc4: {  	s22 =	simm.s32 $0xA380;
	[bflag:$0x0] =	sbarrier.arrive $0xFFFF  }
0xc5: {  	[tilespmem:s22], [sflag:$0x3] =	stream.linear.gather [spmem:s25], $0x280, $0x38;
	[tilespmem:$0x1DCA0] =	vst v63  }
0xc6: {  	_ =	swait.ge [sflag:s10], $0x280  }
0xc7: {  	[sflag:s10] =	ssyncset.done $0x0  }
0xc8: {  	s25 =	simm.s32 $0x0;
	[sflag:s10] =	ssyncadd.s32 $0xFFFFFD80  }
0xc9: {  	v10 =	vld [tilespmem:s25+$0xA380];
	_ =	sdelay $0x4  }
0xca: {  	v10 =	vadd.f32 $1.000000000e+00, v10;
	_ =	sdelay $0x1  }
0xcb: {  	vm0 =	vgt.f32 v10, $4.000000000e+00  }
0xcc: {  	vm1 =	vgt.f32 v10, $1.600000000e+01;
	v11 =	vsel vm0, $0x3E800000, v4  }
0xcd: {  	vm10 =	vgt.f32 v10, $6.400000000e+01;
	v11 =	vsel vm1, $0x3E000000, v11  }
0xce: {  	vm11 =	vgt.f32 v10, $2.560000000e+02;
	v11 =	vsel vm10, $0x3D800000, v11  }
0xcf: {  	vm12 =	vgt.f32 v10, $1.024000000e+03;
	v11 =	vsel vm11, $0x3D000000, v11  }
0xd0: {  	vm13 =	vgt.f32 v10, $4.096000000e+03;
	v11 =	vsel vm12, $0x3C800000, v11  }
0xd1: {  	vm14 =	vgt.f32 v10, $1.638400000e+04;
	v11 =	vsel vm13, $0x3C000000, v11  }
0xd2: {  	s28 =	simm.s32 $0x10;
	vm15 =	vgt.f32 v10, $6.553600000e+04;
	v11 =	vsel vm14, $0x3B800000, v11  }
0xd3: {  	vm4 =	vgt.f32 v10, $2.621440000e+05;
	v12 =	vmul.f32 $5.000000000e-01, v10;
	v10 =	vld [tilespmem:s28+$0xA380];
	v11 =	vsel vm15, $0x3B000000, v11  }
0xd4: {  	v11 =	vsel vm4, $0x3A800000, v11  }
0xd5: {  	v13 =	vmul.f32 v11, v12;
	_ =	sdelay $0x1  }
0xd6: {  	v13 =	vmul.f32 v13, v11  }
0xd7: {  	v10 =	vadd.f32 $1.000000000e+00, v10  }
0xd8: {  	v13 =	vsub.f32 $1.500000000e+00, v13  }
0xd9: {  	vm5 =	vgt.f32 v10, $4.000000000e+00  }
0xda: {  	vm6 =	vgt.f32 v10, $1.600000000e+01;
	v11 =	vmul.f32 v13, v11;
	v13 =	vsel vm5, $0x3E800000, v4  }
0xdb: {  	vm7 =	vgt.f32 v10, $6.400000000e+01;
	v13 =	vsel vm6, $0x3E000000, v13  }
0xdc: {  	vm8 =	vgt.f32 v10, $2.560000000e+02;
	v14 =	vmul.f32 v11, v12;
	v13 =	vsel vm7, $0x3D800000, v13  }
0xdd: {  	vm9 =	vgt.f32 v10, $1.024000000e+03;
	v13 =	vsel vm8, $0x3D000000, v13  }
0xde: {  	vm10 =	vgt.f32 v10, $4.096000000e+03;
	v14 =	vmul.f32 v14, v11;
	v13 =	vsel vm9, $0x3C800000, v13  }
0xdf: {  	vm11 =	vgt.f32 v10, $1.638400000e+04;
	v13 =	vsel vm10, $0x3C000000, v13  }
0xe0: {  	vm2 =	vgt.f32 v10, $6.553600000e+04;
	v14 =	vsub.f32 $1.500000000e+00, v14;
	v13 =	vsel vm11, $0x3B800000, v13  }
0xe1: {  	s0 =	simm.s32 $0x20;
	vm12 =	vgt.f32 v10, $2.621440000e+05;
	v10 =	vmul.f32 $5.000000000e-01, v10;
	v13 =	vsel vm2, $0x3B000000, v13  }
0xe2: {  	v15 =	vld [tilespmem:s0+$0xA380];
	v11 =	vmul.f32 v14, v11;
	v13 =	vsel vm12, $0x3A800000, v13  }
0xe3: {  	v14 =	vmul.f32 v13, v10  }
0xe4: {  	v16 =	vmul.f32 v11, v12  }
0xe5: {  	v14 =	vmul.f32 v14, v13  }
0xe6: {  	v16 =	vmul.f32 v16, v11  }
0xe7: {  	v15 =	vadd.f32 $1.000000000e+00, v15;
	v14 =	vsub.f32 $1.500000000e+00, v14  }
0xe8: {  	v16 =	vsub.f32 $1.500000000e+00, v16  }
0xe9: {  	vm13 =	vgt.f32 v15, $4.000000000e+00;
	vm14 =	vgt.f32 v15, $1.600000000e+01;
	v13 =	vmul.f32 v14, v13  }
0xea: {  	vm15 =	vgt.f32 v15, $2.560000000e+02;
	v14 =	vsel vm13, $0x3E800000, v4;
	v16 =	vmul.f32 v16, v11  }
0xeb: {  	vm4 =	vgt.f32 v15, $6.400000000e+01;
	v11 =	vsel vm14, $0x3E000000, v14;
	v14 =	vmul.f32 v13, v10  }
0xec: {  	vm5 =	vgt.f32 v15, $4.096000000e+03;
	v11 =	vsel vm4, $0x3D800000, v11;
	v17 =	vmul.f32 v16, v12  }
0xed: {  	vm6 =	vgt.f32 v15, $1.024000000e+03;
	v11 =	vsel vm15, $0x3D000000, v11;
	v14 =	vmul.f32 v14, v13  }
0xee: {  	s8 =	simm.s32 $0x30;
	vm7 =	vgt.f32 v15, $6.553600000e+04;
	v11 =	vsel vm6, $0x3C800000, v11;
	v17 =	vmul.f32 v17, v16  }
0xef: {  	v18 =	vld [tilespmem:s8+$0xA380];
	vm8 =	vgt.f32 v15, $1.638400000e+04;
	v11 =	vsel vm5, $0x3C000000, v11;
	v14 =	vsub.f32 $1.500000000e+00, v14  }
0xf0: {  	vm9 =	vgt.f32 v15, $2.621440000e+05;
	v11 =	vsel vm8, $0x3B800000, v11;
	v17 =	vsub.f32 $1.500000000e+00, v17  }
0xf1: {  	v19 =	vsel vm7, $0x3B000000, v11;
	v11 =	vmul.f32 $5.000000000e-01, v15;
	v13 =	vmul.f32 v14, v13  }
0xf2: {  	v14 =	vsel vm9, $0x3A800000, v19;
	v15 =	vmul.f32 v17, v16  }
0xf3: {  	v16 =	vmul.f32 v14, v11;
	v17 =	vmul.f32 v13, v10  }
0xf4: {  	v18 =	vadd.f32 $1.000000000e+00, v18;
	v19 =	vmul.f32 v15, v12  }
0xf5: {  	v16 =	vmul.f32 v16, v14;
	v17 =	vmul.f32 v17, v13  }
0xf6: {  	vm3 =	vgt.f32 v18, $2.560000000e+02;
	v19 =	vmul.f32 v19, v15  }
0xf7: {  	vm10 =	vgt.f32 v18, $2.621440000e+05;
	v16 =	vsub.f32 $1.500000000e+00, v16;
	v17 =	vsub.f32 $1.500000000e+00, v17  }
0xf8: {  	vm11 =	vgt.f32 v18, $4.096000000e+03;
	vm13 =	vgt.f32 v18, $6.400000000e+01;
	v19 =	vsub.f32 $1.500000000e+00, v19  }
0xf9: {  	vm4 =	vgt.f32 v18, $4.000000000e+00;
	v14 =	vmul.f32 v16, v14;
	v13 =	vmul.f32 v17, v13  }
0xfa: {  	vm5 =	vgt.f32 v18, $1.600000000e+01;
	v16 =	vsel vm4, $0x3E800000, v4;
	v19 =	vmul.f32 v19, v15  }
0xfb: {  	v15 =	vsel vm5, $0x3E000000, v16;
	v16 =	vmul.f32 v14, v11;
	v17 =	vmul.f32 v13, v10  }
0xfc: {  	vm14 =	vgt.f32 v18, $1.024000000e+03;
	v15 =	vsel vm13, $0x3D800000, v15;
	v12 =	vmul.f32 v19, v12  }
0xfd: {  	v15 =	vsel vm3, $0x3D000000, v15;
	v16 =	vmul.f32 v16, v14;
	v17 =	vmul.f32 v17, v13  }
0xfe: {  	s22 =	simm.s32 $0x40;
	vm15 =	vgt.f32 v18, $1.638400000e+04;
	v15 =	vsel vm14, $0x3C800000, v15;
	v12 =	vmul.f32 v12, v19  }
0xff: {  	v15 =	vsel vm11, $0x3C000000, v15;
	v16 =	vsub.f32 $1.500000000e+00, v16;
	v20 =	vsub.f32 $1.500000000e+00, v17;
	v17 =	vld [tilespmem:s22+$0xA380]  }
0x100: {  	vm12 =	vgt.f32 v18, $6.553600000e+04;
	v15 =	vsel vm15, $0x3B800000, v15;
	v21 =	vsub.f32 $1.500000000e+00, v12  }
0x101: {  	v22 =	vsel vm12, $0x3B000000, v15;
	v12 =	vmul.f32 $5.000000000e-01, v18;
	v15 =	vmul.f32 v16, v14  }
0x102: {  	s16 =	simm.s32 $0x140;
	v16 =	vsel vm10, $0x3A800000, v22;
	v13 =	vmul.f32 v20, v13;
	v14 =	vmul.f32 v21, v19  }
.LBB2_7:
0x103: {  	p2 =	sne.s32 s16, $0x9C0;
	v18 =	vmul.f32 v16, v12;
	v19 =	vmul.f32 v15, v11  }
0x104: {  	v20 =	vadd.f32 $1.000000000e+00, v17;
	v17 =	vmul.f32 v13, v10;
	[tilespmem:s25+$0xAD90] =	vst v14;
	v14 =	vmul.f32 v14, v14  }
0x105: {  	v18 =	vmul.f32 v18, v16  }
0x106: {  	v19 =	vmul.f32 v19, v15;
	vm0 =	vgt.f32 v20, $2.621440000e+05;
	v17 =	vmul.f32 v17, v13;
	[tilespmem:s25+$0xA880] =	vst v14;
	s25 =	smov.u32 s28;
	s28 =	smov.u32 s0;
	s0 =	smov.u32 s8  }
0x107: {  	vm2 =	vgt.f32 v20, $4.096000000e+03;
	vm1 =	vgt.f32 v20, $6.553600000e+04;
	s8 =	smov.u32 s22;
	v14 =	vsub.f32 $1.500000000e+00, v18  }
0x108: {  	vm3 =	vgt.f32 v20, $2.560000000e+02;
	v18 =	vsub.f32 $1.500000000e+00, v19;
	v17 =	vsub.f32 $1.500000000e+00, v17  }
0x109: {  	vm4 =	vgt.f32 v20, $4.000000000e+00;
	vm5 =	vgt.f32 v20, $1.600000000e+01;
	v14 =	vmul.f32 v14, v16  }
0x10a: {  	v16 =	vsel vm4, $0x3E800000, v4;
	v18 =	vmul.f32 v18, v15;
	v19 =	vmul.f32 v17, v13  }
0x10b: {  	vm4 =	vgt.f32 v20, $6.400000000e+01;
	v13 =	vsel vm5, $0x3E000000, v16;
	v15 =	vmul.f32 v14, v12  }
0x10c: {  	v13 =	vsel vm4, $0x3D800000, v13;
	v16 =	vmul.f32 v18, v11;
	v17 =	vmul.f32 v19, v10;
	v10 =	vmovc v11;
	v11 =	vmovc v12  }
0x10d: {  	v12 =	vsel vm3, $0x3D000000, v13;
	vm3 =	vgt.f32 v20, $1.024000000e+03;
	v13 =	vmul.f32 v15, v14  }
.Ltmp6:
0x10e: {  	s22 =	sshra.s32 s16, $0x2;
	v12 =	vsel vm3, $0x3C800000, v12;
	v15 =	vmul.f32 v16, v18;
	v16 =	vmul.f32 v17, v19;
	(pc) =	sbr.rel @p2 .LBB2_7-.Ltmp6, $4  }
0x10f: {  	v12 =	vsel vm2, $0x3C000000, v12;
	vm2 =	vgt.f32 v20, $1.638400000e+04;
	v17 =	vld [tilespmem:s22+$0xA380];
	v13 =	vsub.f32 $1.500000000e+00, v13  }
0x110: {  	v12 =	vsel vm2, $0x3B800000, v12;
	v21 =	vsub.f32 $1.500000000e+00, v15;
	v22 =	vsub.f32 $1.500000000e+00, v16  }
0x111: {  	v16 =	vsel vm1, $0x3B000000, v12;
	v12 =	vmul.f32 $5.000000000e-01, v20;
	v15 =	vmul.f32 v13, v14  }
0x112: {  	s16 =	sadd.s32 $0x40, s16;
	v16 =	vsel vm0, $0x3A800000, v16;
	v13 =	vmul.f32 v21, v18;
	v14 =	vmul.f32 v22, v19  }
0x113: {  	_ = 	snop  }
0x114: {  	v17 =	vadd.f32 $1.000000000e+00, v17;
	_ =	sdelay $0x1  }
0x115: {  	vm0 =	vgt.f32 v17, $4.000000000e+00  }
0x116: {  	vm1 =	vgt.f32 v17, $1.600000000e+01;
	v18 =	vsel vm0, $0x3E800000, v4  }
0x117: {  	vm9 =	vgt.f32 v17, $6.400000000e+01;
	v18 =	vsel vm1, $0x3E000000, v18  }
0x118: {  	vm10 =	vgt.f32 v17, $2.560000000e+02;
	v18 =	vsel vm9, $0x3D800000, v18  }
0x119: {  	vm11 =	vgt.f32 v17, $1.024000000e+03;
	v18 =	vsel vm10, $0x3D000000, v18  }
0x11a: {  	vm12 =	vgt.f32 v17, $4.096000000e+03;
	v18 =	vsel vm11, $0x3C800000, v18  }
0x11b: {  	vm13 =	vgt.f32 v17, $1.638400000e+04;
	v18 =	vsel vm12, $0x3C000000, v18  }
0x11c: {  	v19 =	vmul.f32 v16, v12;
	vm14 =	vgt.f32 v17, $6.553600000e+04;
	v18 =	vsel vm13, $0x3B800000, v18  }
0x11d: {  	vm15 =	vgt.f32 v17, $2.621440000e+05;
	v17 =	vmul.f32 $5.000000000e-01, v17;
	v18 =	vsel vm14, $0x3B000000, v18  }
0x11e: {  	v18 =	vsel vm15, $0x3A800000, v18  }
0x11f: {  	v19 =	vmul.f32 v19, v16;
	v20 =	vmul.f32 v18, v17;
	_ =	sdelay $0x1  }
0x120: {  	v19 =	vsub.f32 $1.500000000e+00, v19;
	v20 =	vmul.f32 v20, v18;
	_ =	sdelay $0x1  }
0x121: {  	v26 =	vmul.f32 v19, v16;
	v27 =	vsub.f32 $1.500000000e+00, v20;
	_ =	sdelay $0x1  }
0x122: {  	v28 =	vmul.f32 v26, v12;
	v18 =	vmul.f32 v27, v18;
	_ =	sdelay $0x1  }
0x123: {  	v29 =	vmul.f32 v28, v26;
	v30 =	vmul.f32 v18, v17;
	_ =	sdelay $0x1  }
0x124: {  	v19 =	vsub.f32 $1.500000000e+00, v29;
	v20 =	vmul.f32 v30, v18  }
0x125: {  	v21 =	vmul.f32 v15, v11  }
0x126: {  	v16 =	vmul.f32 v19, v26;
	v31 =	vsub.f32 $1.500000000e+00, v20  }
0x127: {  	v32 =	vmul.f32 v21, v15  }
0x128: {  	v33 =	vmul.f32 v16, v12;
	v18 =	vmul.f32 v31, v18  }
0x129: {  	v34 =	vsub.f32 $1.500000000e+00, v32  }
0x12a: {  	v35 =	vmul.f32 v33, v16;
	v36 =	vmul.f32 v18, v17  }
0x12b: {  	v37 =	vmul.f32 v34, v15  }
0x12c: {  	v38 =	vsub.f32 $1.500000000e+00, v35;
	v39 =	vmul.f32 v36, v18  }
0x12d: {  	v40 =	vmul.f32 v37, v11  }
0x12e: {  	v16 =	vmul.f32 v38, v16;
	v41 =	vsub.f32 $1.500000000e+00, v39  }
0x12f: {  	v42 =	vmul.f32 v40, v37  }
0x130: {  	v43 =	vmul.f32 v16, v12;
	v18 =	vmul.f32 v41, v18  }
0x131: {  	v44 =	vsub.f32 $1.500000000e+00, v42  }
0x132: {  	v45 =	vmul.f32 v43, v16;
	v46 =	vmul.f32 v18, v17  }
0x133: {  	v22 =	vmul.f32 v13, v10;
	v15 =	vmul.f32 v44, v37  }
0x134: {  	v47 =	vsub.f32 $1.500000000e+00, v45;
	v48 =	vmul.f32 v46, v18  }
0x135: {  	v49 =	vmul.f32 v22, v13;
	v50 =	vmul.f32 v15, v11  }
0x136: {  	v16 =	vmul.f32 v47, v16;
	v51 =	vsub.f32 $1.500000000e+00, v48  }
0x137: {  	v52 =	vsub.f32 $1.500000000e+00, v49;
	v53 =	vmul.f32 v50, v15  }
0x138: {  	v54 =	vmul.f32 v16, v12;
	v18 =	vmul.f32 v51, v18  }
0x139: {  	v55 =	vmul.f32 v52, v13;
	v56 =	vsub.f32 $1.500000000e+00, v53  }
0x13a: {  	v19 =	vmul.f32 v54, v16;
	v57 =	vmul.f32 v18, v17  }
0x13b: {  	v10 =	vmul.f32 v55, v10;
	v15 =	vmul.f32 v56, v15  }
0x13c: {  	v19 =	vsub.f32 $1.500000000e+00, v19;
	v58 =	vmul.f32 v57, v18  }
0x13d: {  	v10 =	vmul.f32 v10, v55;
	v11 =	vmul.f32 v15, v11  }
0x13e: {  	v16 =	vmul.f32 v19, v16;
	v59 =	vsub.f32 $1.500000000e+00, v58  }
0x13f: {  	v10 =	vsub.f32 $1.500000000e+00, v10;
	v11 =	vmul.f32 v11, v15  }
0x140: {  	v60 =	vmul.f32 v16, v12;
	v18 =	vmul.f32 v59, v18  }
0x141: {  	v61 =	vmul.f32 v14, v14;
	v10 =	vmul.f32 v10, v55  }
0x142: {  	v11 =	vsub.f32 $1.500000000e+00, v11;
	v12 =	vmul.f32 v60, v16;
	v62 =	vmul.f32 v18, v17  }
0x143: {  	[tilespmem:s25+$0xAD90] =	vst v14;
	v63 =	vmul.f32 v10, v10  }
0x144: {  	[tilespmem:s25+$0xA880] =	vst v61;
	v11 =	vmul.f32 v11, v15;
	v12 =	vsub.f32 $1.500000000e+00, v12;
	v13 =	vmul.f32 v62, v18  }
0x145: {  	[tilespmem:s28+$0xAD90] =	vst v10  }
0x146: {  	[tilespmem:s28+$0xA880] =	vst v63;
	v10 =	vmul.f32 v11, v11;
	v12 =	vmul.f32 v12, v16;
	v13 =	vsub.f32 $1.500000000e+00, v13  }
0x147: {  	[tilespmem:s0+$0xAD90] =	vst v11  }
0x148: {  	[tilespmem:s0+$0xA880] =	vst v10;
	v10 =	vmul.f32 v12, v12;
	v11 =	vmul.f32 v13, v18  }
0x149: {  	[tilespmem:s8+$0xAD90] =	vst v12  }
0x14a: {  	[tilespmem:s8+$0xA880] =	vst v10;
	v10 =	vmul.f32 v11, v11  }
0x14b: {  	[tilespmem:s22+$0xAD90] =	vst v11  }
0x14c: {  	s0 =	simm.s32 $0xAD90;
	[tilespmem:s22+$0xA880] =	vst v10;
	s22 =	rddreg [dreg:$0x13]  }
0x14d: {  	[spmem:s22] =	stream.linear.scatter [tilespmem:s0], [sflag:$0x3], $0x280, $0x38;
	[tilespmem:$0x1DCA0] =	vst v63  }
0x14e: {  	_ =	swait.ge [sflag:s10], $0x280  }
0x14f: {  	[sflag:s10] =	ssyncset.done $0x0  }
0x150: {  	s11 =	simm.s32 $0xA880;
	s25 =	rddreg [dreg:$0x14];
	[sflag:s10] =	ssyncadd.s32 $0xFFFFFD80  }
0x151: {  	[spmem:s25] =	stream.linear.scatter [tilespmem:s11], [sflag:$0x3], $0x280, $0x38;
	[tilespmem:$0x1DCA0] =	vst v63  }
0x152: {  	_ =	swait.ge [sflag:s10], $0x280  }
0x153: {  	s28 =	sld [smem:$0x7FD];
	_ =	sdelay $0x1  }
0x154: {  	[sflag:s10] =	ssyncset.done $0x0  }
0x155: {  	s25 =	simm.s32 $0x0;
	[sflag:s10] =	ssyncadd.s32 $0xFFFFFD80;
	s8 =	smul.u32 $0x2800, s28  }
.LBB2_9:
0x156: {  	s11 =	sshll.u32 s25, $0x6;
	s14 =	rddreg [dreg:$0xc]  }
0x157: {  	s28 =	sadd.s32 s14, s11  }
0x158: {  	s11 =	sadd.s32 s8, s28  }
0x159: {  	s16 =	rddreg [dreg:$0x9];
	s11 =	sshrl.u32 s11, $0x3  }
0x15a: {  	s14 =	simm.s32 $0x10AC0;
	s11 =	sadd.s32 s16, s11;
	s16 =	simm.s32 $0x0  }
0x15b: {  	[tilespmem:s14], [sflag:$0x3] =	stream.linear.gather [hbm4b:s11+s16], $0x40, $0x38;
	[tilespmem:$0x1DCA0] =	vst v63  }
0x15c: {  	_ =	swait.ge [sflag:s10], $0x40  }
0x15d: {  	[sflag:s10] =	ssyncset.done $0x0  }
0x15e: {  	[sflag:s10] =	ssyncadd.s32 $0xFFFFFFC0  }
0x15f: {  	s22 =	simm.s32 $0xEAC0;
	s16 =	simm.s32 $0x40;
	s11 =	rddreg [dreg:$0x0]  }
0x160: {  	[tilespmem:s22], [sflag:$0x1] =	stream.indirect.gather [hbm4b:s11+s16], $0x80, s14, s16, $0xb8;
	[tilespmem:$0x1DCA0] =	vst v63  }
0x161: {  	_ =	swait.ge [sflag:s21], $0x2000  }
0x162: {  	[sflag:s21] =	ssyncset.done $0x0  }
0x163: {  	s22 =	sadd.s32 $0x0, s0;
	[sflag:s21] =	ssyncadd.s32 $0xFFFFE000  }
0x164: {  	v10 =	vld.msk [tilespmem:s22+$0x0 ss:$0x0], $0xffff;
	s22 =	rddreg [dreg:$0x17]  }
0x165: {  	v11 =	vld [tilespmem:s22+$0xFFFFFFE0];
	_ =	sdelay $0x4  }
0x166: {  	v11 =	vmul.f32 v10, v11  }
0x167: {  	s16 =	simm.s32 $0xDAE0  }
0x168: {  	[tilespmem:s16+$0xFFFFFFE0] =	vst v11  }
0x169: {  	v11 =	vld [tilespmem:s22+$0xFFFFFFF0];
	_ =	sdelay $0x4  }
0x16a: {  	v11 =	vmul.f32 v11, v10;
	_ =	sdelay $0x1  }
0x16b: {  	[tilespmem:s16+$0xFFFFFFF0] =	vst v11  }
0x16c: {  	v11 =	vld [tilespmem:s22+$0x0];
	_ =	sdelay $0x4  }
0x16d: {  	v11 =	vmul.f32 v11, v10;
	_ =	sdelay $0x1  }
0x16e: {  	[tilespmem:s16+$0x0] =	vst v11  }
0x16f: {  	v11 =	vld [tilespmem:s22+$0x10];
	_ =	sdelay $0x4  }
0x170: {  	v10 =	vmul.f32 v11, v10  }
0x171: {  	s14 =	simm.s32 $0x1;
	s11 =	simm.s32 $0x8  }
.LBB2_10:
0x172: {  	p2 =	sne.s32 s11, $0xFC;
	s14 =	sadd.s32 s14, s0;
	[tilespmem:s16+$0x10] =	vst v10  }
0x173: {  	s22 =	sadd.s32 $0x80, s22;
	v10 =	vld.msk [tilespmem:s14+$0x0 ss:$0x0], $0xffff  }
0x174: {  	v11 =	vld [tilespmem:s22+$0xFFFFFFE0];
	_ =	sdelay $0x4  }
0x175: {  	v11 =	vmul.f32 v10, v11  }
0x176: {  	s16 =	sadd.s32 $0x40, s16  }
0x177: {  	[tilespmem:s16+$0xFFFFFFE0] =	vst v11  }
0x178: {  	v11 =	vld [tilespmem:s22+$0xFFFFFFF0];
	_ =	sdelay $0x4  }
0x179: {  	v11 =	vmul.f32 v11, v10;
	_ =	sdelay $0x1  }
0x17a: {  	[tilespmem:s16+$0xFFFFFFF0] =	vst v11  }
0x17b: {  	v11 =	vld [tilespmem:s22+$0x0];
	_ =	sdelay $0x4  }
0x17c: {  	v11 =	vmul.f32 v11, v10;
	_ =	sdelay $0x1  }
0x17d: {  	[tilespmem:s16+$0x0] =	vst v11  }
0x17e: {  	v11 =	vld [tilespmem:s22+$0x10];
	_ =	sdelay $0x1  }
.Ltmp7:
0x17f: {  	(pc) =	sbr.rel @p2 .LBB2_10-.Ltmp7, $3  }
0x180: {  	_ =	sdelay $0x1  }
0x181: {  	v10 =	vmul.f32 v11, v10  }
0x182: {  	s14 =	sshra.s32 s11, $0x2;
	s11 =	sadd.s32 $0x4, s11  }
0x183: {  	s11 =	sadd.s32 s14, s0;
	[tilespmem:s16+$0x10] =	vst v10  }
0x184: {  	s14 =	sadd.s32 $0x80, s22;
	v10 =	vld.msk [tilespmem:s11+$0x0 ss:$0x0], $0xffff  }
0x185: {  	v11 =	vld [tilespmem:s14+$0xFFFFFFE0];
	_ =	sdelay $0x4  }
0x186: {  	v11 =	vmul.f32 v10, v11  }
0x187: {  	s16 =	sadd.s32 $0x40, s16  }
0x188: {  	[tilespmem:s16+$0xFFFFFFE0] =	vst v11  }
0x189: {  	v11 =	vld [tilespmem:s14+$0xFFFFFFF0];
	_ =	sdelay $0x4  }
0x18a: {  	v11 =	vmul.f32 v11, v10;
	_ =	sdelay $0x1  }
0x18b: {  	[tilespmem:s16+$0xFFFFFFF0] =	vst v11  }
0x18c: {  	v11 =	vld [tilespmem:s14+$0x0];
	_ =	sdelay $0x4  }
0x18d: {  	v11 =	vmul.f32 v11, v10;
	_ =	sdelay $0x1  }
0x18e: {  	[tilespmem:s16+$0x0] =	vst v11  }
0x18f: {  	v11 =	vld [tilespmem:s14+$0x10];
	_ =	sdelay $0x3  }
0x190: {  	s22 =	rddreg [dreg:$0xb]  }
0x191: {  	s25 =	sadd.s32 $0x1, s25;
	s11 =	sadd.s32 s22, s28;
	v10 =	vmul.f32 v11, v10  }
0x192: {  	p2 =	sne.s32 s25, $0xA;
	s11 =	sshll.u32 s11, $0x3  }
.Ltmp8:
0x193: {  	s28 =	simm.s32 $0xDAC0;
	s11 =	sadd.s32 s12, s11;
	[tilespmem:s16+$0x10] =	vst v10;
	(pc) =	sbr.rel @p2 .LBB2_9-.Ltmp8, $4  }
0x194: {  	[hbm4b:s11+s7] =	stream.linear.scatter [tilespmem:s28], [sflag:$0x3], $0x1000, $0x38;
	[tilespmem:$0x1DCA0] =	vst v63  }
0x195: {  	_ =	swait.ge [sflag:s10], $0x1000  }
0x196: {  	[sflag:s10] =	ssyncset.done $0x0  }
0x197: {  	s0 =	sadd.s32 $0x40, s0;
	[sflag:s10] =	ssyncadd.s32 $0xFFFFF000  }
0x198: {  	[bflag:$0x0] =	sbarrier.arrive $0xFFFF  }
0x199: {  	s8 =	sld [smem:$0x7FB];
	_ =	sdelay $0x1  }
0x19a: {  	s0 =	simm.s32 $0xD8C0  }
0x19b: {  	[tilespmem:s0], [sflag:$0x3] =	stream.strided.gather [hbm4b:s8+s18], $0x100, s29, s18, $0x38;
	[tilespmem:$0x1DCA0] =	vst v63  }
0x19c: {  	_ =	swait.ge [sflag:s10], $0x100  }
0x19d: {  	[sflag:s10] =	ssyncset.done $0x0  }
0x19e: {  	[sflag:s10] =	ssyncadd.s32 $0xFFFFFF00  }
0x19f: {  	v10 =	vld [tilespmem:$0xD8C0]  }
0x1a0: {  	v11 =	vld [tilespmem:$0xD8D0]  }
0x1a1: {  	v12 =	vld [tilespmem:$0xD8E0]  }
0x1a2: {  	v13 =	vld [tilespmem:$0xD8F0]  }
0x1a3: {  	v14 =	vld [tilespmem:$0xD900]  }
0x1a4: {  	v15 =	vld [tilespmem:$0xD910];
	v10 =	vadd.s32 v0, v10  }
0x1a5: {  	[tilespmem:$0x19780] =	vst v10;
	v10 =	vadd.s32 v0, v11;
	v11 =	vld [tilespmem:$0xD920]  }
0x1a6: {  	v57 =	vld [tilespmem:$0xD930];
	[tilespmem:$0x19790] =	vst v10;
	v10 =	vadd.s32 v0, v12  }
0x1a7: {  	s11 =	sld [smem:$0x7FC];
	[tilespmem:$0x197A0] =	vst v10;
	v10 =	vadd.s32 v0, v13  }
0x1a8: {  	[tilespmem:$0x197B0] =	vst v10;
	v10 =	vadd.s32 v0, v14  }
0x1a9: {  	s16 =	rddreg [dreg:$0x1e];
	[tilespmem:$0x197C0] =	vst v10;
	v10 =	vadd.s32 v0, v15  }
0x1aa: {  	s0 =	sadd.s32 s11, s16;
	[tilespmem:$0x197D0] =	vst v10;
	v10 =	vadd.s32 v0, v11  }
0x1ab: {  	s0 =	sshrl.u32 s0, $0x3;
	[tilespmem:$0x197E0] =	vst v10;
	v10 =	vadd.s32 v0, v57  }
0x1ac: {  	s14 =	simm.s32 $0x19780;
	s0 =	sadd.s32 s0, s9;
	[tilespmem:$0x197F0] =	vst v10  }
0x1ad: {  	[tilespmem:s23], [sflag:$0x1] =	stream.indirect.gather [hbm4b:s12+s18], $0x40, s14, s18, $0xb8;
	[tilespmem:$0x1DCA0] =	vst v63  }
0x1ae: {  	s22 =	sadd.s32 $0x0, s0  }
0x1af: {  	[tilespmem:s31], [sflag:$0x3] =	stream.strided.gather [hbm4b:s22+s18], $0x100, s29, s18, $0x38;
	[tilespmem:$0x1DCA0] =	vst v63  }
0x1b0: {  	_ =	swait.ge [sflag:s10], $0x100  }
0x1b1: {  	[sflag:s10] =	ssyncset.done $0x0  }
0x1b2: {  	[sflag:s10] =	ssyncadd.s32 $0xFFFFFF00  }
0x1b3: {  	v10 =	vld [tilespmem:$0xDA10]  }
0x1b4: {  	v11 =	vld [tilespmem:$0xD9E0]  }
0x1b5: {  	v59 =	vld [tilespmem:$0xD9D0]  }
0x1b6: {  	v61 =	vld [tilespmem:$0xD9F0]  }
0x1b7: {  	v58 =	vld [tilespmem:$0xDA20]  }
0x1b8: {  	v60 =	vld [tilespmem:$0xD9C0];
	v10 =	vadd.s32 v0, v10  }
0x1b9: {  	v16 =	vld [tilespmem:$0xDA00];
	v11 =	vadd.s32 v0, v11;
	[tilespmem:$0x19750] =	vst v10  }
0x1ba: {  	v62 =	vadd.s32 v0, v59;
	v10 =	vld [tilespmem:$0xDA30];
	[tilespmem:$0x19720] =	vst v11  }
0x1bb: {  	v63 =	vadd.s32 v0, v61;
	[tilespmem:$0x19710] =	vst v62  }
0x1bc: {  	v11 =	vadd.s32 v0, v58;
	[tilespmem:$0x19730] =	vst v63  }
0x1bd: {  	[tilespmem:$0x19760] =	vst v11;
	v11 =	vadd.s32 v0, v60  }
0x1be: {  	[tilespmem:$0x19700] =	vst v11;
	v11 =	vadd.s32 v0, v16  }
0x1bf: {  	[tilespmem:$0x19740] =	vst v11;
	v10 =	vadd.s32 v0, v10  }
0x1c0: {  	[tilespmem:$0x19770] =	vst v10  }
0x1c1: {  	[tilespmem:s5], [sflag:$0x2] =	stream.indirect.gather [hbm4b:s12+s18], $0x40, s2, s18, $0xb8;
	[tilespmem:$0x1DCA0] =	vst v63  }
0x1c2: {  	_ =	swait.ge [sflag:s21], $0x2000  }
0x1c3: {  	p3 =	por $0x0, $0x0;
	[sflag:s21] =	ssyncset.done $0x0  }
0x1c4: {  	s28 =	simm.s32 @!p3 $0x80;
	s25 =	rddreg [dreg:$0x1d];
	[sflag:s21] =	ssyncadd.s32 $0xFFFFE000  }
0x1c5: {  	[spmem:s3] =	stream.indirect.scatter.add.f32 [tilespmem:s23], [sflag:$0x3], $0x40, s24, s18, $0xb8;
	[tilespmem:$0x1DCA0] =	vst v63  }
0x1c6: {  	s16 =	simm.s32 @!p3 $0xD8C0;
	s8 =	sadd.s32 s11, s25;
	_ =	swait.ge [sflag:s10], $0x2000  }
0x1c7: {  	s14 =	simm.s32 @!p3 $0x4F000;
	s11 =	sshrl.u32 @!p3 s8, $0x3;
	[sflag:s10] =	ssyncset.done $0x0  }
0x1c8: {  	s25 =	simm.s32 @!p3 $0x3;
	s11 =	sadd.s32 @!p3 s9, s11;
	[sflag:s10] =	ssyncadd.s32 $0xFFFFE000  }
0x1c9: {  	[tilespmem:s16], [sflag:$0x3] =	stream.strided.gather @!p3 [hbm4b:s11+s28], $0x100, s14, s28, $0x38;
	[tilespmem:$0x1DCA0] =	vst v63  }
0x1ca: {  	_ =	swait.ge @!p3 [sflag:s25], $0x100  }
0x1cb: {  	[sflag:s25] =	ssyncset.done @!p3 $0x0  }
0x1cc: {  	s22 =	simm.s32 $0x20;
	[sflag:s25] =	ssyncadd.s32 @!p3 $0xFFFFFF00  }
.LBB2_13:
0x1cd: {  	v10 =	vld @!p3 [tilespmem:$0xD930];
	s8 =	sadd.s32 $0x100, s8;
	s25 =	smov.u32 s22;
	s22 =	sadd.s32 $0x20, s22  }
0x1ce: {  	p2 =	sne.s32 s22, $0x9E0;
	v11 =	vld @!p3 [tilespmem:$0xD920]  }
0x1cf: {  	v12 =	vld @!p3 [tilespmem:$0xD910]  }
0x1d0: {  	v13 =	vld @!p3 [tilespmem:$0xD900]  }
0x1d1: {  	v14 =	vld @!p3 [tilespmem:$0xD8F0]  }
0x1d2: {  	v15 =	vld @!p3 [tilespmem:$0xD8E0];
	v10 =	vadd.s32 @!p3 v0, v10  }
0x1d3: {  	v16 =	vld @!p3 [tilespmem:$0xD8D0];
	v11 =	vadd.s32 @!p3 v0, v11;
	[tilespmem:$0x197F0] =	vst @!p3 v10  }
0x1d4: {  	v10 =	vld @!p3 [tilespmem:$0xD8C0];
	v12 =	vadd.s32 @!p3 v0, v12;
	[tilespmem:$0x197E0] =	vst @!p3 v11  }
0x1d5: {  	v11 =	vadd.s32 @!p3 v0, v13;
	[tilespmem:$0x197D0] =	vst @!p3 v12  }
0x1d6: {  	v12 =	vadd.s32 @!p3 v0, v14;
	[tilespmem:$0x197C0] =	vst @!p3 v11  }
0x1d7: {  	v11 =	vadd.s32 @!p3 v0, v15;
	[tilespmem:$0x197B0] =	vst @!p3 v12  }
0x1d8: {  	v12 =	vadd.s32 @!p3 v0, v16;
	[tilespmem:$0x197A0] =	vst @!p3 v11  }
0x1d9: {  	v10 =	vadd.s32 @!p3 v0, v10;
	[tilespmem:$0x19790] =	vst @!p3 v12  }
0x1da: {  	s11 =	simm.s32 @!p3 $0x19780;
	s14 =	simm.s32 @!p3 $0x14C80;
	[tilespmem:$0x19780] =	vst @!p3 v10  }
0x1db: {  	[tilespmem:s14], [sflag:$0x1] =	stream.indirect.gather @!p3 [hbm4b:s12+s28], $0x40, s11, s28, $0xb8;
	[tilespmem:$0x1DCA0] =	vst v63  }
0x1dc: {  	_ =	swait.ge [sflag:s15], $0x2000  }
0x1dd: {  	[sflag:s15] =	ssyncset.done $0x0  }
0x1de: {  	[sflag:s15] =	ssyncadd.s32 $0xFFFFE000  }
0x1df: {  	[spmem:s3] =	stream.indirect.scatter.add.f32 [tilespmem:s5], [sflag:$0x3], $0x40, s30, s18, $0xb8;
	[tilespmem:$0x1DCA0] =	vst v63  }
0x1e0: {  	_ =	swait.ge [sflag:s10], $0x2000  }
0x1e1: {  	[sflag:s10] =	ssyncset.done $0x0  }
0x1e2: {  	s11 =	sadd.s32 s25, s0;
	[sflag:s10] =	ssyncadd.s32 $0xFFFFE000  }
0x1e3: {  	[tilespmem:s31], [sflag:$0x3] =	stream.strided.gather [hbm4b:s11+s18], $0x100, s29, s18, $0x38;
	[tilespmem:$0x1DCA0] =	vst v63  }
0x1e4: {  	_ =	swait.ge [sflag:s10], $0x100  }
0x1e5: {  	[sflag:s10] =	ssyncset.done $0x0  }
0x1e6: {  	[sflag:s10] =	ssyncadd.s32 $0xFFFFFF00  }
0x1e7: {  	v10 =	vld [tilespmem:$0xD9F0]  }
0x1e8: {  	v11 =	vld [tilespmem:$0xDA10]  }
0x1e9: {  	v12 =	vld [tilespmem:$0xD9E0]  }
0x1ea: {  	v13 =	vld [tilespmem:$0xDA20]  }
0x1eb: {  	v14 =	vld [tilespmem:$0xD9D0]  }
0x1ec: {  	v15 =	vld [tilespmem:$0xD9C0]  }
0x1ed: {  	v16 =	vld [tilespmem:$0xDA00];
	v11 =	vadd.s32 v0, v11  }
0x1ee: {  	v12 =	vadd.s32 v0, v12;
	[tilespmem:$0x19750] =	vst v11;
	v11 =	vld [tilespmem:$0xDA30]  }
0x1ef: {  	v10 =	vadd.s32 v0, v10;
	[tilespmem:$0x19720] =	vst v12;
	v12 =	vadd.s32 v0, v13  }
0x1f0: {  	v13 =	vadd.s32 v0, v14;
	[tilespmem:$0x19760] =	vst v12  }
0x1f1: {  	v12 =	vadd.s32 v0, v15;
	[tilespmem:$0x19710] =	vst v13  }
0x1f2: {  	[tilespmem:$0x19700] =	vst v12;
	v12 =	vadd.s32 v0, v16  }
0x1f3: {  	[tilespmem:$0x19730] =	vst v10;
	v10 =	vadd.s32 v0, v11  }
0x1f4: {  	[tilespmem:$0x19770] =	vst v10  }
0x1f5: {  	[tilespmem:$0x19740] =	vst v12  }
0x1f6: {  	[tilespmem:s5], [sflag:$0x2] =	stream.indirect.gather [hbm4b:s12+s18], $0x40, s2, s18, $0xb8;
	[tilespmem:$0x1DCA0] =	vst v63  }
0x1f7: {  	_ =	swait.ge [sflag:s21], $0x2000  }
0x1f8: {  	[sflag:s21] =	ssyncset.done $0x0  }
0x1f9: {  	[sflag:s21] =	ssyncadd.s32 $0xFFFFE000  }
0x1fa: {  	[spmem:s3] =	stream.indirect.scatter.add.f32 [tilespmem:s23], [sflag:$0x3], $0x40, s24, s18, $0xb8;
	[tilespmem:$0x1DCA0] =	vst v63  }
0x1fb: {  	p3 =	seq.s32 s25, $0x9C0;
	_ =	swait.ge [sflag:s10], $0x2000  }
0x1fc: {  	s28 =	simm.s32 @!p3 $0x80;
	s11 =	sshrl.u32 @!p3 s8, $0x3;
	[sflag:s10] =	ssyncset.done $0x0  }
0x1fd: {  	s14 =	simm.s32 @!p3 $0x4F000;
	s11 =	sadd.s32 @!p3 s9, s11;
	[sflag:s10] =	ssyncadd.s32 $0xFFFFE000  }
.Ltmp9:
0x1fe: {  	s16 =	simm.s32 @!p3 $0xD8C0;
	s25 =	simm.s32 @!p3 $0x3;
	(pc) =	sbr.rel @p2 .LBB2_13-.Ltmp9, $4  }
0x1ff: {  	[tilespmem:s16], [sflag:$0x3] =	stream.strided.gather @!p3 [hbm4b:s11+s28], $0x100, s14, s28, $0x38;
	[tilespmem:$0x1DCA0] =	vst v63  }
0x200: {  	_ =	swait.ge @!p3 [sflag:s25], $0x100  }
0x201: {  	[sflag:s25] =	ssyncset.done @!p3 $0x0  }
0x202: {  	[sflag:s25] =	ssyncadd.s32 @!p3 $0xFFFFFF00  }
0x203: {  	v10 =	vld @!p3 [tilespmem:$0xD930]  }
0x204: {  	v11 =	vld @!p3 [tilespmem:$0xD920]  }
0x205: {  	v12 =	vld @!p3 [tilespmem:$0xD910]  }
0x206: {  	v13 =	vld @!p3 [tilespmem:$0xD900]  }
0x207: {  	v14 =	vld @!p3 [tilespmem:$0xD8F0]  }
0x208: {  	v15 =	vld @!p3 [tilespmem:$0xD8E0];
	v10 =	vadd.s32 @!p3 v0, v10  }
0x209: {  	v16 =	vld @!p3 [tilespmem:$0xD8D0];
	v11 =	vadd.s32 @!p3 v0, v11;
	[tilespmem:$0x197F0] =	vst @!p3 v10  }
0x20a: {  	v12 =	vadd.s32 @!p3 v0, v12;
	v10 =	vld @!p3 [tilespmem:$0xD8C0];
	[tilespmem:$0x197E0] =	vst @!p3 v11  }
0x20b: {  	v11 =	vadd.s32 @!p3 v0, v13;
	[tilespmem:$0x197D0] =	vst @!p3 v12  }
0x20c: {  	v12 =	vadd.s32 @!p3 v0, v14;
	[tilespmem:$0x197C0] =	vst @!p3 v11  }
0x20d: {  	v11 =	vadd.s32 @!p3 v0, v15;
	[tilespmem:$0x197B0] =	vst @!p3 v12  }
0x20e: {  	v12 =	vadd.s32 @!p3 v0, v16;
	[tilespmem:$0x197A0] =	vst @!p3 v11  }
0x20f: {  	[tilespmem:$0x19790] =	vst @!p3 v12;
	v10 =	vadd.s32 @!p3 v0, v10  }
0x210: {  	s0 =	simm.s32 @!p3 $0x19780;
	s8 =	simm.s32 @!p3 $0x14C80;
	[tilespmem:$0x19780] =	vst @!p3 v10  }
0x211: {  	[tilespmem:s8], [sflag:$0x1] =	stream.indirect.gather @!p3 [hbm4b:s12+s28], $0x40, s0, s28, $0xb8;
	[tilespmem:$0x1DCA0] =	vst v63  }
0x212: {  	_ =	swait.ge [sflag:s15], $0x2000  }
0x213: {  	[sflag:s15] =	ssyncset.done $0x0  }
0x214: {  	[sflag:s15] =	ssyncadd.s32 $0xFFFFE000  }
0x215: {  	[spmem:s3] =	stream.indirect.scatter.add.f32 [tilespmem:s5], [sflag:$0x3], $0x40, s30, s18, $0xb8;
	[tilespmem:$0x1DCA0] =	vst v63  }
0x216: {  	_ =	swait.ge [sflag:s10], $0x2000  }
0x217: {  	[sflag:s10] =	ssyncset.done $0x0  }
0x218: {  	s22 =	simm.s32 $0x0;
	s16 =	simm.s32 $0x19880;
	[sflag:s10] =	ssyncadd.s32 $0xFFFFE000  }
0x219: {  	s0 =	simm.s32 $0x0;
	s8 =	simm.s32 $0xA880;
	[bflag:$0x0] =	sbarrier.arrive $0xFFFF  }
.LBB2_15:
0x21a: {  	s11 =	sshll.u32 s22, $0x7;
	s14 =	rddreg [dreg:$0xc]  }
0x21b: {  	s11 =	sadd.s32 s14, s11  }
0x21c: {  	s14 =	sshll.u32 s11, $0x6  }
0x21d: {  	s14 =	sand.u32 $0x3FFFFFC0, s14  }
0x21e: {  	s14 =	sadd.s32 s14, s3  }
0x21f: {  	[tilespmem:s16], [sflag:$0x3] =	stream.linear.gather [spmem:s14], $0x2000, $0x38;
	[tilespmem:$0x1DCA0] =	vst v63  }
0x220: {  	_ =	swait.ge [sflag:s10], $0x2000  }
0x221: {  	s16 =	rddreg [dreg:$0xb]  }
0x222: {  	s11 =	sadd.s32 s16, s11  }
0x223: {  	[sflag:s10] =	ssyncset.done $0x0;
	s16 =	sshll.u32 s11, $0x3  }
0x224: {  	s25 =	simm.s32 $0x1BCA0;
	[sflag:s10] =	ssyncadd.s32 $0xFFFFE000;
	s11 =	sadd.s32 s12, s16  }
0x225: {  	[tilespmem:s25], [sflag:$0x3] =	stream.linear.gather [hbm4b:s11+s0], $0x2000, $0x38;
	[tilespmem:$0x1DCA0] =	vst v63  }
0x226: {  	_ =	swait.ge [sflag:s10], $0x2000  }
0x227: {  	[sflag:s10] =	ssyncset.done $0x0  }
0x228: {  	s25 =	simm.s32 $0x0;
	[sflag:s10] =	ssyncadd.s32 $0xFFFFE000  }
0x229: {  	v11 =	vld [tilespmem:s25+$0x1BCD0]  }
0x22a: {  	v10 =	vld [tilespmem:s25+$0x1BCB0]  }
0x22b: {  	v12 =	vld [tilespmem:s25+$0x1BCC0]  }
0x22c: {  	v14 =	vld [tilespmem:s25+$0x1BCA0]  }
0x22d: {  	v16 =	vld [tilespmem:s25+$0x19880]  }
0x22e: {  	v15 =	vld [tilespmem:s25+$0x198A0]  }
0x22f: {  	v17 =	vld [tilespmem:s25+$0x198B0]  }
0x230: {  	v13 =	vld.msk [tilespmem:s8+$0x0 ss:$0x0], $0xffff  }
0x231: {  	s28 =	smov.u32 s8;
	s11 =	simm.s32 $0x100;
	v18 =	vld [tilespmem:s25+$0x19890]  }
.LBB2_16:
0x232: {  	p2 =	sne.s32 s11, $0x7F00  }
0x233: {  	s28 =	sadd.s32 $0x1, s28;
	s14 =	smov.u32 s11;
	s11 =	sadd.s32 $0x100, s11  }
0x234: {  	_ = 	snop  }
0x235: {  	v14 =	vadd.f32 v14, v16;
	s14 =	sshra.s32 s14, $0x2;
	v16 =	vadd.f32 v11, v17  }
0x236: {  	v15 =	vadd.f32 v12, v15;
	v11 =	vld [tilespmem:s14+$0x1BCD0]  }
0x237: {  	v17 =	vmul.f32 v14, v13;
	v18 =	vadd.f32 v10, v18;
	v10 =	vld [tilespmem:s14+$0x1BCB0];
	v19 =	vmul.f32 v16, v13  }
0x238: {  	v15 =	vmul.f32 v15, v13;
	v12 =	vld [tilespmem:s14+$0x1BCC0]  }
0x239: {  	v14 =	vld [tilespmem:s14+$0x1BCA0];
	[tilespmem:s25+$0x19880] =	vst v17;
	v13 =	vmul.f32 v18, v13  }
.Ltmp10:
0x23a: {  	v16 =	vld [tilespmem:s14+$0x19880];
	[tilespmem:s25+$0x198A0] =	vst v15;
	(pc) =	sbr.rel @p2 .LBB2_16-.Ltmp10, $4  }
0x23b: {  	v15 =	vld [tilespmem:s14+$0x198A0];
	[tilespmem:s25+$0x198B0] =	vst v19  }
0x23c: {  	v17 =	vld [tilespmem:s14+$0x198B0];
	[tilespmem:s25+$0x19890] =	vst v13;
	s25 =	smov.u32 s14  }
0x23d: {  	v13 =	vld.msk [tilespmem:s28+$0x0 ss:$0x0], $0xffff  }
0x23e: {  	v18 =	vld [tilespmem:s25+$0x19890]  }
0x23f: {  	_ = 	snop  }
0x240: {  	v14 =	vadd.f32 v14, v16  }
0x241: {  	v12 =	vadd.f32 v12, v15  }
0x242: {  	v11 =	vadd.f32 v11, v17;
	v14 =	vmul.f32 v14, v13  }
0x243: {  	v12 =	vmul.f32 v12, v13;
	v10 =	vadd.f32 v10, v18  }
0x244: {  	v11 =	vmul.f32 v11, v13;
	[tilespmem:s25+$0x19880] =	vst v14  }
0x245: {  	s22 =	sadd.s32 $0x1, s22;
	[tilespmem:s25+$0x198A0] =	vst v12;
	v10 =	vmul.f32 v10, v13  }
0x246: {  	p2 =	sne.s32 s22, $0x5;
	[tilespmem:s25+$0x198B0] =	vst v11  }
.Ltmp11:
0x247: {  	s11 =	sadd.s32 s13, s16;
	s16 =	simm.s32 $0x19880;
	[tilespmem:s25+$0x19890] =	vst v10;
	(pc) =	sbr.rel @p2 .LBB2_15-.Ltmp11, $4  }
0x248: {  	[hbm4b:s11+s7] =	stream.linear.scatter [tilespmem:s16], [sflag:$0x3], $0x2000, $0x38;
	[tilespmem:$0x1DCA0] =	vst v63  }
0x249: {  	_ =	swait.ge [sflag:s10], $0x2000  }
0x24a: {  	[sflag:s10] =	ssyncset.done $0x0  }
0x24b: {  	s8 =	sadd.s32 $0x80, s8;
	[sflag:s10] =	ssyncadd.s32 $0xFFFFE000  }
.Ltmp12:
0x24c: {  	(pc) =	sbr.rel @p0 .LBB2_26-.Ltmp12, $2  }
0x24d: {  	_ =	sdelay $0x2  }
0x24e: {  	s22 =	simm.s32 $0x15080  }
0x24f: {  	s0 =	sld [smem:$0x7FD];
	_ =	sdelay $0x2  }
0x250: {  	s0 =	smul.u32 $0x4E2, s0  }
0x251: {  	s8 =	rddreg [dreg:$0xa]  }
0x252: {  	s11 =	sadd.s32 s8, s0;
	s8 =	simm.s32 $0x0;
	s0 =	simm.s32 $0x16F00  }
0x253: {  	[tilespmem:s0], [sflag:$0x3] =	stream.linear.gather [hbm4b:s11+s8], $0x2710, $0x38;
	[tilespmem:$0x1DCA0] =	vst v63  }
0x254: {  	_ =	swait.ge [sflag:s10], $0x2710  }
0x255: {  	[sflag:s10] =	ssyncset.done $0x0  }
0x256: {  	[sflag:s10] =	ssyncadd.s32 $0xFFFFD8F0  }
0x257: {  	[tilespmem:$0xA000] =	vst v5  }
0x258: {  	[tilespmem:$0xA010] =	vst v5  }
0x259: {  	[tilespmem:$0xA020] =	vst v5  }
0x25a: {  	[tilespmem:$0xA030] =	vst v5  }
0x25b: {  	[tilespmem:$0xA040] =	vst v5  }
0x25c: {  	[tilespmem:$0xA050] =	vst v5  }
0x25d: {  	[tilespmem:$0xA060] =	vst v5  }
0x25e: {  	[tilespmem:$0xA070] =	vst v5  }
0x25f: {  	[tilespmem:$0xA080] =	vst v5  }
0x260: {  	v10 =	vadd.s32 s8, v6;
	[tilespmem:$0xA090] =	vst v5  }
0x261: {  	vm0 =	vgt.s32 v10, $0x0;
	[tilespmem:$0xA0A0] =	vst v5  }
0x262: {  	v10 =	vnsel vm0, $0x0, v10;
	[tilespmem:$0xA0B0] =	vst v5  }
0x263: {  	[tilespmem:$0xA0C0] =	vst v5  }
0x264: {  	[tilespmem:$0xA0D0] =	vst v5  }
0x265: {  	[tilespmem:$0xA0E0] =	vst v5  }
0x266: {  	[tilespmem:$0xA0F0] =	vst v5  }
0x267: {  	v11 =	vld.idx.msk [tilespmem:v10+s17+$0x0], $0xffff  }
0x268: {  	v10 =	vld [tilespmem:s0+$0x0];
	_ =	sdelay $0x3  }
0x269: {  	v12 =	vmov s8  }
0x26a: {  	s11 =	simm.s32 $0x10;
	vm1 =	veq.s32 v12, v1;
	vm0 =	vne.s32 v10, v11  }
0x26b: {  	s16 =	simm.s32 $0x20;
	s14 =	simm.s32 $0xA000;
	v11 =	vadd.s32 s11, v6;
	vm0 =	vmor vm1, vm0  }
.LBB2_20:
0x26c: {  	p2 =	sne.s32 s16, $0x2700;
	vm1 =	vgt.s32 v11, $0x0  }
0x26d: {  	v11 =	vnsel vm1, $0x0, v11;
	_ =	sdelay $0x2  }
0x26e: {  	v12 =	vor.u32 s8, v1;
	s8 =	smov.u32 s11;
	s11 =	smov.u32 s16  }
0x26f: {  	[tilespmem:v10+s14+$0x0] =	vst.idx.msk vm0, v12  }
0x270: {  	s0 =	sadd.s32 $0x10, s0;
	v11 =	vld.idx.msk [tilespmem:v11+s17+$0x0], $0xffff  }
0x271: {  	v10 =	vld [tilespmem:s0+$0x0];
	_ =	sdelay $0x1  }
.Ltmp13:
0x272: {  	(pc) =	sbr.rel @p2 .LBB2_20-.Ltmp13, $4  }
0x273: {  	_ = 	snop  }
0x274: {  	v12 =	vmov s8  }
0x275: {  	vm1 =	veq.s32 v12, v1;
	vm0 =	vne.s32 v10, v11  }
0x276: {  	s16 =	sadd.s32 $0x10, s16;
	v11 =	vadd.s32 s11, v6;
	vm0 =	vmor vm1, vm0  }
0x277: {  	vm1 =	vgt.s32 v11, $0x0  }
0x278: {  	v11 =	vnsel vm1, $0x0, v11;
	_ =	sdelay $0x2  }
0x279: {  	v12 =	vor.u32 s8, v1  }
0x27a: {  	[tilespmem:v10+s14+$0x0] =	vst.idx.msk vm0, v12  }
0x27b: {  	s0 =	sadd.s32 $0x10, s0;
	v10 =	vld.idx.msk [tilespmem:v11+s17+$0x0], $0xffff  }
0x27c: {  	v11 =	vld [tilespmem:s0+$0x0];
	_ =	sdelay $0x3  }
0x27d: {  	v34 =	vmov s11  }
0x27e: {  	vm8 =	veq.s32 v34, v1;
	vm7 =	vne.s32 v11, v10  }
0x27f: {  	vm0 =	vmor vm8, vm7;
	_ =	sdelay $0x4  }
0x280: {  	v10 =	vor.u32 s11, v1  }
0x281: {  	[tilespmem:v11+s14+$0x0] =	vst.idx.msk vm0, v10  }
0x282: {  	v10 =	vld [tilespmem:$0xA0F0];
	_ =	sdelay $0x4  }
0x283: {  	v10 =	vperm.xlane v10, v7;
	_ =	sdelay $0x1  }
0x284: {  	v10 =	vsub.s32 $0x80000000, v10  }
0x285: {  	(xrf0) =	vmax.scan.msk.u32 $0xffff, v10;
	_ =	sdelay $0x5  }
0x286: {  	v10, _, _ =	vpop (xrf0)  }
0x287: {  	v10 =	vxor.u32 $0x7FFFFFFF, v10  }
0x288: {  	v10 =	vadd.s32 $0x1, v10  }
0x289: {  	vm9 =	vlt.s32 v10, $0x2710  }
0x28a: {  	v10 =	vnsel vm9, $0x2710, v10  }
0x28b: {  	v11 =	vxor.u32 $0x80000000, v10  }
0x28c: {  	(xrf0) =	vmin.scan.msk.u32 $0xffff, v11;
	_ =	sdelay $0x5  }
0x28d: {  	v11, _, _ =	vpop (xrf0)  }
0x28e: {  	(v2sf) =	vpush v11, $0xF;
	v11 =	vld [tilespmem:$0xA0E0];
	_ =	sdelay $0x4  }
0x28f: {  	v11 =	vperm.xlane v11, v7;
	_ =	sdelay $0x1  }
0x290: {  	v11 =	vsub.s32 $0x80000000, v11  }
0x291: {  	(xrf0) =	vmax.scan.msk.u32 $0xffff, v11;
	_ =	sdelay $0x5  }
0x292: {  	v11, _, _ =	vpop (xrf0)  }
0x293: {  	s8 =	spop (v2sf);
	v11 =	vxor.u32 $0x7FFFFFFF, v11  }
0x294: {  	s0 =	sxor.u32 $0x80000000, s8;
	v11 =	vadd.s32 $0x1, v11  }
0x295: {  	vm10 =	vlt.s32 v11, s0  }
0x296: {  	v11 =	vnsel vm10, s0, v11  }
0x297: {  	v35 =	vxor.u32 $0x80000000, v11  }
0x298: {  	(xrf0) =	vmin.scan.msk.u32 $0xffff, v35;
	_ =	sdelay $0x5  }
0x299: {  	v12, _, _ =	vpop (xrf0)  }
0x29a: {  	v36 =	vld [tilespmem:$0xA0D0];
	(v2sf) =	vpush v12, $0xF;
	_ =	sdelay $0x4  }
0x29b: {  	v12 =	vperm.xlane v36, v7;
	_ =	sdelay $0x1  }
0x29c: {  	v12 =	vsub.s32 $0x80000000, v12  }
0x29d: {  	(xrf0) =	vmax.scan.msk.u32 $0xffff, v12;
	_ =	sdelay $0x5  }
0x29e: {  	v12, _, _ =	vpop (xrf0)  }
0x29f: {  	v12 =	vxor.u32 $0x7FFFFFFF, v12;
	s11 =	spop (v2sf)  }
0x2a0: {  	v12 =	vadd.s32 $0x1, v12;
	s0 =	sxor.u32 $0x80000000, s11  }
0x2a1: {  	vm11 =	vlt.s32 v12, s0  }
0x2a2: {  	v12 =	vnsel vm11, s0, v12  }
0x2a3: {  	v13 =	vxor.u32 $0x80000000, v12  }
0x2a4: {  	(xrf0) =	vmin.scan.msk.u32 $0xffff, v13;
	_ =	sdelay $0x5  }
0x2a5: {  	v13, _, _ =	vpop (xrf0)  }
0x2a6: {  	v37 =	vld [tilespmem:$0xA0C0];
	(v2sf) =	vpush v13, $0xF;
	_ =	sdelay $0x4  }
0x2a7: {  	v13 =	vperm.xlane v37, v7;
	_ =	sdelay $0x1  }
0x2a8: {  	v13 =	vsub.s32 $0x80000000, v13  }
0x2a9: {  	(xrf0) =	vmax.scan.msk.u32 $0xffff, v13;
	_ =	sdelay $0x5  }
0x2aa: {  	v13, _, _ =	vpop (xrf0)  }
0x2ab: {  	v13 =	vxor.u32 $0x7FFFFFFF, v13;
	s16 =	spop (v2sf)  }
0x2ac: {  	v13 =	vadd.s32 $0x1, v13;
	s0 =	sxor.u32 $0x80000000, s16  }
0x2ad: {  	vm12 =	vlt.s32 v13, s0  }
0x2ae: {  	v13 =	vnsel vm12, s0, v13  }
0x2af: {  	v14 =	vxor.u32 $0x80000000, v13  }
0x2b0: {  	(xrf0) =	vmin.scan.msk.u32 $0xffff, v14;
	_ =	sdelay $0x5  }
0x2b1: {  	v14, _, _ =	vpop (xrf0)  }
0x2b2: {  	v38 =	vld [tilespmem:$0xA0B0];
	(v2sf) =	vpush v14, $0xF;
	_ =	sdelay $0x4  }
0x2b3: {  	v14 =	vperm.xlane v38, v7;
	_ =	sdelay $0x1  }
0x2b4: {  	v14 =	vsub.s32 $0x80000000, v14  }
0x2b5: {  	(xrf0) =	vmax.scan.msk.u32 $0xffff, v14;
	_ =	sdelay $0x5  }
0x2b6: {  	v14, _, _ =	vpop (xrf0)  }
0x2b7: {  	v14 =	vxor.u32 $0x7FFFFFFF, v14;
	s25 =	spop (v2sf)  }
0x2b8: {  	v14 =	vadd.s32 $0x1, v14;
	s0 =	sxor.u32 $0x80000000, s25  }
0x2b9: {  	vm13 =	vlt.s32 v14, s0  }
0x2ba: {  	v14 =	vnsel vm13, s0, v14  }
0x2bb: {  	v15 =	vxor.u32 $0x80000000, v14  }
0x2bc: {  	(xrf0) =	vmin.scan.msk.u32 $0xffff, v15;
	_ =	sdelay $0x5  }
0x2bd: {  	v15, _, _ =	vpop (xrf0)  }
0x2be: {  	v39 =	vld [tilespmem:$0xA0A0];
	(v2sf) =	vpush v15, $0xF;
	_ =	sdelay $0x4  }
0x2bf: {  	v15 =	vperm.xlane v39, v7;
	_ =	sdelay $0x1  }
0x2c0: {  	v15 =	vsub.s32 $0x80000000, v15  }
0x2c1: {  	(xrf0) =	vmax.scan.msk.u32 $0xffff, v15;
	_ =	sdelay $0x5  }
0x2c2: {  	v15, _, _ =	vpop (xrf0)  }
0x2c3: {  	v15 =	vxor.u32 $0x7FFFFFFF, v15;
	s28 =	spop (v2sf)  }
0x2c4: {  	v15 =	vadd.s32 $0x1, v15;
	s0 =	sxor.u32 $0x80000000, s28  }
0x2c5: {  	vm14 =	vlt.s32 v15, s0  }
0x2c6: {  	v15 =	vnsel vm14, s0, v15  }
0x2c7: {  	v16 =	vxor.u32 $0x80000000, v15  }
0x2c8: {  	(xrf0) =	vmin.scan.msk.u32 $0xffff, v16;
	_ =	sdelay $0x5  }
0x2c9: {  	v16, _, _ =	vpop (xrf0)  }
0x2ca: {  	v40 =	vld [tilespmem:$0xA090];
	(v2sf) =	vpush v16, $0xF;
	_ =	sdelay $0x4  }
0x2cb: {  	v16 =	vperm.xlane v40, v7;
	_ =	sdelay $0x1  }
0x2cc: {  	v16 =	vsub.s32 $0x80000000, v16  }
0x2cd: {  	(xrf0) =	vmax.scan.msk.u32 $0xffff, v16;
	_ =	sdelay $0x5  }
0x2ce: {  	v16, _, _ =	vpop (xrf0)  }
0x2cf: {  	v16 =	vxor.u32 $0x7FFFFFFF, v16;
	s8 =	spop (v2sf)  }
0x2d0: {  	v16 =	vadd.s32 $0x1, v16;
	s0 =	sxor.u32 $0x80000000, s8  }
0x2d1: {  	vm15 =	vlt.s32 v16, s0  }
0x2d2: {  	v16 =	vnsel vm15, s0, v16  }
0x2d3: {  	v17 =	vxor.u32 $0x80000000, v16  }
0x2d4: {  	(xrf0) =	vmin.scan.msk.u32 $0xffff, v17;
	_ =	sdelay $0x5  }
0x2d5: {  	v17, _, _ =	vpop (xrf0)  }
0x2d6: {  	v41 =	vld [tilespmem:$0xA080];
	(v2sf) =	vpush v17, $0xF;
	_ =	sdelay $0x4  }
0x2d7: {  	v17 =	vperm.xlane v41, v7;
	_ =	sdelay $0x1  }
0x2d8: {  	v17 =	vsub.s32 $0x80000000, v17  }
0x2d9: {  	(xrf0) =	vmax.scan.msk.u32 $0xffff, v17;
	_ =	sdelay $0x5  }
0x2da: {  	v17, _, _ =	vpop (xrf0)  }
0x2db: {  	v17 =	vxor.u32 $0x7FFFFFFF, v17;
	s11 =	spop (v2sf)  }
0x2dc: {  	v17 =	vadd.s32 $0x1, v17;
	s0 =	sxor.u32 $0x80000000, s11  }
0x2dd: {  	vm4 =	vlt.s32 v17, s0  }
0x2de: {  	v17 =	vnsel vm4, s0, v17  }
0x2df: {  	v18 =	vxor.u32 $0x80000000, v17  }
0x2e0: {  	(xrf0) =	vmin.scan.msk.u32 $0xffff, v18;
	_ =	sdelay $0x5  }
0x2e1: {  	v18, _, _ =	vpop (xrf0)  }
0x2e2: {  	v42 =	vld [tilespmem:$0xA070];
	(v2sf) =	vpush v18, $0xF;
	_ =	sdelay $0x4  }
0x2e3: {  	v18 =	vperm.xlane v42, v7;
	_ =	sdelay $0x1  }
0x2e4: {  	v18 =	vsub.s32 $0x80000000, v18  }
0x2e5: {  	(xrf0) =	vmax.scan.msk.u32 $0xffff, v18;
	_ =	sdelay $0x5  }
0x2e6: {  	v18, _, _ =	vpop (xrf0)  }
0x2e7: {  	v18 =	vxor.u32 $0x7FFFFFFF, v18;
	s16 =	spop (v2sf)  }
0x2e8: {  	v18 =	vadd.s32 $0x1, v18;
	s0 =	sxor.u32 $0x80000000, s16  }
0x2e9: {  	vm5 =	vlt.s32 v18, s0  }
0x2ea: {  	v18 =	vnsel vm5, s0, v18  }
0x2eb: {  	v19 =	vxor.u32 $0x80000000, v18  }
0x2ec: {  	(xrf0) =	vmin.scan.msk.u32 $0xffff, v19;
	_ =	sdelay $0x5  }
0x2ed: {  	v19, _, _ =	vpop (xrf0)  }
0x2ee: {  	v43 =	vld [tilespmem:$0xA060];
	(v2sf) =	vpush v19, $0xF;
	_ =	sdelay $0x4  }
0x2ef: {  	v19 =	vperm.xlane v43, v7;
	_ =	sdelay $0x1  }
0x2f0: {  	v19 =	vsub.s32 $0x80000000, v19  }
0x2f1: {  	(xrf0) =	vmax.scan.msk.u32 $0xffff, v19;
	_ =	sdelay $0x5  }
0x2f2: {  	v19, _, _ =	vpop (xrf0)  }
0x2f3: {  	v19 =	vxor.u32 $0x7FFFFFFF, v19;
	s25 =	spop (v2sf)  }
0x2f4: {  	v19 =	vadd.s32 $0x1, v19;
	s0 =	sxor.u32 $0x80000000, s25  }
0x2f5: {  	vm6 =	vlt.s32 v19, s0  }
0x2f6: {  	v19 =	vnsel vm6, s0, v19  }
0x2f7: {  	v20 =	vxor.u32 $0x80000000, v19  }
0x2f8: {  	(xrf0) =	vmin.scan.msk.u32 $0xffff, v20;
	_ =	sdelay $0x5  }
0x2f9: {  	v20, _, _ =	vpop (xrf0)  }
0x2fa: {  	v44 =	vld [tilespmem:$0xA050];
	(v2sf) =	vpush v20, $0xF;
	_ =	sdelay $0x4  }
0x2fb: {  	v20 =	vperm.xlane v44, v7;
	_ =	sdelay $0x1  }
0x2fc: {  	v20 =	vsub.s32 $0x80000000, v20  }
0x2fd: {  	(xrf0) =	vmax.scan.msk.u32 $0xffff, v20;
	_ =	sdelay $0x5  }
0x2fe: {  	v20, _, _ =	vpop (xrf0)  }
0x2ff: {  	v20 =	vxor.u32 $0x7FFFFFFF, v20;
	s28 =	spop (v2sf)  }
0x300: {  	v20 =	vadd.s32 $0x1, v20;
	s0 =	sxor.u32 $0x80000000, s28  }
0x301: {  	vm7 =	vlt.s32 v20, s0  }
0x302: {  	v20 =	vnsel vm7, s0, v20  }
0x303: {  	v21 =	vxor.u32 $0x80000000, v20  }
0x304: {  	(xrf0) =	vmin.scan.msk.u32 $0xffff, v21;
	_ =	sdelay $0x5  }
0x305: {  	v21, _, _ =	vpop (xrf0)  }
0x306: {  	v45 =	vld [tilespmem:$0xA040];
	(v2sf) =	vpush v21, $0xF;
	_ =	sdelay $0x4  }
0x307: {  	v21 =	vperm.xlane v45, v7;
	_ =	sdelay $0x1  }
0x308: {  	v21 =	vsub.s32 $0x80000000, v21  }
0x309: {  	(xrf0) =	vmax.scan.msk.u32 $0xffff, v21;
	_ =	sdelay $0x5  }
0x30a: {  	v21, _, _ =	vpop (xrf0)  }
0x30b: {  	v21 =	vxor.u32 $0x7FFFFFFF, v21;
	s8 =	spop (v2sf)  }
0x30c: {  	v21 =	vadd.s32 $0x1, v21;
	s0 =	sxor.u32 $0x80000000, s8  }
0x30d: {  	vm8 =	vlt.s32 v21, s0  }
0x30e: {  	v21 =	vnsel vm8, s0, v21  }
0x30f: {  	v22 =	vxor.u32 $0x80000000, v21  }
0x310: {  	(xrf0) =	vmin.scan.msk.u32 $0xffff, v22;
	_ =	sdelay $0x5  }
0x311: {  	v22, _, _ =	vpop (xrf0)  }
0x312: {  	v46 =	vld [tilespmem:$0xA030];
	(v2sf) =	vpush v22, $0xF;
	_ =	sdelay $0x4  }
0x313: {  	v22 =	vperm.xlane v46, v7;
	_ =	sdelay $0x1  }
0x314: {  	v22 =	vsub.s32 $0x80000000, v22  }
0x315: {  	(xrf0) =	vmax.scan.msk.u32 $0xffff, v22;
	_ =	sdelay $0x5  }
0x316: {  	v22, _, _ =	vpop (xrf0)  }
0x317: {  	v22 =	vxor.u32 $0x7FFFFFFF, v22;
	s11 =	spop (v2sf)  }
0x318: {  	v22 =	vadd.s32 $0x1, v22;
	s0 =	sxor.u32 $0x80000000, s11  }
0x319: {  	vm9 =	vlt.s32 v22, s0  }
0x31a: {  	v22 =	vnsel vm9, s0, v22  }
0x31b: {  	v23 =	vxor.u32 $0x80000000, v22  }
0x31c: {  	(xrf0) =	vmin.scan.msk.u32 $0xffff, v23;
	_ =	sdelay $0x5  }
0x31d: {  	v23, _, _ =	vpop (xrf0)  }
0x31e: {  	v47 =	vld [tilespmem:$0xA020];
	(v2sf) =	vpush v23, $0xF;
	_ =	sdelay $0x4  }
0x31f: {  	v23 =	vperm.xlane v47, v7;
	_ =	sdelay $0x1  }
0x320: {  	v23 =	vsub.s32 $0x80000000, v23  }
0x321: {  	(xrf0) =	vmax.scan.msk.u32 $0xffff, v23;
	_ =	sdelay $0x5  }
0x322: {  	v23, _, _ =	vpop (xrf0)  }
0x323: {  	v23 =	vxor.u32 $0x7FFFFFFF, v23;
	s16 =	spop (v2sf)  }
0x324: {  	v23 =	vadd.s32 $0x1, v23;
	s0 =	sxor.u32 $0x80000000, s16  }
0x325: {  	vm10 =	vlt.s32 v23, s0  }
0x326: {  	v23 =	vnsel vm10, s0, v23  }
0x327: {  	v24 =	vxor.u32 $0x80000000, v23  }
0x328: {  	(xrf0) =	vmin.scan.msk.u32 $0xffff, v24;
	_ =	sdelay $0x5  }
0x329: {  	v24, _, _ =	vpop (xrf0)  }
0x32a: {  	v48 =	vld [tilespmem:$0xA010];
	(v2sf) =	vpush v24, $0xF;
	_ =	sdelay $0x4  }
0x32b: {  	v24 =	vperm.xlane v48, v7;
	_ =	sdelay $0x1  }
0x32c: {  	v24 =	vsub.s32 $0x80000000, v24  }
0x32d: {  	(xrf0) =	vmax.scan.msk.u32 $0xffff, v24;
	_ =	sdelay $0x5  }
0x32e: {  	v24, _, _ =	vpop (xrf0)  }
0x32f: {  	v24 =	vxor.u32 $0x7FFFFFFF, v24;
	s25 =	spop (v2sf)  }
0x330: {  	v24 =	vadd.s32 $0x1, v24;
	s0 =	sxor.u32 $0x80000000, s25  }
0x331: {  	vm11 =	vlt.s32 v24, s0  }
0x332: {  	v24 =	vnsel vm11, s0, v24  }
0x333: {  	v25 =	vxor.u32 $0x80000000, v24  }
0x334: {  	(xrf0) =	vmin.scan.msk.u32 $0xffff, v25;
	_ =	sdelay $0x5  }
0x335: {  	v25, _, _ =	vpop (xrf0)  }
0x336: {  	v49 =	vld [tilespmem:$0xA000];
	(v2sf) =	vpush v25, $0xF;
	_ =	sdelay $0x1  }
0x337: {  	v10 =	vperm.xlane v10, v7  }
0x338: {  	v11 =	vperm.xlane v11, v7  }
0x339: {  	v12 =	vperm.xlane v12, v7;
	vm12 =	vlt.s32 v10, $0x270F;
	v13 =	vperm.xlane v13, v7  }
0x33a: {  	v10 =	vnsel vm12, $0x270F, v10;
	vm13 =	vlt.s32 v11, $0x270F;
	v25 =	vperm.xlane v49, v7  }
0x33b: {  	[tilespmem:$0xA0F0] =	vst v10;
	v11 =	vnsel vm13, $0x270F, v11;
	v10 =	vperm.xlane v14, v7  }
0x33c: {  	vm14 =	vlt.s32 v12, $0x270F;
	vm15 =	vlt.s32 v13, $0x270F;
	v50 =	vsub.s32 $0x80000000, v25  }
0x33d: {  	v12 =	vnsel vm14, $0x270F, v12;
	v51 =	vperm.xlane v15, v7;
	v13 =	vnsel vm15, $0x270F, v13;
	(xrf0) =	vmax.scan.msk.u32 $0xffff, v50  }
0x33e: {  	[tilespmem:$0xA0E0] =	vst v11;
	v11 =	vperm.xlane v16, v7;
	vm4 =	vlt.s32 v10, $0x270F;
	v53 =	vperm.xlane v18, v7  }
0x33f: {  	[tilespmem:$0xA0D0] =	vst v12;
	v52 =	vperm.xlane v17, v7;
	v10 =	vnsel vm4, $0x270F, v10;
	vm5 =	vlt.s32 v51, $0x270F  }
0x340: {  	[tilespmem:$0xA0C0] =	vst v13;
	v54 =	vnsel vm5, $0x270F, v51;
	vm2 =	vlt.s32 v53, $0x270F;
	vm6 =	vlt.s32 v11, $0x270F  }
0x341: {  	[tilespmem:$0xA0B0] =	vst v10;
	v10 =	vperm.xlane v19, v7;
	vm7 =	vlt.s32 v52, $0x270F;
	v55 =	vperm.xlane v20, v7  }
0x342: {  	[tilespmem:$0xA0A0] =	vst v54;
	v12 =	vnsel vm2, $0x270F, v53;
	v11 =	vnsel vm6, $0x270F, v11;
	v56 =	vnsel vm7, $0x270F, v52  }
0x343: {  	[tilespmem:$0xA090] =	vst v11;
	vm8 =	vlt.s32 v10, $0x270F;
	v11 =	vperm.xlane v21, v7;
	vm9 =	vlt.s32 v55, $0x270F;
	v57, _, _ =	vpop (xrf0)  }
0x344: {  	[tilespmem:$0xA070] =	vst v12;
	v10 =	vnsel vm8, $0x270F, v10;
	v58 =	vnsel vm9, $0x270F, v55;
	v59 =	vxor.u32 $0x7FFFFFFF, v57;
	s28 =	spop (v2sf)  }
0x345: {  	[tilespmem:$0xA080] =	vst v56;
	v60 =	vperm.xlane v22, v7;
	vm10 =	vlt.s32 v11, $0x270F;
	v14 =	vadd.s32 $0x1, v59;
	s0 =	sxor.u32 $0x80000000, s28  }
0x346: {  	[tilespmem:$0xA060] =	vst v10;
	v10 =	vnsel vm10, $0x270F, v11;
	v11 =	vperm.xlane v23, v7;
	vm11 =	vlt.s32 v14, s0  }
0x347: {  	[tilespmem:$0xA050] =	vst v58;
	vm12 =	vlt.s32 v60, $0x270F;
	v62 =	vperm.xlane v24, v7;
	v61 =	vnsel vm11, s0, v14  }
0x348: {  	[tilespmem:$0xA040] =	vst v10;
	v10 =	vnsel vm12, $0x270F, v60;
	vm13 =	vlt.s32 v11, $0x270F;
	v63 =	vperm.xlane v61, v7  }
0x349: {  	[tilespmem:$0xA030] =	vst v10;
	v10 =	vnsel vm13, $0x270F, v11;
	vm14 =	vlt.s32 v62, $0x270F  }
0x34a: {  	[tilespmem:$0xA020] =	vst v10;
	v10 =	vnsel vm14, $0x270F, v62;
	vm15 =	vlt.s32 v63, $0x270F  }
0x34b: {  	[tilespmem:$0xA010] =	vst v10;
	v10 =	vnsel vm15, $0x270F, v63  }
0x34c: {  	s8 =	simm.s32 $0x0;
	s0 =	simm.s32 $0x0;
	[tilespmem:$0xA000] =	vst v10  }
.LBB2_22:
0x34d: {  	p2 =	sne.s32 s8, $0x9FC0  }
.Ltmp14:
0x34e: {  	_ = 	snop;
	(pc) =	sbr.rel @p2 .LBB2_22-.Ltmp14, $3  }
0x34f: {  	_ =	sdelay $0x1  }
0x350: {  	s11 =	sshra.s32 s8, $0x2  }
0x351: {  	s8 =	sadd.s32 $0x40, s8;
	[tilespmem:s11+$0x16F00] =	vst v8  }
0x352: {  	v10 =	vadd.s32 s0, v6  }
0x353: {  	vm0 =	vgt.s32 v10, $0x0  }
0x354: {  	v10 =	vnsel vm0, $0x0, v10;
	_ =	sdelay $0x4  }
0x355: {  	s11 =	simm.s32 $0xA000;
	v11 =	vld.idx.msk [tilespmem:v10+s14+$0x0], $0xffff  }
0x356: {  	v10 =	vld [tilespmem:s11+$0x0];
	_ =	sdelay $0x3  }
0x357: {  	v12 =	vmov s0  }
0x358: {  	s8 =	simm.s32 $0x10;
	vm1 =	veq.s32 v12, v1;
	vm0 =	vne.s32 v10, v11  }
0x359: {  	s16 =	simm.s32 $0x20;
	v11 =	vadd.s32 s8, v6;
	vm0 =	vmor vm1, vm0  }
.LBB2_24:
0x35a: {  	p2 =	sne.s32 s16, $0xF0;
	vm1 =	vgt.s32 v11, $0x0  }
0x35b: {  	v11 =	vnsel vm1, $0x0, v11;
	_ =	sdelay $0x2  }
0x35c: {  	v12 =	vor.u32 s0, v1;
	s0 =	smov.u32 s8;
	s8 =	smov.u32 s16  }
0x35d: {  	[tilespmem:v10+s17+$0x0] =	vst.idx.msk vm0, v12  }
0x35e: {  	s11 =	sadd.s32 $0x10, s11;
	v11 =	vld.idx.msk [tilespmem:v11+s14+$0x0], $0xffff  }
0x35f: {  	v10 =	vld [tilespmem:s11+$0x0];
	_ =	sdelay $0x1  }
.Ltmp15:
0x360: {  	(pc) =	sbr.rel @p2 .LBB2_24-.Ltmp15, $4  }
0x361: {  	_ = 	snop  }
0x362: {  	v12 =	vmov s0  }
0x363: {  	vm1 =	veq.s32 v12, v1;
	vm0 =	vne.s32 v10, v11  }
0x364: {  	s16 =	sadd.s32 $0x10, s16;
	v11 =	vadd.s32 s8, v6;
	vm0 =	vmor vm1, vm0  }
0x365: {  	vm1 =	vgt.s32 v11, $0x0  }
0x366: {  	v11 =	vnsel vm1, $0x0, v11;
	_ =	sdelay $0x2  }
0x367: {  	v12 =	vor.u32 s0, v1  }
0x368: {  	[tilespmem:v10+s17+$0x0] =	vst.idx.msk vm0, v12  }
0x369: {  	s25 =	sadd.s32 $0x10, s11;
	v10 =	vld.idx.msk [tilespmem:v11+s14+$0x0], $0xffff  }
0x36a: {  	v11 =	vld [tilespmem:s25+$0x0];
	_ =	sdelay $0x3  }
0x36b: {  	v63 =	vmov s8  }
0x36c: {  	vm15 =	veq.s32 v63, v1;
	vm14 =	vne.s32 v11, v10  }
0x36d: {  	vm0 =	vmor vm15, vm14;
	_ =	sdelay $0x4  }
0x36e: {  	v10 =	vor.u32 s8, v1  }
0x36f: {  	s28 =	rddreg [dreg:$0x7];
	[tilespmem:v11+s17+$0x0] =	vst.idx.msk vm0, v10  }
0x370: {  	[spmem:s28] =	stream.linear.scatter [tilespmem:s17], [sflag:$0x3], $0x2800, $0x38;
	[tilespmem:$0x1DCA0] =	vst v63  }
0x371: {  	_ =	swait.ge [sflag:s10], $0x2800  }
0x372: {  	[sflag:s10] =	ssyncset.done $0x0  }
0x373: {  	[sflag:s10] =	ssyncadd.s32 $0xFFFFD800  }
.LBB2_26:
0x374: {  	[bflag:$0x0] =	sbarrier.arrive $0xFFFF  }
0x375: {  	s0 =	rddreg [dreg:$0x7]  }
0x376: {  	[tilespmem:s17], [sflag:$0x3] =	stream.linear.gather [spmem:s0], $0x2800, $0x38;
	[tilespmem:$0x1DCA0] =	vst v63  }
0x377: {  	_ =	swait.ge [sflag:s10], $0x2800  }
0x378: {  	s8 =	sld [smem:$0x7FB]  }
0x379: {  	[sflag:s10] =	ssyncset.done $0x0  }
.Ltmp16:
0x37a: {  	s28 =	simm.s32 $0xD8C0;
	[sflag:s10] =	ssyncadd.s32 $0xFFFFD800;
	(pc) =	sbr.rel .LBB2_27-.Ltmp16, $4  }
0x37b: {  	[tilespmem:s28], [sflag:$0x3] =	stream.strided.gather [hbm4b:s8+s18], $0x100, s29, s18, $0x38;
	[tilespmem:$0x1DCA0] =	vst v63  }
0x37c: {  	_ =	swait.ge [sflag:s10], $0x100  }
0x37d: {  	[sflag:s10] =	ssyncset.done $0x0  }
0x37e: {  	s25 =	simm.s32 $0x0;
	s0 =	simm.s32 $0x0;
	[sflag:s10] =	ssyncadd.s32 $0xFFFFFF00  }
.LBB2_31:
0x37f: {  	s8 =	simm.s32 @!p2 $0x2  }
0x380: {  	_ =	swait.ge @!p2 [sflag:s8], $0x100  }
0x381: {  	[sflag:s8] =	ssyncset.done @!p2 $0x0  }
0x382: {  	[sflag:s8] =	ssyncadd.s32 @!p2 $0xFFFFFF00  }
0x383: {  	v10 =	vld @!p2 [tilespmem:$0xD9C0]  }
0x384: {  	v11 =	vld @!p2 [tilespmem:$0xDA40]  }
0x385: {  	v12 =	vld @!p2 [tilespmem:$0xD9D0]  }
0x386: {  	v13 =	vld @!p2 [tilespmem:$0xDA50]  }
0x387: {  	v14 =	vld @!p2 [tilespmem:$0xD9E0]  }
0x388: {  	[tilespmem:$0xD8C0] =	vst @!p2 v10;
	v10 =	vld @!p2 [tilespmem:$0xDA60]  }
0x389: {  	[tilespmem:$0xD940] =	vst @!p2 v11;
	v11 =	vld @!p2 [tilespmem:$0xD9F0]  }
0x38a: {  	[tilespmem:$0xD8D0] =	vst @!p2 v12;
	v12 =	vld @!p2 [tilespmem:$0xDA70]  }
0x38b: {  	[tilespmem:$0xD950] =	vst @!p2 v13;
	v13 =	vld @!p2 [tilespmem:$0xDA00]  }
0x38c: {  	[tilespmem:$0xD8E0] =	vst @!p2 v14;
	v14 =	vld @!p2 [tilespmem:$0xDA80]  }
0x38d: {  	[tilespmem:$0xD960] =	vst @!p2 v10;
	v10 =	vld @!p2 [tilespmem:$0xDA10]  }
0x38e: {  	[tilespmem:$0xD8F0] =	vst @!p2 v11;
	v11 =	vld @!p2 [tilespmem:$0xDA90]  }
0x38f: {  	[tilespmem:$0xD970] =	vst @!p2 v12;
	v12 =	vld @!p2 [tilespmem:$0xDA20]  }
0x390: {  	[tilespmem:$0xD900] =	vst @!p2 v13;
	v13 =	vld @!p2 [tilespmem:$0xDAA0]  }
0x391: {  	p3 =	sne.s32 @!p2 s25, $0x9E;
	[tilespmem:$0xD980] =	vst @!p2 v14;
	v14 =	vld @!p2 [tilespmem:$0xDA30]  }
0x392: {  	p3 =	por p2, !p3;
	[tilespmem:$0xD910] =	vst @!p2 v10;
	v10 =	vld @!p2 [tilespmem:$0xDAB0]  }
.Ltmp17:
0x393: {  	[tilespmem:$0xD990] =	vst @!p2 v11;
	(pc) =	sbr.rel @p3 .LBB2_32-.Ltmp17, $4  }
0x394: {  	[tilespmem:$0xD920] =	vst @!p2 v12  }
0x395: {  	[tilespmem:$0xD9A0] =	vst @!p2 v13  }
0x396: {  	p4 =	sgt.s32 s0, $0xFFF;
	s8 =	sand.u32 $0x7F, s0;
	[tilespmem:$0xD930] =	vst @!p2 v14  }
0x397: {  	s0 =	smov.u32 @p4 s8;
	[tilespmem:$0xD9B0] =	vst @!p2 v10  }
.LBB2_27:
0x398: {  	s8 =	smov.u32 s25  }
0x399: {  	s25 =	sadd.s32 $0x1, s25;
	p2 =	seq.s32 s8, $0x9D  }
0x39a: {  	s8 =	sshll.u32 @!p2 s25, $0x7  }
0x39b: {  	s8 =	sadd.s32 @!p2 s8, s26  }
0x39c: {  	s11 =	simm.s32 @!p2 $0x80;
	s8 =	sshrl.u32 @!p2 s8, $0x3  }
0x39d: {  	s14 =	simm.s32 @!p2 $0x4F000;
	s16 =	simm.s32 @!p2 $0xD9C0;
	s8 =	sadd.s32 @!p2 s9, s8  }
0x39e: {  	[tilespmem:s16], [sflag:$0x2] =	stream.strided.gather @!p2 [hbm4b:s8+s11], $0x100, s14, s11, $0x38;
	[tilespmem:$0x1DCA0] =	vst v63  }
0x39f: {  	v10 =	vld [tilespmem:$0xD940];
	_ =	sdelay $0x6  }
0x3a0: {  	v11 =	vld [tilespmem:$0xD8C0]  }
0x3a1: {  	v10 =	vld.idx.msk [tilespmem:v10+s17+$0x0], $0xffff;
	_ =	sdelay $0x4  }
0x3a2: {  	v11 =	vadd.s32 v0, v11;
	vm0 =	vgt.s32 v10, $0xFFFFFFFF  }
0x3a3: {  	v12 =	vsel vm0, $0x1, v9;
	[tilespmem:s0+$0x11C00] =	vst.msk vm0, v11  }
0x3a4: {  	(xrf0) =	vadd.scan.msk.s32 $0xffff, v12;
	[tilespmem:s0+$0x10B80] =	vst.msk vm0, v10  }
0x3a5: {  	v10 =	vld [tilespmem:$0xD950];
	_ =	sdelay $0x4  }
0x3a6: {  	v11, _, _ =	vpop (xrf0)  }
0x3a7: {  	(v2sf) =	vpush v11, $0xF;
	_ =	sdelay $0x1  }
0x3a8: {  	v10 =	vld.idx.msk [tilespmem:v10+s17+$0x0], $0xffff;
	_ =	sdelay $0x4  }
0x3a9: {  	vm9 =	vgt.s32 v10, $0xFFFFFFFF  }
0x3aa: {  	v11 =	vsel vm9, $0x1, v9  }
0x3ab: {  	(xrf0) =	vadd.scan.msk.s32 $0xffff, v11;
	_ =	sdelay $0x1  }
0x3ac: {  	v11 =	vld [tilespmem:$0xD8D0];
	_ =	sdelay $0x3  }
0x3ad: {  	s28 =	spop (v2sf);
	v59, _, _ =	vpop (xrf0)  }
0x3ae: {  	v11 =	vadd.s32 v0, v11;
	s11 =	sadd.s32 s0, s28;
	(v2sf) =	vpush v59, $0xF  }
0x3af: {  	[tilespmem:s11+$0x11C00] =	vst.msk vm9, v11  }
0x3b0: {  	[tilespmem:s11+$0x10B80] =	vst.msk vm9, v10  }
0x3b1: {  	v10 =	vld [tilespmem:$0xD960];
	_ =	sdelay $0x6  }
0x3b2: {  	v11 =	vld [tilespmem:$0xD8E0]  }
0x3b3: {  	v10 =	vld.idx.msk [tilespmem:v10+s17+$0x0], $0xffff;
	_ =	sdelay $0x3  }
0x3b4: {  	s14 =	spop (v2sf)  }
0x3b5: {  	v11 =	vadd.s32 v0, v11;
	vm10 =	vgt.s32 v10, $0xFFFFFFFF;
	s0 =	sadd.s32 s11, s14  }
0x3b6: {  	v60 =	vsel vm10, $0x1, v9;
	[tilespmem:s0+$0x11C00] =	vst.msk vm10, v11  }
0x3b7: {  	(xrf0) =	vadd.scan.msk.s32 $0xffff, v60;
	[tilespmem:s0+$0x10B80] =	vst.msk vm10, v10  }
0x3b8: {  	v10 =	vld [tilespmem:$0xD970];
	_ =	sdelay $0x4  }
0x3b9: {  	v11, _, _ =	vpop (xrf0)  }
0x3ba: {  	(v2sf) =	vpush v11, $0xF;
	_ =	sdelay $0x1  }
0x3bb: {  	v10 =	vld.idx.msk [tilespmem:v10+s17+$0x0], $0xffff;
	_ =	sdelay $0x4  }
0x3bc: {  	vm11 =	vgt.s32 v10, $0xFFFFFFFF  }
0x3bd: {  	v11 =	vsel vm11, $0x1, v9  }
0x3be: {  	(xrf0) =	vadd.scan.msk.s32 $0xffff, v11;
	_ =	sdelay $0x1  }
0x3bf: {  	v11 =	vld [tilespmem:$0xD8F0];
	_ =	sdelay $0x3  }
0x3c0: {  	s16 =	spop (v2sf);
	v61, _, _ =	vpop (xrf0)  }
0x3c1: {  	v11 =	vadd.s32 v0, v11;
	s0 =	sadd.s32 s0, s16;
	(v2sf) =	vpush v61, $0xF  }
0x3c2: {  	[tilespmem:s0+$0x11C00] =	vst.msk vm11, v11  }
0x3c3: {  	[tilespmem:s0+$0x10B80] =	vst.msk vm11, v10  }
0x3c4: {  	v10 =	vld [tilespmem:$0xD980];
	_ =	sdelay $0x6  }
0x3c5: {  	v11 =	vld [tilespmem:$0xD900]  }
0x3c6: {  	v10 =	vld.idx.msk [tilespmem:v10+s17+$0x0], $0xffff;
	_ =	sdelay $0x3  }
0x3c7: {  	s28 =	spop (v2sf)  }
0x3c8: {  	v11 =	vadd.s32 v0, v11;
	vm12 =	vgt.s32 v10, $0xFFFFFFFF;
	s0 =	sadd.s32 s0, s28  }
0x3c9: {  	v62 =	vsel vm12, $0x1, v9;
	[tilespmem:s0+$0x11C00] =	vst.msk vm12, v11  }
0x3ca: {  	(xrf0) =	vadd.scan.msk.s32 $0xffff, v62;
	[tilespmem:s0+$0x10B80] =	vst.msk vm12, v10  }
0x3cb: {  	v10 =	vld [tilespmem:$0xD990];
	_ =	sdelay $0x4  }
0x3cc: {  	v11, _, _ =	vpop (xrf0)  }
0x3cd: {  	(v2sf) =	vpush v11, $0xF;
	_ =	sdelay $0x1  }
0x3ce: {  	v10 =	vld.idx.msk [tilespmem:v10+s17+$0x0], $0xffff;
	_ =	sdelay $0x4  }
0x3cf: {  	vm13 =	vgt.s32 v10, $0xFFFFFFFF  }
0x3d0: {  	v11 =	vsel vm13, $0x1, v9  }
0x3d1: {  	(xrf0) =	vadd.scan.msk.s32 $0xffff, v11;
	_ =	sdelay $0x1  }
0x3d2: {  	v11 =	vld [tilespmem:$0xD910];
	_ =	sdelay $0x3  }
0x3d3: {  	s11 =	spop (v2sf);
	v63, _, _ =	vpop (xrf0)  }
0x3d4: {  	v11 =	vadd.s32 v0, v11;
	s0 =	sadd.s32 s0, s11;
	(v2sf) =	vpush v63, $0xF  }
0x3d5: {  	[tilespmem:s0+$0x11C00] =	vst.msk vm13, v11  }
0x3d6: {  	[tilespmem:s0+$0x10B80] =	vst.msk vm13, v10  }
0x3d7: {  	v10 =	vld [tilespmem:$0xD9A0];
	_ =	sdelay $0x6  }
0x3d8: {  	v11 =	vld [tilespmem:$0xD920]  }
0x3d9: {  	v10 =	vld.idx.msk [tilespmem:v10+s17+$0x0], $0xffff;
	_ =	sdelay $0x3  }
0x3da: {  	s14 =	spop (v2sf)  }
0x3db: {  	v11 =	vadd.s32 v0, v11;
	s0 =	sadd.s32 s0, s14;
	vm14 =	vgt.s32 v10, $0xFFFFFFFF  }
0x3dc: {  	[tilespmem:s0+$0x11C00] =	vst.msk vm14, v11  }
0x3dd: {  	[tilespmem:s0+$0x10B80] =	vst.msk vm14, v10  }
0x3de: {  	v10 =	vld [tilespmem:$0xD9B0];
	_ =	sdelay $0x7  }
0x3df: {  	v10 =	vld.idx.msk [tilespmem:v10+s17+$0x0], $0xffff;
	_ =	sdelay $0x4  }
0x3e0: {  	v11 =	vsel vm14, $0x1, v9;
	vm15 =	vgt.s32 v10, $0xFFFFFFFF  }
0x3e1: {  	(xrf0) =	vadd.scan.msk.s32 $0xffff, v11;
	v11 =	vsel vm15, $0x1, v9  }
0x3e2: {  	(xrf0) =	vadd.scan.msk.s32 $0xffff, v11;
	_ =	sdelay $0x4  }
0x3e3: {  	v11, _, _ =	vpop (xrf0)  }
0x3e4: {  	(v2sf) =	vpush v11, $0xF;
	v11, _, _ =	vpop (xrf0)  }
0x3e5: {  	(v2sf) =	vpush v11, $0xF;
	_ =	sdelay $0xd  }
0x3e6: {  	s16 =	spop (v2sf)  }
0x3e7: {  	v11 =	vld [tilespmem:$0xD930];
	s8 =	sadd.s32 s0, s16;
	s28 =	spop (v2sf)  }
0x3e8: {  	s0 =	sadd.s32 s8, s28  }
0x3e9: {  	p3 =	slt.s32 s0, $0x1000  }
.Ltmp18:
0x3ea: {  	_ = 	snop;
	(pc) =	sbr.rel @p3 .LBB2_31-.Ltmp18, $4  }
0x3eb: {  	_ = 	snop  }
0x3ec: {  	v11 =	vadd.s32 v0, v11  }
0x3ed: {  	[tilespmem:s8+$0x11C00] =	vst.msk vm15, v11  }
0x3ee: {  	[tilespmem:s8+$0x10B80] =	vst.msk vm15, v10  }
0x3ef: {  	s24 =	smov.u32 s26  }
0x3f0: {  	s8 =	sshrl.u32 s0, $0x7;
	s11 =	simm.s32 $0x11C00;
	s16 =	simm.s32 $0x10BC0  }
0x3f1: {  	s14 =	simm.s32 $0x15480;
	s31 =	simm.s32 $0x16080;
	s26 =	simm.s32 $0x15C80  }
0x3f2: {  	s28 =	simm.s32 $0x15880;
	s2 =	simm.s32 $0x16480;
	s29 =	simm.s32 $0x16880  }
.LBB2_29:
0x3f3: {  	[tilespmem:s23], [sflag:$0x1] =	stream.indirect.gather [hbm4b:s13+s18], $0x40, s11, s18, $0xb8;
	[tilespmem:$0x1DCA0] =	vst v63  }
0x3f4: {  	_ =	swait.ge [sflag:s21], $0x2000  }
0x3f5: {  	[sflag:s21] =	ssyncset.done $0x0  }
0x3f6: {  	[sflag:s21] =	ssyncadd.s32 $0xFFFFE000  }
0x3f7: {  	v10 =	vld [tilespmem:s16+$0xFFFFFFC0];
	_ =	sdelay $0x6  }
0x3f8: {  	vm0 =	vmmov $0xffff  }
0x3f9: {  	[spmem:s4] =	stream.indirect_vreg.scatter.add.f32 [tilespmem:s23], [sflag:$0x3], $0x40, v10, vm0, $0xb8;
	[tilespmem:$0x1DCA0] =	vst v63  }
0x3fa: {  	_ =	swait.ge [sflag:s10], $0x400  }
0x3fb: {  	[sflag:s10] =	ssyncset.done $0x0  }
0x3fc: {  	[sflag:s10] =	ssyncadd.s32 $0xFFFFFC00  }
0x3fd: {  	v10 =	vld [tilespmem:s16+$0xFFFFFFD0];
	_ =	sdelay $0x7  }
0x3fe: {  	[spmem:s4] =	stream.indirect_vreg.scatter.add.f32 [tilespmem:s22], [sflag:$0x3], $0x40, v10, vm0, $0xb8;
	[tilespmem:$0x1DCA0] =	vst v63  }
0x3ff: {  	_ =	swait.ge [sflag:s10], $0x400  }
0x400: {  	[sflag:s10] =	ssyncset.done $0x0  }
0x401: {  	[sflag:s10] =	ssyncadd.s32 $0xFFFFFC00  }
0x402: {  	v10 =	vld [tilespmem:s16+$0xFFFFFFE0];
	_ =	sdelay $0x7  }
0x403: {  	[spmem:s4] =	stream.indirect_vreg.scatter.add.f32 [tilespmem:s14], [sflag:$0x3], $0x40, v10, vm0, $0xb8;
	[tilespmem:$0x1DCA0] =	vst v63  }
0x404: {  	_ =	swait.ge [sflag:s10], $0x400  }
0x405: {  	[sflag:s10] =	ssyncset.done $0x0  }
0x406: {  	[sflag:s10] =	ssyncadd.s32 $0xFFFFFC00  }
0x407: {  	v10 =	vld [tilespmem:s16+$0xFFFFFFF0];
	_ =	sdelay $0x7  }
0x408: {  	[spmem:s4] =	stream.indirect_vreg.scatter.add.f32 [tilespmem:s28], [sflag:$0x3], $0x40, v10, vm0, $0xb8;
	[tilespmem:$0x1DCA0] =	vst v63  }
0x409: {  	_ =	swait.ge [sflag:s10], $0x400  }
0x40a: {  	[sflag:s10] =	ssyncset.done $0x0  }
0x40b: {  	[sflag:s10] =	ssyncadd.s32 $0xFFFFFC00  }
0x40c: {  	v10 =	vld [tilespmem:s16+$0x0];
	_ =	sdelay $0x7  }
0x40d: {  	[spmem:s4] =	stream.indirect_vreg.scatter.add.f32 [tilespmem:s26], [sflag:$0x3], $0x40, v10, vm0, $0xb8;
	[tilespmem:$0x1DCA0] =	vst v63  }
0x40e: {  	_ =	swait.ge [sflag:s10], $0x400  }
0x40f: {  	[sflag:s10] =	ssyncset.done $0x0  }
0x410: {  	[sflag:s10] =	ssyncadd.s32 $0xFFFFFC00  }
0x411: {  	v10 =	vld [tilespmem:s16+$0x10];
	_ =	sdelay $0x7  }
0x412: {  	[spmem:s4] =	stream.indirect_vreg.scatter.add.f32 [tilespmem:s31], [sflag:$0x3], $0x40, v10, vm0, $0xb8;
	[tilespmem:$0x1DCA0] =	vst v63  }
0x413: {  	_ =	swait.ge [sflag:s10], $0x400  }
0x414: {  	[sflag:s10] =	ssyncset.done $0x0  }
0x415: {  	[sflag:s10] =	ssyncadd.s32 $0xFFFFFC00  }
0x416: {  	v10 =	vld [tilespmem:s16+$0x20];
	_ =	sdelay $0x7  }
0x417: {  	[spmem:s4] =	stream.indirect_vreg.scatter.add.f32 [tilespmem:s2], [sflag:$0x3], $0x40, v10, vm0, $0xb8;
	[tilespmem:$0x1DCA0] =	vst v63  }
0x418: {  	_ =	swait.ge [sflag:s10], $0x400  }
0x419: {  	[sflag:s10] =	ssyncset.done $0x0  }
0x41a: {  	[sflag:s10] =	ssyncadd.s32 $0xFFFFFC00  }
0x41b: {  	v10 =	vld [tilespmem:s16+$0x30];
	_ =	sdelay $0x5  }
0x41c: {  	p3 =	sne.s32 s8, $0x1  }
.Ltmp19:
0x41d: {  	_ = 	snop;
	(pc) =	sbr.rel @p3 .LBB2_29-.Ltmp19, $4  }
0x41e: {  	[spmem:s4] =	stream.indirect_vreg.scatter.add.f32 [tilespmem:s29], [sflag:$0x3], $0x40, v10, vm0, $0xb8;
	[tilespmem:$0x1DCA0] =	vst v63  }
0x41f: {  	_ =	swait.ge [sflag:s10], $0x400  }
0x420: {  	s11 =	sadd.s32 $0x80, s11;
	[sflag:s10] =	ssyncset.done $0x0  }
0x421: {  	s8 =	sadd.s32 $0xFFFFFFFF, s8;
	s16 =	sadd.s32 $0x80, s16;
	[sflag:s10] =	ssyncadd.s32 $0xFFFFFC00  }
0x422: {  	s8 =	sand.u32 $0x7FFFFF80, s0  }
0x423: {  	v10 =	vld [tilespmem:s8+$0x11C00];
	_ =	sdelay $0x4  }
0x424: {  	[tilespmem:$0x11C00] =	vst v10  }
0x425: {  	v10 =	vld [tilespmem:s8+$0x10B80];
	_ =	sdelay $0x4  }
0x426: {  	[tilespmem:$0x10B80] =	vst v10  }
0x427: {  	v10 =	vld [tilespmem:s8+$0x11C10];
	_ =	sdelay $0x4  }
0x428: {  	[tilespmem:$0x11C10] =	vst v10  }
0x429: {  	v10 =	vld [tilespmem:s8+$0x10B90];
	_ =	sdelay $0x4  }
0x42a: {  	[tilespmem:$0x10B90] =	vst v10  }
0x42b: {  	v10 =	vld [tilespmem:s8+$0x11C20];
	_ =	sdelay $0x4  }
0x42c: {  	[tilespmem:$0x11C20] =	vst v10  }
0x42d: {  	v10 =	vld [tilespmem:s8+$0x10BA0];
	_ =	sdelay $0x4  }
0x42e: {  	[tilespmem:$0x10BA0] =	vst v10  }
0x42f: {  	v10 =	vld [tilespmem:s8+$0x11C30];
	_ =	sdelay $0x4  }
0x430: {  	[tilespmem:$0x11C30] =	vst v10  }
0x431: {  	v10 =	vld [tilespmem:s8+$0x10BB0];
	_ =	sdelay $0x4  }
0x432: {  	[tilespmem:$0x10BB0] =	vst v10  }
0x433: {  	v10 =	vld [tilespmem:s8+$0x11C40];
	_ =	sdelay $0x4  }
0x434: {  	[tilespmem:$0x11C40] =	vst v10  }
0x435: {  	v10 =	vld [tilespmem:s8+$0x10BC0];
	_ =	sdelay $0x4  }
0x436: {  	[tilespmem:$0x10BC0] =	vst v10  }
0x437: {  	v10 =	vld [tilespmem:s8+$0x11C50];
	_ =	sdelay $0x4  }
0x438: {  	[tilespmem:$0x11C50] =	vst v10  }
0x439: {  	v10 =	vld [tilespmem:s8+$0x10BD0];
	_ =	sdelay $0x4  }
0x43a: {  	[tilespmem:$0x10BD0] =	vst v10  }
0x43b: {  	v10 =	vld [tilespmem:s8+$0x11C60];
	_ =	sdelay $0x4  }
0x43c: {  	[tilespmem:$0x11C60] =	vst v10  }
0x43d: {  	v10 =	vld [tilespmem:s8+$0x10BE0];
	_ =	sdelay $0x4  }
0x43e: {  	[tilespmem:$0x10BE0] =	vst v10  }
0x43f: {  	v10 =	vld [tilespmem:s8+$0x11C70];
	_ =	sdelay $0x4  }
0x440: {  	[tilespmem:$0x11C70] =	vst v10  }
0x441: {  	v10 =	vld [tilespmem:s8+$0x10BF0]  }
.Ltmp20:
0x442: {  	_ = 	snop;
	(pc) =	sbr.rel .LBB2_31-.Ltmp20, $3  }
0x443: {  	_ =	sdelay $0x1  }
0x444: {  	s31 =	simm.s32 $0xD9C0;
	s2 =	simm.s32 $0x19700  }
0x445: {  	s29 =	simm.s32 $0x4F000;
	s26 =	smov.u32 s24;
	s24 =	simm.s32 $0xD940;
	[tilespmem:$0x10BF0] =	vst v10  }
.LBB2_32:
0x446: {  	s8 =	sadd.s32 $0x7F, s0  }
0x447: {  	s11 =	sand.u32 $0x7F, s8  }
0x448: {  	p2 =	slt.s32 s0, $0xFFFFFF82;
	s14 =	sshra.s32 s8, $0x1F;
	p3 =	sne.s32 s11, $0x0  }
0x449: {  	s26 =	sshrl.u32 s14, $0x19;
	p2 =	por !p2, !p3  }
0x44a: {  	s11 =	simm.s32 $0x1;
	s8 =	sadd.s32 s26, s8;
	p2 =	por !p2, !p2  }
0x44b: {  	s8 =	sshra.s32 s8, $0x7;
	s11 =	simm.s32 @!p2 $0x0  }
0x44c: {  	s8 =	ssub.s32 s8, s11  }
0x44d: {  	p2 =	slt.s32 s8, $0x1  }
.Ltmp21:
0x44e: {  	_ = 	snop;
	(pc) =	sbr.rel @p2 .LBB2_35-.Ltmp21, $2  }
0x44f: {  	_ =	sdelay $0x2  }
0x450: {  	s28 =	simm.s32 $0x16880;
	s14 =	simm.s32 $0x19880;
	s26 =	simm.s32 $0x15C80  }
0x451: {  	s16 =	sshll.u32 s8, $0x7  }
0x452: {  	v10 =	vld [tilespmem:s16+$0x11B80]  }
0x453: {  	v11 =	vld [tilespmem:s16+$0x10B00]  }
0x454: {  	s11 =	sadd.s32 $0xFFFFFF80, s16;
	v12 =	vld [tilespmem:s16+$0x11B90]  }
0x455: {  	v14 =	vld [tilespmem:s16+$0x10B10];
	v13 =	vor.u32 s11, v1  }
0x456: {  	s25 =	sadd.s32 $0xFFFFFF90, s16;
	v51 =	vld [tilespmem:s16+$0x11BA0];
	vm0 =	vlt.s32 v13, s0  }
0x457: {  	v16 =	vld [tilespmem:s16+$0x10B20];
	v15 =	vor.u32 s25, v1;
	v10 =	vnsel vm0, $0x0, v10  }
0x458: {  	s25 =	sadd.s32 $0xFFFFFFA0, s16;
	vm9 =	vlt.s32 v15, s0;
	[tilespmem:s16+$0x11B80] =	vst v10;
	v10 =	vnsel vm0, $0x100, v11;
	v11 =	vld [tilespmem:s16+$0x11BB0]  }
0x459: {  	v53 =	vld [tilespmem:s16+$0x10B30];
	v52 =	vor.u32 s25, v1;
	[tilespmem:s16+$0x10B00] =	vst v10;
	v10 =	vnsel vm9, $0x0, v12  }
0x45a: {  	v54 =	vld [tilespmem:s16+$0x11BC0];
	s25 =	sadd.s32 $0xFFFFFFB0, s16;
	vm10 =	vlt.s32 v52, s0;
	[tilespmem:s16+$0x11B90] =	vst v10;
	v10 =	vnsel vm9, $0x100, v14  }
0x45b: {  	v56 =	vld [tilespmem:s16+$0x10B40];
	v55 =	vor.u32 s25, v1;
	[tilespmem:s16+$0x10B10] =	vst v10;
	v10 =	vnsel vm10, $0x0, v51  }
0x45c: {  	v57 =	vld [tilespmem:s16+$0x11BD0];
	s25 =	sadd.s32 $0xFFFFFFC0, s16;
	vm11 =	vlt.s32 v55, s0;
	[tilespmem:s16+$0x11BA0] =	vst v10;
	v10 =	vnsel vm10, $0x100, v16  }
0x45d: {  	v58 =	vld [tilespmem:s16+$0x10B50];
	[tilespmem:s16+$0x10B20] =	vst v10;
	v10 =	vnsel vm11, $0x0, v11;
	v11 =	vor.u32 s25, v1  }
0x45e: {  	s25 =	sadd.s32 $0xFFFFFFD0, s16;
	[tilespmem:s16+$0x11BB0] =	vst v10;
	v10 =	vnsel vm11, $0x100, v53;
	vm12 =	vlt.s32 v11, s0;
	v11 =	vld [tilespmem:s16+$0x11BE0]  }
0x45f: {  	v60 =	vld [tilespmem:s16+$0x10B60];
	v59 =	vor.u32 s25, v1;
	[tilespmem:s16+$0x10B30] =	vst v10;
	v10 =	vnsel vm12, $0x0, v54  }
0x460: {  	v61 =	vld [tilespmem:s16+$0x11BF0];
	s25 =	sadd.s32 $0xFFFFFFE0, s16;
	vm13 =	vlt.s32 v59, s0;
	[tilespmem:s16+$0x11BC0] =	vst v10;
	v10 =	vnsel vm12, $0x100, v56  }
0x461: {  	v63 =	vld [tilespmem:s16+$0x10B70];
	v62 =	vor.u32 s25, v1;
	[tilespmem:s16+$0x10B40] =	vst v10;
	v10 =	vnsel vm13, $0x0, v57  }
0x462: {  	s25 =	sadd.s32 $0xFFFFFFF0, s16;
	vm14 =	vlt.s32 v62, s0;
	[tilespmem:s16+$0x11BD0] =	vst v10;
	v10 =	vnsel vm13, $0x100, v58  }
0x463: {  	[tilespmem:s16+$0x10B50] =	vst v10;
	v10 =	vnsel vm14, $0x0, v11;
	v11 =	vor.u32 s25, v1  }
0x464: {  	[tilespmem:s16+$0x11BE0] =	vst v10;
	v10 =	vnsel vm14, $0x100, v60;
	vm15 =	vlt.s32 v11, s0  }
0x465: {  	[tilespmem:s16+$0x10B60] =	vst v10;
	v10 =	vnsel vm15, $0x0, v61  }
0x466: {  	[tilespmem:s16+$0x11BF0] =	vst v10;
	v10 =	vnsel vm15, $0x100, v63  }
0x467: {  	s11 =	simm.s32 $0x10BC0;
	s0 =	simm.s32 $0x11C00;
	[tilespmem:s16+$0x10B70] =	vst v10;
	s16 =	simm.s32 $0x15880  }
.LBB2_34:
0x468: {  	[tilespmem:s23], [sflag:$0x1] =	stream.indirect.gather [hbm4b:s13+s18], $0x40, s0, s18, $0xb8;
	[tilespmem:$0x1DCA0] =	vst v63  }
0x469: {  	_ =	swait.ge [sflag:s21], $0x2000  }
0x46a: {  	[sflag:s21] =	ssyncset.done $0x0  }
0x46b: {  	[sflag:s21] =	ssyncadd.s32 $0xFFFFE000  }
0x46c: {  	v10 =	vld [tilespmem:s11+$0xFFFFFFC0];
	_ =	sdelay $0x6  }
0x46d: {  	vm0 =	vmmov $0xffff  }
0x46e: {  	[spmem:s4] =	stream.indirect_vreg.scatter.add.f32 [tilespmem:s23], [sflag:$0x3], $0x40, v10, vm0, $0xb8;
	[tilespmem:$0x1DCA0] =	vst v63  }
0x46f: {  	_ =	swait.ge [sflag:s10], $0x400  }
0x470: {  	[sflag:s10] =	ssyncset.done $0x0  }
0x471: {  	[sflag:s10] =	ssyncadd.s32 $0xFFFFFC00  }
0x472: {  	v10 =	vld [tilespmem:s11+$0xFFFFFFD0];
	_ =	sdelay $0x7  }
0x473: {  	[spmem:s4] =	stream.indirect_vreg.scatter.add.f32 [tilespmem:s22], [sflag:$0x3], $0x40, v10, vm0, $0xb8;
	[tilespmem:$0x1DCA0] =	vst v63  }
0x474: {  	_ =	swait.ge [sflag:s10], $0x400  }
0x475: {  	[sflag:s10] =	ssyncset.done $0x0  }
0x476: {  	[sflag:s10] =	ssyncadd.s32 $0xFFFFFC00  }
0x477: {  	v10 =	vld [tilespmem:s11+$0xFFFFFFE0];
	_ =	sdelay $0x6  }
0x478: {  	s25 =	simm.s32 $0x15480  }
0x479: {  	[spmem:s4] =	stream.indirect_vreg.scatter.add.f32 [tilespmem:s25], [sflag:$0x3], $0x40, v10, vm0, $0xb8;
	[tilespmem:$0x1DCA0] =	vst v63  }
0x47a: {  	_ =	swait.ge [sflag:s10], $0x400  }
0x47b: {  	[sflag:s10] =	ssyncset.done $0x0  }
0x47c: {  	[sflag:s10] =	ssyncadd.s32 $0xFFFFFC00  }
0x47d: {  	v10 =	vld [tilespmem:s11+$0xFFFFFFF0];
	_ =	sdelay $0x7  }
0x47e: {  	[spmem:s4] =	stream.indirect_vreg.scatter.add.f32 [tilespmem:s16], [sflag:$0x3], $0x40, v10, vm0, $0xb8;
	[tilespmem:$0x1DCA0] =	vst v63  }
0x47f: {  	_ =	swait.ge [sflag:s10], $0x400  }
0x480: {  	[sflag:s10] =	ssyncset.done $0x0  }
0x481: {  	[sflag:s10] =	ssyncadd.s32 $0xFFFFFC00  }
0x482: {  	v10 =	vld [tilespmem:s11+$0x0];
	_ =	sdelay $0x7  }
0x483: {  	[spmem:s4] =	stream.indirect_vreg.scatter.add.f32 [tilespmem:s26], [sflag:$0x3], $0x40, v10, vm0, $0xb8;
	[tilespmem:$0x1DCA0] =	vst v63  }
0x484: {  	_ =	swait.ge [sflag:s10], $0x400  }
0x485: {  	[sflag:s10] =	ssyncset.done $0x0  }
0x486: {  	[sflag:s10] =	ssyncadd.s32 $0xFFFFFC00  }
0x487: {  	v10 =	vld [tilespmem:s11+$0x10];
	_ =	sdelay $0x6  }
0x488: {  	s25 =	simm.s32 $0x16080  }
0x489: {  	[spmem:s4] =	stream.indirect_vreg.scatter.add.f32 [tilespmem:s25], [sflag:$0x3], $0x40, v10, vm0, $0xb8;
	[tilespmem:$0x1DCA0] =	vst v63  }
0x48a: {  	_ =	swait.ge [sflag:s10], $0x400  }
0x48b: {  	[sflag:s10] =	ssyncset.done $0x0  }
0x48c: {  	[sflag:s10] =	ssyncadd.s32 $0xFFFFFC00  }
0x48d: {  	v10 =	vld [tilespmem:s11+$0x20];
	_ =	sdelay $0x6  }
0x48e: {  	s25 =	simm.s32 $0x16480  }
0x48f: {  	[spmem:s4] =	stream.indirect_vreg.scatter.add.f32 [tilespmem:s25], [sflag:$0x3], $0x40, v10, vm0, $0xb8;
	[tilespmem:$0x1DCA0] =	vst v63  }
0x490: {  	_ =	swait.ge [sflag:s10], $0x400  }
0x491: {  	[sflag:s10] =	ssyncset.done $0x0  }
0x492: {  	[sflag:s10] =	ssyncadd.s32 $0xFFFFFC00  }
0x493: {  	v10 =	vld [tilespmem:s11+$0x30];
	_ =	sdelay $0x5  }
0x494: {  	p2 =	sne.s32 s8, $0x1  }
.Ltmp22:
0x495: {  	_ = 	snop;
	(pc) =	sbr.rel @p2 .LBB2_34-.Ltmp22, $4  }
0x496: {  	[spmem:s4] =	stream.indirect_vreg.scatter.add.f32 [tilespmem:s28], [sflag:$0x3], $0x40, v10, vm0, $0xb8;
	[tilespmem:$0x1DCA0] =	vst v63  }
0x497: {  	_ =	swait.ge [sflag:s10], $0x400  }
0x498: {  	s0 =	sadd.s32 $0x80, s0;
	[sflag:s10] =	ssyncset.done $0x0  }
0x499: {  	s8 =	sadd.s32 $0xFFFFFFFF, s8;
	s11 =	sadd.s32 $0x80, s11;
	[sflag:s10] =	ssyncadd.s32 $0xFFFFFC00  }
.LBB2_35:
.Ltmp23:
0x49a: {  	(pc) =	sbr.rel @p0 .LBB2_40-.Ltmp23, $3  }
0x49b: {  	_ =	sdelay $0x1  }
0x49c: {  	[bflag:$0x0] =	sbarrier.arrive $0xFFFF  }
0x49d: {  	s26 =	simm.s32 $0xB020  }
0x49e: {  	s0 =	rddreg [dreg:$0x5]  }
0x49f: {  	[tilespmem:s26], [sflag:$0x3] =	stream.linear.gather [spmem:s0], $0x2800, $0x38;
	[tilespmem:$0x1DCA0] =	vst v63  }
0x4a0: {  	_ =	swait.ge [sflag:s10], $0x2800  }
0x4a1: {  	s28 =	sld [smem:$0x7FD];
	_ =	sdelay $0x1  }
0x4a2: {  	s22 =	simm.s32 $0x0  }
0x4a3: {  	[sflag:s10] =	ssyncset.done $0x0;
	s8 =	rddreg [dreg:$0x15];
	s0 =	sshll.u32 s28, $0xC  }
0x4a4: {  	[sflag:s10] =	ssyncadd.s32 $0xFFFFD800;
	s0 =	sadd.s32 s0, s8;
	s8 =	simm.s32 $0x0  }
.LBB2_37:
0x4a5: {  	s11 =	sshll.u32 s22, $0x4  }
0x4a6: {  	s11 =	sand.u32 $0x3FFFFFF0, s11  }
0x4a7: {  	v10 =	vld [tilespmem:s11+$0xA000];
	_ =	sdelay $0x7  }
0x4a8: {  	v11 =	vld.idx.msk [tilespmem:v10+s17+$0x0], $0xffff;
	_ =	sdelay $0x1  }
0x4a9: {  	v12 =	vld.idx.msk [tilespmem:v10+s26+$0x0], $0xffff;
	_ =	sdelay $0x4  }
0x4aa: {  	vm0 =	vmmov $0xffff;
	v10 =	vadd.s32 v0, v10;
	[tilespmem:$0xD8A0] =	vst v12  }
0x4ab: {  	[tilespmem:s14], [sflag:$0x1] =	stream.indirect_vreg.gather [spmem:s4], $0x40, v11, vm0, $0xb8;
	[tilespmem:$0x1DCA0] =	vst v63  }
0x4ac: {  	_ =	swait.ge [sflag:s21], $0x400  }
0x4ad: {  	[sflag:s21] =	ssyncset.done $0x0  }
0x4ae: {  	s28 =	simm.s32 $0x1BCA0;
	[sflag:s21] =	ssyncadd.s32 $0xFFFFFC00  }
0x4af: {  	[tilespmem:s28], [sflag:$0x1] =	stream.indirect_vreg.gather [hbm4b:s13+s8], $0x40, v10, vm0, $0xb8;
	[tilespmem:$0x1DCA0] =	vst v63  }
0x4b0: {  	_ =	swait.ge [sflag:s21], $0x400  }
0x4b1: {  	[sflag:s21] =	ssyncset.done $0x0  }
0x4b2: {  	s16 =	simm.s32 $0x0;
	[sflag:s21] =	ssyncadd.s32 $0xFFFFFC00  }
0x4b3: {  	v11 =	vld [tilespmem:s16+$0x1BCD0]  }
0x4b4: {  	v10 =	vld [tilespmem:s16+$0x1BCB0]  }
0x4b5: {  	v12 =	vld [tilespmem:s16+$0x1BCC0]  }
0x4b6: {  	v14 =	vld [tilespmem:s16+$0x1BCA0]  }
0x4b7: {  	v16 =	vld [tilespmem:s16+$0x19880]  }
0x4b8: {  	v15 =	vld [tilespmem:s16+$0x198A0]  }
0x4b9: {  	s11 =	simm.s32 $0xD8A0;
	v17 =	vld [tilespmem:s16+$0x198B0]  }
0x4ba: {  	v13 =	vld.msk [tilespmem:s11+$0x0 ss:$0x0], $0xffff  }
0x4bb: {  	s25 =	simm.s32 $0x100;
	v18 =	vld [tilespmem:s16+$0x19890]  }
.LBB2_38:
0x4bc: {  	p2 =	sne.s32 s25, $0xF00  }
0x4bd: {  	s11 =	sadd.s32 $0x1, s11;
	s14 =	smov.u32 s25;
	s25 =	sadd.s32 $0x100, s25  }
0x4be: {  	_ = 	snop  }
0x4bf: {  	v14 =	vadd.f32 v14, v16;
	s14 =	sshra.s32 s14, $0x2;
	v16 =	vadd.f32 v11, v17  }
0x4c0: {  	v15 =	vadd.f32 v12, v15;
	v11 =	vld [tilespmem:s14+$0x1BCD0]  }
0x4c1: {  	v17 =	vmul.f32 v14, v13;
	v18 =	vadd.f32 v10, v18;
	v10 =	vld [tilespmem:s14+$0x1BCB0];
	v19 =	vmul.f32 v16, v13  }
0x4c2: {  	v15 =	vmul.f32 v15, v13;
	v12 =	vld [tilespmem:s14+$0x1BCC0]  }
0x4c3: {  	v14 =	vld [tilespmem:s14+$0x1BCA0];
	[tilespmem:s16+$0x19880] =	vst v17;
	v13 =	vmul.f32 v18, v13  }
.Ltmp24:
0x4c4: {  	v16 =	vld [tilespmem:s14+$0x19880];
	[tilespmem:s16+$0x198A0] =	vst v15;
	(pc) =	sbr.rel @p2 .LBB2_38-.Ltmp24, $4  }
0x4c5: {  	v15 =	vld [tilespmem:s14+$0x198A0];
	[tilespmem:s16+$0x198B0] =	vst v19  }
0x4c6: {  	v17 =	vld [tilespmem:s14+$0x198B0];
	[tilespmem:s16+$0x19890] =	vst v13;
	s16 =	smov.u32 s14  }
0x4c7: {  	v13 =	vld.msk [tilespmem:s11+$0x0 ss:$0x0], $0xffff  }
0x4c8: {  	v18 =	vld [tilespmem:s16+$0x19890]  }
0x4c9: {  	_ = 	snop  }
0x4ca: {  	v14 =	vadd.f32 v14, v16  }
0x4cb: {  	v12 =	vadd.f32 v12, v15  }
0x4cc: {  	v11 =	vadd.f32 v11, v17;
	v14 =	vmul.f32 v14, v13  }
0x4cd: {  	v12 =	vmul.f32 v12, v13;
	v10 =	vadd.f32 v10, v18  }
0x4ce: {  	v11 =	vmul.f32 v11, v13;
	[tilespmem:s16+$0x19880] =	vst v14  }
0x4cf: {  	[tilespmem:s16+$0x198A0] =	vst v12;
	v10 =	vmul.f32 v10, v13  }
0x4d0: {  	s11 =	sshll.u32 s22, $0x7;
	s22 =	sadd.s32 $0x1, s22;
	[tilespmem:s16+$0x198B0] =	vst v11  }
0x4d1: {  	s14 =	simm.s32 $0x19880;
	s11 =	sadd.s32 s11, s0;
	p2 =	sne.s32 s22, $0x10;
	[tilespmem:s16+$0x19890] =	vst v10  }
0x4d2: {  	[hbm4b:s11+s7] =	stream.linear.scatter [tilespmem:s14], [sflag:$0x3], $0x400, $0x38;
	[tilespmem:$0x1DCA0] =	vst v63  }
.Ltmp25:
0x4d3: {  	_ = 	snop;
	(pc) =	sbr.rel @p2 .LBB2_37-.Ltmp25, $4  }
.Ltmp26:
0x4d4: {  	_ = 	snop;
	(pc) =	sbr.rel @!p2 .LBB2_40-.Ltmp26, $4  }
0x4d5: {  	_ =	swait.ge [sflag:s10], $0x400  }
0x4d6: {  	[sflag:s10] =	ssyncset.done $0x0  }
0x4d7: {  	[sflag:s10] =	ssyncadd.s32 $0xFFFFFC00  }
0x4d8: {  	_ = 	snop  }
.LBB2_42:
0x4d9: {  	_ =	sfence.sel $0x180000  }
0x4da: {  	[bflag:$0x0] =	sbarrier.arrive $0xFFFF  }
0x4db: {  	_ =	strace $0x90000047  }
0x4dc: {  	[bflag:$0x2] =	sbarrier.arrive $0xFFFF  }
0x4dd: {  	s0 =	rddreg [dreg:$0x8]  }
0x4de: {  	s0 =	sadd.s32 @!p0 $0x100000, s0  }
0x4df: {  	[sflag:s0] =	ssyncadd.tile.s32 @!p0 $0x1;
	_ =	shalt  }
.Lfunc_end2:
_tile_overlayer_lowered:
.L_overlay_start_2:
0x4e0: {  	(tag) =	ssettag $0x2  }
0x4e1: {  	s0 =	rddreg [dreg:$0x0];
	s2 =	stileid.u32  }
0x4e2: {  	s1 =	rddreg [dreg:$0x1];
	p0 =	sne.s32 s2, $0x0  }
0x4e3: {  	s3 =	rddreg [dreg:$0x2];
	[bflag:$0x3] =	sbarrier.arrive $0xFFFF;
	s2 =	simm.s32 @!p0 $0x1C03  }
0x4e4: {  	[timem:s3], [sflag:s2] =	dma.local @!p0 [hbm:s0], s1  }
0x4e5: {  	s0 =	simm.s32 @!p0 $0x3  }
0x4e6: {  	_ =	swait.ge @!p0 [sflag:s0], s1  }
0x4e7: {  	s1 =	ssub.s32 @!p0 $0x0, s1;
	[sflag:s0] =	ssyncset.done @!p0 $0x0  }
0x4e8: {  	[sflag:s0] =	ssyncadd.s32 @!p0 s1  }
0x4e9: {  	[bflag:$0x3] =	sbarrier.arrive $0xFFFF  }
0x4ea: {  	_ =	shalt  }

</sc_bundles>
